<compile_context>
chip_gen: v7x
topology: tpu7x:2x2x1
jax: 0.10.2.dev20260603
libtpu: 0.0.44.dev20260713+nightly
codegen_flags: <defaults>
</compile_context>

<pallas_src>
import functools

import jax
import jax.numpy as jnp
from jax import lax
from jax.experimental import pallas as pl
from jax.experimental.pallas import tpu as pltpu
from jax.experimental.pallas import tpu_sc as plsc

NC = 2
NS = 16
NW = NC * NS
CBLK = 128



def _sc_mesh():
  return plsc.VectorSubcoreMesh(
      core_axis_name="c", subcore_axis_name="s", num_cores=NC,
      num_subcores=NS)


def _make_deg(n_pad, ch):
  rpt = n_pad // NS

  @functools.partial(
      pl.kernel, mesh=_sc_mesh(),
      out_type=jax.ShapeDtypeStruct((NC, n_pad), jnp.float32),
      scratch_types=[
          pltpu.VMEM((ch, CBLK), jnp.int32),
          pltpu.VMEM((CBLK,), jnp.float32),
          pltpu.VMEM((rpt,), jnp.float32),
          pltpu.VMEM_SHARED((n_pad,), jnp.float32),
      ],
  )
  def deg_kernel(dst_hbm, out_hbm, dst_v, ones_v, stripe_v, acc_sh):
    c = lax.axis_index("c")
    s = lax.axis_index("s")
    wid = c * NS + s

    for j in range(CBLK // 16):
      ones_v[pl.ds(16 * j, 16)] = jnp.ones((16,), jnp.float32)

    def zero_body(i, _):
      stripe_v[pl.ds(16 * i, 16)] = jnp.zeros((16,), jnp.float32)
      return 0
    lax.fori_loop(0, rpt // 16, zero_body, 0)
    pltpu.sync_copy(stripe_v, acc_sh.at[pl.ds(s * rpt, rpt)])
    pltpu.sync_copy(dst_hbm.at[wid], dst_v)
    plsc.subcore_barrier()

    def body(j, _):
      pltpu.sync_copy(ones_v, acc_sh.at[dst_v.at[j]], add=True)
      return 0
    lax.fori_loop(0, ch, body, 0)

    plsc.subcore_barrier()
    pltpu.sync_copy(acc_sh.at[pl.ds(s * rpt, rpt)],
                    out_hbm.at[c, pl.ds(s * rpt, rpt)])

  return deg_kernel


NBUF = 4
ABLK = 64


def _make_agg(n_pad, ch, d):
  rpt = n_pad // NS

  @functools.partial(
      pl.kernel, mesh=_sc_mesh(),
      out_type=jax.ShapeDtypeStruct((NC, n_pad, d), jnp.float32),
      scratch_types=[
          pltpu.VMEM((ch // 2, 2 * ABLK), jnp.int32),
          pltpu.VMEM((NBUF, ABLK), jnp.int32),
          pltpu.VMEM((NBUF, ABLK, d), jnp.float32),
          pltpu.VMEM_SHARED((n_pad, d), jnp.float32),
      ] + [pltpu.SemaphoreType.DMA] * (3 * NBUF),
  )
  def agg_kernel(h_hbm, src_hbm, dst_hbm, out_hbm,
                 src_v, dsti, rows, acc_sh, *sems):
    sem_g = sems[:NBUF]
    sem_d = sems[NBUF:2 * NBUF]
    sem_s = sems[2 * NBUF:]
    c = lax.axis_index("c")
    s = lax.axis_index("s")
    wid = c * NS + s

    def zrow(i, _):
      for j in range(d // 16):
        rows[0, i, pl.ds(16 * j, 16)] = jnp.zeros((16,), jnp.float32)
      return 0
    lax.fori_loop(0, ABLK, zrow, 0)
    for k in range(rpt // ABLK):
      pltpu.sync_copy(rows.at[0],
                      acc_sh.at[pl.ds(s * rpt + k * ABLK, ABLK)])

    pltpu.sync_copy(src_hbm.at[wid], src_v)
    plsc.subcore_barrier()

    def src_idx(j):
      return src_v.at[j // 2, pl.ds((j % 2) * ABLK, ABLK)]

    row0 = wid * ch
    for k in range(NBUF):
      pltpu.async_copy(h_hbm.at[src_idx(k)], rows.at[k], sem_g[k])
      pltpu.async_copy(dst_hbm.at[row0 + k], dsti.at[k], sem_d[k])

    def body(i, _):
      for k in range(NBUF):
        j = NBUF * i + k
        pltpu.make_async_copy(
            h_hbm.at[src_idx(j)], rows.at[k], sem_g[k]).wait()
        pltpu.make_async_copy(
            dst_hbm.at[row0 + j], dsti.at[k], sem_d[k]).wait()
        pltpu.async_copy(rows.at[k], acc_sh.at[dsti.at[k]],
                         sem_s[k], add=True)

        @pl.when(j + NBUF < ch)
        def _():
          pltpu.make_async_copy(
              rows.at[k], acc_sh.at[dsti.at[k]], sem_s[k]).wait()
          pltpu.async_copy(h_hbm.at[src_idx(j + NBUF)], rows.at[k],
                           sem_g[k])
          pltpu.async_copy(dst_hbm.at[row0 + j + NBUF], dsti.at[k],
                           sem_d[k])
      return 0
    lax.fori_loop(0, ch // NBUF, body, 0)

    for k in range(NBUF):
      pltpu.make_async_copy(rows.at[k], acc_sh.at[dsti.at[k]],
                            sem_s[k]).wait()
    plsc.subcore_barrier()
    pltpu.sync_copy(acc_sh.at[pl.ds(s * rpt, rpt)],
                    out_hbm.at[c].at[pl.ds(s * rpt, rpt)])

  return agg_kernel



def _tc_a(x_pad, w1, deg_t, blk):
  n_pad, d = x_pad.shape

  def body(x_ref, w_ref, deg_ref, hp_ref, dinv_ref):
    h = jnp.dot(x_ref[...], w_ref[...], preferred_element_type=jnp.float32)
    deg = deg_ref[:, 0:1] + deg_ref[:, 1:2] + 1.0
    dinv = lax.rsqrt(deg)
    dinv_b = jnp.broadcast_to(dinv, (blk, d))
    dinv_ref[...] = dinv_b
    hp_ref[...] = h * dinv_b

  grid = n_pad // blk
  return pl.pallas_call(
      body,
      grid=(grid,),
      in_specs=[
          pl.BlockSpec((blk, d), lambda i: (i, 0)),
          pl.BlockSpec((d, d), lambda i: (0, 0)),
          pl.BlockSpec((blk, NC), lambda i: (i, 0)),
      ],
      out_specs=[
          pl.BlockSpec((blk, d), lambda i: (i, 0)),
          pl.BlockSpec((blk, d), lambda i: (i, 0)),
      ],
      out_shape=[
          jax.ShapeDtypeStruct((n_pad, d), jnp.float32),
          jax.ShapeDtypeStruct((n_pad, d), jnp.float32),
      ],
  )(x_pad, w1, deg_t)


def _tc_b(acc, h1p, dinv_b, b1, w2, blk):
  n_pad, d = h1p.shape

  def body(a0_ref, a1_ref, hp_ref, dinv_ref, b_ref, w_ref, out_ref):
    x1 = dinv_ref[...] * (a0_ref[0] + a1_ref[0] + hp_ref[...]) + b_ref[...]
    r = jnp.maximum(x1, 0.0)
    h2 = jnp.dot(r, w_ref[...], preferred_element_type=jnp.float32)
    out_ref[...] = h2 * dinv_ref[...]

  grid = n_pad // blk
  return pl.pallas_call(
      body,
      grid=(grid,),
      in_specs=[
          pl.BlockSpec((1, blk, d), lambda i: (0, i, 0)),
          pl.BlockSpec((1, blk, d), lambda i: (1, i, 0)),
          pl.BlockSpec((blk, d), lambda i: (i, 0)),
          pl.BlockSpec((blk, d), lambda i: (i, 0)),
          pl.BlockSpec((1, d), lambda i: (0, 0)),
          pl.BlockSpec((d, d), lambda i: (0, 0)),
      ],
      out_specs=pl.BlockSpec((blk, d), lambda i: (i, 0)),
      out_shape=jax.ShapeDtypeStruct((n_pad, d), jnp.float32),
  )(acc, acc, h1p, dinv_b, b1, w2)


def _tc_c(acc, h2p, dinv_b, b2, blk):
  n_pad, d = h2p.shape

  def body(a0_ref, a1_ref, hp_ref, dinv_ref, b_ref, out_ref):
    out_ref[...] = (
        dinv_ref[...] * (a0_ref[0] + a1_ref[0] + hp_ref[...]) + b_ref[...])

  grid = n_pad // blk
  return pl.pallas_call(
      body,
      grid=(grid,),
      in_specs=[
          pl.BlockSpec((1, blk, d), lambda i: (0, i, 0)),
          pl.BlockSpec((1, blk, d), lambda i: (1, i, 0)),
          pl.BlockSpec((blk, d), lambda i: (i, 0)),
          pl.BlockSpec((blk, d), lambda i: (i, 0)),
          pl.BlockSpec((1, d), lambda i: (0, 0)),
      ],
      out_specs=pl.BlockSpec((blk, d), lambda i: (i, 0)),
      out_shape=jax.ShapeDtypeStruct((n_pad, d), jnp.float32),
  )(acc, acc, h2p, dinv_b, b2)



@jax.jit
def kernel(x, edge_index, W1, b1, W2, b2):
  n, d = x.shape
  e = edge_index.shape[1]

  n_pad = 10240
  blk = 1024
  epw = -(-e // NW)
  ch = -(-epw // CBLK)
  ch += ch % 2
  e_pad = NW * ch * CBLK

  pad = jnp.full((e_pad - e,), n, jnp.int32)
  src_flat = jnp.concatenate([edge_index[0], pad])
  dst_flat = jnp.concatenate([edge_index[1], pad])
  dst_deg = dst_flat.reshape(NW, ch, CBLK)
  x_pad = jnp.pad(x, ((0, n_pad - n), (0, 0)))

  ch_a = e_pad // (NW * ABLK)
  src_a = src_flat.reshape(NW, ch_a // 2, 2 * ABLK)
  dst_a = dst_flat.reshape(NW * ch_a, ABLK)

  degp = _make_deg(n_pad, ch)(dst_deg)
  h1p, dinv_b = _tc_a(x_pad, W1, degp.T, blk)
  agg = _make_agg(n_pad, ch_a, d)
  acc1 = agg(h1p, src_a, dst_a)
  h2p = _tc_b(acc1, h1p, dinv_b, b1.reshape(1, d), W2, blk)
  acc2 = agg(h2p, src_a, dst_a)
  out = _tc_c(acc2, h2p, dinv_b, b2.reshape(1, d), blk)
  return out[:n]

# --- scband reference (transcript-rebuilt; emitter-appended) ---
"""Pipeline reference for scband-gcn-43593918054547 (READ-ONLY COPY).

The authoritative reference and input builder live on the scoring server;
editing this copy changes nothing except your own understanding.
"""

import jax, jax.numpy as jnp
import numpy as np

N = 10000
E = 320000
D_IN = 128
D_HID = 128
D_OUT = 128


def setup_inputs(seed: int = 0) -> dict:
    key = jax.random.key(seed)
    k1, k2, k3, k4, k5, k6 = jax.random.split(key, 6)
    x = jax.random.normal(k1, (N, D_IN), dtype=jnp.float32)
    edge_index = jax.random.randint(k2, (2, E), 0, N, dtype=jnp.int32)
    s1 = 1.0 / np.sqrt(D_IN)
    s2 = 1.0 / np.sqrt(D_HID)
    W1 = jax.random.uniform(k3, (D_IN, D_HID), dtype=jnp.float32, minval=-s1, maxval=s1)
    b1 = jnp.zeros((D_HID,), dtype=jnp.float32)
    W2 = jax.random.uniform(k4, (D_HID, D_OUT), dtype=jnp.float32, minval=-s2, maxval=s2)
    b2 = jnp.zeros((D_OUT,), dtype=jnp.float32)
    return {"x": x, "edge_index": edge_index, "W1": W1, "b1": b1, "W2": W2, "b2": b2}


def _gcn_conv(x, src, dst, W, b, n):
    # h = X W  (PyG stores weight transposed; math is identical)
    h = x @ W
    # symmetric normalization D^{-1/2} (A+I) D^{-1/2}, self-loops already in src/dst
    deg = jnp.zeros((n,), dtype=h.dtype).at[dst].add(1.0)
    dinv = jnp.where(deg > 0, jax.lax.rsqrt(jnp.maximum(deg, 1e-12)), 0.0)
    norm = dinv[src] * dinv[dst]
    msg = h[src] * norm[:, None]
    out = jnp.zeros((n, h.shape[1]), dtype=h.dtype).at[dst].add(msg)
    return out + b


def reference(x, edge_index, W1, b1, W2, b2):
    n = x.shape[0]
    loop = jnp.arange(n, dtype=edge_index.dtype)
    src = jnp.concatenate([edge_index[0], loop])
    dst = jnp.concatenate([edge_index[1], loop])
    x1 = _gcn_conv(x, src, dst, W1, b1, n)
    h = jax.nn.relu(x1)
    # dropout p=0.0 -> identity (eval-mode faithful)
    x2 = _gcn_conv(h, src, dst, W2, b2, n)
    return x2

if __name__ == "__main__":
    import jax
    _d = setup_inputs()
    print(jax.jit(kernel)(*tuple(_d.values())))

</pallas_src>

<mosaic_0001>
#map = affine_map<(d0, d1) -> (0, 0, 0)>
#map1 = affine_map<(d0, d1) -> (0, 0)>
module attributes {stable_mosaic.version = 14 : i64} {
  func.func @deg_kernel(%arg0: i32, %arg1: i32, %arg2: memref<32x80x128xi32, #tpu.memory_space<hbm>>, %arg3: memref<2x10240xf32, #tpu.memory_space<hbm>>, %arg4: memref<80x128xi32, #tpu.memory_space<vmem>>, %arg5: memref<128xf32, #tpu.memory_space<vmem>>, %arg6: memref<640xf32, #tpu.memory_space<vmem>>, %arg7: memref<10240xf32, #tpu.memory_space<vmem_shared>>) attributes {dimension_semantics = [#tpu.dimension_semantics<core_parallel>, #tpu.dimension_semantics<subcore_parallel>], iteration_bounds = array<i64: 2, 16>, scalar_prefetch = 0 : i64, scratch_operands = 4 : i64, tpu.core_type = #tpu.core_type<sc_vector_subcore>, window_params = [{transform_indices = #map}, {transform_indices = #map1}]} {
    %mul3A = arith.constant 16 : i32
    %mul3A_0 = arith.muli %arg0, %mul3A : i32
    %add3A = arith.addi %mul3A_0, %arg1 : i32
    %broadcast_in_dim3A = arith.constant 1.000000e+00 : f32
    %broadcast_in_dim3A_1 = vector.broadcast %broadcast_in_dim3A : f32 to vector<16xf32>
    %swap3A = arith.constant 0 : index
    %swap3A_2 = tpu.vector_load %arg5[%swap3A] {strides = array<i32>} : memref<128xf32, #tpu.memory_space<vmem>>, vector<16xf32>,
    %swap3A_3 = vector.shape_cast %swap3A_2 : vector<16xf32> to vector<16xf32>
    %swap3A_4 = vector.shape_cast %broadcast_in_dim3A_1 : vector<16xf32> to vector<16xf32>
    tpu.vector_store %arg5[%swap3A], %swap3A_4 {strides = array<i32>} : memref<128xf32, #tpu.memory_space<vmem>>, vector<16xf32>,
    %broadcast_in_dim3A_5 = arith.constant 1.000000e+00 : f32
    %broadcast_in_dim3A_6 = vector.broadcast %broadcast_in_dim3A_5 : f32 to vector<16xf32>
    %swap3A_7 = arith.constant 16 : index
    %swap3A_8 = tpu.vector_load %arg5[%swap3A_7] {strides = array<i32>} : memref<128xf32, #tpu.memory_space<vmem>>, vector<16xf32>,
    %swap3A_9 = vector.shape_cast %swap3A_8 : vector<16xf32> to vector<16xf32>
    %swap3A_10 = vector.shape_cast %broadcast_in_dim3A_6 : vector<16xf32> to vector<16xf32>
    tpu.vector_store %arg5[%swap3A_7], %swap3A_10 {strides = array<i32>} : memref<128xf32, #tpu.memory_space<vmem>>, vector<16xf32>,
    %broadcast_in_dim3A_11 = arith.constant 1.000000e+00 : f32
    %broadcast_in_dim3A_12 = vector.broadcast %broadcast_in_dim3A_11 : f32 to vector<16xf32>
    %swap3A_13 = arith.constant 32 : index
    %swap3A_14 = tpu.vector_load %arg5[%swap3A_13] {strides = array<i32>} : memref<128xf32, #tpu.memory_space<vmem>>, vector<16xf32>,
    %swap3A_15 = vector.shape_cast %swap3A_14 : vector<16xf32> to vector<16xf32>
    %swap3A_16 = vector.shape_cast %broadcast_in_dim3A_12 : vector<16xf32> to vector<16xf32>
    tpu.vector_store %arg5[%swap3A_13], %swap3A_16 {strides = array<i32>} : memref<128xf32, #tpu.memory_space<vmem>>, vector<16xf32>,
    %broadcast_in_dim3A_17 = arith.constant 1.000000e+00 : f32
    %broadcast_in_dim3A_18 = vector.broadcast %broadcast_in_dim3A_17 : f32 to vector<16xf32>
    %swap3A_19 = arith.constant 48 : index
    %swap3A_20 = tpu.vector_load %arg5[%swap3A_19] {strides = array<i32>} : memref<128xf32, #tpu.memory_space<vmem>>, vector<16xf32>,
    %swap3A_21 = vector.shape_cast %swap3A_20 : vector<16xf32> to vector<16xf32>
    %swap3A_22 = vector.shape_cast %broadcast_in_dim3A_18 : vector<16xf32> to vector<16xf32>
    tpu.vector_store %arg5[%swap3A_19], %swap3A_22 {strides = array<i32>} : memref<128xf32, #tpu.memory_space<vmem>>, vector<16xf32>,
    %broadcast_in_dim3A_23 = arith.constant 1.000000e+00 : f32
    %broadcast_in_dim3A_24 = vector.broadcast %broadcast_in_dim3A_23 : f32 to vector<16xf32>
    %swap3A_25 = arith.constant 64 : index
    %swap3A_26 = tpu.vector_load %arg5[%swap3A_25] {strides = array<i32>} : memref<128xf32, #tpu.memory_space<vmem>>, vector<16xf32>,
    %swap3A_27 = vector.shape_cast %swap3A_26 : vector<16xf32> to vector<16xf32>
    %swap3A_28 = vector.shape_cast %broadcast_in_dim3A_24 : vector<16xf32> to vector<16xf32>
    tpu.vector_store %arg5[%swap3A_25], %swap3A_28 {strides = array<i32>} : memref<128xf32, #tpu.memory_space<vmem>>, vector<16xf32>,
    %broadcast_in_dim3A_29 = arith.constant 1.000000e+00 : f32
    %broadcast_in_dim3A_30 = vector.broadcast %broadcast_in_dim3A_29 : f32 to vector<16xf32>
    %swap3A_31 = arith.constant 80 : index
    %swap3A_32 = tpu.vector_load %arg5[%swap3A_31] {strides = array<i32>} : memref<128xf32, #tpu.memory_space<vmem>>, vector<16xf32>,
    %swap3A_33 = vector.shape_cast %swap3A_32 : vector<16xf32> to vector<16xf32>
    %swap3A_34 = vector.shape_cast %broadcast_in_dim3A_30 : vector<16xf32> to vector<16xf32>
    tpu.vector_store %arg5[%swap3A_31], %swap3A_34 {strides = array<i32>} : memref<128xf32, #tpu.memory_space<vmem>>, vector<16xf32>,
    %broadcast_in_dim3A_35 = arith.constant 1.000000e+00 : f32
    %broadcast_in_dim3A_36 = vector.broadcast %broadcast_in_dim3A_35 : f32 to vector<16xf32>
    %swap3A_37 = arith.constant 96 : index
    %swap3A_38 = tpu.vector_load %arg5[%swap3A_37] {strides = array<i32>} : memref<128xf32, #tpu.memory_space<vmem>>, vector<16xf32>,
    %swap3A_39 = vector.shape_cast %swap3A_38 : vector<16xf32> to vector<16xf32>
    %swap3A_40 = vector.shape_cast %broadcast_in_dim3A_36 : vector<16xf32> to vector<16xf32>
    tpu.vector_store %arg5[%swap3A_37], %swap3A_40 {strides = array<i32>} : memref<128xf32, #tpu.memory_space<vmem>>, vector<16xf32>,
    %broadcast_in_dim3A_41 = arith.constant 1.000000e+00 : f32
    %broadcast_in_dim3A_42 = vector.broadcast %broadcast_in_dim3A_41 : f32 to vector<16xf32>
    %swap3A_43 = arith.constant 112 : index
    %swap3A_44 = tpu.vector_load %arg5[%swap3A_43] {strides = array<i32>} : memref<128xf32, #tpu.memory_space<vmem>>, vector<16xf32>,
    %swap3A_45 = vector.shape_cast %swap3A_44 : vector<16xf32> to vector<16xf32>
    %swap3A_46 = vector.shape_cast %broadcast_in_dim3A_42 : vector<16xf32> to vector<16xf32>
    tpu.vector_store %arg5[%swap3A_43], %swap3A_46 {strides = array<i32>} : memref<128xf32, #tpu.memory_space<vmem>>, vector<16xf32>,
    %scan3A = arith.constant 0 : i32
    %scan3A_47 = arith.constant 0 : i32
    %scan3A_48 = arith.constant 40 : i32
    %scan3A_49 = arith.addi %scan3A_47, %scan3A_48 : i32
    %scan3A_50 = arith.constant 1 : i32
    %scan3A_51 = scf.for %scan3A_67 = %scan3A_47 to %scan3A_49 step %scan3A_50 iter_args(%scan3A_68 = %scan3A) -> (i32)  : i32 {
      %broadcast_in_dim3A_69 = arith.constant 0.000000e+00 : f32
      %broadcast_in_dim3A_70 = vector.broadcast %broadcast_in_dim3A_69 : f32 to vector<16xf32>
      %mul3A_71 = arith.constant 16 : i32
      %mul3A_72 = arith.muli %mul3A_71, %scan3A_67 : i32
      %swap3A_73 = arith.index_cast %mul3A_72 : i32 to index
      %swap3A_74 = tpu.vector_load %arg6[%swap3A_73] {strides = array<i32>} : memref<640xf32, #tpu.memory_space<vmem>>, vector<16xf32>,
      %swap3A_75 = vector.shape_cast %swap3A_74 : vector<16xf32> to vector<16xf32>
      %swap3A_76 = vector.shape_cast %broadcast_in_dim3A_70 : vector<16xf32> to vector<16xf32>
      tpu.vector_store %arg6[%swap3A_73], %swap3A_76 {strides = array<i32>} : memref<640xf32, #tpu.memory_space<vmem>>, vector<16xf32>,
      %scan3A_77 = arith.constant 0 : i32
      scf.yield %scan3A_77 : i32
    }
    %scan3A_52 = arith.constant 40 : i32
    %mul3A_53 = arith.constant 640 : i32
    %mul3A_54 = arith.muli %arg1, %mul3A_53 : i32
    "tpu.region"() ({
      %run_scoped3A = tpu.sem_alloc : memref<!tpu.dma_semaphore, #tpu.memory_space<semaphore_mem>>
      %dma_start3A = tpu.memref_slice %arg7[%mul3A_54] : memref<10240xf32, #tpu.memory_space<vmem_shared>> -> memref<640xf32, #tpu.memory_space<vmem_shared>>
      %dma_start3A_67 = tpu.memref_slice %arg7[%mul3A_54] : memref<10240xf32, #tpu.memory_space<vmem_shared>> -> memref<640xf32, #tpu.memory_space<vmem_shared>>
      tpu.enqueue_dma source(%arg6 : memref<640xf32, #tpu.memory_space<vmem>>) target(%dma_start3A_67 : memref<640xf32, #tpu.memory_space<vmem_shared>>) target_semaphore(%run_scoped3A : memref<!tpu.dma_semaphore, #tpu.memory_space<semaphore_mem>>)
      %dma_wait3A = tpu.memref_slice %arg7[%mul3A_54] : memref<10240xf32, #tpu.memory_space<vmem_shared>> -> memref<640xf32, #tpu.memory_space<vmem_shared>>
      %dma_wait3A_68 = tpu.memref_slice %arg7[%mul3A_54] : memref<10240xf32, #tpu.memory_space<vmem_shared>> -> memref<640xf32, #tpu.memory_space<vmem_shared>>
      tpu.wait_dma2 semaphore(%run_scoped3A : memref<!tpu.dma_semaphore, #tpu.memory_space<semaphore_mem>>) src(%arg6 : memref<640xf32, #tpu.memory_space<vmem>>) dst(%dma_wait3A_68 : memref<640xf32, #tpu.memory_space<vmem_shared>>)
      tpu.yield
    }) : () -> ()
    "tpu.region"() ({
      %run_scoped3A = tpu.sem_alloc : memref<!tpu.dma_semaphore, #tpu.memory_space<semaphore_mem>>
      %dma_start3A = arith.constant 0 : i32
      %dma_start3A_67 = arith.constant 0 : i32
      %dma_start3A_68 = tpu.memref_slice %arg2[%add3A, %dma_start3A, %dma_start3A_67] : memref<32x80x128xi32, #tpu.memory_space<hbm>> -> memref<1x80x128xi32, #tpu.memory_space<hbm>>
      %dma_start3A_69 = tpu.memref_squeeze %dma_start3A_68 : memref<1x80x128xi32, #tpu.memory_space<hbm>> -> memref<80x128xi32, #tpu.memory_space<hbm>>
      %dma_start3A_70 = arith.constant 0 : i32
      %dma_start3A_71 = arith.constant 0 : i32
      %dma_start3A_72 = tpu.memref_slice %arg2[%add3A, %dma_start3A_70, %dma_start3A_71] : memref<32x80x128xi32, #tpu.memory_space<hbm>> -> memref<1x80x128xi32, #tpu.memory_space<hbm>>
      %dma_start3A_73 = tpu.memref_squeeze %dma_start3A_72 : memref<1x80x128xi32, #tpu.memory_space<hbm>> -> memref<80x128xi32, #tpu.memory_space<hbm>>
      tpu.enqueue_dma source(%dma_start3A_73 : memref<80x128xi32, #tpu.memory_space<hbm>>) target(%arg4 : memref<80x128xi32, #tpu.memory_space<vmem>>) target_semaphore(%run_scoped3A : memref<!tpu.dma_semaphore, #tpu.memory_space<semaphore_mem>>)
      %dma_wait3A = arith.constant 0 : i32
      %dma_wait3A_74 = arith.constant 0 : i32
      %dma_wait3A_75 = tpu.memref_slice %arg2[%add3A, %dma_wait3A, %dma_wait3A_74] : memref<32x80x128xi32, #tpu.memory_space<hbm>> -> memref<1x80x128xi32, #tpu.memory_space<hbm>>
      %dma_wait3A_76 = tpu.memref_squeeze %dma_wait3A_75 : memref<1x80x128xi32, #tpu.memory_space<hbm>> -> memref<80x128xi32, #tpu.memory_space<hbm>>
      %dma_wait3A_77 = arith.constant 0 : i32
      %dma_wait3A_78 = arith.constant 0 : i32
      %dma_wait3A_79 = tpu.memref_slice %arg2[%add3A, %dma_wait3A_77, %dma_wait3A_78] : memref<32x80x128xi32, #tpu.memory_space<hbm>> -> memref<1x80x128xi32, #tpu.memory_space<hbm>>
      %dma_wait3A_80 = tpu.memref_squeeze %dma_wait3A_79 : memref<1x80x128xi32, #tpu.memory_space<hbm>> -> memref<80x128xi32, #tpu.memory_space<hbm>>
      tpu.wait_dma2 semaphore(%run_scoped3A : memref<!tpu.dma_semaphore, #tpu.memory_space<semaphore_mem>>) src(%dma_wait3A_80 : memref<80x128xi32, #tpu.memory_space<hbm>>) dst(%arg4 : memref<80x128xi32, #tpu.memory_space<vmem>>)
      tpu.yield
    }) : () -> ()
    %barrier3A = arith.constant 0 : index
    tpu.barrier barrier_id(%barrier3A)
    %scan3A_55 = arith.constant 0 : i32
    %scan3A_56 = arith.constant 0 : i32
    %scan3A_57 = arith.constant 80 : i32
    %scan3A_58 = arith.addi %scan3A_56, %scan3A_57 : i32
    %scan3A_59 = arith.constant 1 : i32
    %scan3A_60 = scf.for %scan3A_67 = %scan3A_56 to %scan3A_58 step %scan3A_59 iter_args(%scan3A_68 = %scan3A_55) -> (i32)  : i32 {
      "tpu.region"() ({
        %run_scoped3A = tpu.sem_alloc : memref<!tpu.dma_semaphore, #tpu.memory_space<semaphore_mem>>
        %dma_start3A = arith.constant 0 : i32
        %dma_start3A_70 = tpu.memref_slice %arg4[%scan3A_67, %dma_start3A] : memref<80x128xi32, #tpu.memory_space<vmem>> -> memref<1x128xi32, #tpu.memory_space<vmem>>
        %dma_start3A_71 = tpu.memref_squeeze %dma_start3A_70 : memref<1x128xi32, #tpu.memory_space<vmem>> -> memref<128xi32, #tpu.memory_space<vmem>>
        %dma_start3A_72 = arith.constant 0 : i32
        %dma_start3A_73 = tpu.memref_slice %arg7[%dma_start3A_72] : memref<10240xf32, #tpu.memory_space<vmem_shared>> -> memref<10240xf32, #tpu.memory_space<vmem_shared>>
        tpu.enqueue_indirect_dma source(%arg5 : memref<128xf32, #tpu.memory_space<vmem>>) target(%dma_start3A_73 : memref<10240xf32, #tpu.memory_space<vmem_shared>>) offsets(%dma_start3A_71 : memref<128xi32, #tpu.memory_space<vmem>>) semaphore(%run_scoped3A : memref<!tpu.dma_semaphore, #tpu.memory_space<semaphore_mem>>) {add = true}
        %dma_wait3A = arith.constant 0 : i32
        %dma_wait3A_74 = tpu.memref_slice %arg4[%scan3A_67, %dma_wait3A] : memref<80x128xi32, #tpu.memory_space<vmem>> -> memref<1x128xi32, #tpu.memory_space<vmem>>
        %dma_wait3A_75 = tpu.memref_squeeze %dma_wait3A_74 : memref<1x128xi32, #tpu.memory_space<vmem>> -> memref<128xi32, #tpu.memory_space<vmem>>
        %dma_wait3A_76 = arith.constant 0 : i32
        %dma_wait3A_77 = tpu.memref_slice %arg7[%dma_wait3A_76] : memref<10240xf32, #tpu.memory_space<vmem_shared>> -> memref<10240xf32, #tpu.memory_space<vmem_shared>>
        tpu.wait_indirect_dma semaphore(%run_scoped3A : memref<!tpu.dma_semaphore, #tpu.memory_space<semaphore_mem>>) src(%arg5 : memref<128xf32, #tpu.memory_space<vmem>>) dst(%dma_wait3A_77 : memref<10240xf32, #tpu.memory_space<vmem_shared>>)
        tpu.yield
      }) : () -> ()
      %scan3A_69 = arith.constant 0 : i32
      scf.yield %scan3A_69 : i32
    }
    %scan3A_61 = arith.constant 80 : i32
    %barrier3A_62 = arith.constant 0 : index
    tpu.barrier barrier_id(%barrier3A_62)
    %mul3A_63 = arith.constant 640 : i32
    %mul3A_64 = arith.muli %arg1, %mul3A_63 : i32
    %mul3A_65 = arith.constant 640 : i32
    %mul3A_66 = arith.muli %arg1, %mul3A_65 : i32
    "tpu.region"() ({
      %run_scoped3A = tpu.sem_alloc : memref<!tpu.dma_semaphore, #tpu.memory_space<semaphore_mem>>
      %dma_start3A = tpu.memref_slice %arg3[%arg0, %mul3A_66] : memref<2x10240xf32, #tpu.memory_space<hbm>> -> memref<1x640xf32, #tpu.memory_space<hbm>>
      %dma_start3A_67 = tpu.memref_squeeze %dma_start3A : memref<1x640xf32, #tpu.memory_space<hbm>> -> memref<640xf32, #tpu.memory_space<hbm>>
      %dma_start3A_68 = tpu.memref_slice %arg7[%mul3A_64] : memref<10240xf32, #tpu.memory_space<vmem_shared>> -> memref<640xf32, #tpu.memory_space<vmem_shared>>
      tpu.enqueue_dma source(%dma_start3A_68 : memref<640xf32, #tpu.memory_space<vmem_shared>>) target(%dma_start3A_67 : memref<640xf32, #tpu.memory_space<hbm>>) target_semaphore(%run_scoped3A : memref<!tpu.dma_semaphore, #tpu.memory_space<semaphore_mem>>)
      %dma_wait3A = tpu.memref_slice %arg3[%arg0, %mul3A_66] : memref<2x10240xf32, #tpu.memory_space<hbm>> -> memref<1x640xf32, #tpu.memory_space<hbm>>
      %dma_wait3A_69 = tpu.memref_squeeze %dma_wait3A : memref<1x640xf32, #tpu.memory_space<hbm>> -> memref<640xf32, #tpu.memory_space<hbm>>
      %dma_wait3A_70 = tpu.memref_slice %arg7[%mul3A_64] : memref<10240xf32, #tpu.memory_space<vmem_shared>> -> memref<640xf32, #tpu.memory_space<vmem_shared>>
      tpu.wait_dma2 semaphore(%run_scoped3A : memref<!tpu.dma_semaphore, #tpu.memory_space<semaphore_mem>>) src(%dma_wait3A_70 : memref<640xf32, #tpu.memory_space<vmem_shared>>) dst(%dma_wait3A_69 : memref<640xf32, #tpu.memory_space<hbm>>)
      tpu.yield
    }) : () -> ()
    return
  }
}

#map = affine_map<(d0, d1) -> (0, 0)>
#map1 = affine_map<(d0, d1) -> (0, 0, 0)>
module attributes {stable_mosaic.version = 14 : i64} {
  func.func @agg_kernel(%arg0: i32, %arg1: i32, %arg2: memref<10240x128xf32, #tpu.memory_space<hbm>>, %arg3: memref<32x80x128xi32, #tpu.memory_space<hbm>>, %arg4: memref<5120x64xi32, #tpu.memory_space<hbm>>, %arg5: memref<2x10240x128xf32, #tpu.memory_space<hbm>>, %arg6: memref<80x128xi32, #tpu.memory_space<vmem>>, %arg7: memref<4x64xi32, #tpu.memory_space<vmem>>, %arg8: memref<4x64x128xf32, #tpu.memory_space<vmem>>, %arg9: memref<10240x128xf32, #tpu.memory_space<vmem_shared>>, %arg10: memref<!tpu.dma_semaphore, #tpu.memory_space<semaphore_mem>>, %arg11: memref<!tpu.dma_semaphore, #tpu.memory_space<semaphore_mem>>, %arg12: memref<!tpu.dma_semaphore, #tpu.memory_space<semaphore_mem>>, %arg13: memref<!tpu.dma_semaphore, #tpu.memory_space<semaphore_mem>>, %arg14: memref<!tpu.dma_semaphore, #tpu.memory_space<semaphore_mem>>, %arg15: memref<!tpu.dma_semaphore, #tpu.memory_space<semaphore_mem>>, %arg16: memref<!tpu.dma_semaphore, #tpu.memory_space<semaphore_mem>>, %arg17: memref<!tpu.dma_semaphore, #tpu.memory_space<semaphore_mem>>, %arg18: memref<!tpu.dma_semaphore, #tpu.memory_space<semaphore_mem>>, %arg19: memref<!tpu.dma_semaphore, #tpu.memory_space<semaphore_mem>>, %arg20: memref<!tpu.dma_semaphore, #tpu.memory_space<semaphore_mem>>, %arg21: memref<!tpu.dma_semaphore, #tpu.memory_space<semaphore_mem>>) attributes {dimension_semantics = [#tpu.dimension_semantics<core_parallel>, #tpu.dimension_semantics<subcore_parallel>], iteration_bounds = array<i64: 2, 16>, scalar_prefetch = 0 : i64, scratch_operands = 16 : i64, tpu.core_type = #tpu.core_type<sc_vector_subcore>, window_params = [{transform_indices = #map}, {transform_indices = #map1}, {transform_indices = #map}, {transform_indices = #map1}]} {
    %mul3A = arith.constant 16 : i32
    %mul3A_0 = arith.muli %arg0, %mul3A : i32
    %add3A = arith.addi %mul3A_0, %arg1 : i32
    %scan3A = arith.constant 0 : i32
    %scan3A_1 = arith.constant 0 : i32
    %scan3A_2 = arith.constant 64 : i32
    %scan3A_3 = arith.addi %scan3A_1, %scan3A_2 : i32
    %scan3A_4 = arith.constant 1 : i32
    %scan3A_5 = scf.for %scan3A_224 = %scan3A_1 to %scan3A_3 step %scan3A_4 iter_args(%scan3A_225 = %scan3A) -> (i32)  : i32 {
      %broadcast_in_dim3A = arith.constant 0.000000e+00 : f32
      %broadcast_in_dim3A_226 = vector.broadcast %broadcast_in_dim3A : f32 to vector<16xf32>
      %swap3A = arith.constant 0 : i32
      %swap3A_227 = arith.index_cast %swap3A : i32 to index
      %swap3A_228 = arith.index_cast %scan3A_224 : i32 to index
      %swap3A_229 = arith.constant 0 : index
      %swap3A_230 = tpu.vector_load %arg8[%swap3A_227, %swap3A_228, %swap3A_229] {strides = array<i32>} : memref<4x64x128xf32, #tpu.memory_space<vmem>>, vector<1x1x16xf32>,
      %swap3A_231 = vector.shape_cast %swap3A_230 : vector<1x1x16xf32> to vector<16xf32>
      %swap3A_232 = vector.shape_cast %broadcast_in_dim3A_226 : vector<16xf32> to vector<1x1x16xf32>
      tpu.vector_store %arg8[%swap3A_227, %swap3A_228, %swap3A_229], %swap3A_232 {strides = array<i32>} : memref<4x64x128xf32, #tpu.memory_space<vmem>>, vector<1x1x16xf32>,
      %broadcast_in_dim3A_233 = arith.constant 0.000000e+00 : f32
      %broadcast_in_dim3A_234 = vector.broadcast %broadcast_in_dim3A_233 : f32 to vector<16xf32>
      %swap3A_235 = arith.constant 0 : i32
      %swap3A_236 = arith.index_cast %swap3A_235 : i32 to index
      %swap3A_237 = arith.index_cast %scan3A_224 : i32 to index
      %swap3A_238 = arith.constant 16 : index
      %swap3A_239 = tpu.vector_load %arg8[%swap3A_236, %swap3A_237, %swap3A_238] {strides = array<i32>} : memref<4x64x128xf32, #tpu.memory_space<vmem>>, vector<1x1x16xf32>,
      %swap3A_240 = vector.shape_cast %swap3A_239 : vector<1x1x16xf32> to vector<16xf32>
      %swap3A_241 = vector.shape_cast %broadcast_in_dim3A_234 : vector<16xf32> to vector<1x1x16xf32>
      tpu.vector_store %arg8[%swap3A_236, %swap3A_237, %swap3A_238], %swap3A_241 {strides = array<i32>} : memref<4x64x128xf32, #tpu.memory_space<vmem>>, vector<1x1x16xf32>,
      %broadcast_in_dim3A_242 = arith.constant 0.000000e+00 : f32
      %broadcast_in_dim3A_243 = vector.broadcast %broadcast_in_dim3A_242 : f32 to vector<16xf32>
      %swap3A_244 = arith.constant 0 : i32
      %swap3A_245 = arith.index_cast %swap3A_244 : i32 to index
      %swap3A_246 = arith.index_cast %scan3A_224 : i32 to index
      %swap3A_247 = arith.constant 32 : index
      %swap3A_248 = tpu.vector_load %arg8[%swap3A_245, %swap3A_246, %swap3A_247] {strides = array<i32>} : memref<4x64x128xf32, #tpu.memory_space<vmem>>, vector<1x1x16xf32>,
      %swap3A_249 = vector.shape_cast %swap3A_248 : vector<1x1x16xf32> to vector<16xf32>
      %swap3A_250 = vector.shape_cast %broadcast_in_dim3A_243 : vector<16xf32> to vector<1x1x16xf32>
      tpu.vector_store %arg8[%swap3A_245, %swap3A_246, %swap3A_247], %swap3A_250 {strides = array<i32>} : memref<4x64x128xf32, #tpu.memory_space<vmem>>, vector<1x1x16xf32>,
      %broadcast_in_dim3A_251 = arith.constant 0.000000e+00 : f32
      %broadcast_in_dim3A_252 = vector.broadcast %broadcast_in_dim3A_251 : f32 to vector<16xf32>
      %swap3A_253 = arith.constant 0 : i32
      %swap3A_254 = arith.index_cast %swap3A_253 : i32 to index
      %swap3A_255 = arith.index_cast %scan3A_224 : i32 to index
      %swap3A_256 = arith.constant 48 : index
      %swap3A_257 = tpu.vector_load %arg8[%swap3A_254, %swap3A_255, %swap3A_256] {strides = array<i32>} : memref<4x64x128xf32, #tpu.memory_space<vmem>>, vector<1x1x16xf32>,
      %swap3A_258 = vector.shape_cast %swap3A_257 : vector<1x1x16xf32> to vector<16xf32>
      %swap3A_259 = vector.shape_cast %broadcast_in_dim3A_252 : vector<16xf32> to vector<1x1x16xf32>
      tpu.vector_store %arg8[%swap3A_254, %swap3A_255, %swap3A_256], %swap3A_259 {strides = array<i32>} : memref<4x64x128xf32, #tpu.memory_space<vmem>>, vector<1x1x16xf32>,
      %broadcast_in_dim3A_260 = arith.constant 0.000000e+00 : f32
      %broadcast_in_dim3A_261 = vector.broadcast %broadcast_in_dim3A_260 : f32 to vector<16xf32>
      %swap3A_262 = arith.constant 0 : i32
      %swap3A_263 = arith.index_cast %swap3A_262 : i32 to index
      %swap3A_264 = arith.index_cast %scan3A_224 : i32 to index
      %swap3A_265 = arith.constant 64 : index
      %swap3A_266 = tpu.vector_load %arg8[%swap3A_263, %swap3A_264, %swap3A_265] {strides = array<i32>} : memref<4x64x128xf32, #tpu.memory_space<vmem>>, vector<1x1x16xf32>,
      %swap3A_267 = vector.shape_cast %swap3A_266 : vector<1x1x16xf32> to vector<16xf32>
      %swap3A_268 = vector.shape_cast %broadcast_in_dim3A_261 : vector<16xf32> to vector<1x1x16xf32>
      tpu.vector_store %arg8[%swap3A_263, %swap3A_264, %swap3A_265], %swap3A_268 {strides = array<i32>} : memref<4x64x128xf32, #tpu.memory_space<vmem>>, vector<1x1x16xf32>,
      %broadcast_in_dim3A_269 = arith.constant 0.000000e+00 : f32
      %broadcast_in_dim3A_270 = vector.broadcast %broadcast_in_dim3A_269 : f32 to vector<16xf32>
      %swap3A_271 = arith.constant 0 : i32
      %swap3A_272 = arith.index_cast %swap3A_271 : i32 to index
      %swap3A_273 = arith.index_cast %scan3A_224 : i32 to index
      %swap3A_274 = arith.constant 80 : index
      %swap3A_275 = tpu.vector_load %arg8[%swap3A_272, %swap3A_273, %swap3A_274] {strides = array<i32>} : memref<4x64x128xf32, #tpu.memory_space<vmem>>, vector<1x1x16xf32>,
      %swap3A_276 = vector.shape_cast %swap3A_275 : vector<1x1x16xf32> to vector<16xf32>
      %swap3A_277 = vector.shape_cast %broadcast_in_dim3A_270 : vector<16xf32> to vector<1x1x16xf32>
      tpu.vector_store %arg8[%swap3A_272, %swap3A_273, %swap3A_274], %swap3A_277 {strides = array<i32>} : memref<4x64x128xf32, #tpu.memory_space<vmem>>, vector<1x1x16xf32>,
      %broadcast_in_dim3A_278 = arith.constant 0.000000e+00 : f32
      %broadcast_in_dim3A_279 = vector.broadcast %broadcast_in_dim3A_278 : f32 to vector<16xf32>
      %swap3A_280 = arith.constant 0 : i32
      %swap3A_281 = arith.index_cast %swap3A_280 : i32 to index
      %swap3A_282 = arith.index_cast %scan3A_224 : i32 to index
      %swap3A_283 = arith.constant 96 : index
      %swap3A_284 = tpu.vector_load %arg8[%swap3A_281, %swap3A_282, %swap3A_283] {strides = array<i32>} : memref<4x64x128xf32, #tpu.memory_space<vmem>>, vector<1x1x16xf32>,
      %swap3A_285 = vector.shape_cast %swap3A_284 : vector<1x1x16xf32> to vector<16xf32>
      %swap3A_286 = vector.shape_cast %broadcast_in_dim3A_279 : vector<16xf32> to vector<1x1x16xf32>
      tpu.vector_store %arg8[%swap3A_281, %swap3A_282, %swap3A_283], %swap3A_286 {strides = array<i32>} : memref<4x64x128xf32, #tpu.memory_space<vmem>>, vector<1x1x16xf32>,
      %broadcast_in_dim3A_287 = arith.constant 0.000000e+00 : f32
      %broadcast_in_dim3A_288 = vector.broadcast %broadcast_in_dim3A_287 : f32 to vector<16xf32>
      %swap3A_289 = arith.constant 0 : i32
      %swap3A_290 = arith.index_cast %swap3A_289 : i32 to index
      %swap3A_291 = arith.index_cast %scan3A_224 : i32 to index
      %swap3A_292 = arith.constant 112 : index
      %swap3A_293 = tpu.vector_load %arg8[%swap3A_290, %swap3A_291, %swap3A_292] {strides = array<i32>} : memref<4x64x128xf32, #tpu.memory_space<vmem>>, vector<1x1x16xf32>,
      %swap3A_294 = vector.shape_cast %swap3A_293 : vector<1x1x16xf32> to vector<16xf32>
      %swap3A_295 = vector.shape_cast %broadcast_in_dim3A_288 : vector<16xf32> to vector<1x1x16xf32>
      tpu.vector_store %arg8[%swap3A_290, %swap3A_291, %swap3A_292], %swap3A_295 {strides = array<i32>} : memref<4x64x128xf32, #tpu.memory_space<vmem>>, vector<1x1x16xf32>,
      %scan3A_296 = arith.constant 0 : i32
      scf.yield %scan3A_296 : i32
    }
    %scan3A_6 = arith.constant 64 : i32
    %mul3A_7 = arith.constant 640 : i32
    %mul3A_8 = arith.muli %arg1, %mul3A_7 : i32
    %add3A_9 = arith.constant 0 : i32
    %add3A_10 = arith.addi %mul3A_8, %add3A_9 : i32
    %run_scoped3A = arith.constant 0 : i32
    "tpu.region"() ({
      %run_scoped3A_224 = tpu.sem_alloc : memref<!tpu.dma_semaphore, #tpu.memory_space<semaphore_mem>>
      %dma_start3A_225 = arith.constant 0 : i32
      %dma_start3A_226 = arith.constant 0 : i32
      %dma_start3A_227 = tpu.memref_slice %arg8[%run_scoped3A, %dma_start3A_225, %dma_start3A_226] : memref<4x64x128xf32, #tpu.memory_space<vmem>> -> memref<1x64x128xf32, #tpu.memory_space<vmem>>
      %dma_start3A_228 = tpu.memref_squeeze %dma_start3A_227 : memref<1x64x128xf32, #tpu.memory_space<vmem>> -> memref<64x128xf32, #tpu.memory_space<vmem>>
      %dma_start3A_229 = arith.constant 0 : i32
      %dma_start3A_230 = tpu.memref_slice %arg9[%add3A_10, %dma_start3A_229] : memref<10240x128xf32, #tpu.memory_space<vmem_shared>> -> memref<64x128xf32, #tpu.memory_space<vmem_shared>>
      %dma_start3A_231 = arith.constant 0 : i32
      %dma_start3A_232 = tpu.memref_slice %arg9[%add3A_10, %dma_start3A_231] : memref<10240x128xf32, #tpu.memory_space<vmem_shared>> -> memref<64x128xf32, #tpu.memory_space<vmem_shared>>
      %dma_start3A_233 = arith.constant 0 : i32
      %dma_start3A_234 = arith.constant 0 : i32
      %dma_start3A_235 = tpu.memref_slice %arg8[%run_scoped3A, %dma_start3A_233, %dma_start3A_234] : memref<4x64x128xf32, #tpu.memory_space<vmem>> -> memref<1x64x128xf32, #tpu.memory_space<vmem>>
      %dma_start3A_236 = tpu.memref_squeeze %dma_start3A_235 : memref<1x64x128xf32, #tpu.memory_space<vmem>> -> memref<64x128xf32, #tpu.memory_space<vmem>>
      tpu.enqueue_dma source(%dma_start3A_236 : memref<64x128xf32, #tpu.memory_space<vmem>>) target(%dma_start3A_232 : memref<64x128xf32, #tpu.memory_space<vmem_shared>>) target_semaphore(%run_scoped3A_224 : memref<!tpu.dma_semaphore, #tpu.memory_space<semaphore_mem>>)
      %dma_wait3A_237 = arith.constant 0 : i32
      %dma_wait3A_238 = arith.constant 0 : i32
      %dma_wait3A_239 = tpu.memref_slice %arg8[%run_scoped3A, %dma_wait3A_237, %dma_wait3A_238] : memref<4x64x128xf32, #tpu.memory_space<vmem>> -> memref<1x64x128xf32, #tpu.memory_space<vmem>>
      %dma_wait3A_240 = tpu.memref_squeeze %dma_wait3A_239 : memref<1x64x128xf32, #tpu.memory_space<vmem>> -> memref<64x128xf32, #tpu.memory_space<vmem>>
      %dma_wait3A_241 = arith.constant 0 : i32
      %dma_wait3A_242 = tpu.memref_slice %arg9[%add3A_10, %dma_wait3A_241] : memref<10240x128xf32, #tpu.memory_space<vmem_shared>> -> memref<64x128xf32, #tpu.memory_space<vmem_shared>>
      %dma_wait3A_243 = arith.constant 0 : i32
      %dma_wait3A_244 = tpu.memref_slice %arg9[%add3A_10, %dma_wait3A_243] : memref<10240x128xf32, #tpu.memory_space<vmem_shared>> -> memref<64x128xf32, #tpu.memory_space<vmem_shared>>
      %dma_wait3A_245 = arith.constant 0 : i32
      %dma_wait3A_246 = arith.constant 0 : i32
      %dma_wait3A_247 = tpu.memref_slice %arg8[%run_scoped3A, %dma_wait3A_245, %dma_wait3A_246] : memref<4x64x128xf32, #tpu.memory_space<vmem>> -> memref<1x64x128xf32, #tpu.memory_space<vmem>>
      %dma_wait3A_248 = tpu.memref_squeeze %dma_wait3A_247 : memref<1x64x128xf32, #tpu.memory_space<vmem>> -> memref<64x128xf32, #tpu.memory_space<vmem>>
      tpu.wait_dma2 semaphore(%run_scoped3A_224 : memref<!tpu.dma_semaphore, #tpu.memory_space<semaphore_mem>>) src(%dma_wait3A_248 : memref<64x128xf32, #tpu.memory_space<vmem>>) dst(%dma_wait3A_244 : memref<64x128xf32, #tpu.memory_space<vmem_shared>>)
      tpu.yield
    }) : () -> ()
    %mul3A_11 = arith.constant 640 : i32
    %mul3A_12 = arith.muli %arg1, %mul3A_11 : i32
    %add3A_13 = arith.constant 64 : i32
    %add3A_14 = arith.addi %mul3A_12, %add3A_13 : i32
    %run_scoped3A_15 = arith.constant 0 : i32
    "tpu.region"() ({
      %run_scoped3A_224 = tpu.sem_alloc : memref<!tpu.dma_semaphore, #tpu.memory_space<semaphore_mem>>
      %dma_start3A_225 = arith.constant 0 : i32
      %dma_start3A_226 = arith.constant 0 : i32
      %dma_start3A_227 = tpu.memref_slice %arg8[%run_scoped3A_15, %dma_start3A_225, %dma_start3A_226] : memref<4x64x128xf32, #tpu.memory_space<vmem>> -> memref<1x64x128xf32, #tpu.memory_space<vmem>>
      %dma_start3A_228 = tpu.memref_squeeze %dma_start3A_227 : memref<1x64x128xf32, #tpu.memory_space<vmem>> -> memref<64x128xf32, #tpu.memory_space<vmem>>
      %dma_start3A_229 = arith.constant 0 : i32
      %dma_start3A_230 = tpu.memref_slice %arg9[%add3A_14, %dma_start3A_229] : memref<10240x128xf32, #tpu.memory_space<vmem_shared>> -> memref<64x128xf32, #tpu.memory_space<vmem_shared>>
      %dma_start3A_231 = arith.constant 0 : i32
      %dma_start3A_232 = tpu.memref_slice %arg9[%add3A_14, %dma_start3A_231] : memref<10240x128xf32, #tpu.memory_space<vmem_shared>> -> memref<64x128xf32, #tpu.memory_space<vmem_shared>>
      %dma_start3A_233 = arith.constant 0 : i32
      %dma_start3A_234 = arith.constant 0 : i32
      %dma_start3A_235 = tpu.memref_slice %arg8[%run_scoped3A_15, %dma_start3A_233, %dma_start3A_234] : memref<4x64x128xf32, #tpu.memory_space<vmem>> -> memref<1x64x128xf32, #tpu.memory_space<vmem>>
      %dma_start3A_236 = tpu.memref_squeeze %dma_start3A_235 : memref<1x64x128xf32, #tpu.memory_space<vmem>> -> memref<64x128xf32, #tpu.memory_space<vmem>>
      tpu.enqueue_dma source(%dma_start3A_236 : memref<64x128xf32, #tpu.memory_space<vmem>>) target(%dma_start3A_232 : memref<64x128xf32, #tpu.memory_space<vmem_shared>>) target_semaphore(%run_scoped3A_224 : memref<!tpu.dma_semaphore, #tpu.memory_space<semaphore_mem>>)
      %dma_wait3A_237 = arith.constant 0 : i32
      %dma_wait3A_238 = arith.constant 0 : i32
      %dma_wait3A_239 = tpu.memref_slice %arg8[%run_scoped3A_15, %dma_wait3A_237, %dma_wait3A_238] : memref<4x64x128xf32, #tpu.memory_space<vmem>> -> memref<1x64x128xf32, #tpu.memory_space<vmem>>
      %dma_wait3A_240 = tpu.memref_squeeze %dma_wait3A_239 : memref<1x64x128xf32, #tpu.memory_space<vmem>> -> memref<64x128xf32, #tpu.memory_space<vmem>>
      %dma_wait3A_241 = arith.constant 0 : i32
      %dma_wait3A_242 = tpu.memref_slice %arg9[%add3A_14, %dma_wait3A_241] : memref<10240x128xf32, #tpu.memory_space<vmem_shared>> -> memref<64x128xf32, #tpu.memory_space<vmem_shared>>
      %dma_wait3A_243 = arith.constant 0 : i32
      %dma_wait3A_244 = tpu.memref_slice %arg9[%add3A_14, %dma_wait3A_243] : memref<10240x128xf32, #tpu.memory_space<vmem_shared>> -> memref<64x128xf32, #tpu.memory_space<vmem_shared>>
      %dma_wait3A_245 = arith.constant 0 : i32
      %dma_wait3A_246 = arith.constant 0 : i32
      %dma_wait3A_247 = tpu.memref_slice %arg8[%run_scoped3A_15, %dma_wait3A_245, %dma_wait3A_246] : memref<4x64x128xf32, #tpu.memory_space<vmem>> -> memref<1x64x128xf32, #tpu.memory_space<vmem>>
      %dma_wait3A_248 = tpu.memref_squeeze %dma_wait3A_247 : memref<1x64x128xf32, #tpu.memory_space<vmem>> -> memref<64x128xf32, #tpu.memory_space<vmem>>
      tpu.wait_dma2 semaphore(%run_scoped3A_224 : memref<!tpu.dma_semaphore, #tpu.memory_space<semaphore_mem>>) src(%dma_wait3A_248 : memref<64x128xf32, #tpu.memory_space<vmem>>) dst(%dma_wait3A_244 : memref<64x128xf32, #tpu.memory_space<vmem_shared>>)
      tpu.yield
    }) : () -> ()
    %mul3A_16 = arith.constant 640 : i32
    %mul3A_17 = arith.muli %arg1, %mul3A_16 : i32
    %add3A_18 = arith.constant 128 : i32
    %add3A_19 = arith.addi %mul3A_17, %add3A_18 : i32
    %run_scoped3A_20 = arith.constant 0 : i32
    "tpu.region"() ({
      %run_scoped3A_224 = tpu.sem_alloc : memref<!tpu.dma_semaphore, #tpu.memory_space<semaphore_mem>>
      %dma_start3A_225 = arith.constant 0 : i32
      %dma_start3A_226 = arith.constant 0 : i32
      %dma_start3A_227 = tpu.memref_slice %arg8[%run_scoped3A_20, %dma_start3A_225, %dma_start3A_226] : memref<4x64x128xf32, #tpu.memory_space<vmem>> -> memref<1x64x128xf32, #tpu.memory_space<vmem>>
      %dma_start3A_228 = tpu.memref_squeeze %dma_start3A_227 : memref<1x64x128xf32, #tpu.memory_space<vmem>> -> memref<64x128xf32, #tpu.memory_space<vmem>>
      %dma_start3A_229 = arith.constant 0 : i32
      %dma_start3A_230 = tpu.memref_slice %arg9[%add3A_19, %dma_start3A_229] : memref<10240x128xf32, #tpu.memory_space<vmem_shared>> -> memref<64x128xf32, #tpu.memory_space<vmem_shared>>
      %dma_start3A_231 = arith.constant 0 : i32
      %dma_start3A_232 = tpu.memref_slice %arg9[%add3A_19, %dma_start3A_231] : memref<10240x128xf32, #tpu.memory_space<vmem_shared>> -> memref<64x128xf32, #tpu.memory_space<vmem_shared>>
      %dma_start3A_233 = arith.constant 0 : i32
      %dma_start3A_234 = arith.constant 0 : i32
      %dma_start3A_235 = tpu.memref_slice %arg8[%run_scoped3A_20, %dma_start3A_233, %dma_start3A_234] : memref<4x64x128xf32, #tpu.memory_space<vmem>> -> memref<1x64x128xf32, #tpu.memory_space<vmem>>
      %dma_start3A_236 = tpu.memref_squeeze %dma_start3A_235 : memref<1x64x128xf32, #tpu.memory_space<vmem>> -> memref<64x128xf32, #tpu.memory_space<vmem>>
      tpu.enqueue_dma source(%dma_start3A_236 : memref<64x128xf32, #tpu.memory_space<vmem>>) target(%dma_start3A_232 : memref<64x128xf32, #tpu.memory_space<vmem_shared>>) target_semaphore(%run_scoped3A_224 : memref<!tpu.dma_semaphore, #tpu.memory_space<semaphore_mem>>)
      %dma_wait3A_237 = arith.constant 0 : i32
      %dma_wait3A_238 = arith.constant 0 : i32
      %dma_wait3A_239 = tpu.memref_slice %arg8[%run_scoped3A_20, %dma_wait3A_237, %dma_wait3A_238] : memref<4x64x128xf32, #tpu.memory_space<vmem>> -> memref<1x64x128xf32, #tpu.memory_space<vmem>>
      %dma_wait3A_240 = tpu.memref_squeeze %dma_wait3A_239 : memref<1x64x128xf32, #tpu.memory_space<vmem>> -> memref<64x128xf32, #tpu.memory_space<vmem>>
      %dma_wait3A_241 = arith.constant 0 : i32
      %dma_wait3A_242 = tpu.memref_slice %arg9[%add3A_19, %dma_wait3A_241] : memref<10240x128xf32, #tpu.memory_space<vmem_shared>> -> memref<64x128xf32, #tpu.memory_space<vmem_shared>>
      %dma_wait3A_243 = arith.constant 0 : i32
      %dma_wait3A_244 = tpu.memref_slice %arg9[%add3A_19, %dma_wait3A_243] : memref<10240x128xf32, #tpu.memory_space<vmem_shared>> -> memref<64x128xf32, #tpu.memory_space<vmem_shared>>
      %dma_wait3A_245 = arith.constant 0 : i32
      %dma_wait3A_246 = arith.constant 0 : i32
      %dma_wait3A_247 = tpu.memref_slice %arg8[%run_scoped3A_20, %dma_wait3A_245, %dma_wait3A_246] : memref<4x64x128xf32, #tpu.memory_space<vmem>> -> memref<1x64x128xf32, #tpu.memory_space<vmem>>
      %dma_wait3A_248 = tpu.memref_squeeze %dma_wait3A_247 : memref<1x64x128xf32, #tpu.memory_space<vmem>> -> memref<64x128xf32, #tpu.memory_space<vmem>>
      tpu.wait_dma2 semaphore(%run_scoped3A_224 : memref<!tpu.dma_semaphore, #tpu.memory_space<semaphore_mem>>) src(%dma_wait3A_248 : memref<64x128xf32, #tpu.memory_space<vmem>>) dst(%dma_wait3A_244 : memref<64x128xf32, #tpu.memory_space<vmem_shared>>)
      tpu.yield
    }) : () -> ()
    %mul3A_21 = arith.constant 640 : i32
    %mul3A_22 = arith.muli %arg1, %mul3A_21 : i32
    %add3A_23 = arith.constant 192 : i32
    %add3A_24 = arith.addi %mul3A_22, %add3A_23 : i32
    %run_scoped3A_25 = arith.constant 0 : i32
    "tpu.region"() ({
      %run_scoped3A_224 = tpu.sem_alloc : memref<!tpu.dma_semaphore, #tpu.memory_space<semaphore_mem>>
      %dma_start3A_225 = arith.constant 0 : i32
      %dma_start3A_226 = arith.constant 0 : i32
      %dma_start3A_227 = tpu.memref_slice %arg8[%run_scoped3A_25, %dma_start3A_225, %dma_start3A_226] : memref<4x64x128xf32, #tpu.memory_space<vmem>> -> memref<1x64x128xf32, #tpu.memory_space<vmem>>
      %dma_start3A_228 = tpu.memref_squeeze %dma_start3A_227 : memref<1x64x128xf32, #tpu.memory_space<vmem>> -> memref<64x128xf32, #tpu.memory_space<vmem>>
      %dma_start3A_229 = arith.constant 0 : i32
      %dma_start3A_230 = tpu.memref_slice %arg9[%add3A_24, %dma_start3A_229] : memref<10240x128xf32, #tpu.memory_space<vmem_shared>> -> memref<64x128xf32, #tpu.memory_space<vmem_shared>>
      %dma_start3A_231 = arith.constant 0 : i32
      %dma_start3A_232 = tpu.memref_slice %arg9[%add3A_24, %dma_start3A_231] : memref<10240x128xf32, #tpu.memory_space<vmem_shared>> -> memref<64x128xf32, #tpu.memory_space<vmem_shared>>
      %dma_start3A_233 = arith.constant 0 : i32
      %dma_start3A_234 = arith.constant 0 : i32
      %dma_start3A_235 = tpu.memref_slice %arg8[%run_scoped3A_25, %dma_start3A_233, %dma_start3A_234] : memref<4x64x128xf32, #tpu.memory_space<vmem>> -> memref<1x64x128xf32, #tpu.memory_space<vmem>>
      %dma_start3A_236 = tpu.memref_squeeze %dma_start3A_235 : memref<1x64x128xf32, #tpu.memory_space<vmem>> -> memref<64x128xf32, #tpu.memory_space<vmem>>
      tpu.enqueue_dma source(%dma_start3A_236 : memref<64x128xf32, #tpu.memory_space<vmem>>) target(%dma_start3A_232 : memref<64x128xf32, #tpu.memory_space<vmem_shared>>) target_semaphore(%run_scoped3A_224 : memref<!tpu.dma_semaphore, #tpu.memory_space<semaphore_mem>>)
      %dma_wait3A_237 = arith.constant 0 : i32
      %dma_wait3A_238 = arith.constant 0 : i32
      %dma_wait3A_239 = tpu.memref_slice %arg8[%run_scoped3A_25, %dma_wait3A_237, %dma_wait3A_238] : memref<4x64x128xf32, #tpu.memory_space<vmem>> -> memref<1x64x128xf32, #tpu.memory_space<vmem>>
      %dma_wait3A_240 = tpu.memref_squeeze %dma_wait3A_239 : memref<1x64x128xf32, #tpu.memory_space<vmem>> -> memref<64x128xf32, #tpu.memory_space<vmem>>
      %dma_wait3A_241 = arith.constant 0 : i32
      %dma_wait3A_242 = tpu.memref_slice %arg9[%add3A_24, %dma_wait3A_241] : memref<10240x128xf32, #tpu.memory_space<vmem_shared>> -> memref<64x128xf32, #tpu.memory_space<vmem_shared>>
      %dma_wait3A_243 = arith.constant 0 : i32
      %dma_wait3A_244 = tpu.memref_slice %arg9[%add3A_24, %dma_wait3A_243] : memref<10240x128xf32, #tpu.memory_space<vmem_shared>> -> memref<64x128xf32, #tpu.memory_space<vmem_shared>>
      %dma_wait3A_245 = arith.constant 0 : i32
      %dma_wait3A_246 = arith.constant 0 : i32
      %dma_wait3A_247 = tpu.memref_slice %arg8[%run_scoped3A_25, %dma_wait3A_245, %dma_wait3A_246] : memref<4x64x128xf32, #tpu.memory_space<vmem>> -> memref<1x64x128xf32, #tpu.memory_space<vmem>>
      %dma_wait3A_248 = tpu.memref_squeeze %dma_wait3A_247 : memref<1x64x128xf32, #tpu.memory_space<vmem>> -> memref<64x128xf32, #tpu.memory_space<vmem>>
      tpu.wait_dma2 semaphore(%run_scoped3A_224 : memref<!tpu.dma_semaphore, #tpu.memory_space<semaphore_mem>>) src(%dma_wait3A_248 : memref<64x128xf32, #tpu.memory_space<vmem>>) dst(%dma_wait3A_244 : memref<64x128xf32, #tpu.memory_space<vmem_shared>>)
      tpu.yield
    }) : () -> ()
    %mul3A_26 = arith.constant 640 : i32
    %mul3A_27 = arith.muli %arg1, %mul3A_26 : i32
    %add3A_28 = arith.constant 256 : i32
    %add3A_29 = arith.addi %mul3A_27, %add3A_28 : i32
    %run_scoped3A_30 = arith.constant 0 : i32
    "tpu.region"() ({
      %run_scoped3A_224 = tpu.sem_alloc : memref<!tpu.dma_semaphore, #tpu.memory_space<semaphore_mem>>
      %dma_start3A_225 = arith.constant 0 : i32
      %dma_start3A_226 = arith.constant 0 : i32
      %dma_start3A_227 = tpu.memref_slice %arg8[%run_scoped3A_30, %dma_start3A_225, %dma_start3A_226] : memref<4x64x128xf32, #tpu.memory_space<vmem>> -> memref<1x64x128xf32, #tpu.memory_space<vmem>>
      %dma_start3A_228 = tpu.memref_squeeze %dma_start3A_227 : memref<1x64x128xf32, #tpu.memory_space<vmem>> -> memref<64x128xf32, #tpu.memory_space<vmem>>
      %dma_start3A_229 = arith.constant 0 : i32
      %dma_start3A_230 = tpu.memref_slice %arg9[%add3A_29, %dma_start3A_229] : memref<10240x128xf32, #tpu.memory_space<vmem_shared>> -> memref<64x128xf32, #tpu.memory_space<vmem_shared>>
      %dma_start3A_231 = arith.constant 0 : i32
      %dma_start3A_232 = tpu.memref_slice %arg9[%add3A_29, %dma_start3A_231] : memref<10240x128xf32, #tpu.memory_space<vmem_shared>> -> memref<64x128xf32, #tpu.memory_space<vmem_shared>>
      %dma_start3A_233 = arith.constant 0 : i32
      %dma_start3A_234 = arith.constant 0 : i32
      %dma_start3A_235 = tpu.memref_slice %arg8[%run_scoped3A_30, %dma_start3A_233, %dma_start3A_234] : memref<4x64x128xf32, #tpu.memory_space<vmem>> -> memref<1x64x128xf32, #tpu.memory_space<vmem>>
      %dma_start3A_236 = tpu.memref_squeeze %dma_start3A_235 : memref<1x64x128xf32, #tpu.memory_space<vmem>> -> memref<64x128xf32, #tpu.memory_space<vmem>>
      tpu.enqueue_dma source(%dma_start3A_236 : memref<64x128xf32, #tpu.memory_space<vmem>>) target(%dma_start3A_232 : memref<64x128xf32, #tpu.memory_space<vmem_shared>>) target_semaphore(%run_scoped3A_224 : memref<!tpu.dma_semaphore, #tpu.memory_space<semaphore_mem>>)
      %dma_wait3A_237 = arith.constant 0 : i32
      %dma_wait3A_238 = arith.constant 0 : i32
      %dma_wait3A_239 = tpu.memref_slice %arg8[%run_scoped3A_30, %dma_wait3A_237, %dma_wait3A_238] : memref<4x64x128xf32, #tpu.memory_space<vmem>> -> memref<1x64x128xf32, #tpu.memory_space<vmem>>
      %dma_wait3A_240 = tpu.memref_squeeze %dma_wait3A_239 : memref<1x64x128xf32, #tpu.memory_space<vmem>> -> memref<64x128xf32, #tpu.memory_space<vmem>>
      %dma_wait3A_241 = arith.constant 0 : i32
      %dma_wait3A_242 = tpu.memref_slice %arg9[%add3A_29, %dma_wait3A_241] : memref<10240x128xf32, #tpu.memory_space<vmem_shared>> -> memref<64x128xf32, #tpu.memory_space<vmem_shared>>
      %dma_wait3A_243 = arith.constant 0 : i32
      %dma_wait3A_244 = tpu.memref_slice %arg9[%add3A_29, %dma_wait3A_243] : memref<10240x128xf32, #tpu.memory_space<vmem_shared>> -> memref<64x128xf32, #tpu.memory_space<vmem_shared>>
      %dma_wait3A_245 = arith.constant 0 : i32
      %dma_wait3A_246 = arith.constant 0 : i32
      %dma_wait3A_247 = tpu.memref_slice %arg8[%run_scoped3A_30, %dma_wait3A_245, %dma_wait3A_246] : memref<4x64x128xf32, #tpu.memory_space<vmem>> -> memref<1x64x128xf32, #tpu.memory_space<vmem>>
      %dma_wait3A_248 = tpu.memref_squeeze %dma_wait3A_247 : memref<1x64x128xf32, #tpu.memory_space<vmem>> -> memref<64x128xf32, #tpu.memory_space<vmem>>
      tpu.wait_dma2 semaphore(%run_scoped3A_224 : memref<!tpu.dma_semaphore, #tpu.memory_space<semaphore_mem>>) src(%dma_wait3A_248 : memref<64x128xf32, #tpu.memory_space<vmem>>) dst(%dma_wait3A_244 : memref<64x128xf32, #tpu.memory_space<vmem_shared>>)
      tpu.yield
    }) : () -> ()
    %mul3A_31 = arith.constant 640 : i32
    %mul3A_32 = arith.muli %arg1, %mul3A_31 : i32
    %add3A_33 = arith.constant 320 : i32
    %add3A_34 = arith.addi %mul3A_32, %add3A_33 : i32
    %run_scoped3A_35 = arith.constant 0 : i32
    "tpu.region"() ({
      %run_scoped3A_224 = tpu.sem_alloc : memref<!tpu.dma_semaphore, #tpu.memory_space<semaphore_mem>>
      %dma_start3A_225 = arith.constant 0 : i32
      %dma_start3A_226 = arith.constant 0 : i32
      %dma_start3A_227 = tpu.memref_slice %arg8[%run_scoped3A_35, %dma_start3A_225, %dma_start3A_226] : memref<4x64x128xf32, #tpu.memory_space<vmem>> -> memref<1x64x128xf32, #tpu.memory_space<vmem>>
      %dma_start3A_228 = tpu.memref_squeeze %dma_start3A_227 : memref<1x64x128xf32, #tpu.memory_space<vmem>> -> memref<64x128xf32, #tpu.memory_space<vmem>>
      %dma_start3A_229 = arith.constant 0 : i32
      %dma_start3A_230 = tpu.memref_slice %arg9[%add3A_34, %dma_start3A_229] : memref<10240x128xf32, #tpu.memory_space<vmem_shared>> -> memref<64x128xf32, #tpu.memory_space<vmem_shared>>
      %dma_start3A_231 = arith.constant 0 : i32
      %dma_start3A_232 = tpu.memref_slice %arg9[%add3A_34, %dma_start3A_231] : memref<10240x128xf32, #tpu.memory_space<vmem_shared>> -> memref<64x128xf32, #tpu.memory_space<vmem_shared>>
      %dma_start3A_233 = arith.constant 0 : i32
      %dma_start3A_234 = arith.constant 0 : i32
      %dma_start3A_235 = tpu.memref_slice %arg8[%run_scoped3A_35, %dma_start3A_233, %dma_start3A_234] : memref<4x64x128xf32, #tpu.memory_space<vmem>> -> memref<1x64x128xf32, #tpu.memory_space<vmem>>
      %dma_start3A_236 = tpu.memref_squeeze %dma_start3A_235 : memref<1x64x128xf32, #tpu.memory_space<vmem>> -> memref<64x128xf32, #tpu.memory_space<vmem>>
      tpu.enqueue_dma source(%dma_start3A_236 : memref<64x128xf32, #tpu.memory_space<vmem>>) target(%dma_start3A_232 : memref<64x128xf32, #tpu.memory_space<vmem_shared>>) target_semaphore(%run_scoped3A_224 : memref<!tpu.dma_semaphore, #tpu.memory_space<semaphore_mem>>)
      %dma_wait3A_237 = arith.constant 0 : i32
      %dma_wait3A_238 = arith.constant 0 : i32
      %dma_wait3A_239 = tpu.memref_slice %arg8[%run_scoped3A_35, %dma_wait3A_237, %dma_wait3A_238] : memref<4x64x128xf32, #tpu.memory_space<vmem>> -> memref<1x64x128xf32, #tpu.memory_space<vmem>>
      %dma_wait3A_240 = tpu.memref_squeeze %dma_wait3A_239 : memref<1x64x128xf32, #tpu.memory_space<vmem>> -> memref<64x128xf32, #tpu.memory_space<vmem>>
      %dma_wait3A_241 = arith.constant 0 : i32
      %dma_wait3A_242 = tpu.memref_slice %arg9[%add3A_34, %dma_wait3A_241] : memref<10240x128xf32, #tpu.memory_space<vmem_shared>> -> memref<64x128xf32, #tpu.memory_space<vmem_shared>>
      %dma_wait3A_243 = arith.constant 0 : i32
      %dma_wait3A_244 = tpu.memref_slice %arg9[%add3A_34, %dma_wait3A_243] : memref<10240x128xf32, #tpu.memory_space<vmem_shared>> -> memref<64x128xf32, #tpu.memory_space<vmem_shared>>
      %dma_wait3A_245 = arith.constant 0 : i32
      %dma_wait3A_246 = arith.constant 0 : i32
      %dma_wait3A_247 = tpu.memref_slice %arg8[%run_scoped3A_35, %dma_wait3A_245, %dma_wait3A_246] : memref<4x64x128xf32, #tpu.memory_space<vmem>> -> memref<1x64x128xf32, #tpu.memory_space<vmem>>
      %dma_wait3A_248 = tpu.memref_squeeze %dma_wait3A_247 : memref<1x64x128xf32, #tpu.memory_space<vmem>> -> memref<64x128xf32, #tpu.memory_space<vmem>>
      tpu.wait_dma2 semaphore(%run_scoped3A_224 : memref<!tpu.dma_semaphore, #tpu.memory_space<semaphore_mem>>) src(%dma_wait3A_248 : memref<64x128xf32, #tpu.memory_space<vmem>>) dst(%dma_wait3A_244 : memref<64x128xf32, #tpu.memory_space<vmem_shared>>)
      tpu.yield
    }) : () -> ()
    %mul3A_36 = arith.constant 640 : i32
    %mul3A_37 = arith.muli %arg1, %mul3A_36 : i32
    %add3A_38 = arith.constant 384 : i32
    %add3A_39 = arith.addi %mul3A_37, %add3A_38 : i32
    %run_scoped3A_40 = arith.constant 0 : i32
    "tpu.region"() ({
      %run_scoped3A_224 = tpu.sem_alloc : memref<!tpu.dma_semaphore, #tpu.memory_space<semaphore_mem>>
      %dma_start3A_225 = arith.constant 0 : i32
      %dma_start3A_226 = arith.constant 0 : i32
      %dma_start3A_227 = tpu.memref_slice %arg8[%run_scoped3A_40, %dma_start3A_225, %dma_start3A_226] : memref<4x64x128xf32, #tpu.memory_space<vmem>> -> memref<1x64x128xf32, #tpu.memory_space<vmem>>
      %dma_start3A_228 = tpu.memref_squeeze %dma_start3A_227 : memref<1x64x128xf32, #tpu.memory_space<vmem>> -> memref<64x128xf32, #tpu.memory_space<vmem>>
      %dma_start3A_229 = arith.constant 0 : i32
      %dma_start3A_230 = tpu.memref_slice %arg9[%add3A_39, %dma_start3A_229] : memref<10240x128xf32, #tpu.memory_space<vmem_shared>> -> memref<64x128xf32, #tpu.memory_space<vmem_shared>>
      %dma_start3A_231 = arith.constant 0 : i32
      %dma_start3A_232 = tpu.memref_slice %arg9[%add3A_39, %dma_start3A_231] : memref<10240x128xf32, #tpu.memory_space<vmem_shared>> -> memref<64x128xf32, #tpu.memory_space<vmem_shared>>
      %dma_start3A_233 = arith.constant 0 : i32
      %dma_start3A_234 = arith.constant 0 : i32
      %dma_start3A_235 = tpu.memref_slice %arg8[%run_scoped3A_40, %dma_start3A_233, %dma_start3A_234] : memref<4x64x128xf32, #tpu.memory_space<vmem>> -> memref<1x64x128xf32, #tpu.memory_space<vmem>>
      %dma_start3A_236 = tpu.memref_squeeze %dma_start3A_235 : memref<1x64x128xf32, #tpu.memory_space<vmem>> -> memref<64x128xf32, #tpu.memory_space<vmem>>
      tpu.enqueue_dma source(%dma_start3A_236 : memref<64x128xf32, #tpu.memory_space<vmem>>) target(%dma_start3A_232 : memref<64x128xf32, #tpu.memory_space<vmem_shared>>) target_semaphore(%run_scoped3A_224 : memref<!tpu.dma_semaphore, #tpu.memory_space<semaphore_mem>>)
      %dma_wait3A_237 = arith.constant 0 : i32
      %dma_wait3A_238 = arith.constant 0 : i32
      %dma_wait3A_239 = tpu.memref_slice %arg8[%run_scoped3A_40, %dma_wait3A_237, %dma_wait3A_238] : memref<4x64x128xf32, #tpu.memory_space<vmem>> -> memref<1x64x128xf32, #tpu.memory_space<vmem>>
      %dma_wait3A_240 = tpu.memref_squeeze %dma_wait3A_239 : memref<1x64x128xf32, #tpu.memory_space<vmem>> -> memref<64x128xf32, #tpu.memory_space<vmem>>
      %dma_wait3A_241 = arith.constant 0 : i32
      %dma_wait3A_242 = tpu.memref_slice %arg9[%add3A_39, %dma_wait3A_241] : memref<10240x128xf32, #tpu.memory_space<vmem_shared>> -> memref<64x128xf32, #tpu.memory_space<vmem_shared>>
      %dma_wait3A_243 = arith.constant 0 : i32
      %dma_wait3A_244 = tpu.memref_slice %arg9[%add3A_39, %dma_wait3A_243] : memref<10240x128xf32, #tpu.memory_space<vmem_shared>> -> memref<64x128xf32, #tpu.memory_space<vmem_shared>>
      %dma_wait3A_245 = arith.constant 0 : i32
      %dma_wait3A_246 = arith.constant 0 : i32
      %dma_wait3A_247 = tpu.memref_slice %arg8[%run_scoped3A_40, %dma_wait3A_245, %dma_wait3A_246] : memref<4x64x128xf32, #tpu.memory_space<vmem>> -> memref<1x64x128xf32, #tpu.memory_space<vmem>>
      %dma_wait3A_248 = tpu.memref_squeeze %dma_wait3A_247 : memref<1x64x128xf32, #tpu.memory_space<vmem>> -> memref<64x128xf32, #tpu.memory_space<vmem>>
      tpu.wait_dma2 semaphore(%run_scoped3A_224 : memref<!tpu.dma_semaphore, #tpu.memory_space<semaphore_mem>>) src(%dma_wait3A_248 : memref<64x128xf32, #tpu.memory_space<vmem>>) dst(%dma_wait3A_244 : memref<64x128xf32, #tpu.memory_space<vmem_shared>>)
      tpu.yield
    }) : () -> ()
    %mul3A_41 = arith.constant 640 : i32
    %mul3A_42 = arith.muli %arg1, %mul3A_41 : i32
    %add3A_43 = arith.constant 448 : i32
    %add3A_44 = arith.addi %mul3A_42, %add3A_43 : i32
    %run_scoped3A_45 = arith.constant 0 : i32
    "tpu.region"() ({
      %run_scoped3A_224 = tpu.sem_alloc : memref<!tpu.dma_semaphore, #tpu.memory_space<semaphore_mem>>
      %dma_start3A_225 = arith.constant 0 : i32
      %dma_start3A_226 = arith.constant 0 : i32
      %dma_start3A_227 = tpu.memref_slice %arg8[%run_scoped3A_45, %dma_start3A_225, %dma_start3A_226] : memref<4x64x128xf32, #tpu.memory_space<vmem>> -> memref<1x64x128xf32, #tpu.memory_space<vmem>>
      %dma_start3A_228 = tpu.memref_squeeze %dma_start3A_227 : memref<1x64x128xf32, #tpu.memory_space<vmem>> -> memref<64x128xf32, #tpu.memory_space<vmem>>
      %dma_start3A_229 = arith.constant 0 : i32
      %dma_start3A_230 = tpu.memref_slice %arg9[%add3A_44, %dma_start3A_229] : memref<10240x128xf32, #tpu.memory_space<vmem_shared>> -> memref<64x128xf32, #tpu.memory_space<vmem_shared>>
      %dma_start3A_231 = arith.constant 0 : i32
      %dma_start3A_232 = tpu.memref_slice %arg9[%add3A_44, %dma_start3A_231] : memref<10240x128xf32, #tpu.memory_space<vmem_shared>> -> memref<64x128xf32, #tpu.memory_space<vmem_shared>>
      %dma_start3A_233 = arith.constant 0 : i32
      %dma_start3A_234 = arith.constant 0 : i32
      %dma_start3A_235 = tpu.memref_slice %arg8[%run_scoped3A_45, %dma_start3A_233, %dma_start3A_234] : memref<4x64x128xf32, #tpu.memory_space<vmem>> -> memref<1x64x128xf32, #tpu.memory_space<vmem>>
      %dma_start3A_236 = tpu.memref_squeeze %dma_start3A_235 : memref<1x64x128xf32, #tpu.memory_space<vmem>> -> memref<64x128xf32, #tpu.memory_space<vmem>>
      tpu.enqueue_dma source(%dma_start3A_236 : memref<64x128xf32, #tpu.memory_space<vmem>>) target(%dma_start3A_232 : memref<64x128xf32, #tpu.memory_space<vmem_shared>>) target_semaphore(%run_scoped3A_224 : memref<!tpu.dma_semaphore, #tpu.memory_space<semaphore_mem>>)
      %dma_wait3A_237 = arith.constant 0 : i32
      %dma_wait3A_238 = arith.constant 0 : i32
      %dma_wait3A_239 = tpu.memref_slice %arg8[%run_scoped3A_45, %dma_wait3A_237, %dma_wait3A_238] : memref<4x64x128xf32, #tpu.memory_space<vmem>> -> memref<1x64x128xf32, #tpu.memory_space<vmem>>
      %dma_wait3A_240 = tpu.memref_squeeze %dma_wait3A_239 : memref<1x64x128xf32, #tpu.memory_space<vmem>> -> memref<64x128xf32, #tpu.memory_space<vmem>>
      %dma_wait3A_241 = arith.constant 0 : i32
      %dma_wait3A_242 = tpu.memref_slice %arg9[%add3A_44, %dma_wait3A_241] : memref<10240x128xf32, #tpu.memory_space<vmem_shared>> -> memref<64x128xf32, #tpu.memory_space<vmem_shared>>
      %dma_wait3A_243 = arith.constant 0 : i32
      %dma_wait3A_244 = tpu.memref_slice %arg9[%add3A_44, %dma_wait3A_243] : memref<10240x128xf32, #tpu.memory_space<vmem_shared>> -> memref<64x128xf32, #tpu.memory_space<vmem_shared>>
      %dma_wait3A_245 = arith.constant 0 : i32
      %dma_wait3A_246 = arith.constant 0 : i32
      %dma_wait3A_247 = tpu.memref_slice %arg8[%run_scoped3A_45, %dma_wait3A_245, %dma_wait3A_246] : memref<4x64x128xf32, #tpu.memory_space<vmem>> -> memref<1x64x128xf32, #tpu.memory_space<vmem>>
      %dma_wait3A_248 = tpu.memref_squeeze %dma_wait3A_247 : memref<1x64x128xf32, #tpu.memory_space<vmem>> -> memref<64x128xf32, #tpu.memory_space<vmem>>
      tpu.wait_dma2 semaphore(%run_scoped3A_224 : memref<!tpu.dma_semaphore, #tpu.memory_space<semaphore_mem>>) src(%dma_wait3A_248 : memref<64x128xf32, #tpu.memory_space<vmem>>) dst(%dma_wait3A_244 : memref<64x128xf32, #tpu.memory_space<vmem_shared>>)
      tpu.yield
    }) : () -> ()
    %mul3A_46 = arith.constant 640 : i32
    %mul3A_47 = arith.muli %arg1, %mul3A_46 : i32
    %add3A_48 = arith.constant 512 : i32
    %add3A_49 = arith.addi %mul3A_47, %add3A_48 : i32
    %run_scoped3A_50 = arith.constant 0 : i32
    "tpu.region"() ({
      %run_scoped3A_224 = tpu.sem_alloc : memref<!tpu.dma_semaphore, #tpu.memory_space<semaphore_mem>>
      %dma_start3A_225 = arith.constant 0 : i32
      %dma_start3A_226 = arith.constant 0 : i32
      %dma_start3A_227 = tpu.memref_slice %arg8[%run_scoped3A_50, %dma_start3A_225, %dma_start3A_226] : memref<4x64x128xf32, #tpu.memory_space<vmem>> -> memref<1x64x128xf32, #tpu.memory_space<vmem>>
      %dma_start3A_228 = tpu.memref_squeeze %dma_start3A_227 : memref<1x64x128xf32, #tpu.memory_space<vmem>> -> memref<64x128xf32, #tpu.memory_space<vmem>>
      %dma_start3A_229 = arith.constant 0 : i32
      %dma_start3A_230 = tpu.memref_slice %arg9[%add3A_49, %dma_start3A_229] : memref<10240x128xf32, #tpu.memory_space<vmem_shared>> -> memref<64x128xf32, #tpu.memory_space<vmem_shared>>
      %dma_start3A_231 = arith.constant 0 : i32
      %dma_start3A_232 = tpu.memref_slice %arg9[%add3A_49, %dma_start3A_231] : memref<10240x128xf32, #tpu.memory_space<vmem_shared>> -> memref<64x128xf32, #tpu.memory_space<vmem_shared>>
      %dma_start3A_233 = arith.constant 0 : i32
      %dma_start3A_234 = arith.constant 0 : i32
      %dma_start3A_235 = tpu.memref_slice %arg8[%run_scoped3A_50, %dma_start3A_233, %dma_start3A_234] : memref<4x64x128xf32, #tpu.memory_space<vmem>> -> memref<1x64x128xf32, #tpu.memory_space<vmem>>
      %dma_start3A_236 = tpu.memref_squeeze %dma_start3A_235 : memref<1x64x128xf32, #tpu.memory_space<vmem>> -> memref<64x128xf32, #tpu.memory_space<vmem>>
      tpu.enqueue_dma source(%dma_start3A_236 : memref<64x128xf32, #tpu.memory_space<vmem>>) target(%dma_start3A_232 : memref<64x128xf32, #tpu.memory_space<vmem_shared>>) target_semaphore(%run_scoped3A_224 : memref<!tpu.dma_semaphore, #tpu.memory_space<semaphore_mem>>)
      %dma_wait3A_237 = arith.constant 0 : i32
      %dma_wait3A_238 = arith.constant 0 : i32
      %dma_wait3A_239 = tpu.memref_slice %arg8[%run_scoped3A_50, %dma_wait3A_237, %dma_wait3A_238] : memref<4x64x128xf32, #tpu.memory_space<vmem>> -> memref<1x64x128xf32, #tpu.memory_space<vmem>>
      %dma_wait3A_240 = tpu.memref_squeeze %dma_wait3A_239 : memref<1x64x128xf32, #tpu.memory_space<vmem>> -> memref<64x128xf32, #tpu.memory_space<vmem>>
      %dma_wait3A_241 = arith.constant 0 : i32
      %dma_wait3A_242 = tpu.memref_slice %arg9[%add3A_49, %dma_wait3A_241] : memref<10240x128xf32, #tpu.memory_space<vmem_shared>> -> memref<64x128xf32, #tpu.memory_space<vmem_shared>>
      %dma_wait3A_243 = arith.constant 0 : i32
      %dma_wait3A_244 = tpu.memref_slice %arg9[%add3A_49, %dma_wait3A_243] : memref<10240x128xf32, #tpu.memory_space<vmem_shared>> -> memref<64x128xf32, #tpu.memory_space<vmem_shared>>
      %dma_wait3A_245 = arith.constant 0 : i32
      %dma_wait3A_246 = arith.constant 0 : i32
      %dma_wait3A_247 = tpu.memref_slice %arg8[%run_scoped3A_50, %dma_wait3A_245, %dma_wait3A_246] : memref<4x64x128xf32, #tpu.memory_space<vmem>> -> memref<1x64x128xf32, #tpu.memory_space<vmem>>
      %dma_wait3A_248 = tpu.memref_squeeze %dma_wait3A_247 : memref<1x64x128xf32, #tpu.memory_space<vmem>> -> memref<64x128xf32, #tpu.memory_space<vmem>>
      tpu.wait_dma2 semaphore(%run_scoped3A_224 : memref<!tpu.dma_semaphore, #tpu.memory_space<semaphore_mem>>) src(%dma_wait3A_248 : memref<64x128xf32, #tpu.memory_space<vmem>>) dst(%dma_wait3A_244 : memref<64x128xf32, #tpu.memory_space<vmem_shared>>)
      tpu.yield
    }) : () -> ()
    %mul3A_51 = arith.constant 640 : i32
    %mul3A_52 = arith.muli %arg1, %mul3A_51 : i32
    %add3A_53 = arith.constant 576 : i32
    %add3A_54 = arith.addi %mul3A_52, %add3A_53 : i32
    %run_scoped3A_55 = arith.constant 0 : i32
    "tpu.region"() ({
      %run_scoped3A_224 = tpu.sem_alloc : memref<!tpu.dma_semaphore, #tpu.memory_space<semaphore_mem>>
      %dma_start3A_225 = arith.constant 0 : i32
      %dma_start3A_226 = arith.constant 0 : i32
      %dma_start3A_227 = tpu.memref_slice %arg8[%run_scoped3A_55, %dma_start3A_225, %dma_start3A_226] : memref<4x64x128xf32, #tpu.memory_space<vmem>> -> memref<1x64x128xf32, #tpu.memory_space<vmem>>
      %dma_start3A_228 = tpu.memref_squeeze %dma_start3A_227 : memref<1x64x128xf32, #tpu.memory_space<vmem>> -> memref<64x128xf32, #tpu.memory_space<vmem>>
      %dma_start3A_229 = arith.constant 0 : i32
      %dma_start3A_230 = tpu.memref_slice %arg9[%add3A_54, %dma_start3A_229] : memref<10240x128xf32, #tpu.memory_space<vmem_shared>> -> memref<64x128xf32, #tpu.memory_space<vmem_shared>>
      %dma_start3A_231 = arith.constant 0 : i32
      %dma_start3A_232 = tpu.memref_slice %arg9[%add3A_54, %dma_start3A_231] : memref<10240x128xf32, #tpu.memory_space<vmem_shared>> -> memref<64x128xf32, #tpu.memory_space<vmem_shared>>
      %dma_start3A_233 = arith.constant 0 : i32
      %dma_start3A_234 = arith.constant 0 : i32
      %dma_start3A_235 = tpu.memref_slice %arg8[%run_scoped3A_55, %dma_start3A_233, %dma_start3A_234] : memref<4x64x128xf32, #tpu.memory_space<vmem>> -> memref<1x64x128xf32, #tpu.memory_space<vmem>>
      %dma_start3A_236 = tpu.memref_squeeze %dma_start3A_235 : memref<1x64x128xf32, #tpu.memory_space<vmem>> -> memref<64x128xf32, #tpu.memory_space<vmem>>
      tpu.enqueue_dma source(%dma_start3A_236 : memref<64x128xf32, #tpu.memory_space<vmem>>) target(%dma_start3A_232 : memref<64x128xf32, #tpu.memory_space<vmem_shared>>) target_semaphore(%run_scoped3A_224 : memref<!tpu.dma_semaphore, #tpu.memory_space<semaphore_mem>>)
      %dma_wait3A_237 = arith.constant 0 : i32
      %dma_wait3A_238 = arith.constant 0 : i32
      %dma_wait3A_239 = tpu.memref_slice %arg8[%run_scoped3A_55, %dma_wait3A_237, %dma_wait3A_238] : memref<4x64x128xf32, #tpu.memory_space<vmem>> -> memref<1x64x128xf32, #tpu.memory_space<vmem>>
      %dma_wait3A_240 = tpu.memref_squeeze %dma_wait3A_239 : memref<1x64x128xf32, #tpu.memory_space<vmem>> -> memref<64x128xf32, #tpu.memory_space<vmem>>
      %dma_wait3A_241 = arith.constant 0 : i32
      %dma_wait3A_242 = tpu.memref_slice %arg9[%add3A_54, %dma_wait3A_241] : memref<10240x128xf32, #tpu.memory_space<vmem_shared>> -> memref<64x128xf32, #tpu.memory_space<vmem_shared>>
      %dma_wait3A_243 = arith.constant 0 : i32
      %dma_wait3A_244 = tpu.memref_slice %arg9[%add3A_54, %dma_wait3A_243] : memref<10240x128xf32, #tpu.memory_space<vmem_shared>> -> memref<64x128xf32, #tpu.memory_space<vmem_shared>>
      %dma_wait3A_245 = arith.constant 0 : i32
      %dma_wait3A_246 = arith.constant 0 : i32
      %dma_wait3A_247 = tpu.memref_slice %arg8[%run_scoped3A_55, %dma_wait3A_245, %dma_wait3A_246] : memref<4x64x128xf32, #tpu.memory_space<vmem>> -> memref<1x64x128xf32, #tpu.memory_space<vmem>>
      %dma_wait3A_248 = tpu.memref_squeeze %dma_wait3A_247 : memref<1x64x128xf32, #tpu.memory_space<vmem>> -> memref<64x128xf32, #tpu.memory_space<vmem>>
      tpu.wait_dma2 semaphore(%run_scoped3A_224 : memref<!tpu.dma_semaphore, #tpu.memory_space<semaphore_mem>>) src(%dma_wait3A_248 : memref<64x128xf32, #tpu.memory_space<vmem>>) dst(%dma_wait3A_244 : memref<64x128xf32, #tpu.memory_space<vmem_shared>>)
      tpu.yield
    }) : () -> ()
    "tpu.region"() ({
      %run_scoped3A_224 = tpu.sem_alloc : memref<!tpu.dma_semaphore, #tpu.memory_space<semaphore_mem>>
      %dma_start3A_225 = arith.constant 0 : i32
      %dma_start3A_226 = arith.constant 0 : i32
      %dma_start3A_227 = tpu.memref_slice %arg3[%add3A, %dma_start3A_225, %dma_start3A_226] : memref<32x80x128xi32, #tpu.memory_space<hbm>> -> memref<1x80x128xi32, #tpu.memory_space<hbm>>
      %dma_start3A_228 = tpu.memref_squeeze %dma_start3A_227 : memref<1x80x128xi32, #tpu.memory_space<hbm>> -> memref<80x128xi32, #tpu.memory_space<hbm>>
      %dma_start3A_229 = arith.constant 0 : i32
      %dma_start3A_230 = arith.constant 0 : i32
      %dma_start3A_231 = tpu.memref_slice %arg3[%add3A, %dma_start3A_229, %dma_start3A_230] : memref<32x80x128xi32, #tpu.memory_space<hbm>> -> memref<1x80x128xi32, #tpu.memory_space<hbm>>
      %dma_start3A_232 = tpu.memref_squeeze %dma_start3A_231 : memref<1x80x128xi32, #tpu.memory_space<hbm>> -> memref<80x128xi32, #tpu.memory_space<hbm>>
      tpu.enqueue_dma source(%dma_start3A_232 : memref<80x128xi32, #tpu.memory_space<hbm>>) target(%arg6 : memref<80x128xi32, #tpu.memory_space<vmem>>) target_semaphore(%run_scoped3A_224 : memref<!tpu.dma_semaphore, #tpu.memory_space<semaphore_mem>>)
      %dma_wait3A_233 = arith.constant 0 : i32
      %dma_wait3A_234 = arith.constant 0 : i32
      %dma_wait3A_235 = tpu.memref_slice %arg3[%add3A, %dma_wait3A_233, %dma_wait3A_234] : memref<32x80x128xi32, #tpu.memory_space<hbm>> -> memref<1x80x128xi32, #tpu.memory_space<hbm>>
      %dma_wait3A_236 = tpu.memref_squeeze %dma_wait3A_235 : memref<1x80x128xi32, #tpu.memory_space<hbm>> -> memref<80x128xi32, #tpu.memory_space<hbm>>
      %dma_wait3A_237 = arith.constant 0 : i32
      %dma_wait3A_238 = arith.constant 0 : i32
      %dma_wait3A_239 = tpu.memref_slice %arg3[%add3A, %dma_wait3A_237, %dma_wait3A_238] : memref<32x80x128xi32, #tpu.memory_space<hbm>> -> memref<1x80x128xi32, #tpu.memory_space<hbm>>
      %dma_wait3A_240 = tpu.memref_squeeze %dma_wait3A_239 : memref<1x80x128xi32, #tpu.memory_space<hbm>> -> memref<80x128xi32, #tpu.memory_space<hbm>>
      tpu.wait_dma2 semaphore(%run_scoped3A_224 : memref<!tpu.dma_semaphore, #tpu.memory_space<semaphore_mem>>) src(%dma_wait3A_240 : memref<80x128xi32, #tpu.memory_space<hbm>>) dst(%arg6 : memref<80x128xi32, #tpu.memory_space<vmem>>)
      tpu.yield
    }) : () -> ()
    %barrier3A = arith.constant 0 : index
    tpu.barrier barrier_id(%barrier3A)
    %mul3A_56 = arith.constant 160 : i32
    %mul3A_57 = arith.muli %add3A, %mul3A_56 : i32
    %dma_start3A = arith.constant 0 : i32
    %dma_start3A_58 = arith.constant 0 : i32
    %dma_start3A_59 = arith.constant 0 : i32
    %dma_start3A_60 = arith.constant 0 : i32
    %dma_start3A_61 = tpu.memref_slice %arg8[%dma_start3A_58, %dma_start3A_59, %dma_start3A_60] : memref<4x64x128xf32, #tpu.memory_space<vmem>> -> memref<1x64x128xf32, #tpu.memory_space<vmem>>
    %dma_start3A_62 = tpu.memref_squeeze %dma_start3A_61 : memref<1x64x128xf32, #tpu.memory_space<vmem>> -> memref<64x128xf32, #tpu.memory_space<vmem>>
    %dma_start3A_63 = arith.constant 0 : i32
    %dma_start3A_64 = tpu.memref_slice %arg6[%dma_start3A, %dma_start3A_63] : memref<80x128xi32, #tpu.memory_space<vmem>> -> memref<1x64xi32, #tpu.memory_space<vmem>>
    %dma_start3A_65 = tpu.memref_squeeze %dma_start3A_64 : memref<1x64xi32, #tpu.memory_space<vmem>> -> memref<64xi32, #tpu.memory_space<vmem>>
    %dma_start3A_66 = arith.constant 0 : i32
    %dma_start3A_67 = arith.constant 0 : i32
    %dma_start3A_68 = tpu.memref_slice %arg2[%dma_start3A_66, %dma_start3A_67] : memref<10240x128xf32, #tpu.memory_space<hbm>> -> memref<10240x128xf32, #tpu.memory_space<hbm>>
    tpu.enqueue_indirect_dma source(%dma_start3A_68 : memref<10240x128xf32, #tpu.memory_space<hbm>>) target(%dma_start3A_62 : memref<64x128xf32, #tpu.memory_space<vmem>>) offsets(%dma_start3A_65 : memref<64xi32, #tpu.memory_space<vmem>>) semaphore(%arg10 : memref<!tpu.dma_semaphore, #tpu.memory_space<semaphore_mem>>)
    %add3A_69 = arith.constant 0 : i32
    %add3A_70 = arith.addi %mul3A_57, %add3A_69 : i32
    %dma_start3A_71 = arith.constant 0 : i32
    %dma_start3A_72 = arith.constant 0 : i32
    %dma_start3A_73 = tpu.memref_slice %arg7[%dma_start3A_71, %dma_start3A_72] : memref<4x64xi32, #tpu.memory_space<vmem>> -> memref<1x64xi32, #tpu.memory_space<vmem>>
    %dma_start3A_74 = tpu.memref_squeeze %dma_start3A_73 : memref<1x64xi32, #tpu.memory_space<vmem>> -> memref<64xi32, #tpu.memory_space<vmem>>
    %dma_start3A_75 = arith.constant 0 : i32
    %dma_start3A_76 = tpu.memref_slice %arg4[%add3A_70, %dma_start3A_75] : memref<5120x64xi32, #tpu.memory_space<hbm>> -> memref<1x64xi32, #tpu.memory_space<hbm>>
    %dma_start3A_77 = tpu.memref_squeeze %dma_start3A_76 : memref<1x64xi32, #tpu.memory_space<hbm>> -> memref<64xi32, #tpu.memory_space<hbm>>
    %dma_start3A_78 = arith.constant 0 : i32
    %dma_start3A_79 = tpu.memref_slice %arg7[%dma_start3A_71, %dma_start3A_78] : memref<4x64xi32, #tpu.memory_space<vmem>> -> memref<1x64xi32, #tpu.memory_space<vmem>>
    %dma_start3A_80 = tpu.memref_squeeze %dma_start3A_79 : memref<1x64xi32, #tpu.memory_space<vmem>> -> memref<64xi32, #tpu.memory_space<vmem>>
    %dma_start3A_81 = arith.constant 0 : i32
    %dma_start3A_82 = tpu.memref_slice %arg4[%add3A_70, %dma_start3A_81] : memref<5120x64xi32, #tpu.memory_space<hbm>> -> memref<1x64xi32, #tpu.memory_space<hbm>>
    %dma_start3A_83 = tpu.memref_squeeze %dma_start3A_82 : memref<1x64xi32, #tpu.memory_space<hbm>> -> memref<64xi32, #tpu.memory_space<hbm>>
    tpu.enqueue_dma source(%dma_start3A_83 : memref<64xi32, #tpu.memory_space<hbm>>) target(%dma_start3A_80 : memref<64xi32, #tpu.memory_space<vmem>>) target_semaphore(%arg14 : memref<!tpu.dma_semaphore, #tpu.memory_space<semaphore_mem>>)
    %dma_start3A_84 = arith.constant 0 : i32
    %dma_start3A_85 = arith.constant 1 : i32
    %dma_start3A_86 = arith.constant 0 : i32
    %dma_start3A_87 = arith.constant 0 : i32
    %dma_start3A_88 = tpu.memref_slice %arg8[%dma_start3A_85, %dma_start3A_86, %dma_start3A_87] : memref<4x64x128xf32, #tpu.memory_space<vmem>> -> memref<1x64x128xf32, #tpu.memory_space<vmem>>
    %dma_start3A_89 = tpu.memref_squeeze %dma_start3A_88 : memref<1x64x128xf32, #tpu.memory_space<vmem>> -> memref<64x128xf32, #tpu.memory_space<vmem>>
    %dma_start3A_90 = arith.constant 64 : i32
    %dma_start3A_91 = tpu.memref_slice %arg6[%dma_start3A_84, %dma_start3A_90] : memref<80x128xi32, #tpu.memory_space<vmem>> -> memref<1x64xi32, #tpu.memory_space<vmem>>
    %dma_start3A_92 = tpu.memref_squeeze %dma_start3A_91 : memref<1x64xi32, #tpu.memory_space<vmem>> -> memref<64xi32, #tpu.memory_space<vmem>>
    %dma_start3A_93 = arith.constant 0 : i32
    %dma_start3A_94 = arith.constant 0 : i32
    %dma_start3A_95 = tpu.memref_slice %arg2[%dma_start3A_93, %dma_start3A_94] : memref<10240x128xf32, #tpu.memory_space<hbm>> -> memref<10240x128xf32, #tpu.memory_space<hbm>>
    tpu.enqueue_indirect_dma source(%dma_start3A_95 : memref<10240x128xf32, #tpu.memory_space<hbm>>) target(%dma_start3A_89 : memref<64x128xf32, #tpu.memory_space<vmem>>) offsets(%dma_start3A_92 : memref<64xi32, #tpu.memory_space<vmem>>) semaphore(%arg11 : memref<!tpu.dma_semaphore, #tpu.memory_space<semaphore_mem>>)
    %add3A_96 = arith.constant 1 : i32
    %add3A_97 = arith.addi %mul3A_57, %add3A_96 : i32
    %dma_start3A_98 = arith.constant 1 : i32
    %dma_start3A_99 = arith.constant 0 : i32
    %dma_start3A_100 = tpu.memref_slice %arg7[%dma_start3A_98, %dma_start3A_99] : memref<4x64xi32, #tpu.memory_space<vmem>> -> memref<1x64xi32, #tpu.memory_space<vmem>>
    %dma_start3A_101 = tpu.memref_squeeze %dma_start3A_100 : memref<1x64xi32, #tpu.memory_space<vmem>> -> memref<64xi32, #tpu.memory_space<vmem>>
    %dma_start3A_102 = arith.constant 0 : i32
    %dma_start3A_103 = tpu.memref_slice %arg4[%add3A_97, %dma_start3A_102] : memref<5120x64xi32, #tpu.memory_space<hbm>> -> memref<1x64xi32, #tpu.memory_space<hbm>>
    %dma_start3A_104 = tpu.memref_squeeze %dma_start3A_103 : memref<1x64xi32, #tpu.memory_space<hbm>> -> memref<64xi32, #tpu.memory_space<hbm>>
    %dma_start3A_105 = arith.constant 0 : i32
    %dma_start3A_106 = tpu.memref_slice %arg7[%dma_start3A_98, %dma_start3A_105] : memref<4x64xi32, #tpu.memory_space<vmem>> -> memref<1x64xi32, #tpu.memory_space<vmem>>
    %dma_start3A_107 = tpu.memref_squeeze %dma_start3A_106 : memref<1x64xi32, #tpu.memory_space<vmem>> -> memref<64xi32, #tpu.memory_space<vmem>>
    %dma_start3A_108 = arith.constant 0 : i32
    %dma_start3A_109 = tpu.memref_slice %arg4[%add3A_97, %dma_start3A_108] : memref<5120x64xi32, #tpu.memory_space<hbm>> -> memref<1x64xi32, #tpu.memory_space<hbm>>
    %dma_start3A_110 = tpu.memref_squeeze %dma_start3A_109 : memref<1x64xi32, #tpu.memory_space<hbm>> -> memref<64xi32, #tpu.memory_space<hbm>>
    tpu.enqueue_dma source(%dma_start3A_110 : memref<64xi32, #tpu.memory_space<hbm>>) target(%dma_start3A_107 : memref<64xi32, #tpu.memory_space<vmem>>) target_semaphore(%arg15 : memref<!tpu.dma_semaphore, #tpu.memory_space<semaphore_mem>>)
    %dma_start3A_111 = arith.constant 1 : i32
    %dma_start3A_112 = arith.constant 2 : i32
    %dma_start3A_113 = arith.constant 0 : i32
    %dma_start3A_114 = arith.constant 0 : i32
    %dma_start3A_115 = tpu.memref_slice %arg8[%dma_start3A_112, %dma_start3A_113, %dma_start3A_114] : memref<4x64x128xf32, #tpu.memory_space<vmem>> -> memref<1x64x128xf32, #tpu.memory_space<vmem>>
    %dma_start3A_116 = tpu.memref_squeeze %dma_start3A_115 : memref<1x64x128xf32, #tpu.memory_space<vmem>> -> memref<64x128xf32, #tpu.memory_space<vmem>>
    %dma_start3A_117 = arith.constant 0 : i32
    %dma_start3A_118 = tpu.memref_slice %arg6[%dma_start3A_111, %dma_start3A_117] : memref<80x128xi32, #tpu.memory_space<vmem>> -> memref<1x64xi32, #tpu.memory_space<vmem>>
    %dma_start3A_119 = tpu.memref_squeeze %dma_start3A_118 : memref<1x64xi32, #tpu.memory_space<vmem>> -> memref<64xi32, #tpu.memory_space<vmem>>
    %dma_start3A_120 = arith.constant 0 : i32
    %dma_start3A_121 = arith.constant 0 : i32
    %dma_start3A_122 = tpu.memref_slice %arg2[%dma_start3A_120, %dma_start3A_121] : memref<10240x128xf32, #tpu.memory_space<hbm>> -> memref<10240x128xf32, #tpu.memory_space<hbm>>
    tpu.enqueue_indirect_dma source(%dma_start3A_122 : memref<10240x128xf32, #tpu.memory_space<hbm>>) target(%dma_start3A_116 : memref<64x128xf32, #tpu.memory_space<vmem>>) offsets(%dma_start3A_119 : memref<64xi32, #tpu.memory_space<vmem>>) semaphore(%arg12 : memref<!tpu.dma_semaphore, #tpu.memory_space<semaphore_mem>>)
    %add3A_123 = arith.constant 2 : i32
    %add3A_124 = arith.addi %mul3A_57, %add3A_123 : i32
    %dma_start3A_125 = arith.constant 2 : i32
    %dma_start3A_126 = arith.constant 0 : i32
    %dma_start3A_127 = tpu.memref_slice %arg7[%dma_start3A_125, %dma_start3A_126] : memref<4x64xi32, #tpu.memory_space<vmem>> -> memref<1x64xi32, #tpu.memory_space<vmem>>
    %dma_start3A_128 = tpu.memref_squeeze %dma_start3A_127 : memref<1x64xi32, #tpu.memory_space<vmem>> -> memref<64xi32, #tpu.memory_space<vmem>>
    %dma_start3A_129 = arith.constant 0 : i32
    %dma_start3A_130 = tpu.memref_slice %arg4[%add3A_124, %dma_start3A_129] : memref<5120x64xi32, #tpu.memory_space<hbm>> -> memref<1x64xi32, #tpu.memory_space<hbm>>
    %dma_start3A_131 = tpu.memref_squeeze %dma_start3A_130 : memref<1x64xi32, #tpu.memory_space<hbm>> -> memref<64xi32, #tpu.memory_space<hbm>>
    %dma_start3A_132 = arith.constant 0 : i32
    %dma_start3A_133 = tpu.memref_slice %arg7[%dma_start3A_125, %dma_start3A_132] : memref<4x64xi32, #tpu.memory_space<vmem>> -> memref<1x64xi32, #tpu.memory_space<vmem>>
    %dma_start3A_134 = tpu.memref_squeeze %dma_start3A_133 : memref<1x64xi32, #tpu.memory_space<vmem>> -> memref<64xi32, #tpu.memory_space<vmem>>
    %dma_start3A_135 = arith.constant 0 : i32
    %dma_start3A_136 = tpu.memref_slice %arg4[%add3A_124, %dma_start3A_135] : memref<5120x64xi32, #tpu.memory_space<hbm>> -> memref<1x64xi32, #tpu.memory_space<hbm>>
    %dma_start3A_137 = tpu.memref_squeeze %dma_start3A_136 : memref<1x64xi32, #tpu.memory_space<hbm>> -> memref<64xi32, #tpu.memory_space<hbm>>
    tpu.enqueue_dma source(%dma_start3A_137 : memref<64xi32, #tpu.memory_space<hbm>>) target(%dma_start3A_134 : memref<64xi32, #tpu.memory_space<vmem>>) target_semaphore(%arg16 : memref<!tpu.dma_semaphore, #tpu.memory_space<semaphore_mem>>)
    %dma_start3A_138 = arith.constant 1 : i32
    %dma_start3A_139 = arith.constant 3 : i32
    %dma_start3A_140 = arith.constant 0 : i32
    %dma_start3A_141 = arith.constant 0 : i32
    %dma_start3A_142 = tpu.memref_slice %arg8[%dma_start3A_139, %dma_start3A_140, %dma_start3A_141] : memref<4x64x128xf32, #tpu.memory_space<vmem>> -> memref<1x64x128xf32, #tpu.memory_space<vmem>>
    %dma_start3A_143 = tpu.memref_squeeze %dma_start3A_142 : memref<1x64x128xf32, #tpu.memory_space<vmem>> -> memref<64x128xf32, #tpu.memory_space<vmem>>
    %dma_start3A_144 = arith.constant 64 : i32
    %dma_start3A_145 = tpu.memref_slice %arg6[%dma_start3A_138, %dma_start3A_144] : memref<80x128xi32, #tpu.memory_space<vmem>> -> memref<1x64xi32, #tpu.memory_space<vmem>>
    %dma_start3A_146 = tpu.memref_squeeze %dma_start3A_145 : memref<1x64xi32, #tpu.memory_space<vmem>> -> memref<64xi32, #tpu.memory_space<vmem>>
    %dma_start3A_147 = arith.constant 0 : i32
    %dma_start3A_148 = arith.constant 0 : i32
    %dma_start3A_149 = tpu.memref_slice %arg2[%dma_start3A_147, %dma_start3A_148] : memref<10240x128xf32, #tpu.memory_space<hbm>> -> memref<10240x128xf32, #tpu.memory_space<hbm>>
    tpu.enqueue_indirect_dma source(%dma_start3A_149 : memref<10240x128xf32, #tpu.memory_space<hbm>>) target(%dma_start3A_143 : memref<64x128xf32, #tpu.memory_space<vmem>>) offsets(%dma_start3A_146 : memref<64xi32, #tpu.memory_space<vmem>>) semaphore(%arg13 : memref<!tpu.dma_semaphore, #tpu.memory_space<semaphore_mem>>)
    %add3A_150 = arith.constant 3 : i32
    %add3A_151 = arith.addi %mul3A_57, %add3A_150 : i32
    %dma_start3A_152 = arith.constant 3 : i32
    %dma_start3A_153 = arith.constant 0 : i32
    %dma_start3A_154 = tpu.memref_slice %arg7[%dma_start3A_152, %dma_start3A_153] : memref<4x64xi32, #tpu.memory_space<vmem>> -> memref<1x64xi32, #tpu.memory_space<vmem>>
    %dma_start3A_155 = tpu.memref_squeeze %dma_start3A_154 : memref<1x64xi32, #tpu.memory_space<vmem>> -> memref<64xi32, #tpu.memory_space<vmem>>
    %dma_start3A_156 = arith.constant 0 : i32
    %dma_start3A_157 = tpu.memref_slice %arg4[%add3A_151, %dma_start3A_156] : memref<5120x64xi32, #tpu.memory_space<hbm>> -> memref<1x64xi32, #tpu.memory_space<hbm>>
    %dma_start3A_158 = tpu.memref_squeeze %dma_start3A_157 : memref<1x64xi32, #tpu.memory_space<hbm>> -> memref<64xi32, #tpu.memory_space<hbm>>
    %dma_start3A_159 = arith.constant 0 : i32
    %dma_start3A_160 = tpu.memref_slice %arg7[%dma_start3A_152, %dma_start3A_159] : memref<4x64xi32, #tpu.memory_space<vmem>> -> memref<1x64xi32, #tpu.memory_space<vmem>>
    %dma_start3A_161 = tpu.memref_squeeze %dma_start3A_160 : memref<1x64xi32, #tpu.memory_space<vmem>> -> memref<64xi32, #tpu.memory_space<vmem>>
    %dma_start3A_162 = arith.constant 0 : i32
    %dma_start3A_163 = tpu.memref_slice %arg4[%add3A_151, %dma_start3A_162] : memref<5120x64xi32, #tpu.memory_space<hbm>> -> memref<1x64xi32, #tpu.memory_space<hbm>>
    %dma_start3A_164 = tpu.memref_squeeze %dma_start3A_163 : memref<1x64xi32, #tpu.memory_space<hbm>> -> memref<64xi32, #tpu.memory_space<hbm>>
    tpu.enqueue_dma source(%dma_start3A_164 : memref<64xi32, #tpu.memory_space<hbm>>) target(%dma_start3A_161 : memref<64xi32, #tpu.memory_space<vmem>>) target_semaphore(%arg17 : memref<!tpu.dma_semaphore, #tpu.memory_space<semaphore_mem>>)
    %scan3A_165 = arith.constant 0 : i32
    %scan3A_166 = arith.constant 0 : i32
    %scan3A_167 = arith.constant 40 : i32
    %scan3A_168 = arith.addi %scan3A_166, %scan3A_167 : i32
    %scan3A_169 = arith.constant 1 : i32
    %scan3A_170 = scf.for %scan3A_224 = %scan3A_166 to %scan3A_168 step %scan3A_169 iter_args(%scan3A_225 = %scan3A_165) -> (i32)  : i32 {
      %mul3A_226 = arith.constant 4 : i32
      %mul3A_227 = arith.muli %mul3A_226, %scan3A_224 : i32
      %add3A_228 = arith.constant 0 : i32
      %add3A_229 = arith.addi %mul3A_227, %add3A_228 : i32
      %jit3A = arith.constant 2 : i32
      %div3A = arith.divsi %add3A_229, %jit3A : i32
      %sign3A = arith.constant 0 : i32
      %sign3A_230 = arith.cmpi sgt, %add3A_229, %sign3A : i32
      %sign3A_231 = arith.extui %sign3A_230 : i1 to i32
      %sign3A_232 = arith.constant 0 : i32
      %sign3A_233 = arith.cmpi slt, %add3A_229, %sign3A_232 : i32
      %sign3A_234 = arith.extui %sign3A_233 : i1 to i32
      %sign3A_235 = arith.subi %sign3A_231, %sign3A_234 : i32
      %sign3A_236 = arith.constant 0 : i32
      %sign3A_237 = arith.cmpi sgt, %jit3A, %sign3A_236 : i32
      %sign3A_238 = arith.extui %sign3A_237 : i1 to i32
      %sign3A_239 = arith.constant 0 : i32
      %sign3A_240 = arith.cmpi slt, %jit3A, %sign3A_239 : i32
      %sign3A_241 = arith.extui %sign3A_240 : i1 to i32
      %sign3A_242 = arith.subi %sign3A_238, %sign3A_241 : i32
      %ne3A = arith.cmpi ne, %sign3A_235, %sign3A_242 : i32
      %rem3A = arith.remsi %add3A_229, %jit3A : i32
      %ne3A_243 = arith.constant 0 : i32
      %ne3A_244 = arith.cmpi ne, %rem3A, %ne3A_243 : i32
      %and3A = arith.andi %ne3A, %ne3A_244 : i1
      %sub3A = arith.constant 1 : i32
      %sub3A_245 = arith.subi %div3A, %sub3A : i32
      %select_n3A = arith.select %and3A, %sub3A_245, %div3A : i32
      %jit3A_246 = arith.constant 2 : i32
      %eq3A = arith.constant 0 : i32
      %eq3A_247 = arith.cmpi eq, %jit3A_246, %eq3A : i32
      %jit3A_248 = arith.constant 1 : i32
      %select_n3A_249 = arith.select %eq3A_247, %jit3A_248, %jit3A_246 : i32
      %rem3A_250 = arith.remsi %add3A_229, %select_n3A_249 : i32
      %ne3A_251 = arith.constant 0 : i32
      %ne3A_252 = arith.cmpi ne, %rem3A_250, %ne3A_251 : i32
      %lt3A = arith.constant 0 : i32
      %lt3A_253 = arith.cmpi slt, %rem3A_250, %lt3A : i32
      %lt3A_254 = arith.constant 0 : i32
      %lt3A_255 = arith.cmpi slt, %select_n3A_249, %lt3A_254 : i32
      %ne3A_256 = arith.xori %lt3A_253, %lt3A_255 : i1
      %and3A_257 = arith.andi %ne3A_256, %ne3A_252 : i1
      %add3A_258 = arith.addi %rem3A_250, %select_n3A_249 : i32
      %select_n3A_259 = arith.select %and3A_257, %add3A_258, %rem3A_250 : i32
      %mul3A_260 = arith.constant 64 : i32
      %mul3A_261 = arith.muli %select_n3A_259, %mul3A_260 : i32
      %dma_wait3A_262 = arith.constant 0 : i32
      %dma_wait3A_263 = arith.constant 0 : i32
      %dma_wait3A_264 = arith.constant 0 : i32
      %dma_wait3A_265 = tpu.memref_slice %arg8[%dma_wait3A_262, %dma_wait3A_263, %dma_wait3A_264] : memref<4x64x128xf32, #tpu.memory_space<vmem>> -> memref<1x64x128xf32, #tpu.memory_space<vmem>>
      %dma_wait3A_266 = tpu.memref_squeeze %dma_wait3A_265 : memref<1x64x128xf32, #tpu.memory_space<vmem>> -> memref<64x128xf32, #tpu.memory_space<vmem>>
      %dma_wait3A_267 = tpu.memref_slice %arg6[%select_n3A, %mul3A_261] : memref<80x128xi32, #tpu.memory_space<vmem>> -> memref<1x64xi32, #tpu.memory_space<vmem>>
      %dma_wait3A_268 = tpu.memref_squeeze %dma_wait3A_267 : memref<1x64xi32, #tpu.memory_space<vmem>> -> memref<64xi32, #tpu.memory_space<vmem>>
      %dma_wait3A_269 = arith.constant 0 : i32
      %dma_wait3A_270 = arith.constant 0 : i32
      %dma_wait3A_271 = tpu.memref_slice %arg2[%dma_wait3A_269, %dma_wait3A_270] : memref<10240x128xf32, #tpu.memory_space<hbm>> -> memref<10240x128xf32, #tpu.memory_space<hbm>>
      tpu.wait_indirect_dma semaphore(%arg10 : memref<!tpu.dma_semaphore, #tpu.memory_space<semaphore_mem>>) src(%dma_wait3A_271 : memref<10240x128xf32, #tpu.memory_space<hbm>>) dst(%dma_wait3A_266 : memref<64x128xf32, #tpu.memory_space<vmem>>)
      %add3A_272 = arith.addi %mul3A_57, %add3A_229 : i32
      %dma_wait3A_273 = arith.constant 0 : i32
      %dma_wait3A_274 = arith.constant 0 : i32
      %dma_wait3A_275 = tpu.memref_slice %arg7[%dma_wait3A_273, %dma_wait3A_274] : memref<4x64xi32, #tpu.memory_space<vmem>> -> memref<1x64xi32, #tpu.memory_space<vmem>>
      %dma_wait3A_276 = tpu.memref_squeeze %dma_wait3A_275 : memref<1x64xi32, #tpu.memory_space<vmem>> -> memref<64xi32, #tpu.memory_space<vmem>>
      %dma_wait3A_277 = arith.constant 0 : i32
      %dma_wait3A_278 = tpu.memref_slice %arg4[%add3A_272, %dma_wait3A_277] : memref<5120x64xi32, #tpu.memory_space<hbm>> -> memref<1x64xi32, #tpu.memory_space<hbm>>
      %dma_wait3A_279 = tpu.memref_squeeze %dma_wait3A_278 : memref<1x64xi32, #tpu.memory_space<hbm>> -> memref<64xi32, #tpu.memory_space<hbm>>
      %dma_wait3A_280 = arith.constant 0 : i32
      %dma_wait3A_281 = tpu.memref_slice %arg7[%dma_wait3A_273, %dma_wait3A_280] : memref<4x64xi32, #tpu.memory_space<vmem>> -> memref<1x64xi32, #tpu.memory_space<vmem>>
      %dma_wait3A_282 = tpu.memref_squeeze %dma_wait3A_281 : memref<1x64xi32, #tpu.memory_space<vmem>> -> memref<64xi32, #tpu.memory_space<vmem>>
      %dma_wait3A_283 = arith.constant 0 : i32
      %dma_wait3A_284 = tpu.memref_slice %arg4[%add3A_272, %dma_wait3A_283] : memref<5120x64xi32, #tpu.memory_space<hbm>> -> memref<1x64xi32, #tpu.memory_space<hbm>>
      %dma_wait3A_285 = tpu.memref_squeeze %dma_wait3A_284 : memref<1x64xi32, #tpu.memory_space<hbm>> -> memref<64xi32, #tpu.memory_space<hbm>>
      tpu.wait_dma2 semaphore(%arg14 : memref<!tpu.dma_semaphore, #tpu.memory_space<semaphore_mem>>) src(%dma_wait3A_285 : memref<64xi32, #tpu.memory_space<hbm>>) dst(%dma_wait3A_282 : memref<64xi32, #tpu.memory_space<vmem>>)
      %dma_start3A_286 = arith.constant 0 : i32
      %dma_start3A_287 = arith.constant 0 : i32
      %dma_start3A_288 = arith.constant 0 : i32
      %dma_start3A_289 = arith.constant 0 : i32
      %dma_start3A_290 = tpu.memref_slice %arg8[%dma_start3A_286, %dma_start3A_288, %dma_start3A_289] : memref<4x64x128xf32, #tpu.memory_space<vmem>> -> memref<1x64x128xf32, #tpu.memory_space<vmem>>
      %dma_start3A_291 = tpu.memref_squeeze %dma_start3A_290 : memref<1x64x128xf32, #tpu.memory_space<vmem>> -> memref<64x128xf32, #tpu.memory_space<vmem>>
      %dma_start3A_292 = arith.constant 0 : i32
      %dma_start3A_293 = tpu.memref_slice %arg7[%dma_start3A_287, %dma_start3A_292] : memref<4x64xi32, #tpu.memory_space<vmem>> -> memref<1x64xi32, #tpu.memory_space<vmem>>
      %dma_start3A_294 = tpu.memref_squeeze %dma_start3A_293 : memref<1x64xi32, #tpu.memory_space<vmem>> -> memref<64xi32, #tpu.memory_space<vmem>>
      %dma_start3A_295 = arith.constant 0 : i32
      %dma_start3A_296 = arith.constant 0 : i32
      %dma_start3A_297 = tpu.memref_slice %arg9[%dma_start3A_295, %dma_start3A_296] : memref<10240x128xf32, #tpu.memory_space<vmem_shared>> -> memref<10240x128xf32, #tpu.memory_space<vmem_shared>>
      tpu.enqueue_indirect_dma source(%dma_start3A_291 : memref<64x128xf32, #tpu.memory_space<vmem>>) target(%dma_start3A_297 : memref<10240x128xf32, #tpu.memory_space<vmem_shared>>) offsets(%dma_start3A_294 : memref<64xi32, #tpu.memory_space<vmem>>) semaphore(%arg18 : memref<!tpu.dma_semaphore, #tpu.memory_space<semaphore_mem>>) {add = true}
      %add3A_298 = arith.constant 4 : i32
      %add3A_299 = arith.addi %add3A_229, %add3A_298 : i32
      %lt3A_300 = arith.constant 160 : i32
      %lt3A_301 = arith.cmpi slt, %add3A_299, %lt3A_300 : i32
      %convert_element_type3A = arith.extui %lt3A_301 : i1 to i32
      %cond3A = arith.constant 0 : i32
      %cond3A_302 = arith.cmpi ne, %convert_element_type3A, %cond3A : i32
      scf.if %cond3A_302 {
        %dma_wait3A_571 = arith.constant 0 : i32
        %dma_wait3A_572 = arith.constant 0 : i32
        %dma_wait3A_573 = arith.constant 0 : i32
        %dma_wait3A_574 = arith.constant 0 : i32
        %dma_wait3A_575 = tpu.memref_slice %arg8[%dma_wait3A_571, %dma_wait3A_573, %dma_wait3A_574] : memref<4x64x128xf32, #tpu.memory_space<vmem>> -> memref<1x64x128xf32, #tpu.memory_space<vmem>>
        %dma_wait3A_576 = tpu.memref_squeeze %dma_wait3A_575 : memref<1x64x128xf32, #tpu.memory_space<vmem>> -> memref<64x128xf32, #tpu.memory_space<vmem>>
        %dma_wait3A_577 = arith.constant 0 : i32
        %dma_wait3A_578 = tpu.memref_slice %arg7[%dma_wait3A_572, %dma_wait3A_577] : memref<4x64xi32, #tpu.memory_space<vmem>> -> memref<1x64xi32, #tpu.memory_space<vmem>>
        %dma_wait3A_579 = tpu.memref_squeeze %dma_wait3A_578 : memref<1x64xi32, #tpu.memory_space<vmem>> -> memref<64xi32, #tpu.memory_space<vmem>>
        %dma_wait3A_580 = arith.constant 0 : i32
        %dma_wait3A_581 = arith.constant 0 : i32
        %dma_wait3A_582 = tpu.memref_slice %arg9[%dma_wait3A_580, %dma_wait3A_581] : memref<10240x128xf32, #tpu.memory_space<vmem_shared>> -> memref<10240x128xf32, #tpu.memory_space<vmem_shared>>
        tpu.wait_indirect_dma semaphore(%arg18 : memref<!tpu.dma_semaphore, #tpu.memory_space<semaphore_mem>>) src(%dma_wait3A_576 : memref<64x128xf32, #tpu.memory_space<vmem>>) dst(%dma_wait3A_582 : memref<10240x128xf32, #tpu.memory_space<vmem_shared>>)
        %add3A_583 = arith.constant 4 : i32
        %add3A_584 = arith.addi %add3A_229, %add3A_583 : i32
        %jit3A_585 = arith.constant 2 : i32
        %div3A_586 = arith.divsi %add3A_584, %jit3A_585 : i32
        %sign3A_587 = arith.constant 0 : i32
        %sign3A_588 = arith.cmpi sgt, %add3A_584, %sign3A_587 : i32
        %sign3A_589 = arith.extui %sign3A_588 : i1 to i32
        %sign3A_590 = arith.constant 0 : i32
        %sign3A_591 = arith.cmpi slt, %add3A_584, %sign3A_590 : i32
        %sign3A_592 = arith.extui %sign3A_591 : i1 to i32
        %sign3A_593 = arith.subi %sign3A_589, %sign3A_592 : i32
        %sign3A_594 = arith.constant 0 : i32
        %sign3A_595 = arith.cmpi sgt, %jit3A_585, %sign3A_594 : i32
        %sign3A_596 = arith.extui %sign3A_595 : i1 to i32
        %sign3A_597 = arith.constant 0 : i32
        %sign3A_598 = arith.cmpi slt, %jit3A_585, %sign3A_597 : i32
        %sign3A_599 = arith.extui %sign3A_598 : i1 to i32
        %sign3A_600 = arith.subi %sign3A_596, %sign3A_599 : i32
        %ne3A_601 = arith.cmpi ne, %sign3A_593, %sign3A_600 : i32
        %rem3A_602 = arith.remsi %add3A_584, %jit3A_585 : i32
        %ne3A_603 = arith.constant 0 : i32
        %ne3A_604 = arith.cmpi ne, %rem3A_602, %ne3A_603 : i32
        %and3A_605 = arith.andi %ne3A_601, %ne3A_604 : i1
        %sub3A_606 = arith.constant 1 : i32
        %sub3A_607 = arith.subi %div3A_586, %sub3A_606 : i32
        %select_n3A_608 = arith.select %and3A_605, %sub3A_607, %div3A_586 : i32
        %jit3A_609 = arith.constant 2 : i32
        %eq3A_610 = arith.constant 0 : i32
        %eq3A_611 = arith.cmpi eq, %jit3A_609, %eq3A_610 : i32
        %jit3A_612 = arith.constant 1 : i32
        %select_n3A_613 = arith.select %eq3A_611, %jit3A_612, %jit3A_609 : i32
        %rem3A_614 = arith.remsi %add3A_584, %select_n3A_613 : i32
        %ne3A_615 = arith.constant 0 : i32
        %ne3A_616 = arith.cmpi ne, %rem3A_614, %ne3A_615 : i32
        %lt3A_617 = arith.constant 0 : i32
        %lt3A_618 = arith.cmpi slt, %rem3A_614, %lt3A_617 : i32
        %lt3A_619 = arith.constant 0 : i32
        %lt3A_620 = arith.cmpi slt, %select_n3A_613, %lt3A_619 : i32
        %ne3A_621 = arith.xori %lt3A_618, %lt3A_620 : i1
        %and3A_622 = arith.andi %ne3A_621, %ne3A_616 : i1
        %add3A_623 = arith.addi %rem3A_614, %select_n3A_613 : i32
        %select_n3A_624 = arith.select %and3A_622, %add3A_623, %rem3A_614 : i32
        %mul3A_625 = arith.constant 64 : i32
        %mul3A_626 = arith.muli %select_n3A_624, %mul3A_625 : i32
        %dma_start3A_627 = arith.constant 0 : i32
        %dma_start3A_628 = arith.constant 0 : i32
        %dma_start3A_629 = arith.constant 0 : i32
        %dma_start3A_630 = tpu.memref_slice %arg8[%dma_start3A_627, %dma_start3A_628, %dma_start3A_629] : memref<4x64x128xf32, #tpu.memory_space<vmem>> -> memref<1x64x128xf32, #tpu.memory_space<vmem>>
        %dma_start3A_631 = tpu.memref_squeeze %dma_start3A_630 : memref<1x64x128xf32, #tpu.memory_space<vmem>> -> memref<64x128xf32, #tpu.memory_space<vmem>>
        %dma_start3A_632 = tpu.memref_slice %arg6[%select_n3A_608, %mul3A_626] : memref<80x128xi32, #tpu.memory_space<vmem>> -> memref<1x64xi32, #tpu.memory_space<vmem>>
        %dma_start3A_633 = tpu.memref_squeeze %dma_start3A_632 : memref<1x64xi32, #tpu.memory_space<vmem>> -> memref<64xi32, #tpu.memory_space<vmem>>
        %dma_start3A_634 = arith.constant 0 : i32
        %dma_start3A_635 = arith.constant 0 : i32
        %dma_start3A_636 = tpu.memref_slice %arg2[%dma_start3A_634, %dma_start3A_635] : memref<10240x128xf32, #tpu.memory_space<hbm>> -> memref<10240x128xf32, #tpu.memory_space<hbm>>
        tpu.enqueue_indirect_dma source(%dma_start3A_636 : memref<10240x128xf32, #tpu.memory_space<hbm>>) target(%dma_start3A_631 : memref<64x128xf32, #tpu.memory_space<vmem>>) offsets(%dma_start3A_633 : memref<64xi32, #tpu.memory_space<vmem>>) semaphore(%arg10 : memref<!tpu.dma_semaphore, #tpu.memory_space<semaphore_mem>>)
        %add3A_637 = arith.addi %mul3A_57, %add3A_229 : i32
        %add3A_638 = arith.constant 4 : i32
        %add3A_639 = arith.addi %add3A_637, %add3A_638 : i32
        %dma_start3A_640 = arith.constant 0 : i32
        %dma_start3A_641 = arith.constant 0 : i32
        %dma_start3A_642 = tpu.memref_slice %arg7[%dma_start3A_640, %dma_start3A_641] : memref<4x64xi32, #tpu.memory_space<vmem>> -> memref<1x64xi32, #tpu.memory_space<vmem>>
        %dma_start3A_643 = tpu.memref_squeeze %dma_start3A_642 : memref<1x64xi32, #tpu.memory_space<vmem>> -> memref<64xi32, #tpu.memory_space<vmem>>
        %dma_start3A_644 = arith.constant 0 : i32
        %dma_start3A_645 = tpu.memref_slice %arg4[%add3A_639, %dma_start3A_644] : memref<5120x64xi32, #tpu.memory_space<hbm>> -> memref<1x64xi32, #tpu.memory_space<hbm>>
        %dma_start3A_646 = tpu.memref_squeeze %dma_start3A_645 : memref<1x64xi32, #tpu.memory_space<hbm>> -> memref<64xi32, #tpu.memory_space<hbm>>
        %dma_start3A_647 = arith.constant 0 : i32
        %dma_start3A_648 = tpu.memref_slice %arg7[%dma_start3A_640, %dma_start3A_647] : memref<4x64xi32, #tpu.memory_space<vmem>> -> memref<1x64xi32, #tpu.memory_space<vmem>>
        %dma_start3A_649 = tpu.memref_squeeze %dma_start3A_648 : memref<1x64xi32, #tpu.memory_space<vmem>> -> memref<64xi32, #tpu.memory_space<vmem>>
        %dma_start3A_650 = arith.constant 0 : i32
        %dma_start3A_651 = tpu.memref_slice %arg4[%add3A_639, %dma_start3A_650] : memref<5120x64xi32, #tpu.memory_space<hbm>> -> memref<1x64xi32, #tpu.memory_space<hbm>>
        %dma_start3A_652 = tpu.memref_squeeze %dma_start3A_651 : memref<1x64xi32, #tpu.memory_space<hbm>> -> memref<64xi32, #tpu.memory_space<hbm>>
        tpu.enqueue_dma source(%dma_start3A_652 : memref<64xi32, #tpu.memory_space<hbm>>) target(%dma_start3A_649 : memref<64xi32, #tpu.memory_space<vmem>>) target_semaphore(%arg14 : memref<!tpu.dma_semaphore, #tpu.memory_space<semaphore_mem>>)
      } else {
      }
      %mul3A_303 = arith.constant 4 : i32
      %mul3A_304 = arith.muli %mul3A_303, %scan3A_224 : i32
      %add3A_305 = arith.constant 1 : i32
      %add3A_306 = arith.addi %mul3A_304, %add3A_305 : i32
      %jit3A_307 = arith.constant 2 : i32
      %div3A_308 = arith.divsi %add3A_306, %jit3A_307 : i32
      %sign3A_309 = arith.constant 0 : i32
      %sign3A_310 = arith.cmpi sgt, %add3A_306, %sign3A_309 : i32
      %sign3A_311 = arith.extui %sign3A_310 : i1 to i32
      %sign3A_312 = arith.constant 0 : i32
      %sign3A_313 = arith.cmpi slt, %add3A_306, %sign3A_312 : i32
      %sign3A_314 = arith.extui %sign3A_313 : i1 to i32
      %sign3A_315 = arith.subi %sign3A_311, %sign3A_314 : i32
      %sign3A_316 = arith.constant 0 : i32
      %sign3A_317 = arith.cmpi sgt, %jit3A_307, %sign3A_316 : i32
      %sign3A_318 = arith.extui %sign3A_317 : i1 to i32
      %sign3A_319 = arith.constant 0 : i32
      %sign3A_320 = arith.cmpi slt, %jit3A_307, %sign3A_319 : i32
      %sign3A_321 = arith.extui %sign3A_320 : i1 to i32
      %sign3A_322 = arith.subi %sign3A_318, %sign3A_321 : i32
      %ne3A_323 = arith.cmpi ne, %sign3A_315, %sign3A_322 : i32
      %rem3A_324 = arith.remsi %add3A_306, %jit3A_307 : i32
      %ne3A_325 = arith.constant 0 : i32
      %ne3A_326 = arith.cmpi ne, %rem3A_324, %ne3A_325 : i32
      %and3A_327 = arith.andi %ne3A_323, %ne3A_326 : i1
      %sub3A_328 = arith.constant 1 : i32
      %sub3A_329 = arith.subi %div3A_308, %sub3A_328 : i32
      %select_n3A_330 = arith.select %and3A_327, %sub3A_329, %div3A_308 : i32
      %jit3A_331 = arith.constant 2 : i32
      %eq3A_332 = arith.constant 0 : i32
      %eq3A_333 = arith.cmpi eq, %jit3A_331, %eq3A_332 : i32
      %jit3A_334 = arith.constant 1 : i32
      %select_n3A_335 = arith.select %eq3A_333, %jit3A_334, %jit3A_331 : i32
      %rem3A_336 = arith.remsi %add3A_306, %select_n3A_335 : i32
      %ne3A_337 = arith.constant 0 : i32
      %ne3A_338 = arith.cmpi ne, %rem3A_336, %ne3A_337 : i32
      %lt3A_339 = arith.constant 0 : i32
      %lt3A_340 = arith.cmpi slt, %rem3A_336, %lt3A_339 : i32
      %lt3A_341 = arith.constant 0 : i32
      %lt3A_342 = arith.cmpi slt, %select_n3A_335, %lt3A_341 : i32
      %ne3A_343 = arith.xori %lt3A_340, %lt3A_342 : i1
      %and3A_344 = arith.andi %ne3A_343, %ne3A_338 : i1
      %add3A_345 = arith.addi %rem3A_336, %select_n3A_335 : i32
      %select_n3A_346 = arith.select %and3A_344, %add3A_345, %rem3A_336 : i32
      %mul3A_347 = arith.constant 64 : i32
      %mul3A_348 = arith.muli %select_n3A_346, %mul3A_347 : i32
      %dma_wait3A_349 = arith.constant 1 : i32
      %dma_wait3A_350 = arith.constant 0 : i32
      %dma_wait3A_351 = arith.constant 0 : i32
      %dma_wait3A_352 = tpu.memref_slice %arg8[%dma_wait3A_349, %dma_wait3A_350, %dma_wait3A_351] : memref<4x64x128xf32, #tpu.memory_space<vmem>> -> memref<1x64x128xf32, #tpu.memory_space<vmem>>
      %dma_wait3A_353 = tpu.memref_squeeze %dma_wait3A_352 : memref<1x64x128xf32, #tpu.memory_space<vmem>> -> memref<64x128xf32, #tpu.memory_space<vmem>>
      %dma_wait3A_354 = tpu.memref_slice %arg6[%select_n3A_330, %mul3A_348] : memref<80x128xi32, #tpu.memory_space<vmem>> -> memref<1x64xi32, #tpu.memory_space<vmem>>
      %dma_wait3A_355 = tpu.memref_squeeze %dma_wait3A_354 : memref<1x64xi32, #tpu.memory_space<vmem>> -> memref<64xi32, #tpu.memory_space<vmem>>
      %dma_wait3A_356 = arith.constant 0 : i32
      %dma_wait3A_357 = arith.constant 0 : i32
      %dma_wait3A_358 = tpu.memref_slice %arg2[%dma_wait3A_356, %dma_wait3A_357] : memref<10240x128xf32, #tpu.memory_space<hbm>> -> memref<10240x128xf32, #tpu.memory_space<hbm>>
      tpu.wait_indirect_dma semaphore(%arg11 : memref<!tpu.dma_semaphore, #tpu.memory_space<semaphore_mem>>) src(%dma_wait3A_358 : memref<10240x128xf32, #tpu.memory_space<hbm>>) dst(%dma_wait3A_353 : memref<64x128xf32, #tpu.memory_space<vmem>>)
      %add3A_359 = arith.addi %mul3A_57, %add3A_306 : i32
      %dma_wait3A_360 = arith.constant 1 : i32
      %dma_wait3A_361 = arith.constant 0 : i32
      %dma_wait3A_362 = tpu.memref_slice %arg7[%dma_wait3A_360, %dma_wait3A_361] : memref<4x64xi32, #tpu.memory_space<vmem>> -> memref<1x64xi32, #tpu.memory_space<vmem>>
      %dma_wait3A_363 = tpu.memref_squeeze %dma_wait3A_362 : memref<1x64xi32, #tpu.memory_space<vmem>> -> memref<64xi32, #tpu.memory_space<vmem>>
      %dma_wait3A_364 = arith.constant 0 : i32
      %dma_wait3A_365 = tpu.memref_slice %arg4[%add3A_359, %dma_wait3A_364] : memref<5120x64xi32, #tpu.memory_space<hbm>> -> memref<1x64xi32, #tpu.memory_space<hbm>>
      %dma_wait3A_366 = tpu.memref_squeeze %dma_wait3A_365 : memref<1x64xi32, #tpu.memory_space<hbm>> -> memref<64xi32, #tpu.memory_space<hbm>>
      %dma_wait3A_367 = arith.constant 0 : i32
      %dma_wait3A_368 = tpu.memref_slice %arg7[%dma_wait3A_360, %dma_wait3A_367] : memref<4x64xi32, #tpu.memory_space<vmem>> -> memref<1x64xi32, #tpu.memory_space<vmem>>
      %dma_wait3A_369 = tpu.memref_squeeze %dma_wait3A_368 : memref<1x64xi32, #tpu.memory_space<vmem>> -> memref<64xi32, #tpu.memory_space<vmem>>
      %dma_wait3A_370 = arith.constant 0 : i32
      %dma_wait3A_371 = tpu.memref_slice %arg4[%add3A_359, %dma_wait3A_370] : memref<5120x64xi32, #tpu.memory_space<hbm>> -> memref<1x64xi32, #tpu.memory_space<hbm>>
      %dma_wait3A_372 = tpu.memref_squeeze %dma_wait3A_371 : memref<1x64xi32, #tpu.memory_space<hbm>> -> memref<64xi32, #tpu.memory_space<hbm>>
      tpu.wait_dma2 semaphore(%arg15 : memref<!tpu.dma_semaphore, #tpu.memory_space<semaphore_mem>>) src(%dma_wait3A_372 : memref<64xi32, #tpu.memory_space<hbm>>) dst(%dma_wait3A_369 : memref<64xi32, #tpu.memory_space<vmem>>)
      %dma_start3A_373 = arith.constant 1 : i32
      %dma_start3A_374 = arith.constant 1 : i32
      %dma_start3A_375 = arith.constant 0 : i32
      %dma_start3A_376 = arith.constant 0 : i32
      %dma_start3A_377 = tpu.memref_slice %arg8[%dma_start3A_373, %dma_start3A_375, %dma_start3A_376] : memref<4x64x128xf32, #tpu.memory_space<vmem>> -> memref<1x64x128xf32, #tpu.memory_space<vmem>>
      %dma_start3A_378 = tpu.memref_squeeze %dma_start3A_377 : memref<1x64x128xf32, #tpu.memory_space<vmem>> -> memref<64x128xf32, #tpu.memory_space<vmem>>
      %dma_start3A_379 = arith.constant 0 : i32
      %dma_start3A_380 = tpu.memref_slice %arg7[%dma_start3A_374, %dma_start3A_379] : memref<4x64xi32, #tpu.memory_space<vmem>> -> memref<1x64xi32, #tpu.memory_space<vmem>>
      %dma_start3A_381 = tpu.memref_squeeze %dma_start3A_380 : memref<1x64xi32, #tpu.memory_space<vmem>> -> memref<64xi32, #tpu.memory_space<vmem>>
      %dma_start3A_382 = arith.constant 0 : i32
      %dma_start3A_383 = arith.constant 0 : i32
      %dma_start3A_384 = tpu.memref_slice %arg9[%dma_start3A_382, %dma_start3A_383] : memref<10240x128xf32, #tpu.memory_space<vmem_shared>> -> memref<10240x128xf32, #tpu.memory_space<vmem_shared>>
      tpu.enqueue_indirect_dma source(%dma_start3A_378 : memref<64x128xf32, #tpu.memory_space<vmem>>) target(%dma_start3A_384 : memref<10240x128xf32, #tpu.memory_space<vmem_shared>>) offsets(%dma_start3A_381 : memref<64xi32, #tpu.memory_space<vmem>>) semaphore(%arg19 : memref<!tpu.dma_semaphore, #tpu.memory_space<semaphore_mem>>) {add = true}
      %add3A_385 = arith.constant 4 : i32
      %add3A_386 = arith.addi %add3A_306, %add3A_385 : i32
      %lt3A_387 = arith.constant 160 : i32
      %lt3A_388 = arith.cmpi slt, %add3A_386, %lt3A_387 : i32
      %convert_element_type3A_389 = arith.extui %lt3A_388 : i1 to i32
      %cond3A_390 = arith.constant 0 : i32
      %cond3A_391 = arith.cmpi ne, %convert_element_type3A_389, %cond3A_390 : i32
      scf.if %cond3A_391 {
        %dma_wait3A_571 = arith.constant 1 : i32
        %dma_wait3A_572 = arith.constant 1 : i32
        %dma_wait3A_573 = arith.constant 0 : i32
        %dma_wait3A_574 = arith.constant 0 : i32
        %dma_wait3A_575 = tpu.memref_slice %arg8[%dma_wait3A_571, %dma_wait3A_573, %dma_wait3A_574] : memref<4x64x128xf32, #tpu.memory_space<vmem>> -> memref<1x64x128xf32, #tpu.memory_space<vmem>>
        %dma_wait3A_576 = tpu.memref_squeeze %dma_wait3A_575 : memref<1x64x128xf32, #tpu.memory_space<vmem>> -> memref<64x128xf32, #tpu.memory_space<vmem>>
        %dma_wait3A_577 = arith.constant 0 : i32
        %dma_wait3A_578 = tpu.memref_slice %arg7[%dma_wait3A_572, %dma_wait3A_577] : memref<4x64xi32, #tpu.memory_space<vmem>> -> memref<1x64xi32, #tpu.memory_space<vmem>>
        %dma_wait3A_579 = tpu.memref_squeeze %dma_wait3A_578 : memref<1x64xi32, #tpu.memory_space<vmem>> -> memref<64xi32, #tpu.memory_space<vmem>>
        %dma_wait3A_580 = arith.constant 0 : i32
        %dma_wait3A_581 = arith.constant 0 : i32
        %dma_wait3A_582 = tpu.memref_slice %arg9[%dma_wait3A_580, %dma_wait3A_581] : memref<10240x128xf32, #tpu.memory_space<vmem_shared>> -> memref<10240x128xf32, #tpu.memory_space<vmem_shared>>
        tpu.wait_indirect_dma semaphore(%arg19 : memref<!tpu.dma_semaphore, #tpu.memory_space<semaphore_mem>>) src(%dma_wait3A_576 : memref<64x128xf32, #tpu.memory_space<vmem>>) dst(%dma_wait3A_582 : memref<10240x128xf32, #tpu.memory_space<vmem_shared>>)
        %add3A_583 = arith.constant 4 : i32
        %add3A_584 = arith.addi %add3A_306, %add3A_583 : i32
        %jit3A_585 = arith.constant 2 : i32
        %div3A_586 = arith.divsi %add3A_584, %jit3A_585 : i32
        %sign3A_587 = arith.constant 0 : i32
        %sign3A_588 = arith.cmpi sgt, %add3A_584, %sign3A_587 : i32
        %sign3A_589 = arith.extui %sign3A_588 : i1 to i32
        %sign3A_590 = arith.constant 0 : i32
        %sign3A_591 = arith.cmpi slt, %add3A_584, %sign3A_590 : i32
        %sign3A_592 = arith.extui %sign3A_591 : i1 to i32
        %sign3A_593 = arith.subi %sign3A_589, %sign3A_592 : i32
        %sign3A_594 = arith.constant 0 : i32
        %sign3A_595 = arith.cmpi sgt, %jit3A_585, %sign3A_594 : i32
        %sign3A_596 = arith.extui %sign3A_595 : i1 to i32
        %sign3A_597 = arith.constant 0 : i32
        %sign3A_598 = arith.cmpi slt, %jit3A_585, %sign3A_597 : i32
        %sign3A_599 = arith.extui %sign3A_598 : i1 to i32
        %sign3A_600 = arith.subi %sign3A_596, %sign3A_599 : i32
        %ne3A_601 = arith.cmpi ne, %sign3A_593, %sign3A_600 : i32
        %rem3A_602 = arith.remsi %add3A_584, %jit3A_585 : i32
        %ne3A_603 = arith.constant 0 : i32
        %ne3A_604 = arith.cmpi ne, %rem3A_602, %ne3A_603 : i32
        %and3A_605 = arith.andi %ne3A_601, %ne3A_604 : i1
        %sub3A_606 = arith.constant 1 : i32
        %sub3A_607 = arith.subi %div3A_586, %sub3A_606 : i32
        %select_n3A_608 = arith.select %and3A_605, %sub3A_607, %div3A_586 : i32
        %jit3A_609 = arith.constant 2 : i32
        %eq3A_610 = arith.constant 0 : i32
        %eq3A_611 = arith.cmpi eq, %jit3A_609, %eq3A_610 : i32
        %jit3A_612 = arith.constant 1 : i32
        %select_n3A_613 = arith.select %eq3A_611, %jit3A_612, %jit3A_609 : i32
        %rem3A_614 = arith.remsi %add3A_584, %select_n3A_613 : i32
        %ne3A_615 = arith.constant 0 : i32
        %ne3A_616 = arith.cmpi ne, %rem3A_614, %ne3A_615 : i32
        %lt3A_617 = arith.constant 0 : i32
        %lt3A_618 = arith.cmpi slt, %rem3A_614, %lt3A_617 : i32
        %lt3A_619 = arith.constant 0 : i32
        %lt3A_620 = arith.cmpi slt, %select_n3A_613, %lt3A_619 : i32
        %ne3A_621 = arith.xori %lt3A_618, %lt3A_620 : i1
        %and3A_622 = arith.andi %ne3A_621, %ne3A_616 : i1
        %add3A_623 = arith.addi %rem3A_614, %select_n3A_613 : i32
        %select_n3A_624 = arith.select %and3A_622, %add3A_623, %rem3A_614 : i32
        %mul3A_625 = arith.constant 64 : i32
        %mul3A_626 = arith.muli %select_n3A_624, %mul3A_625 : i32
        %dma_start3A_627 = arith.constant 1 : i32
        %dma_start3A_628 = arith.constant 0 : i32
        %dma_start3A_629 = arith.constant 0 : i32
        %dma_start3A_630 = tpu.memref_slice %arg8[%dma_start3A_627, %dma_start3A_628, %dma_start3A_629] : memref<4x64x128xf32, #tpu.memory_space<vmem>> -> memref<1x64x128xf32, #tpu.memory_space<vmem>>
        %dma_start3A_631 = tpu.memref_squeeze %dma_start3A_630 : memref<1x64x128xf32, #tpu.memory_space<vmem>> -> memref<64x128xf32, #tpu.memory_space<vmem>>
        %dma_start3A_632 = tpu.memref_slice %arg6[%select_n3A_608, %mul3A_626] : memref<80x128xi32, #tpu.memory_space<vmem>> -> memref<1x64xi32, #tpu.memory_space<vmem>>
        %dma_start3A_633 = tpu.memref_squeeze %dma_start3A_632 : memref<1x64xi32, #tpu.memory_space<vmem>> -> memref<64xi32, #tpu.memory_space<vmem>>
        %dma_start3A_634 = arith.constant 0 : i32
        %dma_start3A_635 = arith.constant 0 : i32
        %dma_start3A_636 = tpu.memref_slice %arg2[%dma_start3A_634, %dma_start3A_635] : memref<10240x128xf32, #tpu.memory_space<hbm>> -> memref<10240x128xf32, #tpu.memory_space<hbm>>
        tpu.enqueue_indirect_dma source(%dma_start3A_636 : memref<10240x128xf32, #tpu.memory_space<hbm>>) target(%dma_start3A_631 : memref<64x128xf32, #tpu.memory_space<vmem>>) offsets(%dma_start3A_633 : memref<64xi32, #tpu.memory_space<vmem>>) semaphore(%arg11 : memref<!tpu.dma_semaphore, #tpu.memory_space<semaphore_mem>>)
        %add3A_637 = arith.addi %mul3A_57, %add3A_306 : i32
        %add3A_638 = arith.constant 4 : i32
        %add3A_639 = arith.addi %add3A_637, %add3A_638 : i32
        %dma_start3A_640 = arith.constant 1 : i32
        %dma_start3A_641 = arith.constant 0 : i32
        %dma_start3A_642 = tpu.memref_slice %arg7[%dma_start3A_640, %dma_start3A_641] : memref<4x64xi32, #tpu.memory_space<vmem>> -> memref<1x64xi32, #tpu.memory_space<vmem>>
        %dma_start3A_643 = tpu.memref_squeeze %dma_start3A_642 : memref<1x64xi32, #tpu.memory_space<vmem>> -> memref<64xi32, #tpu.memory_space<vmem>>
        %dma_start3A_644 = arith.constant 0 : i32
        %dma_start3A_645 = tpu.memref_slice %arg4[%add3A_639, %dma_start3A_644] : memref<5120x64xi32, #tpu.memory_space<hbm>> -> memref<1x64xi32, #tpu.memory_space<hbm>>
        %dma_start3A_646 = tpu.memref_squeeze %dma_start3A_645 : memref<1x64xi32, #tpu.memory_space<hbm>> -> memref<64xi32, #tpu.memory_space<hbm>>
        %dma_start3A_647 = arith.constant 0 : i32
        %dma_start3A_648 = tpu.memref_slice %arg7[%dma_start3A_640, %dma_start3A_647] : memref<4x64xi32, #tpu.memory_space<vmem>> -> memref<1x64xi32, #tpu.memory_space<vmem>>
        %dma_start3A_649 = tpu.memref_squeeze %dma_start3A_648 : memref<1x64xi32, #tpu.memory_space<vmem>> -> memref<64xi32, #tpu.memory_space<vmem>>
        %dma_start3A_650 = arith.constant 0 : i32
        %dma_start3A_651 = tpu.memref_slice %arg4[%add3A_639, %dma_start3A_650] : memref<5120x64xi32, #tpu.memory_space<hbm>> -> memref<1x64xi32, #tpu.memory_space<hbm>>
        %dma_start3A_652 = tpu.memref_squeeze %dma_start3A_651 : memref<1x64xi32, #tpu.memory_space<hbm>> -> memref<64xi32, #tpu.memory_space<hbm>>
        tpu.enqueue_dma source(%dma_start3A_652 : memref<64xi32, #tpu.memory_space<hbm>>) target(%dma_start3A_649 : memref<64xi32, #tpu.memory_space<vmem>>) target_semaphore(%arg15 : memref<!tpu.dma_semaphore, #tpu.memory_space<semaphore_mem>>)
      } else {
      }
      %mul3A_392 = arith.constant 4 : i32
      %mul3A_393 = arith.muli %mul3A_392, %scan3A_224 : i32
      %add3A_394 = arith.constant 2 : i32
      %add3A_395 = arith.addi %mul3A_393, %add3A_394 : i32
      %jit3A_396 = arith.constant 2 : i32
      %div3A_397 = arith.divsi %add3A_395, %jit3A_396 : i32
      %sign3A_398 = arith.constant 0 : i32
      %sign3A_399 = arith.cmpi sgt, %add3A_395, %sign3A_398 : i32
      %sign3A_400 = arith.extui %sign3A_399 : i1 to i32
      %sign3A_401 = arith.constant 0 : i32
      %sign3A_402 = arith.cmpi slt, %add3A_395, %sign3A_401 : i32
      %sign3A_403 = arith.extui %sign3A_402 : i1 to i32
      %sign3A_404 = arith.subi %sign3A_400, %sign3A_403 : i32
      %sign3A_405 = arith.constant 0 : i32
      %sign3A_406 = arith.cmpi sgt, %jit3A_396, %sign3A_405 : i32
      %sign3A_407 = arith.extui %sign3A_406 : i1 to i32
      %sign3A_408 = arith.constant 0 : i32
      %sign3A_409 = arith.cmpi slt, %jit3A_396, %sign3A_408 : i32
      %sign3A_410 = arith.extui %sign3A_409 : i1 to i32
      %sign3A_411 = arith.subi %sign3A_407, %sign3A_410 : i32
      %ne3A_412 = arith.cmpi ne, %sign3A_404, %sign3A_411 : i32
      %rem3A_413 = arith.remsi %add3A_395, %jit3A_396 : i32
      %ne3A_414 = arith.constant 0 : i32
      %ne3A_415 = arith.cmpi ne, %rem3A_413, %ne3A_414 : i32
      %and3A_416 = arith.andi %ne3A_412, %ne3A_415 : i1
      %sub3A_417 = arith.constant 1 : i32
      %sub3A_418 = arith.subi %div3A_397, %sub3A_417 : i32
      %select_n3A_419 = arith.select %and3A_416, %sub3A_418, %div3A_397 : i32
      %jit3A_420 = arith.constant 2 : i32
      %eq3A_421 = arith.constant 0 : i32
      %eq3A_422 = arith.cmpi eq, %jit3A_420, %eq3A_421 : i32
      %jit3A_423 = arith.constant 1 : i32
      %select_n3A_424 = arith.select %eq3A_422, %jit3A_423, %jit3A_420 : i32
      %rem3A_425 = arith.remsi %add3A_395, %select_n3A_424 : i32
      %ne3A_426 = arith.constant 0 : i32
      %ne3A_427 = arith.cmpi ne, %rem3A_425, %ne3A_426 : i32
      %lt3A_428 = arith.constant 0 : i32
      %lt3A_429 = arith.cmpi slt, %rem3A_425, %lt3A_428 : i32
      %lt3A_430 = arith.constant 0 : i32
      %lt3A_431 = arith.cmpi slt, %select_n3A_424, %lt3A_430 : i32
      %ne3A_432 = arith.xori %lt3A_429, %lt3A_431 : i1
      %and3A_433 = arith.andi %ne3A_432, %ne3A_427 : i1
      %add3A_434 = arith.addi %rem3A_425, %select_n3A_424 : i32
      %select_n3A_435 = arith.select %and3A_433, %add3A_434, %rem3A_425 : i32
      %mul3A_436 = arith.constant 64 : i32
      %mul3A_437 = arith.muli %select_n3A_435, %mul3A_436 : i32
      %dma_wait3A_438 = arith.constant 2 : i32
      %dma_wait3A_439 = arith.constant 0 : i32
      %dma_wait3A_440 = arith.constant 0 : i32
      %dma_wait3A_441 = tpu.memref_slice %arg8[%dma_wait3A_438, %dma_wait3A_439, %dma_wait3A_440] : memref<4x64x128xf32, #tpu.memory_space<vmem>> -> memref<1x64x128xf32, #tpu.memory_space<vmem>>
      %dma_wait3A_442 = tpu.memref_squeeze %dma_wait3A_441 : memref<1x64x128xf32, #tpu.memory_space<vmem>> -> memref<64x128xf32, #tpu.memory_space<vmem>>
      %dma_wait3A_443 = tpu.memref_slice %arg6[%select_n3A_419, %mul3A_437] : memref<80x128xi32, #tpu.memory_space<vmem>> -> memref<1x64xi32, #tpu.memory_space<vmem>>
      %dma_wait3A_444 = tpu.memref_squeeze %dma_wait3A_443 : memref<1x64xi32, #tpu.memory_space<vmem>> -> memref<64xi32, #tpu.memory_space<vmem>>
      %dma_wait3A_445 = arith.constant 0 : i32
      %dma_wait3A_446 = arith.constant 0 : i32
      %dma_wait3A_447 = tpu.memref_slice %arg2[%dma_wait3A_445, %dma_wait3A_446] : memref<10240x128xf32, #tpu.memory_space<hbm>> -> memref<10240x128xf32, #tpu.memory_space<hbm>>
      tpu.wait_indirect_dma semaphore(%arg12 : memref<!tpu.dma_semaphore, #tpu.memory_space<semaphore_mem>>) src(%dma_wait3A_447 : memref<10240x128xf32, #tpu.memory_space<hbm>>) dst(%dma_wait3A_442 : memref<64x128xf32, #tpu.memory_space<vmem>>)
      %add3A_448 = arith.addi %mul3A_57, %add3A_395 : i32
      %dma_wait3A_449 = arith.constant 2 : i32
      %dma_wait3A_450 = arith.constant 0 : i32
      %dma_wait3A_451 = tpu.memref_slice %arg7[%dma_wait3A_449, %dma_wait3A_450] : memref<4x64xi32, #tpu.memory_space<vmem>> -> memref<1x64xi32, #tpu.memory_space<vmem>>
      %dma_wait3A_452 = tpu.memref_squeeze %dma_wait3A_451 : memref<1x64xi32, #tpu.memory_space<vmem>> -> memref<64xi32, #tpu.memory_space<vmem>>
      %dma_wait3A_453 = arith.constant 0 : i32
      %dma_wait3A_454 = tpu.memref_slice %arg4[%add3A_448, %dma_wait3A_453] : memref<5120x64xi32, #tpu.memory_space<hbm>> -> memref<1x64xi32, #tpu.memory_space<hbm>>
      %dma_wait3A_455 = tpu.memref_squeeze %dma_wait3A_454 : memref<1x64xi32, #tpu.memory_space<hbm>> -> memref<64xi32, #tpu.memory_space<hbm>>
      %dma_wait3A_456 = arith.constant 0 : i32
      %dma_wait3A_457 = tpu.memref_slice %arg7[%dma_wait3A_449, %dma_wait3A_456] : memref<4x64xi32, #tpu.memory_space<vmem>> -> memref<1x64xi32, #tpu.memory_space<vmem>>
      %dma_wait3A_458 = tpu.memref_squeeze %dma_wait3A_457 : memref<1x64xi32, #tpu.memory_space<vmem>> -> memref<64xi32, #tpu.memory_space<vmem>>
      %dma_wait3A_459 = arith.constant 0 : i32
      %dma_wait3A_460 = tpu.memref_slice %arg4[%add3A_448, %dma_wait3A_459] : memref<5120x64xi32, #tpu.memory_space<hbm>> -> memref<1x64xi32, #tpu.memory_space<hbm>>
      %dma_wait3A_461 = tpu.memref_squeeze %dma_wait3A_460 : memref<1x64xi32, #tpu.memory_space<hbm>> -> memref<64xi32, #tpu.memory_space<hbm>>
      tpu.wait_dma2 semaphore(%arg16 : memref<!tpu.dma_semaphore, #tpu.memory_space<semaphore_mem>>) src(%dma_wait3A_461 : memref<64xi32, #tpu.memory_space<hbm>>) dst(%dma_wait3A_458 : memref<64xi32, #tpu.memory_space<vmem>>)
      %dma_start3A_462 = arith.constant 2 : i32
      %dma_start3A_463 = arith.constant 2 : i32
      %dma_start3A_464 = arith.constant 0 : i32
      %dma_start3A_465 = arith.constant 0 : i32
      %dma_start3A_466 = tpu.memref_slice %arg8[%dma_start3A_462, %dma_start3A_464, %dma_start3A_465] : memref<4x64x128xf32, #tpu.memory_space<vmem>> -> memref<1x64x128xf32, #tpu.memory_space<vmem>>
      %dma_start3A_467 = tpu.memref_squeeze %dma_start3A_466 : memref<1x64x128xf32, #tpu.memory_space<vmem>> -> memref<64x128xf32, #tpu.memory_space<vmem>>
      %dma_start3A_468 = arith.constant 0 : i32
      %dma_start3A_469 = tpu.memref_slice %arg7[%dma_start3A_463, %dma_start3A_468] : memref<4x64xi32, #tpu.memory_space<vmem>> -> memref<1x64xi32, #tpu.memory_space<vmem>>
      %dma_start3A_470 = tpu.memref_squeeze %dma_start3A_469 : memref<1x64xi32, #tpu.memory_space<vmem>> -> memref<64xi32, #tpu.memory_space<vmem>>
      %dma_start3A_471 = arith.constant 0 : i32
      %dma_start3A_472 = arith.constant 0 : i32
      %dma_start3A_473 = tpu.memref_slice %arg9[%dma_start3A_471, %dma_start3A_472] : memref<10240x128xf32, #tpu.memory_space<vmem_shared>> -> memref<10240x128xf32, #tpu.memory_space<vmem_shared>>
      tpu.enqueue_indirect_dma source(%dma_start3A_467 : memref<64x128xf32, #tpu.memory_space<vmem>>) target(%dma_start3A_473 : memref<10240x128xf32, #tpu.memory_space<vmem_shared>>) offsets(%dma_start3A_470 : memref<64xi32, #tpu.memory_space<vmem>>) semaphore(%arg20 : memref<!tpu.dma_semaphore, #tpu.memory_space<semaphore_mem>>) {add = true}
      %add3A_474 = arith.constant 4 : i32
      %add3A_475 = arith.addi %add3A_395, %add3A_474 : i32
      %lt3A_476 = arith.constant 160 : i32
      %lt3A_477 = arith.cmpi slt, %add3A_475, %lt3A_476 : i32
      %convert_element_type3A_478 = arith.extui %lt3A_477 : i1 to i32
      %cond3A_479 = arith.constant 0 : i32
      %cond3A_480 = arith.cmpi ne, %convert_element_type3A_478, %cond3A_479 : i32
      scf.if %cond3A_480 {
        %dma_wait3A_571 = arith.constant 2 : i32
        %dma_wait3A_572 = arith.constant 2 : i32
        %dma_wait3A_573 = arith.constant 0 : i32
        %dma_wait3A_574 = arith.constant 0 : i32
        %dma_wait3A_575 = tpu.memref_slice %arg8[%dma_wait3A_571, %dma_wait3A_573, %dma_wait3A_574] : memref<4x64x128xf32, #tpu.memory_space<vmem>> -> memref<1x64x128xf32, #tpu.memory_space<vmem>>
        %dma_wait3A_576 = tpu.memref_squeeze %dma_wait3A_575 : memref<1x64x128xf32, #tpu.memory_space<vmem>> -> memref<64x128xf32, #tpu.memory_space<vmem>>
        %dma_wait3A_577 = arith.constant 0 : i32
        %dma_wait3A_578 = tpu.memref_slice %arg7[%dma_wait3A_572, %dma_wait3A_577] : memref<4x64xi32, #tpu.memory_space<vmem>> -> memref<1x64xi32, #tpu.memory_space<vmem>>
        %dma_wait3A_579 = tpu.memref_squeeze %dma_wait3A_578 : memref<1x64xi32, #tpu.memory_space<vmem>> -> memref<64xi32, #tpu.memory_space<vmem>>
        %dma_wait3A_580 = arith.constant 0 : i32
        %dma_wait3A_581 = arith.constant 0 : i32
        %dma_wait3A_582 = tpu.memref_slice %arg9[%dma_wait3A_580, %dma_wait3A_581] : memref<10240x128xf32, #tpu.memory_space<vmem_shared>> -> memref<10240x128xf32, #tpu.memory_space<vmem_shared>>
        tpu.wait_indirect_dma semaphore(%arg20 : memref<!tpu.dma_semaphore, #tpu.memory_space<semaphore_mem>>) src(%dma_wait3A_576 : memref<64x128xf32, #tpu.memory_space<vmem>>) dst(%dma_wait3A_582 : memref<10240x128xf32, #tpu.memory_space<vmem_shared>>)
        %add3A_583 = arith.constant 4 : i32
        %add3A_584 = arith.addi %add3A_395, %add3A_583 : i32
        %jit3A_585 = arith.constant 2 : i32
        %div3A_586 = arith.divsi %add3A_584, %jit3A_585 : i32
        %sign3A_587 = arith.constant 0 : i32
        %sign3A_588 = arith.cmpi sgt, %add3A_584, %sign3A_587 : i32
        %sign3A_589 = arith.extui %sign3A_588 : i1 to i32
        %sign3A_590 = arith.constant 0 : i32
        %sign3A_591 = arith.cmpi slt, %add3A_584, %sign3A_590 : i32
        %sign3A_592 = arith.extui %sign3A_591 : i1 to i32
        %sign3A_593 = arith.subi %sign3A_589, %sign3A_592 : i32
        %sign3A_594 = arith.constant 0 : i32
        %sign3A_595 = arith.cmpi sgt, %jit3A_585, %sign3A_594 : i32
        %sign3A_596 = arith.extui %sign3A_595 : i1 to i32
        %sign3A_597 = arith.constant 0 : i32
        %sign3A_598 = arith.cmpi slt, %jit3A_585, %sign3A_597 : i32
        %sign3A_599 = arith.extui %sign3A_598 : i1 to i32
        %sign3A_600 = arith.subi %sign3A_596, %sign3A_599 : i32
        %ne3A_601 = arith.cmpi ne, %sign3A_593, %sign3A_600 : i32
        %rem3A_602 = arith.remsi %add3A_584, %jit3A_585 : i32
        %ne3A_603 = arith.constant 0 : i32
        %ne3A_604 = arith.cmpi ne, %rem3A_602, %ne3A_603 : i32
        %and3A_605 = arith.andi %ne3A_601, %ne3A_604 : i1
        %sub3A_606 = arith.constant 1 : i32
        %sub3A_607 = arith.subi %div3A_586, %sub3A_606 : i32
        %select_n3A_608 = arith.select %and3A_605, %sub3A_607, %div3A_586 : i32
        %jit3A_609 = arith.constant 2 : i32
        %eq3A_610 = arith.constant 0 : i32
        %eq3A_611 = arith.cmpi eq, %jit3A_609, %eq3A_610 : i32
        %jit3A_612 = arith.constant 1 : i32
        %select_n3A_613 = arith.select %eq3A_611, %jit3A_612, %jit3A_609 : i32
        %rem3A_614 = arith.remsi %add3A_584, %select_n3A_613 : i32
        %ne3A_615 = arith.constant 0 : i32
        %ne3A_616 = arith.cmpi ne, %rem3A_614, %ne3A_615 : i32
        %lt3A_617 = arith.constant 0 : i32
        %lt3A_618 = arith.cmpi slt, %rem3A_614, %lt3A_617 : i32
        %lt3A_619 = arith.constant 0 : i32
        %lt3A_620 = arith.cmpi slt, %select_n3A_613, %lt3A_619 : i32
        %ne3A_621 = arith.xori %lt3A_618, %lt3A_620 : i1
        %and3A_622 = arith.andi %ne3A_621, %ne3A_616 : i1
        %add3A_623 = arith.addi %rem3A_614, %select_n3A_613 : i32
        %select_n3A_624 = arith.select %and3A_622, %add3A_623, %rem3A_614 : i32
        %mul3A_625 = arith.constant 64 : i32
        %mul3A_626 = arith.muli %select_n3A_624, %mul3A_625 : i32
        %dma_start3A_627 = arith.constant 2 : i32
        %dma_start3A_628 = arith.constant 0 : i32
        %dma_start3A_629 = arith.constant 0 : i32
        %dma_start3A_630 = tpu.memref_slice %arg8[%dma_start3A_627, %dma_start3A_628, %dma_start3A_629] : memref<4x64x128xf32, #tpu.memory_space<vmem>> -> memref<1x64x128xf32, #tpu.memory_space<vmem>>
        %dma_start3A_631 = tpu.memref_squeeze %dma_start3A_630 : memref<1x64x128xf32, #tpu.memory_space<vmem>> -> memref<64x128xf32, #tpu.memory_space<vmem>>
        %dma_start3A_632 = tpu.memref_slice %arg6[%select_n3A_608, %mul3A_626] : memref<80x128xi32, #tpu.memory_space<vmem>> -> memref<1x64xi32, #tpu.memory_space<vmem>>
        %dma_start3A_633 = tpu.memref_squeeze %dma_start3A_632 : memref<1x64xi32, #tpu.memory_space<vmem>> -> memref<64xi32, #tpu.memory_space<vmem>>
        %dma_start3A_634 = arith.constant 0 : i32
        %dma_start3A_635 = arith.constant 0 : i32
        %dma_start3A_636 = tpu.memref_slice %arg2[%dma_start3A_634, %dma_start3A_635] : memref<10240x128xf32, #tpu.memory_space<hbm>> -> memref<10240x128xf32, #tpu.memory_space<hbm>>
        tpu.enqueue_indirect_dma source(%dma_start3A_636 : memref<10240x128xf32, #tpu.memory_space<hbm>>) target(%dma_start3A_631 : memref<64x128xf32, #tpu.memory_space<vmem>>) offsets(%dma_start3A_633 : memref<64xi32, #tpu.memory_space<vmem>>) semaphore(%arg12 : memref<!tpu.dma_semaphore, #tpu.memory_space<semaphore_mem>>)
        %add3A_637 = arith.addi %mul3A_57, %add3A_395 : i32
        %add3A_638 = arith.constant 4 : i32
        %add3A_639 = arith.addi %add3A_637, %add3A_638 : i32
        %dma_start3A_640 = arith.constant 2 : i32
        %dma_start3A_641 = arith.constant 0 : i32
        %dma_start3A_642 = tpu.memref_slice %arg7[%dma_start3A_640, %dma_start3A_641] : memref<4x64xi32, #tpu.memory_space<vmem>> -> memref<1x64xi32, #tpu.memory_space<vmem>>
        %dma_start3A_643 = tpu.memref_squeeze %dma_start3A_642 : memref<1x64xi32, #tpu.memory_space<vmem>> -> memref<64xi32, #tpu.memory_space<vmem>>
        %dma_start3A_644 = arith.constant 0 : i32
        %dma_start3A_645 = tpu.memref_slice %arg4[%add3A_639, %dma_start3A_644] : memref<5120x64xi32, #tpu.memory_space<hbm>> -> memref<1x64xi32, #tpu.memory_space<hbm>>
        %dma_start3A_646 = tpu.memref_squeeze %dma_start3A_645 : memref<1x64xi32, #tpu.memory_space<hbm>> -> memref<64xi32, #tpu.memory_space<hbm>>
        %dma_start3A_647 = arith.constant 0 : i32
        %dma_start3A_648 = tpu.memref_slice %arg7[%dma_start3A_640, %dma_start3A_647] : memref<4x64xi32, #tpu.memory_space<vmem>> -> memref<1x64xi32, #tpu.memory_space<vmem>>
        %dma_start3A_649 = tpu.memref_squeeze %dma_start3A_648 : memref<1x64xi32, #tpu.memory_space<vmem>> -> memref<64xi32, #tpu.memory_space<vmem>>
        %dma_start3A_650 = arith.constant 0 : i32
        %dma_start3A_651 = tpu.memref_slice %arg4[%add3A_639, %dma_start3A_650] : memref<5120x64xi32, #tpu.memory_space<hbm>> -> memref<1x64xi32, #tpu.memory_space<hbm>>
        %dma_start3A_652 = tpu.memref_squeeze %dma_start3A_651 : memref<1x64xi32, #tpu.memory_space<hbm>> -> memref<64xi32, #tpu.memory_space<hbm>>
        tpu.enqueue_dma source(%dma_start3A_652 : memref<64xi32, #tpu.memory_space<hbm>>) target(%dma_start3A_649 : memref<64xi32, #tpu.memory_space<vmem>>) target_semaphore(%arg16 : memref<!tpu.dma_semaphore, #tpu.memory_space<semaphore_mem>>)
      } else {
      }
      %mul3A_481 = arith.constant 4 : i32
      %mul3A_482 = arith.muli %mul3A_481, %scan3A_224 : i32
      %add3A_483 = arith.constant 3 : i32
      %add3A_484 = arith.addi %mul3A_482, %add3A_483 : i32
      %jit3A_485 = arith.constant 2 : i32
      %div3A_486 = arith.divsi %add3A_484, %jit3A_485 : i32
      %sign3A_487 = arith.constant 0 : i32
      %sign3A_488 = arith.cmpi sgt, %add3A_484, %sign3A_487 : i32
      %sign3A_489 = arith.extui %sign3A_488 : i1 to i32
      %sign3A_490 = arith.constant 0 : i32
      %sign3A_491 = arith.cmpi slt, %add3A_484, %sign3A_490 : i32
      %sign3A_492 = arith.extui %sign3A_491 : i1 to i32
      %sign3A_493 = arith.subi %sign3A_489, %sign3A_492 : i32
      %sign3A_494 = arith.constant 0 : i32
      %sign3A_495 = arith.cmpi sgt, %jit3A_485, %sign3A_494 : i32
      %sign3A_496 = arith.extui %sign3A_495 : i1 to i32
      %sign3A_497 = arith.constant 0 : i32
      %sign3A_498 = arith.cmpi slt, %jit3A_485, %sign3A_497 : i32
      %sign3A_499 = arith.extui %sign3A_498 : i1 to i32
      %sign3A_500 = arith.subi %sign3A_496, %sign3A_499 : i32
      %ne3A_501 = arith.cmpi ne, %sign3A_493, %sign3A_500 : i32
      %rem3A_502 = arith.remsi %add3A_484, %jit3A_485 : i32
      %ne3A_503 = arith.constant 0 : i32
      %ne3A_504 = arith.cmpi ne, %rem3A_502, %ne3A_503 : i32
      %and3A_505 = arith.andi %ne3A_501, %ne3A_504 : i1
      %sub3A_506 = arith.constant 1 : i32
      %sub3A_507 = arith.subi %div3A_486, %sub3A_506 : i32
      %select_n3A_508 = arith.select %and3A_505, %sub3A_507, %div3A_486 : i32
      %jit3A_509 = arith.constant 2 : i32
      %eq3A_510 = arith.constant 0 : i32
      %eq3A_511 = arith.cmpi eq, %jit3A_509, %eq3A_510 : i32
      %jit3A_512 = arith.constant 1 : i32
      %select_n3A_513 = arith.select %eq3A_511, %jit3A_512, %jit3A_509 : i32
      %rem3A_514 = arith.remsi %add3A_484, %select_n3A_513 : i32
      %ne3A_515 = arith.constant 0 : i32
      %ne3A_516 = arith.cmpi ne, %rem3A_514, %ne3A_515 : i32
      %lt3A_517 = arith.constant 0 : i32
      %lt3A_518 = arith.cmpi slt, %rem3A_514, %lt3A_517 : i32
      %lt3A_519 = arith.constant 0 : i32
      %lt3A_520 = arith.cmpi slt, %select_n3A_513, %lt3A_519 : i32
      %ne3A_521 = arith.xori %lt3A_518, %lt3A_520 : i1
      %and3A_522 = arith.andi %ne3A_521, %ne3A_516 : i1
      %add3A_523 = arith.addi %rem3A_514, %select_n3A_513 : i32
      %select_n3A_524 = arith.select %and3A_522, %add3A_523, %rem3A_514 : i32
      %mul3A_525 = arith.constant 64 : i32
      %mul3A_526 = arith.muli %select_n3A_524, %mul3A_525 : i32
      %dma_wait3A_527 = arith.constant 3 : i32
      %dma_wait3A_528 = arith.constant 0 : i32
      %dma_wait3A_529 = arith.constant 0 : i32
      %dma_wait3A_530 = tpu.memref_slice %arg8[%dma_wait3A_527, %dma_wait3A_528, %dma_wait3A_529] : memref<4x64x128xf32, #tpu.memory_space<vmem>> -> memref<1x64x128xf32, #tpu.memory_space<vmem>>
      %dma_wait3A_531 = tpu.memref_squeeze %dma_wait3A_530 : memref<1x64x128xf32, #tpu.memory_space<vmem>> -> memref<64x128xf32, #tpu.memory_space<vmem>>
      %dma_wait3A_532 = tpu.memref_slice %arg6[%select_n3A_508, %mul3A_526] : memref<80x128xi32, #tpu.memory_space<vmem>> -> memref<1x64xi32, #tpu.memory_space<vmem>>
      %dma_wait3A_533 = tpu.memref_squeeze %dma_wait3A_532 : memref<1x64xi32, #tpu.memory_space<vmem>> -> memref<64xi32, #tpu.memory_space<vmem>>
      %dma_wait3A_534 = arith.constant 0 : i32
      %dma_wait3A_535 = arith.constant 0 : i32
      %dma_wait3A_536 = tpu.memref_slice %arg2[%dma_wait3A_534, %dma_wait3A_535] : memref<10240x128xf32, #tpu.memory_space<hbm>> -> memref<10240x128xf32, #tpu.memory_space<hbm>>
      tpu.wait_indirect_dma semaphore(%arg13 : memref<!tpu.dma_semaphore, #tpu.memory_space<semaphore_mem>>) src(%dma_wait3A_536 : memref<10240x128xf32, #tpu.memory_space<hbm>>) dst(%dma_wait3A_531 : memref<64x128xf32, #tpu.memory_space<vmem>>)
      %add3A_537 = arith.addi %mul3A_57, %add3A_484 : i32
      %dma_wait3A_538 = arith.constant 3 : i32
      %dma_wait3A_539 = arith.constant 0 : i32
      %dma_wait3A_540 = tpu.memref_slice %arg7[%dma_wait3A_538, %dma_wait3A_539] : memref<4x64xi32, #tpu.memory_space<vmem>> -> memref<1x64xi32, #tpu.memory_space<vmem>>
      %dma_wait3A_541 = tpu.memref_squeeze %dma_wait3A_540 : memref<1x64xi32, #tpu.memory_space<vmem>> -> memref<64xi32, #tpu.memory_space<vmem>>
      %dma_wait3A_542 = arith.constant 0 : i32
      %dma_wait3A_543 = tpu.memref_slice %arg4[%add3A_537, %dma_wait3A_542] : memref<5120x64xi32, #tpu.memory_space<hbm>> -> memref<1x64xi32, #tpu.memory_space<hbm>>
      %dma_wait3A_544 = tpu.memref_squeeze %dma_wait3A_543 : memref<1x64xi32, #tpu.memory_space<hbm>> -> memref<64xi32, #tpu.memory_space<hbm>>
      %dma_wait3A_545 = arith.constant 0 : i32
      %dma_wait3A_546 = tpu.memref_slice %arg7[%dma_wait3A_538, %dma_wait3A_545] : memref<4x64xi32, #tpu.memory_space<vmem>> -> memref<1x64xi32, #tpu.memory_space<vmem>>
      %dma_wait3A_547 = tpu.memref_squeeze %dma_wait3A_546 : memref<1x64xi32, #tpu.memory_space<vmem>> -> memref<64xi32, #tpu.memory_space<vmem>>
      %dma_wait3A_548 = arith.constant 0 : i32
      %dma_wait3A_549 = tpu.memref_slice %arg4[%add3A_537, %dma_wait3A_548] : memref<5120x64xi32, #tpu.memory_space<hbm>> -> memref<1x64xi32, #tpu.memory_space<hbm>>
      %dma_wait3A_550 = tpu.memref_squeeze %dma_wait3A_549 : memref<1x64xi32, #tpu.memory_space<hbm>> -> memref<64xi32, #tpu.memory_space<hbm>>
      tpu.wait_dma2 semaphore(%arg17 : memref<!tpu.dma_semaphore, #tpu.memory_space<semaphore_mem>>) src(%dma_wait3A_550 : memref<64xi32, #tpu.memory_space<hbm>>) dst(%dma_wait3A_547 : memref<64xi32, #tpu.memory_space<vmem>>)
      %dma_start3A_551 = arith.constant 3 : i32
      %dma_start3A_552 = arith.constant 3 : i32
      %dma_start3A_553 = arith.constant 0 : i32
      %dma_start3A_554 = arith.constant 0 : i32
      %dma_start3A_555 = tpu.memref_slice %arg8[%dma_start3A_551, %dma_start3A_553, %dma_start3A_554] : memref<4x64x128xf32, #tpu.memory_space<vmem>> -> memref<1x64x128xf32, #tpu.memory_space<vmem>>
      %dma_start3A_556 = tpu.memref_squeeze %dma_start3A_555 : memref<1x64x128xf32, #tpu.memory_space<vmem>> -> memref<64x128xf32, #tpu.memory_space<vmem>>
      %dma_start3A_557 = arith.constant 0 : i32
      %dma_start3A_558 = tpu.memref_slice %arg7[%dma_start3A_552, %dma_start3A_557] : memref<4x64xi32, #tpu.memory_space<vmem>> -> memref<1x64xi32, #tpu.memory_space<vmem>>
      %dma_start3A_559 = tpu.memref_squeeze %dma_start3A_558 : memref<1x64xi32, #tpu.memory_space<vmem>> -> memref<64xi32, #tpu.memory_space<vmem>>
      %dma_start3A_560 = arith.constant 0 : i32
      %dma_start3A_561 = arith.constant 0 : i32
      %dma_start3A_562 = tpu.memref_slice %arg9[%dma_start3A_560, %dma_start3A_561] : memref<10240x128xf32, #tpu.memory_space<vmem_shared>> -> memref<10240x128xf32, #tpu.memory_space<vmem_shared>>
      tpu.enqueue_indirect_dma source(%dma_start3A_556 : memref<64x128xf32, #tpu.memory_space<vmem>>) target(%dma_start3A_562 : memref<10240x128xf32, #tpu.memory_space<vmem_shared>>) offsets(%dma_start3A_559 : memref<64xi32, #tpu.memory_space<vmem>>) semaphore(%arg21 : memref<!tpu.dma_semaphore, #tpu.memory_space<semaphore_mem>>) {add = true}
      %add3A_563 = arith.constant 4 : i32
      %add3A_564 = arith.addi %add3A_484, %add3A_563 : i32
      %lt3A_565 = arith.constant 160 : i32
      %lt3A_566 = arith.cmpi slt, %add3A_564, %lt3A_565 : i32
      %convert_element_type3A_567 = arith.extui %lt3A_566 : i1 to i32
      %cond3A_568 = arith.constant 0 : i32
      %cond3A_569 = arith.cmpi ne, %convert_element_type3A_567, %cond3A_568 : i32
      scf.if %cond3A_569 {
        %dma_wait3A_571 = arith.constant 3 : i32
        %dma_wait3A_572 = arith.constant 3 : i32
        %dma_wait3A_573 = arith.constant 0 : i32
        %dma_wait3A_574 = arith.constant 0 : i32
        %dma_wait3A_575 = tpu.memref_slice %arg8[%dma_wait3A_571, %dma_wait3A_573, %dma_wait3A_574] : memref<4x64x128xf32, #tpu.memory_space<vmem>> -> memref<1x64x128xf32, #tpu.memory_space<vmem>>
        %dma_wait3A_576 = tpu.memref_squeeze %dma_wait3A_575 : memref<1x64x128xf32, #tpu.memory_space<vmem>> -> memref<64x128xf32, #tpu.memory_space<vmem>>
        %dma_wait3A_577 = arith.constant 0 : i32
        %dma_wait3A_578 = tpu.memref_slice %arg7[%dma_wait3A_572, %dma_wait3A_577] : memref<4x64xi32, #tpu.memory_space<vmem>> -> memref<1x64xi32, #tpu.memory_space<vmem>>
        %dma_wait3A_579 = tpu.memref_squeeze %dma_wait3A_578 : memref<1x64xi32, #tpu.memory_space<vmem>> -> memref<64xi32, #tpu.memory_space<vmem>>
        %dma_wait3A_580 = arith.constant 0 : i32
        %dma_wait3A_581 = arith.constant 0 : i32
        %dma_wait3A_582 = tpu.memref_slice %arg9[%dma_wait3A_580, %dma_wait3A_581] : memref<10240x128xf32, #tpu.memory_space<vmem_shared>> -> memref<10240x128xf32, #tpu.memory_space<vmem_shared>>
        tpu.wait_indirect_dma semaphore(%arg21 : memref<!tpu.dma_semaphore, #tpu.memory_space<semaphore_mem>>) src(%dma_wait3A_576 : memref<64x128xf32, #tpu.memory_space<vmem>>) dst(%dma_wait3A_582 : memref<10240x128xf32, #tpu.memory_space<vmem_shared>>)
        %add3A_583 = arith.constant 4 : i32
        %add3A_584 = arith.addi %add3A_484, %add3A_583 : i32
        %jit3A_585 = arith.constant 2 : i32
        %div3A_586 = arith.divsi %add3A_584, %jit3A_585 : i32
        %sign3A_587 = arith.constant 0 : i32
        %sign3A_588 = arith.cmpi sgt, %add3A_584, %sign3A_587 : i32
        %sign3A_589 = arith.extui %sign3A_588 : i1 to i32
        %sign3A_590 = arith.constant 0 : i32
        %sign3A_591 = arith.cmpi slt, %add3A_584, %sign3A_590 : i32
        %sign3A_592 = arith.extui %sign3A_591 : i1 to i32
        %sign3A_593 = arith.subi %sign3A_589, %sign3A_592 : i32
        %sign3A_594 = arith.constant 0 : i32
        %sign3A_595 = arith.cmpi sgt, %jit3A_585, %sign3A_594 : i32
        %sign3A_596 = arith.extui %sign3A_595 : i1 to i32
        %sign3A_597 = arith.constant 0 : i32
        %sign3A_598 = arith.cmpi slt, %jit3A_585, %sign3A_597 : i32
        %sign3A_599 = arith.extui %sign3A_598 : i1 to i32
        %sign3A_600 = arith.subi %sign3A_596, %sign3A_599 : i32
        %ne3A_601 = arith.cmpi ne, %sign3A_593, %sign3A_600 : i32
        %rem3A_602 = arith.remsi %add3A_584, %jit3A_585 : i32
        %ne3A_603 = arith.constant 0 : i32
        %ne3A_604 = arith.cmpi ne, %rem3A_602, %ne3A_603 : i32
        %and3A_605 = arith.andi %ne3A_601, %ne3A_604 : i1
        %sub3A_606 = arith.constant 1 : i32
        %sub3A_607 = arith.subi %div3A_586, %sub3A_606 : i32
        %select_n3A_608 = arith.select %and3A_605, %sub3A_607, %div3A_586 : i32
        %jit3A_609 = arith.constant 2 : i32
        %eq3A_610 = arith.constant 0 : i32
        %eq3A_611 = arith.cmpi eq, %jit3A_609, %eq3A_610 : i32
        %jit3A_612 = arith.constant 1 : i32
        %select_n3A_613 = arith.select %eq3A_611, %jit3A_612, %jit3A_609 : i32
        %rem3A_614 = arith.remsi %add3A_584, %select_n3A_613 : i32
        %ne3A_615 = arith.constant 0 : i32
        %ne3A_616 = arith.cmpi ne, %rem3A_614, %ne3A_615 : i32
        %lt3A_617 = arith.constant 0 : i32
        %lt3A_618 = arith.cmpi slt, %rem3A_614, %lt3A_617 : i32
        %lt3A_619 = arith.constant 0 : i32
        %lt3A_620 = arith.cmpi slt, %select_n3A_613, %lt3A_619 : i32
        %ne3A_621 = arith.xori %lt3A_618, %lt3A_620 : i1
        %and3A_622 = arith.andi %ne3A_621, %ne3A_616 : i1
        %add3A_623 = arith.addi %rem3A_614, %select_n3A_613 : i32
        %select_n3A_624 = arith.select %and3A_622, %add3A_623, %rem3A_614 : i32
        %mul3A_625 = arith.constant 64 : i32
        %mul3A_626 = arith.muli %select_n3A_624, %mul3A_625 : i32
        %dma_start3A_627 = arith.constant 3 : i32
        %dma_start3A_628 = arith.constant 0 : i32
        %dma_start3A_629 = arith.constant 0 : i32
        %dma_start3A_630 = tpu.memref_slice %arg8[%dma_start3A_627, %dma_start3A_628, %dma_start3A_629] : memref<4x64x128xf32, #tpu.memory_space<vmem>> -> memref<1x64x128xf32, #tpu.memory_space<vmem>>
        %dma_start3A_631 = tpu.memref_squeeze %dma_start3A_630 : memref<1x64x128xf32, #tpu.memory_space<vmem>> -> memref<64x128xf32, #tpu.memory_space<vmem>>
        %dma_start3A_632 = tpu.memref_slice %arg6[%select_n3A_608, %mul3A_626] : memref<80x128xi32, #tpu.memory_space<vmem>> -> memref<1x64xi32, #tpu.memory_space<vmem>>
        %dma_start3A_633 = tpu.memref_squeeze %dma_start3A_632 : memref<1x64xi32, #tpu.memory_space<vmem>> -> memref<64xi32, #tpu.memory_space<vmem>>
        %dma_start3A_634 = arith.constant 0 : i32
        %dma_start3A_635 = arith.constant 0 : i32
        %dma_start3A_636 = tpu.memref_slice %arg2[%dma_start3A_634, %dma_start3A_635] : memref<10240x128xf32, #tpu.memory_space<hbm>> -> memref<10240x128xf32, #tpu.memory_space<hbm>>
        tpu.enqueue_indirect_dma source(%dma_start3A_636 : memref<10240x128xf32, #tpu.memory_space<hbm>>) target(%dma_start3A_631 : memref<64x128xf32, #tpu.memory_space<vmem>>) offsets(%dma_start3A_633 : memref<64xi32, #tpu.memory_space<vmem>>) semaphore(%arg13 : memref<!tpu.dma_semaphore, #tpu.memory_space<semaphore_mem>>)
        %add3A_637 = arith.addi %mul3A_57, %add3A_484 : i32
        %add3A_638 = arith.constant 4 : i32
        %add3A_639 = arith.addi %add3A_637, %add3A_638 : i32
        %dma_start3A_640 = arith.constant 3 : i32
        %dma_start3A_641 = arith.constant 0 : i32
        %dma_start3A_642 = tpu.memref_slice %arg7[%dma_start3A_640, %dma_start3A_641] : memref<4x64xi32, #tpu.memory_space<vmem>> -> memref<1x64xi32, #tpu.memory_space<vmem>>
        %dma_start3A_643 = tpu.memref_squeeze %dma_start3A_642 : memref<1x64xi32, #tpu.memory_space<vmem>> -> memref<64xi32, #tpu.memory_space<vmem>>
        %dma_start3A_644 = arith.constant 0 : i32
        %dma_start3A_645 = tpu.memref_slice %arg4[%add3A_639, %dma_start3A_644] : memref<5120x64xi32, #tpu.memory_space<hbm>> -> memref<1x64xi32, #tpu.memory_space<hbm>>
        %dma_start3A_646 = tpu.memref_squeeze %dma_start3A_645 : memref<1x64xi32, #tpu.memory_space<hbm>> -> memref<64xi32, #tpu.memory_space<hbm>>
        %dma_start3A_647 = arith.constant 0 : i32
        %dma_start3A_648 = tpu.memref_slice %arg7[%dma_start3A_640, %dma_start3A_647] : memref<4x64xi32, #tpu.memory_space<vmem>> -> memref<1x64xi32, #tpu.memory_space<vmem>>
        %dma_start3A_649 = tpu.memref_squeeze %dma_start3A_648 : memref<1x64xi32, #tpu.memory_space<vmem>> -> memref<64xi32, #tpu.memory_space<vmem>>
        %dma_start3A_650 = arith.constant 0 : i32
        %dma_start3A_651 = tpu.memref_slice %arg4[%add3A_639, %dma_start3A_650] : memref<5120x64xi32, #tpu.memory_space<hbm>> -> memref<1x64xi32, #tpu.memory_space<hbm>>
        %dma_start3A_652 = tpu.memref_squeeze %dma_start3A_651 : memref<1x64xi32, #tpu.memory_space<hbm>> -> memref<64xi32, #tpu.memory_space<hbm>>
        tpu.enqueue_dma source(%dma_start3A_652 : memref<64xi32, #tpu.memory_space<hbm>>) target(%dma_start3A_649 : memref<64xi32, #tpu.memory_space<vmem>>) target_semaphore(%arg17 : memref<!tpu.dma_semaphore, #tpu.memory_space<semaphore_mem>>)
      } else {
      }
      %scan3A_570 = arith.constant 0 : i32
      scf.yield %scan3A_570 : i32
    }
    %scan3A_171 = arith.constant 40 : i32
    %dma_wait3A = arith.constant 0 : i32
    %dma_wait3A_172 = arith.constant 0 : i32
    %dma_wait3A_173 = arith.constant 0 : i32
    %dma_wait3A_174 = arith.constant 0 : i32
    %dma_wait3A_175 = tpu.memref_slice %arg8[%dma_wait3A, %dma_wait3A_173, %dma_wait3A_174] : memref<4x64x128xf32, #tpu.memory_space<vmem>> -> memref<1x64x128xf32, #tpu.memory_space<vmem>>
    %dma_wait3A_176 = tpu.memref_squeeze %dma_wait3A_175 : memref<1x64x128xf32, #tpu.memory_space<vmem>> -> memref<64x128xf32, #tpu.memory_space<vmem>>
    %dma_wait3A_177 = arith.constant 0 : i32
    %dma_wait3A_178 = tpu.memref_slice %arg7[%dma_wait3A_172, %dma_wait3A_177] : memref<4x64xi32, #tpu.memory_space<vmem>> -> memref<1x64xi32, #tpu.memory_space<vmem>>
    %dma_wait3A_179 = tpu.memref_squeeze %dma_wait3A_178 : memref<1x64xi32, #tpu.memory_space<vmem>> -> memref<64xi32, #tpu.memory_space<vmem>>
    %dma_wait3A_180 = arith.constant 0 : i32
    %dma_wait3A_181 = arith.constant 0 : i32
    %dma_wait3A_182 = tpu.memref_slice %arg9[%dma_wait3A_180, %dma_wait3A_181] : memref<10240x128xf32, #tpu.memory_space<vmem_shared>> -> memref<10240x128xf32, #tpu.memory_space<vmem_shared>>
    tpu.wait_indirect_dma semaphore(%arg18 : memref<!tpu.dma_semaphore, #tpu.memory_space<semaphore_mem>>) src(%dma_wait3A_176 : memref<64x128xf32, #tpu.memory_space<vmem>>) dst(%dma_wait3A_182 : memref<10240x128xf32, #tpu.memory_space<vmem_shared>>)
    %dma_wait3A_183 = arith.constant 1 : i32
    %dma_wait3A_184 = arith.constant 1 : i32
    %dma_wait3A_185 = arith.constant 0 : i32
    %dma_wait3A_186 = arith.constant 0 : i32
    %dma_wait3A_187 = tpu.memref_slice %arg8[%dma_wait3A_183, %dma_wait3A_185, %dma_wait3A_186] : memref<4x64x128xf32, #tpu.memory_space<vmem>> -> memref<1x64x128xf32, #tpu.memory_space<vmem>>
    %dma_wait3A_188 = tpu.memref_squeeze %dma_wait3A_187 : memref<1x64x128xf32, #tpu.memory_space<vmem>> -> memref<64x128xf32, #tpu.memory_space<vmem>>
    %dma_wait3A_189 = arith.constant 0 : i32
    %dma_wait3A_190 = tpu.memref_slice %arg7[%dma_wait3A_184, %dma_wait3A_189] : memref<4x64xi32, #tpu.memory_space<vmem>> -> memref<1x64xi32, #tpu.memory_space<vmem>>
    %dma_wait3A_191 = tpu.memref_squeeze %dma_wait3A_190 : memref<1x64xi32, #tpu.memory_space<vmem>> -> memref<64xi32, #tpu.memory_space<vmem>>
    %dma_wait3A_192 = arith.constant 0 : i32
    %dma_wait3A_193 = arith.constant 0 : i32
    %dma_wait3A_194 = tpu.memref_slice %arg9[%dma_wait3A_192, %dma_wait3A_193] : memref<10240x128xf32, #tpu.memory_space<vmem_shared>> -> memref<10240x128xf32, #tpu.memory_space<vmem_shared>>
    tpu.wait_indirect_dma semaphore(%arg19 : memref<!tpu.dma_semaphore, #tpu.memory_space<semaphore_mem>>) src(%dma_wait3A_188 : memref<64x128xf32, #tpu.memory_space<vmem>>) dst(%dma_wait3A_194 : memref<10240x128xf32, #tpu.memory_space<vmem_shared>>)
    %dma_wait3A_195 = arith.constant 2 : i32
    %dma_wait3A_196 = arith.constant 2 : i32
    %dma_wait3A_197 = arith.constant 0 : i32
    %dma_wait3A_198 = arith.constant 0 : i32
    %dma_wait3A_199 = tpu.memref_slice %arg8[%dma_wait3A_195, %dma_wait3A_197, %dma_wait3A_198] : memref<4x64x128xf32, #tpu.memory_space<vmem>> -> memref<1x64x128xf32, #tpu.memory_space<vmem>>
    %dma_wait3A_200 = tpu.memref_squeeze %dma_wait3A_199 : memref<1x64x128xf32, #tpu.memory_space<vmem>> -> memref<64x128xf32, #tpu.memory_space<vmem>>
    %dma_wait3A_201 = arith.constant 0 : i32
    %dma_wait3A_202 = tpu.memref_slice %arg7[%dma_wait3A_196, %dma_wait3A_201] : memref<4x64xi32, #tpu.memory_space<vmem>> -> memref<1x64xi32, #tpu.memory_space<vmem>>
    %dma_wait3A_203 = tpu.memref_squeeze %dma_wait3A_202 : memref<1x64xi32, #tpu.memory_space<vmem>> -> memref<64xi32, #tpu.memory_space<vmem>>
    %dma_wait3A_204 = arith.constant 0 : i32
    %dma_wait3A_205 = arith.constant 0 : i32
    %dma_wait3A_206 = tpu.memref_slice %arg9[%dma_wait3A_204, %dma_wait3A_205] : memref<10240x128xf32, #tpu.memory_space<vmem_shared>> -> memref<10240x128xf32, #tpu.memory_space<vmem_shared>>
    tpu.wait_indirect_dma semaphore(%arg20 : memref<!tpu.dma_semaphore, #tpu.memory_space<semaphore_mem>>) src(%dma_wait3A_200 : memref<64x128xf32, #tpu.memory_space<vmem>>) dst(%dma_wait3A_206 : memref<10240x128xf32, #tpu.memory_space<vmem_shared>>)
    %dma_wait3A_207 = arith.constant 3 : i32
    %dma_wait3A_208 = arith.constant 3 : i32
    %dma_wait3A_209 = arith.constant 0 : i32
    %dma_wait3A_210 = arith.constant 0 : i32
    %dma_wait3A_211 = tpu.memref_slice %arg8[%dma_wait3A_207, %dma_wait3A_209, %dma_wait3A_210] : memref<4x64x128xf32, #tpu.memory_space<vmem>> -> memref<1x64x128xf32, #tpu.memory_space<vmem>>
    %dma_wait3A_212 = tpu.memref_squeeze %dma_wait3A_211 : memref<1x64x128xf32, #tpu.memory_space<vmem>> -> memref<64x128xf32, #tpu.memory_space<vmem>>
    %dma_wait3A_213 = arith.constant 0 : i32
    %dma_wait3A_214 = tpu.memref_slice %arg7[%dma_wait3A_208, %dma_wait3A_213] : memref<4x64xi32, #tpu.memory_space<vmem>> -> memref<1x64xi32, #tpu.memory_space<vmem>>
    %dma_wait3A_215 = tpu.memref_squeeze %dma_wait3A_214 : memref<1x64xi32, #tpu.memory_space<vmem>> -> memref<64xi32, #tpu.memory_space<vmem>>
    %dma_wait3A_216 = arith.constant 0 : i32
    %dma_wait3A_217 = arith.constant 0 : i32
    %dma_wait3A_218 = tpu.memref_slice %arg9[%dma_wait3A_216, %dma_wait3A_217] : memref<10240x128xf32, #tpu.memory_space<vmem_shared>> -> memref<10240x128xf32, #tpu.memory_space<vmem_shared>>
    tpu.wait_indirect_dma semaphore(%arg21 : memref<!tpu.dma_semaphore, #tpu.memory_space<semaphore_mem>>) src(%dma_wait3A_212 : memref<64x128xf32, #tpu.memory_space<vmem>>) dst(%dma_wait3A_218 : memref<10240x128xf32, #tpu.memory_space<vmem_shared>>)
    %barrier3A_219 = arith.constant 0 : index
    tpu.barrier barrier_id(%barrier3A_219)
    %mul3A_220 = arith.constant 640 : i32
    %mul3A_221 = arith.muli %arg1, %mul3A_220 : i32
    %mul3A_222 = arith.constant 640 : i32
    %mul3A_223 = arith.muli %arg1, %mul3A_222 : i32
    "tpu.region"() ({
      %run_scoped3A_224 = tpu.sem_alloc : memref<!tpu.dma_semaphore, #tpu.memory_space<semaphore_mem>>
      %dma_start3A_225 = arith.constant 0 : i32
      %dma_start3A_226 = arith.constant 0 : i32
      %dma_start3A_227 = tpu.memref_slice %arg5[%arg0, %dma_start3A_225, %dma_start3A_226] : memref<2x10240x128xf32, #tpu.memory_space<hbm>> -> memref<1x10240x128xf32, #tpu.memory_space<hbm>>
      %dma_start3A_228 = tpu.memref_squeeze %dma_start3A_227 : memref<1x10240x128xf32, #tpu.memory_space<hbm>> -> memref<10240x128xf32, #tpu.memory_space<hbm>>
      %dma_start3A_229 = arith.constant 0 : i32
      %dma_start3A_230 = tpu.memref_slice %dma_start3A_228[%mul3A_223, %dma_start3A_229] : memref<10240x128xf32, #tpu.memory_space<hbm>> -> memref<640x128xf32, #tpu.memory_space<hbm>>
      %dma_start3A_231 = arith.constant 0 : i32
      %dma_start3A_232 = tpu.memref_slice %arg9[%mul3A_221, %dma_start3A_231] : memref<10240x128xf32, #tpu.memory_space<vmem_shared>> -> memref<640x128xf32, #tpu.memory_space<vmem_shared>>
      tpu.enqueue_dma source(%dma_start3A_232 : memref<640x128xf32, #tpu.memory_space<vmem_shared>>) target(%dma_start3A_230 : memref<640x128xf32, #tpu.memory_space<hbm>>) target_semaphore(%run_scoped3A_224 : memref<!tpu.dma_semaphore, #tpu.memory_space<semaphore_mem>>)
      %dma_wait3A_233 = arith.constant 0 : i32
      %dma_wait3A_234 = arith.constant 0 : i32
      %dma_wait3A_235 = tpu.memref_slice %arg5[%arg0, %dma_wait3A_233, %dma_wait3A_234] : memref<2x10240x128xf32, #tpu.memory_space<hbm>> -> memref<1x10240x128xf32, #tpu.memory_space<hbm>>
      %dma_wait3A_236 = tpu.memref_squeeze %dma_wait3A_235 : memref<1x10240x128xf32, #tpu.memory_space<hbm>> -> memref<10240x128xf32, #tpu.memory_space<hbm>>
      %dma_wait3A_237 = arith.constant 0 : i32
      %dma_wait3A_238 = tpu.memref_slice %dma_wait3A_236[%mul3A_223, %dma_wait3A_237] : memref<10240x128xf32, #tpu.memory_space<hbm>> -> memref<640x128xf32, #tpu.memory_space<hbm>>
      %dma_wait3A_239 = arith.constant 0 : i32
      %dma_wait3A_240 = tpu.memref_slice %arg9[%mul3A_221, %dma_wait3A_239] : memref<10240x128xf32, #tpu.memory_space<vmem_shared>> -> memref<640x128xf32, #tpu.memory_space<vmem_shared>>
      tpu.wait_dma2 semaphore(%run_scoped3A_224 : memref<!tpu.dma_semaphore, #tpu.memory_space<semaphore_mem>>) src(%dma_wait3A_240 : memref<640x128xf32, #tpu.memory_space<vmem_shared>>) dst(%dma_wait3A_238 : memref<640x128xf32, #tpu.memory_space<hbm>>)
      tpu.yield
    }) : () -> ()
    return
  }
}

#map = affine_map<(d0, d1) -> (0, 0)>
#map1 = affine_map<(d0, d1) -> (0, 0, 0)>
module attributes {stable_mosaic.version = 14 : i64} {
  func.func @agg_kernel(%arg0: i32, %arg1: i32, %arg2: memref<10240x128xf32, #tpu.memory_space<hbm>>, %arg3: memref<32x80x128xi32, #tpu.memory_space<hbm>>, %arg4: memref<5120x64xi32, #tpu.memory_space<hbm>>, %arg5: memref<2x10240x128xf32, #tpu.memory_space<hbm>>, %arg6: memref<80x128xi32, #tpu.memory_space<vmem>>, %arg7: memref<4x64xi32, #tpu.memory_space<vmem>>, %arg8: memref<4x64x128xf32, #tpu.memory_space<vmem>>, %arg9: memref<10240x128xf32, #tpu.memory_space<vmem_shared>>, %arg10: memref<!tpu.dma_semaphore, #tpu.memory_space<semaphore_mem>>, %arg11: memref<!tpu.dma_semaphore, #tpu.memory_space<semaphore_mem>>, %arg12: memref<!tpu.dma_semaphore, #tpu.memory_space<semaphore_mem>>, %arg13: memref<!tpu.dma_semaphore, #tpu.memory_space<semaphore_mem>>, %arg14: memref<!tpu.dma_semaphore, #tpu.memory_space<semaphore_mem>>, %arg15: memref<!tpu.dma_semaphore, #tpu.memory_space<semaphore_mem>>, %arg16: memref<!tpu.dma_semaphore, #tpu.memory_space<semaphore_mem>>, %arg17: memref<!tpu.dma_semaphore, #tpu.memory_space<semaphore_mem>>, %arg18: memref<!tpu.dma_semaphore, #tpu.memory_space<semaphore_mem>>, %arg19: memref<!tpu.dma_semaphore, #tpu.memory_space<semaphore_mem>>, %arg20: memref<!tpu.dma_semaphore, #tpu.memory_space<semaphore_mem>>, %arg21: memref<!tpu.dma_semaphore, #tpu.memory_space<semaphore_mem>>) attributes {dimension_semantics = [#tpu.dimension_semantics<core_parallel>, #tpu.dimension_semantics<subcore_parallel>], iteration_bounds = array<i64: 2, 16>, scalar_prefetch = 0 : i64, scratch_operands = 16 : i64, tpu.core_type = #tpu.core_type<sc_vector_subcore>, window_params = [{transform_indices = #map}, {transform_indices = #map1}, {transform_indices = #map}, {transform_indices = #map1}]} {
    %mul3A = arith.constant 16 : i32
    %mul3A_0 = arith.muli %arg0, %mul3A : i32
    %add3A = arith.addi %mul3A_0, %arg1 : i32
    %scan3A = arith.constant 0 : i32
    %scan3A_1 = arith.constant 0 : i32
    %scan3A_2 = arith.constant 64 : i32
    %scan3A_3 = arith.addi %scan3A_1, %scan3A_2 : i32
    %scan3A_4 = arith.constant 1 : i32
    %scan3A_5 = scf.for %scan3A_224 = %scan3A_1 to %scan3A_3 step %scan3A_4 iter_args(%scan3A_225 = %scan3A) -> (i32)  : i32 {
      %broadcast_in_dim3A = arith.constant 0.000000e+00 : f32
      %broadcast_in_dim3A_226 = vector.broadcast %broadcast_in_dim3A : f32 to vector<16xf32>
      %swap3A = arith.constant 0 : i32
      %swap3A_227 = arith.index_cast %swap3A : i32 to index
      %swap3A_228 = arith.index_cast %scan3A_224 : i32 to index
      %swap3A_229 = arith.constant 0 : index
      %swap3A_230 = tpu.vector_load %arg8[%swap3A_227, %swap3A_228, %swap3A_229] {strides = array<i32>} : memref<4x64x128xf32, #tpu.memory_space<vmem>>, vector<1x1x16xf32>,
      %swap3A_231 = vector.shape_cast %swap3A_230 : vector<1x1x16xf32> to vector<16xf32>
      %swap3A_232 = vector.shape_cast %broadcast_in_dim3A_226 : vector<16xf32> to vector<1x1x16xf32>
      tpu.vector_store %arg8[%swap3A_227, %swap3A_228, %swap3A_229], %swap3A_232 {strides = array<i32>} : memref<4x64x128xf32, #tpu.memory_space<vmem>>, vector<1x1x16xf32>,
      %broadcast_in_dim3A_233 = arith.constant 0.000000e+00 : f32
      %broadcast_in_dim3A_234 = vector.broadcast %broadcast_in_dim3A_233 : f32 to vector<16xf32>
      %swap3A_235 = arith.constant 0 : i32
      %swap3A_236 = arith.index_cast %swap3A_235 : i32 to index
      %swap3A_237 = arith.index_cast %scan3A_224 : i32 to index
      %swap3A_238 = arith.constant 16 : index
      %swap3A_239 = tpu.vector_load %arg8[%swap3A_236, %swap3A_237, %swap3A_238] {strides = array<i32>} : memref<4x64x128xf32, #tpu.memory_space<vmem>>, vector<1x1x16xf32>,
      %swap3A_240 = vector.shape_cast %swap3A_239 : vector<1x1x16xf32> to vector<16xf32>
      %swap3A_241 = vector.shape_cast %broadcast_in_dim3A_234 : vector<16xf32> to vector<1x1x16xf32>
      tpu.vector_store %arg8[%swap3A_236, %swap3A_237, %swap3A_238], %swap3A_241 {strides = array<i32>} : memref<4x64x128xf32, #tpu.memory_space<vmem>>, vector<1x1x16xf32>,
      %broadcast_in_dim3A_242 = arith.constant 0.000000e+00 : f32
      %broadcast_in_dim3A_243 = vector.broadcast %broadcast_in_dim3A_242 : f32 to vector<16xf32>
      %swap3A_244 = arith.constant 0 : i32
      %swap3A_245 = arith.index_cast %swap3A_244 : i32 to index
      %swap3A_246 = arith.index_cast %scan3A_224 : i32 to index
      %swap3A_247 = arith.constant 32 : index
      %swap3A_248 = tpu.vector_load %arg8[%swap3A_245, %swap3A_246, %swap3A_247] {strides = array<i32>} : memref<4x64x128xf32, #tpu.memory_space<vmem>>, vector<1x1x16xf32>,
      %swap3A_249 = vector.shape_cast %swap3A_248 : vector<1x1x16xf32> to vector<16xf32>
      %swap3A_250 = vector.shape_cast %broadcast_in_dim3A_243 : vector<16xf32> to vector<1x1x16xf32>
      tpu.vector_store %arg8[%swap3A_245, %swap3A_246, %swap3A_247], %swap3A_250 {strides = array<i32>} : memref<4x64x128xf32, #tpu.memory_space<vmem>>, vector<1x1x16xf32>,
      %broadcast_in_dim3A_251 = arith.constant 0.000000e+00 : f32
      %broadcast_in_dim3A_252 = vector.broadcast %broadcast_in_dim3A_251 : f32 to vector<16xf32>
      %swap3A_253 = arith.constant 0 : i32
      %swap3A_254 = arith.index_cast %swap3A_253 : i32 to index
      %swap3A_255 = arith.index_cast %scan3A_224 : i32 to index
      %swap3A_256 = arith.constant 48 : index
      %swap3A_257 = tpu.vector_load %arg8[%swap3A_254, %swap3A_255, %swap3A_256] {strides = array<i32>} : memref<4x64x128xf32, #tpu.memory_space<vmem>>, vector<1x1x16xf32>,
      %swap3A_258 = vector.shape_cast %swap3A_257 : vector<1x1x16xf32> to vector<16xf32>
      %swap3A_259 = vector.shape_cast %broadcast_in_dim3A_252 : vector<16xf32> to vector<1x1x16xf32>
      tpu.vector_store %arg8[%swap3A_254, %swap3A_255, %swap3A_256], %swap3A_259 {strides = array<i32>} : memref<4x64x128xf32, #tpu.memory_space<vmem>>, vector<1x1x16xf32>,
      %broadcast_in_dim3A_260 = arith.constant 0.000000e+00 : f32
      %broadcast_in_dim3A_261 = vector.broadcast %broadcast_in_dim3A_260 : f32 to vector<16xf32>
      %swap3A_262 = arith.constant 0 : i32
      %swap3A_263 = arith.index_cast %swap3A_262 : i32 to index
      %swap3A_264 = arith.index_cast %scan3A_224 : i32 to index
      %swap3A_265 = arith.constant 64 : index
      %swap3A_266 = tpu.vector_load %arg8[%swap3A_263, %swap3A_264, %swap3A_265] {strides = array<i32>} : memref<4x64x128xf32, #tpu.memory_space<vmem>>, vector<1x1x16xf32>,
      %swap3A_267 = vector.shape_cast %swap3A_266 : vector<1x1x16xf32> to vector<16xf32>
      %swap3A_268 = vector.shape_cast %broadcast_in_dim3A_261 : vector<16xf32> to vector<1x1x16xf32>
      tpu.vector_store %arg8[%swap3A_263, %swap3A_264, %swap3A_265], %swap3A_268 {strides = array<i32>} : memref<4x64x128xf32, #tpu.memory_space<vmem>>, vector<1x1x16xf32>,
      %broadcast_in_dim3A_269 = arith.constant 0.000000e+00 : f32
      %broadcast_in_dim3A_270 = vector.broadcast %broadcast_in_dim3A_269 : f32 to vector<16xf32>
      %swap3A_271 = arith.constant 0 : i32
      %swap3A_272 = arith.index_cast %swap3A_271 : i32 to index
      %swap3A_273 = arith.index_cast %scan3A_224 : i32 to index
      %swap3A_274 = arith.constant 80 : index
      %swap3A_275 = tpu.vector_load %arg8[%swap3A_272, %swap3A_273, %swap3A_274] {strides = array<i32>} : memref<4x64x128xf32, #tpu.memory_space<vmem>>, vector<1x1x16xf32>,
      %swap3A_276 = vector.shape_cast %swap3A_275 : vector<1x1x16xf32> to vector<16xf32>
      %swap3A_277 = vector.shape_cast %broadcast_in_dim3A_270 : vector<16xf32> to vector<1x1x16xf32>
      tpu.vector_store %arg8[%swap3A_272, %swap3A_273, %swap3A_274], %swap3A_277 {strides = array<i32>} : memref<4x64x128xf32, #tpu.memory_space<vmem>>, vector<1x1x16xf32>,
      %broadcast_in_dim3A_278 = arith.constant 0.000000e+00 : f32
      %broadcast_in_dim3A_279 = vector.broadcast %broadcast_in_dim3A_278 : f32 to vector<16xf32>
      %swap3A_280 = arith.constant 0 : i32
      %swap3A_281 = arith.index_cast %swap3A_280 : i32 to index
      %swap3A_282 = arith.index_cast %scan3A_224 : i32 to index
      %swap3A_283 = arith.constant 96 : index
      %swap3A_284 = tpu.vector_load %arg8[%swap3A_281, %swap3A_282, %swap3A_283] {strides = array<i32>} : memref<4x64x128xf32, #tpu.memory_space<vmem>>, vector<1x1x16xf32>,
      %swap3A_285 = vector.shape_cast %swap3A_284 : vector<1x1x16xf32> to vector<16xf32>
      %swap3A_286 = vector.shape_cast %broadcast_in_dim3A_279 : vector<16xf32> to vector<1x1x16xf32>
      tpu.vector_store %arg8[%swap3A_281, %swap3A_282, %swap3A_283], %swap3A_286 {strides = array<i32>} : memref<4x64x128xf32, #tpu.memory_space<vmem>>, vector<1x1x16xf32>,
      %broadcast_in_dim3A_287 = arith.constant 0.000000e+00 : f32
      %broadcast_in_dim3A_288 = vector.broadcast %broadcast_in_dim3A_287 : f32 to vector<16xf32>
      %swap3A_289 = arith.constant 0 : i32
      %swap3A_290 = arith.index_cast %swap3A_289 : i32 to index
      %swap3A_291 = arith.index_cast %scan3A_224 : i32 to index
      %swap3A_292 = arith.constant 112 : index
      %swap3A_293 = tpu.vector_load %arg8[%swap3A_290, %swap3A_291, %swap3A_292] {strides = array<i32>} : memref<4x64x128xf32, #tpu.memory_space<vmem>>, vector<1x1x16xf32>,
      %swap3A_294 = vector.shape_cast %swap3A_293 : vector<1x1x16xf32> to vector<16xf32>
      %swap3A_295 = vector.shape_cast %broadcast_in_dim3A_288 : vector<16xf32> to vector<1x1x16xf32>
      tpu.vector_store %arg8[%swap3A_290, %swap3A_291, %swap3A_292], %swap3A_295 {strides = array<i32>} : memref<4x64x128xf32, #tpu.memory_space<vmem>>, vector<1x1x16xf32>,
      %scan3A_296 = arith.constant 0 : i32
      scf.yield %scan3A_296 : i32
    }
    %scan3A_6 = arith.constant 64 : i32
    %mul3A_7 = arith.constant 640 : i32
    %mul3A_8 = arith.muli %arg1, %mul3A_7 : i32
    %add3A_9 = arith.constant 0 : i32
    %add3A_10 = arith.addi %mul3A_8, %add3A_9 : i32
    %run_scoped3A = arith.constant 0 : i32
    "tpu.region"() ({
      %run_scoped3A_224 = tpu.sem_alloc : memref<!tpu.dma_semaphore, #tpu.memory_space<semaphore_mem>>
      %dma_start3A_225 = arith.constant 0 : i32
      %dma_start3A_226 = arith.constant 0 : i32
      %dma_start3A_227 = tpu.memref_slice %arg8[%run_scoped3A, %dma_start3A_225, %dma_start3A_226] : memref<4x64x128xf32, #tpu.memory_space<vmem>> -> memref<1x64x128xf32, #tpu.memory_space<vmem>>
      %dma_start3A_228 = tpu.memref_squeeze %dma_start3A_227 : memref<1x64x128xf32, #tpu.memory_space<vmem>> -> memref<64x128xf32, #tpu.memory_space<vmem>>
      %dma_start3A_229 = arith.constant 0 : i32
      %dma_start3A_230 = tpu.memref_slice %arg9[%add3A_10, %dma_start3A_229] : memref<10240x128xf32, #tpu.memory_space<vmem_shared>> -> memref<64x128xf32, #tpu.memory_space<vmem_shared>>
      %dma_start3A_231 = arith.constant 0 : i32
      %dma_start3A_232 = tpu.memref_slice %arg9[%add3A_10, %dma_start3A_231] : memref<10240x128xf32, #tpu.memory_space<vmem_shared>> -> memref<64x128xf32, #tpu.memory_space<vmem_shared>>
      %dma_start3A_233 = arith.constant 0 : i32
      %dma_start3A_234 = arith.constant 0 : i32
      %dma_start3A_235 = tpu.memref_slice %arg8[%run_scoped3A, %dma_start3A_233, %dma_start3A_234] : memref<4x64x128xf32, #tpu.memory_space<vmem>> -> memref<1x64x128xf32, #tpu.memory_space<vmem>>
      %dma_start3A_236 = tpu.memref_squeeze %dma_start3A_235 : memref<1x64x128xf32, #tpu.memory_space<vmem>> -> memref<64x128xf32, #tpu.memory_space<vmem>>
      tpu.enqueue_dma source(%dma_start3A_236 : memref<64x128xf32, #tpu.memory_space<vmem>>) target(%dma_start3A_232 : memref<64x128xf32, #tpu.memory_space<vmem_shared>>) target_semaphore(%run_scoped3A_224 : memref<!tpu.dma_semaphore, #tpu.memory_space<semaphore_mem>>)
      %dma_wait3A_237 = arith.constant 0 : i32
      %dma_wait3A_238 = arith.constant 0 : i32
      %dma_wait3A_239 = tpu.memref_slice %arg8[%run_scoped3A, %dma_wait3A_237, %dma_wait3A_238] : memref<4x64x128xf32, #tpu.memory_space<vmem>> -> memref<1x64x128xf32, #tpu.memory_space<vmem>>
      %dma_wait3A_240 = tpu.memref_squeeze %dma_wait3A_239 : memref<1x64x128xf32, #tpu.memory_space<vmem>> -> memref<64x128xf32, #tpu.memory_space<vmem>>
      %dma_wait3A_241 = arith.constant 0 : i32
      %dma_wait3A_242 = tpu.memref_slice %arg9[%add3A_10, %dma_wait3A_241] : memref<10240x128xf32, #tpu.memory_space<vmem_shared>> -> memref<64x128xf32, #tpu.memory_space<vmem_shared>>
      %dma_wait3A_243 = arith.constant 0 : i32
      %dma_wait3A_244 = tpu.memref_slice %arg9[%add3A_10, %dma_wait3A_243] : memref<10240x128xf32, #tpu.memory_space<vmem_shared>> -> memref<64x128xf32, #tpu.memory_space<vmem_shared>>
      %dma_wait3A_245 = arith.constant 0 : i32
      %dma_wait3A_246 = arith.constant 0 : i32
      %dma_wait3A_247 = tpu.memref_slice %arg8[%run_scoped3A, %dma_wait3A_245, %dma_wait3A_246] : memref<4x64x128xf32, #tpu.memory_space<vmem>> -> memref<1x64x128xf32, #tpu.memory_space<vmem>>
      %dma_wait3A_248 = tpu.memref_squeeze %dma_wait3A_247 : memref<1x64x128xf32, #tpu.memory_space<vmem>> -> memref<64x128xf32, #tpu.memory_space<vmem>>
      tpu.wait_dma2 semaphore(%run_scoped3A_224 : memref<!tpu.dma_semaphore, #tpu.memory_space<semaphore_mem>>) src(%dma_wait3A_248 : memref<64x128xf32, #tpu.memory_space<vmem>>) dst(%dma_wait3A_244 : memref<64x128xf32, #tpu.memory_space<vmem_shared>>)
      tpu.yield
    }) : () -> ()
    %mul3A_11 = arith.constant 640 : i32
    %mul3A_12 = arith.muli %arg1, %mul3A_11 : i32
    %add3A_13 = arith.constant 64 : i32
    %add3A_14 = arith.addi %mul3A_12, %add3A_13 : i32
    %run_scoped3A_15 = arith.constant 0 : i32
    "tpu.region"() ({
      %run_scoped3A_224 = tpu.sem_alloc : memref<!tpu.dma_semaphore, #tpu.memory_space<semaphore_mem>>
      %dma_start3A_225 = arith.constant 0 : i32
      %dma_start3A_226 = arith.constant 0 : i32
      %dma_start3A_227 = tpu.memref_slice %arg8[%run_scoped3A_15, %dma_start3A_225, %dma_start3A_226] : memref<4x64x128xf32, #tpu.memory_space<vmem>> -> memref<1x64x128xf32, #tpu.memory_space<vmem>>
      %dma_start3A_228 = tpu.memref_squeeze %dma_start3A_227 : memref<1x64x128xf32, #tpu.memory_space<vmem>> -> memref<64x128xf32, #tpu.memory_space<vmem>>
      %dma_start3A_229 = arith.constant 0 : i32
      %dma_start3A_230 = tpu.memref_slice %arg9[%add3A_14, %dma_start3A_229] : memref<10240x128xf32, #tpu.memory_space<vmem_shared>> -> memref<64x128xf32, #tpu.memory_space<vmem_shared>>
      %dma_start3A_231 = arith.constant 0 : i32
      %dma_start3A_232 = tpu.memref_slice %arg9[%add3A_14, %dma_start3A_231] : memref<10240x128xf32, #tpu.memory_space<vmem_shared>> -> memref<64x128xf32, #tpu.memory_space<vmem_shared>>
      %dma_start3A_233 = arith.constant 0 : i32
      %dma_start3A_234 = arith.constant 0 : i32
      %dma_start3A_235 = tpu.memref_slice %arg8[%run_scoped3A_15, %dma_start3A_233, %dma_start3A_234] : memref<4x64x128xf32, #tpu.memory_space<vmem>> -> memref<1x64x128xf32, #tpu.memory_space<vmem>>
      %dma_start3A_236 = tpu.memref_squeeze %dma_start3A_235 : memref<1x64x128xf32, #tpu.memory_space<vmem>> -> memref<64x128xf32, #tpu.memory_space<vmem>>
      tpu.enqueue_dma source(%dma_start3A_236 : memref<64x128xf32, #tpu.memory_space<vmem>>) target(%dma_start3A_232 : memref<64x128xf32, #tpu.memory_space<vmem_shared>>) target_semaphore(%run_scoped3A_224 : memref<!tpu.dma_semaphore, #tpu.memory_space<semaphore_mem>>)
      %dma_wait3A_237 = arith.constant 0 : i32
      %dma_wait3A_238 = arith.constant 0 : i32
      %dma_wait3A_239 = tpu.memref_slice %arg8[%run_scoped3A_15, %dma_wait3A_237, %dma_wait3A_238] : memref<4x64x128xf32, #tpu.memory_space<vmem>> -> memref<1x64x128xf32, #tpu.memory_space<vmem>>
      %dma_wait3A_240 = tpu.memref_squeeze %dma_wait3A_239 : memref<1x64x128xf32, #tpu.memory_space<vmem>> -> memref<64x128xf32, #tpu.memory_space<vmem>>
      %dma_wait3A_241 = arith.constant 0 : i32
      %dma_wait3A_242 = tpu.memref_slice %arg9[%add3A_14, %dma_wait3A_241] : memref<10240x128xf32, #tpu.memory_space<vmem_shared>> -> memref<64x128xf32, #tpu.memory_space<vmem_shared>>
      %dma_wait3A_243 = arith.constant 0 : i32
      %dma_wait3A_244 = tpu.memref_slice %arg9[%add3A_14, %dma_wait3A_243] : memref<10240x128xf32, #tpu.memory_space<vmem_shared>> -> memref<64x128xf32, #tpu.memory_space<vmem_shared>>
      %dma_wait3A_245 = arith.constant 0 : i32
      %dma_wait3A_246 = arith.constant 0 : i32
      %dma_wait3A_247 = tpu.memref_slice %arg8[%run_scoped3A_15, %dma_wait3A_245, %dma_wait3A_246] : memref<4x64x128xf32, #tpu.memory_space<vmem>> -> memref<1x64x128xf32, #tpu.memory_space<vmem>>
      %dma_wait3A_248 = tpu.memref_squeeze %dma_wait3A_247 : memref<1x64x128xf32, #tpu.memory_space<vmem>> -> memref<64x128xf32, #tpu.memory_space<vmem>>
      tpu.wait_dma2 semaphore(%run_scoped3A_224 : memref<!tpu.dma_semaphore, #tpu.memory_space<semaphore_mem>>) src(%dma_wait3A_248 : memref<64x128xf32, #tpu.memory_space<vmem>>) dst(%dma_wait3A_244 : memref<64x128xf32, #tpu.memory_space<vmem_shared>>)
      tpu.yield
    }) : () -> ()
    %mul3A_16 = arith.constant 640 : i32
    %mul3A_17 = arith.muli %arg1, %mul3A_16 : i32
    %add3A_18 = arith.constant 128 : i32
    %add3A_19 = arith.addi %mul3A_17, %add3A_18 : i32
    %run_scoped3A_20 = arith.constant 0 : i32
    "tpu.region"() ({
      %run_scoped3A_224 = tpu.sem_alloc : memref<!tpu.dma_semaphore, #tpu.memory_space<semaphore_mem>>
      %dma_start3A_225 = arith.constant 0 : i32
      %dma_start3A_226 = arith.constant 0 : i32
      %dma_start3A_227 = tpu.memref_slice %arg8[%run_scoped3A_20, %dma_start3A_225, %dma_start3A_226] : memref<4x64x128xf32, #tpu.memory_space<vmem>> -> memref<1x64x128xf32, #tpu.memory_space<vmem>>
      %dma_start3A_228 = tpu.memref_squeeze %dma_start3A_227 : memref<1x64x128xf32, #tpu.memory_space<vmem>> -> memref<64x128xf32, #tpu.memory_space<vmem>>
      %dma_start3A_229 = arith.constant 0 : i32
      %dma_start3A_230 = tpu.memref_slice %arg9[%add3A_19, %dma_start3A_229] : memref<10240x128xf32, #tpu.memory_space<vmem_shared>> -> memref<64x128xf32, #tpu.memory_space<vmem_shared>>
      %dma_start3A_231 = arith.constant 0 : i32
      %dma_start3A_232 = tpu.memref_slice %arg9[%add3A_19, %dma_start3A_231] : memref<10240x128xf32, #tpu.memory_space<vmem_shared>> -> memref<64x128xf32, #tpu.memory_space<vmem_shared>>
      %dma_start3A_233 = arith.constant 0 : i32
      %dma_start3A_234 = arith.constant 0 : i32
      %dma_start3A_235 = tpu.memref_slice %arg8[%run_scoped3A_20, %dma_start3A_233, %dma_start3A_234] : memref<4x64x128xf32, #tpu.memory_space<vmem>> -> memref<1x64x128xf32, #tpu.memory_space<vmem>>
      %dma_start3A_236 = tpu.memref_squeeze %dma_start3A_235 : memref<1x64x128xf32, #tpu.memory_space<vmem>> -> memref<64x128xf32, #tpu.memory_space<vmem>>
      tpu.enqueue_dma source(%dma_start3A_236 : memref<64x128xf32, #tpu.memory_space<vmem>>) target(%dma_start3A_232 : memref<64x128xf32, #tpu.memory_space<vmem_shared>>) target_semaphore(%run_scoped3A_224 : memref<!tpu.dma_semaphore, #tpu.memory_space<semaphore_mem>>)
      %dma_wait3A_237 = arith.constant 0 : i32
      %dma_wait3A_238 = arith.constant 0 : i32
      %dma_wait3A_239 = tpu.memref_slice %arg8[%run_scoped3A_20, %dma_wait3A_237, %dma_wait3A_238] : memref<4x64x128xf32, #tpu.memory_space<vmem>> -> memref<1x64x128xf32, #tpu.memory_space<vmem>>
      %dma_wait3A_240 = tpu.memref_squeeze %dma_wait3A_239 : memref<1x64x128xf32, #tpu.memory_space<vmem>> -> memref<64x128xf32, #tpu.memory_space<vmem>>
      %dma_wait3A_241 = arith.constant 0 : i32
      %dma_wait3A_242 = tpu.memref_slice %arg9[%add3A_19, %dma_wait3A_241] : memref<10240x128xf32, #tpu.memory_space<vmem_shared>> -> memref<64x128xf32, #tpu.memory_space<vmem_shared>>
      %dma_wait3A_243 = arith.constant 0 : i32
      %dma_wait3A_244 = tpu.memref_slice %arg9[%add3A_19, %dma_wait3A_243] : memref<10240x128xf32, #tpu.memory_space<vmem_shared>> -> memref<64x128xf32, #tpu.memory_space<vmem_shared>>
      %dma_wait3A_245 = arith.constant 0 : i32
      %dma_wait3A_246 = arith.constant 0 : i32
      %dma_wait3A_247 = tpu.memref_slice %arg8[%run_scoped3A_20, %dma_wait3A_245, %dma_wait3A_246] : memref<4x64x128xf32, #tpu.memory_space<vmem>> -> memref<1x64x128xf32, #tpu.memory_space<vmem>>
      %dma_wait3A_248 = tpu.memref_squeeze %dma_wait3A_247 : memref<1x64x128xf32, #tpu.memory_space<vmem>> -> memref<64x128xf32, #tpu.memory_space<vmem>>
      tpu.wait_dma2 semaphore(%run_scoped3A_224 : memref<!tpu.dma_semaphore, #tpu.memory_space<semaphore_mem>>) src(%dma_wait3A_248 : memref<64x128xf32, #tpu.memory_space<vmem>>) dst(%dma_wait3A_244 : memref<64x128xf32, #tpu.memory_space<vmem_shared>>)
      tpu.yield
    }) : () -> ()
    %mul3A_21 = arith.constant 640 : i32
    %mul3A_22 = arith.muli %arg1, %mul3A_21 : i32
    %add3A_23 = arith.constant 192 : i32
    %add3A_24 = arith.addi %mul3A_22, %add3A_23 : i32
    %run_scoped3A_25 = arith.constant 0 : i32
    "tpu.region"() ({
      %run_scoped3A_224 = tpu.sem_alloc : memref<!tpu.dma_semaphore, #tpu.memory_space<semaphore_mem>>
      %dma_start3A_225 = arith.constant 0 : i32
      %dma_start3A_226 = arith.constant 0 : i32
      %dma_start3A_227 = tpu.memref_slice %arg8[%run_scoped3A_25, %dma_start3A_225, %dma_start3A_226] : memref<4x64x128xf32, #tpu.memory_space<vmem>> -> memref<1x64x128xf32, #tpu.memory_space<vmem>>
      %dma_start3A_228 = tpu.memref_squeeze %dma_start3A_227 : memref<1x64x128xf32, #tpu.memory_space<vmem>> -> memref<64x128xf32, #tpu.memory_space<vmem>>
      %dma_start3A_229 = arith.constant 0 : i32
      %dma_start3A_230 = tpu.memref_slice %arg9[%add3A_24, %dma_start3A_229] : memref<10240x128xf32, #tpu.memory_space<vmem_shared>> -> memref<64x128xf32, #tpu.memory_space<vmem_shared>>
      %dma_start3A_231 = arith.constant 0 : i32
      %dma_start3A_232 = tpu.memref_slice %arg9[%add3A_24, %dma_start3A_231] : memref<10240x128xf32, #tpu.memory_space<vmem_shared>> -> memref<64x128xf32, #tpu.memory_space<vmem_shared>>
      %dma_start3A_233 = arith.constant 0 : i32
      %dma_start3A_234 = arith.constant 0 : i32
      %dma_start3A_235 = tpu.memref_slice %arg8[%run_scoped3A_25, %dma_start3A_233, %dma_start3A_234] : memref<4x64x128xf32, #tpu.memory_space<vmem>> -> memref<1x64x128xf32, #tpu.memory_space<vmem>>
      %dma_start3A_236 = tpu.memref_squeeze %dma_start3A_235 : memref<1x64x128xf32, #tpu.memory_space<vmem>> -> memref<64x128xf32, #tpu.memory_space<vmem>>
      tpu.enqueue_dma source(%dma_start3A_236 : memref<64x128xf32, #tpu.memory_space<vmem>>) target(%dma_start3A_232 : memref<64x128xf32, #tpu.memory_space<vmem_shared>>) target_semaphore(%run_scoped3A_224 : memref<!tpu.dma_semaphore, #tpu.memory_space<semaphore_mem>>)
      %dma_wait3A_237 = arith.constant 0 : i32
      %dma_wait3A_238 = arith.constant 0 : i32
      %dma_wait3A_239 = tpu.memref_slice %arg8[%run_scoped3A_25, %dma_wait3A_237, %dma_wait3A_238] : memref<4x64x128xf32, #tpu.memory_space<vmem>> -> memref<1x64x128xf32, #tpu.memory_space<vmem>>
      %dma_wait3A_240 = tpu.memref_squeeze %dma_wait3A_239 : memref<1x64x128xf32, #tpu.memory_space<vmem>> -> memref<64x128xf32, #tpu.memory_space<vmem>>
      %dma_wait3A_241 = arith.constant 0 : i32
      %dma_wait3A_242 = tpu.memref_slice %arg9[%add3A_24, %dma_wait3A_241] : memref<10240x128xf32, #tpu.memory_space<vmem_shared>> -> memref<64x128xf32, #tpu.memory_space<vmem_shared>>
      %dma_wait3A_243 = arith.constant 0 : i32
      %dma_wait3A_244 = tpu.memref_slice %arg9[%add3A_24, %dma_wait3A_243] : memref<10240x128xf32, #tpu.memory_space<vmem_shared>> -> memref<64x128xf32, #tpu.memory_space<vmem_shared>>
      %dma_wait3A_245 = arith.constant 0 : i32
      %dma_wait3A_246 = arith.constant 0 : i32
      %dma_wait3A_247 = tpu.memref_slice %arg8[%run_scoped3A_25, %dma_wait3A_245, %dma_wait3A_246] : memref<4x64x128xf32, #tpu.memory_space<vmem>> -> memref<1x64x128xf32, #tpu.memory_space<vmem>>
      %dma_wait3A_248 = tpu.memref_squeeze %dma_wait3A_247 : memref<1x64x128xf32, #tpu.memory_space<vmem>> -> memref<64x128xf32, #tpu.memory_space<vmem>>
      tpu.wait_dma2 semaphore(%run_scoped3A_224 : memref<!tpu.dma_semaphore, #tpu.memory_space<semaphore_mem>>) src(%dma_wait3A_248 : memref<64x128xf32, #tpu.memory_space<vmem>>) dst(%dma_wait3A_244 : memref<64x128xf32, #tpu.memory_space<vmem_shared>>)
      tpu.yield
    }) : () -> ()
    %mul3A_26 = arith.constant 640 : i32
    %mul3A_27 = arith.muli %arg1, %mul3A_26 : i32
    %add3A_28 = arith.constant 256 : i32
    %add3A_29 = arith.addi %mul3A_27, %add3A_28 : i32
    %run_scoped3A_30 = arith.constant 0 : i32
    "tpu.region"() ({
      %run_scoped3A_224 = tpu.sem_alloc : memref<!tpu.dma_semaphore, #tpu.memory_space<semaphore_mem>>
      %dma_start3A_225 = arith.constant 0 : i32
      %dma_start3A_226 = arith.constant 0 : i32
      %dma_start3A_227 = tpu.memref_slice %arg8[%run_scoped3A_30, %dma_start3A_225, %dma_start3A_226] : memref<4x64x128xf32, #tpu.memory_space<vmem>> -> memref<1x64x128xf32, #tpu.memory_space<vmem>>
      %dma_start3A_228 = tpu.memref_squeeze %dma_start3A_227 : memref<1x64x128xf32, #tpu.memory_space<vmem>> -> memref<64x128xf32, #tpu.memory_space<vmem>>
      %dma_start3A_229 = arith.constant 0 : i32
      %dma_start3A_230 = tpu.memref_slice %arg9[%add3A_29, %dma_start3A_229] : memref<10240x128xf32, #tpu.memory_space<vmem_shared>> -> memref<64x128xf32, #tpu.memory_space<vmem_shared>>
      %dma_start3A_231 = arith.constant 0 : i32
      %dma_start3A_232 = tpu.memref_slice %arg9[%add3A_29, %dma_start3A_231] : memref<10240x128xf32, #tpu.memory_space<vmem_shared>> -> memref<64x128xf32, #tpu.memory_space<vmem_shared>>
      %dma_start3A_233 = arith.constant 0 : i32
      %dma_start3A_234 = arith.constant 0 : i32
      %dma_start3A_235 = tpu.memref_slice %arg8[%run_scoped3A_30, %dma_start3A_233, %dma_start3A_234] : memref<4x64x128xf32, #tpu.memory_space<vmem>> -> memref<1x64x128xf32, #tpu.memory_space<vmem>>
      %dma_start3A_236 = tpu.memref_squeeze %dma_start3A_235 : memref<1x64x128xf32, #tpu.memory_space<vmem>> -> memref<64x128xf32, #tpu.memory_space<vmem>>
      tpu.enqueue_dma source(%dma_start3A_236 : memref<64x128xf32, #tpu.memory_space<vmem>>) target(%dma_start3A_232 : memref<64x128xf32, #tpu.memory_space<vmem_shared>>) target_semaphore(%run_scoped3A_224 : memref<!tpu.dma_semaphore, #tpu.memory_space<semaphore_mem>>)
      %dma_wait3A_237 = arith.constant 0 : i32
      %dma_wait3A_238 = arith.constant 0 : i32
      %dma_wait3A_239 = tpu.memref_slice %arg8[%run_scoped3A_30, %dma_wait3A_237, %dma_wait3A_238] : memref<4x64x128xf32, #tpu.memory_space<vmem>> -> memref<1x64x128xf32, #tpu.memory_space<vmem>>
      %dma_wait3A_240 = tpu.memref_squeeze %dma_wait3A_239 : memref<1x64x128xf32, #tpu.memory_space<vmem>> -> memref<64x128xf32, #tpu.memory_space<vmem>>
      %dma_wait3A_241 = arith.constant 0 : i32
      %dma_wait3A_242 = tpu.memref_slice %arg9[%add3A_29, %dma_wait3A_241] : memref<10240x128xf32, #tpu.memory_space<vmem_shared>> -> memref<64x128xf32, #tpu.memory_space<vmem_shared>>
      %dma_wait3A_243 = arith.constant 0 : i32
      %dma_wait3A_244 = tpu.memref_slice %arg9[%add3A_29, %dma_wait3A_243] : memref<10240x128xf32, #tpu.memory_space<vmem_shared>> -> memref<64x128xf32, #tpu.memory_space<vmem_shared>>
      %dma_wait3A_245 = arith.constant 0 : i32
      %dma_wait3A_246 = arith.constant 0 : i32
      %dma_wait3A_247 = tpu.memref_slice %arg8[%run_scoped3A_30, %dma_wait3A_245, %dma_wait3A_246] : memref<4x64x128xf32, #tpu.memory_space<vmem>> -> memref<1x64x128xf32, #tpu.memory_space<vmem>>
      %dma_wait3A_248 = tpu.memref_squeeze %dma_wait3A_247 : memref<1x64x128xf32, #tpu.memory_space<vmem>> -> memref<64x128xf32, #tpu.memory_space<vmem>>
      tpu.wait_dma2 semaphore(%run_scoped3A_224 : memref<!tpu.dma_semaphore, #tpu.memory_space<semaphore_mem>>) src(%dma_wait3A_248 : memref<64x128xf32, #tpu.memory_space<vmem>>) dst(%dma_wait3A_244 : memref<64x128xf32, #tpu.memory_space<vmem_shared>>)
      tpu.yield
    }) : () -> ()
    %mul3A_31 = arith.constant 640 : i32
    %mul3A_32 = arith.muli %arg1, %mul3A_31 : i32
    %add3A_33 = arith.constant 320 : i32
    %add3A_34 = arith.addi %mul3A_32, %add3A_33 : i32
    %run_scoped3A_35 = arith.constant 0 : i32
    "tpu.region"() ({
      %run_scoped3A_224 = tpu.sem_alloc : memref<!tpu.dma_semaphore, #tpu.memory_space<semaphore_mem>>
      %dma_start3A_225 = arith.constant 0 : i32
      %dma_start3A_226 = arith.constant 0 : i32
      %dma_start3A_227 = tpu.memref_slice %arg8[%run_scoped3A_35, %dma_start3A_225, %dma_start3A_226] : memref<4x64x128xf32, #tpu.memory_space<vmem>> -> memref<1x64x128xf32, #tpu.memory_space<vmem>>
      %dma_start3A_228 = tpu.memref_squeeze %dma_start3A_227 : memref<1x64x128xf32, #tpu.memory_space<vmem>> -> memref<64x128xf32, #tpu.memory_space<vmem>>
      %dma_start3A_229 = arith.constant 0 : i32
      %dma_start3A_230 = tpu.memref_slice %arg9[%add3A_34, %dma_start3A_229] : memref<10240x128xf32, #tpu.memory_space<vmem_shared>> -> memref<64x128xf32, #tpu.memory_space<vmem_shared>>
      %dma_start3A_231 = arith.constant 0 : i32
      %dma_start3A_232 = tpu.memref_slice %arg9[%add3A_34, %dma_start3A_231] : memref<10240x128xf32, #tpu.memory_space<vmem_shared>> -> memref<64x128xf32, #tpu.memory_space<vmem_shared>>
      %dma_start3A_233 = arith.constant 0 : i32
      %dma_start3A_234 = arith.constant 0 : i32
      %dma_start3A_235 = tpu.memref_slice %arg8[%run_scoped3A_35, %dma_start3A_233, %dma_start3A_234] : memref<4x64x128xf32, #tpu.memory_space<vmem>> -> memref<1x64x128xf32, #tpu.memory_space<vmem>>
      %dma_start3A_236 = tpu.memref_squeeze %dma_start3A_235 : memref<1x64x128xf32, #tpu.memory_space<vmem>> -> memref<64x128xf32, #tpu.memory_space<vmem>>
      tpu.enqueue_dma source(%dma_start3A_236 : memref<64x128xf32, #tpu.memory_space<vmem>>) target(%dma_start3A_232 : memref<64x128xf32, #tpu.memory_space<vmem_shared>>) target_semaphore(%run_scoped3A_224 : memref<!tpu.dma_semaphore, #tpu.memory_space<semaphore_mem>>)
      %dma_wait3A_237 = arith.constant 0 : i32
      %dma_wait3A_238 = arith.constant 0 : i32
      %dma_wait3A_239 = tpu.memref_slice %arg8[%run_scoped3A_35, %dma_wait3A_237, %dma_wait3A_238] : memref<4x64x128xf32, #tpu.memory_space<vmem>> -> memref<1x64x128xf32, #tpu.memory_space<vmem>>
      %dma_wait3A_240 = tpu.memref_squeeze %dma_wait3A_239 : memref<1x64x128xf32, #tpu.memory_space<vmem>> -> memref<64x128xf32, #tpu.memory_space<vmem>>
      %dma_wait3A_241 = arith.constant 0 : i32
      %dma_wait3A_242 = tpu.memref_slice %arg9[%add3A_34, %dma_wait3A_241] : memref<10240x128xf32, #tpu.memory_space<vmem_shared>> -> memref<64x128xf32, #tpu.memory_space<vmem_shared>>
      %dma_wait3A_243 = arith.constant 0 : i32
      %dma_wait3A_244 = tpu.memref_slice %arg9[%add3A_34, %dma_wait3A_243] : memref<10240x128xf32, #tpu.memory_space<vmem_shared>> -> memref<64x128xf32, #tpu.memory_space<vmem_shared>>
      %dma_wait3A_245 = arith.constant 0 : i32
      %dma_wait3A_246 = arith.constant 0 : i32
      %dma_wait3A_247 = tpu.memref_slice %arg8[%run_scoped3A_35, %dma_wait3A_245, %dma_wait3A_246] : memref<4x64x128xf32, #tpu.memory_space<vmem>> -> memref<1x64x128xf32, #tpu.memory_space<vmem>>
      %dma_wait3A_248 = tpu.memref_squeeze %dma_wait3A_247 : memref<1x64x128xf32, #tpu.memory_space<vmem>> -> memref<64x128xf32, #tpu.memory_space<vmem>>
      tpu.wait_dma2 semaphore(%run_scoped3A_224 : memref<!tpu.dma_semaphore, #tpu.memory_space<semaphore_mem>>) src(%dma_wait3A_248 : memref<64x128xf32, #tpu.memory_space<vmem>>) dst(%dma_wait3A_244 : memref<64x128xf32, #tpu.memory_space<vmem_shared>>)
      tpu.yield
    }) : () -> ()
    %mul3A_36 = arith.constant 640 : i32
    %mul3A_37 = arith.muli %arg1, %mul3A_36 : i32
    %add3A_38 = arith.constant 384 : i32
    %add3A_39 = arith.addi %mul3A_37, %add3A_38 : i32
    %run_scoped3A_40 = arith.constant 0 : i32
    "tpu.region"() ({
      %run_scoped3A_224 = tpu.sem_alloc : memref<!tpu.dma_semaphore, #tpu.memory_space<semaphore_mem>>
      %dma_start3A_225 = arith.constant 0 : i32
      %dma_start3A_226 = arith.constant 0 : i32
      %dma_start3A_227 = tpu.memref_slice %arg8[%run_scoped3A_40, %dma_start3A_225, %dma_start3A_226] : memref<4x64x128xf32, #tpu.memory_space<vmem>> -> memref<1x64x128xf32, #tpu.memory_space<vmem>>
      %dma_start3A_228 = tpu.memref_squeeze %dma_start3A_227 : memref<1x64x128xf32, #tpu.memory_space<vmem>> -> memref<64x128xf32, #tpu.memory_space<vmem>>
      %dma_start3A_229 = arith.constant 0 : i32
      %dma_start3A_230 = tpu.memref_slice %arg9[%add3A_39, %dma_start3A_229] : memref<10240x128xf32, #tpu.memory_space<vmem_shared>> -> memref<64x128xf32, #tpu.memory_space<vmem_shared>>
      %dma_start3A_231 = arith.constant 0 : i32
      %dma_start3A_232 = tpu.memref_slice %arg9[%add3A_39, %dma_start3A_231] : memref<10240x128xf32, #tpu.memory_space<vmem_shared>> -> memref<64x128xf32, #tpu.memory_space<vmem_shared>>
      %dma_start3A_233 = arith.constant 0 : i32
      %dma_start3A_234 = arith.constant 0 : i32
      %dma_start3A_235 = tpu.memref_slice %arg8[%run_scoped3A_40, %dma_start3A_233, %dma_start3A_234] : memref<4x64x128xf32, #tpu.memory_space<vmem>> -> memref<1x64x128xf32, #tpu.memory_space<vmem>>
      %dma_start3A_236 = tpu.memref_squeeze %dma_start3A_235 : memref<1x64x128xf32, #tpu.memory_space<vmem>> -> memref<64x128xf32, #tpu.memory_space<vmem>>
      tpu.enqueue_dma source(%dma_start3A_236 : memref<64x128xf32, #tpu.memory_space<vmem>>) target(%dma_start3A_232 : memref<64x128xf32, #tpu.memory_space<vmem_shared>>) target_semaphore(%run_scoped3A_224 : memref<!tpu.dma_semaphore, #tpu.memory_space<semaphore_mem>>)
      %dma_wait3A_237 = arith.constant 0 : i32
      %dma_wait3A_238 = arith.constant 0 : i32
      %dma_wait3A_239 = tpu.memref_slice %arg8[%run_scoped3A_40, %dma_wait3A_237, %dma_wait3A_238] : memref<4x64x128xf32, #tpu.memory_space<vmem>> -> memref<1x64x128xf32, #tpu.memory_space<vmem>>
      %dma_wait3A_240 = tpu.memref_squeeze %dma_wait3A_239 : memref<1x64x128xf32, #tpu.memory_space<vmem>> -> memref<64x128xf32, #tpu.memory_space<vmem>>
      %dma_wait3A_241 = arith.constant 0 : i32
      %dma_wait3A_242 = tpu.memref_slice %arg9[%add3A_39, %dma_wait3A_241] : memref<10240x128xf32, #tpu.memory_space<vmem_shared>> -> memref<64x128xf32, #tpu.memory_space<vmem_shared>>
      %dma_wait3A_243 = arith.constant 0 : i32
      %dma_wait3A_244 = tpu.memref_slice %arg9[%add3A_39, %dma_wait3A_243] : memref<10240x128xf32, #tpu.memory_space<vmem_shared>> -> memref<64x128xf32, #tpu.memory_space<vmem_shared>>
      %dma_wait3A_245 = arith.constant 0 : i32
      %dma_wait3A_246 = arith.constant 0 : i32
      %dma_wait3A_247 = tpu.memref_slice %arg8[%run_scoped3A_40, %dma_wait3A_245, %dma_wait3A_246] : memref<4x64x128xf32, #tpu.memory_space<vmem>> -> memref<1x64x128xf32, #tpu.memory_space<vmem>>
      %dma_wait3A_248 = tpu.memref_squeeze %dma_wait3A_247 : memref<1x64x128xf32, #tpu.memory_space<vmem>> -> memref<64x128xf32, #tpu.memory_space<vmem>>
      tpu.wait_dma2 semaphore(%run_scoped3A_224 : memref<!tpu.dma_semaphore, #tpu.memory_space<semaphore_mem>>) src(%dma_wait3A_248 : memref<64x128xf32, #tpu.memory_space<vmem>>) dst(%dma_wait3A_244 : memref<64x128xf32, #tpu.memory_space<vmem_shared>>)
      tpu.yield
    }) : () -> ()
    %mul3A_41 = arith.constant 640 : i32
    %mul3A_42 = arith.muli %arg1, %mul3A_41 : i32
    %add3A_43 = arith.constant 448 : i32
    %add3A_44 = arith.addi %mul3A_42, %add3A_43 : i32
    %run_scoped3A_45 = arith.constant 0 : i32
    "tpu.region"() ({
      %run_scoped3A_224 = tpu.sem_alloc : memref<!tpu.dma_semaphore, #tpu.memory_space<semaphore_mem>>
      %dma_start3A_225 = arith.constant 0 : i32
      %dma_start3A_226 = arith.constant 0 : i32
      %dma_start3A_227 = tpu.memref_slice %arg8[%run_scoped3A_45, %dma_start3A_225, %dma_start3A_226] : memref<4x64x128xf32, #tpu.memory_space<vmem>> -> memref<1x64x128xf32, #tpu.memory_space<vmem>>
      %dma_start3A_228 = tpu.memref_squeeze %dma_start3A_227 : memref<1x64x128xf32, #tpu.memory_space<vmem>> -> memref<64x128xf32, #tpu.memory_space<vmem>>
      %dma_start3A_229 = arith.constant 0 : i32
      %dma_start3A_230 = tpu.memref_slice %arg9[%add3A_44, %dma_start3A_229] : memref<10240x128xf32, #tpu.memory_space<vmem_shared>> -> memref<64x128xf32, #tpu.memory_space<vmem_shared>>
      %dma_start3A_231 = arith.constant 0 : i32
      %dma_start3A_232 = tpu.memref_slice %arg9[%add3A_44, %dma_start3A_231] : memref<10240x128xf32, #tpu.memory_space<vmem_shared>> -> memref<64x128xf32, #tpu.memory_space<vmem_shared>>
      %dma_start3A_233 = arith.constant 0 : i32
      %dma_start3A_234 = arith.constant 0 : i32
      %dma_start3A_235 = tpu.memref_slice %arg8[%run_scoped3A_45, %dma_start3A_233, %dma_start3A_234] : memref<4x64x128xf32, #tpu.memory_space<vmem>> -> memref<1x64x128xf32, #tpu.memory_space<vmem>>
      %dma_start3A_236 = tpu.memref_squeeze %dma_start3A_235 : memref<1x64x128xf32, #tpu.memory_space<vmem>> -> memref<64x128xf32, #tpu.memory_space<vmem>>
      tpu.enqueue_dma source(%dma_start3A_236 : memref<64x128xf32, #tpu.memory_space<vmem>>) target(%dma_start3A_232 : memref<64x128xf32, #tpu.memory_space<vmem_shared>>) target_semaphore(%run_scoped3A_224 : memref<!tpu.dma_semaphore, #tpu.memory_space<semaphore_mem>>)
      %dma_wait3A_237 = arith.constant 0 : i32
      %dma_wait3A_238 = arith.constant 0 : i32
      %dma_wait3A_239 = tpu.memref_slice %arg8[%run_scoped3A_45, %dma_wait3A_237, %dma_wait3A_238] : memref<4x64x128xf32, #tpu.memory_space<vmem>> -> memref<1x64x128xf32, #tpu.memory_space<vmem>>
      %dma_wait3A_240 = tpu.memref_squeeze %dma_wait3A_239 : memref<1x64x128xf32, #tpu.memory_space<vmem>> -> memref<64x128xf32, #tpu.memory_space<vmem>>
      %dma_wait3A_241 = arith.constant 0 : i32
      %dma_wait3A_242 = tpu.memref_slice %arg9[%add3A_44, %dma_wait3A_241] : memref<10240x128xf32, #tpu.memory_space<vmem_shared>> -> memref<64x128xf32, #tpu.memory_space<vmem_shared>>
      %dma_wait3A_243 = arith.constant 0 : i32
      %dma_wait3A_244 = tpu.memref_slice %arg9[%add3A_44, %dma_wait3A_243] : memref<10240x128xf32, #tpu.memory_space<vmem_shared>> -> memref<64x128xf32, #tpu.memory_space<vmem_shared>>
      %dma_wait3A_245 = arith.constant 0 : i32
      %dma_wait3A_246 = arith.constant 0 : i32
      %dma_wait3A_247 = tpu.memref_slice %arg8[%run_scoped3A_45, %dma_wait3A_245, %dma_wait3A_246] : memref<4x64x128xf32, #tpu.memory_space<vmem>> -> memref<1x64x128xf32, #tpu.memory_space<vmem>>
      %dma_wait3A_248 = tpu.memref_squeeze %dma_wait3A_247 : memref<1x64x128xf32, #tpu.memory_space<vmem>> -> memref<64x128xf32, #tpu.memory_space<vmem>>
      tpu.wait_dma2 semaphore(%run_scoped3A_224 : memref<!tpu.dma_semaphore, #tpu.memory_space<semaphore_mem>>) src(%dma_wait3A_248 : memref<64x128xf32, #tpu.memory_space<vmem>>) dst(%dma_wait3A_244 : memref<64x128xf32, #tpu.memory_space<vmem_shared>>)
      tpu.yield
    }) : () -> ()
    %mul3A_46 = arith.constant 640 : i32
    %mul3A_47 = arith.muli %arg1, %mul3A_46 : i32
    %add3A_48 = arith.constant 512 : i32
    %add3A_49 = arith.addi %mul3A_47, %add3A_48 : i32
    %run_scoped3A_50 = arith.constant 0 : i32
    "tpu.region"() ({
      %run_scoped3A_224 = tpu.sem_alloc : memref<!tpu.dma_semaphore, #tpu.memory_space<semaphore_mem>>
      %dma_start3A_225 = arith.constant 0 : i32
      %dma_start3A_226 = arith.constant 0 : i32
      %dma_start3A_227 = tpu.memref_slice %arg8[%run_scoped3A_50, %dma_start3A_225, %dma_start3A_226] : memref<4x64x128xf32, #tpu.memory_space<vmem>> -> memref<1x64x128xf32, #tpu.memory_space<vmem>>
      %dma_start3A_228 = tpu.memref_squeeze %dma_start3A_227 : memref<1x64x128xf32, #tpu.memory_space<vmem>> -> memref<64x128xf32, #tpu.memory_space<vmem>>
      %dma_start3A_229 = arith.constant 0 : i32
      %dma_start3A_230 = tpu.memref_slice %arg9[%add3A_49, %dma_start3A_229] : memref<10240x128xf32, #tpu.memory_space<vmem_shared>> -> memref<64x128xf32, #tpu.memory_space<vmem_shared>>
      %dma_start3A_231 = arith.constant 0 : i32
      %dma_start3A_232 = tpu.memref_slice %arg9[%add3A_49, %dma_start3A_231] : memref<10240x128xf32, #tpu.memory_space<vmem_shared>> -> memref<64x128xf32, #tpu.memory_space<vmem_shared>>
      %dma_start3A_233 = arith.constant 0 : i32
      %dma_start3A_234 = arith.constant 0 : i32
      %dma_start3A_235 = tpu.memref_slice %arg8[%run_scoped3A_50, %dma_start3A_233, %dma_start3A_234] : memref<4x64x128xf32, #tpu.memory_space<vmem>> -> memref<1x64x128xf32, #tpu.memory_space<vmem>>
      %dma_start3A_236 = tpu.memref_squeeze %dma_start3A_235 : memref<1x64x128xf32, #tpu.memory_space<vmem>> -> memref<64x128xf32, #tpu.memory_space<vmem>>
      tpu.enqueue_dma source(%dma_start3A_236 : memref<64x128xf32, #tpu.memory_space<vmem>>) target(%dma_start3A_232 : memref<64x128xf32, #tpu.memory_space<vmem_shared>>) target_semaphore(%run_scoped3A_224 : memref<!tpu.dma_semaphore, #tpu.memory_space<semaphore_mem>>)
      %dma_wait3A_237 = arith.constant 0 : i32
      %dma_wait3A_238 = arith.constant 0 : i32
      %dma_wait3A_239 = tpu.memref_slice %arg8[%run_scoped3A_50, %dma_wait3A_237, %dma_wait3A_238] : memref<4x64x128xf32, #tpu.memory_space<vmem>> -> memref<1x64x128xf32, #tpu.memory_space<vmem>>
      %dma_wait3A_240 = tpu.memref_squeeze %dma_wait3A_239 : memref<1x64x128xf32, #tpu.memory_space<vmem>> -> memref<64x128xf32, #tpu.memory_space<vmem>>
      %dma_wait3A_241 = arith.constant 0 : i32
      %dma_wait3A_242 = tpu.memref_slice %arg9[%add3A_49, %dma_wait3A_241] : memref<10240x128xf32, #tpu.memory_space<vmem_shared>> -> memref<64x128xf32, #tpu.memory_space<vmem_shared>>
      %dma_wait3A_243 = arith.constant 0 : i32
      %dma_wait3A_244 = tpu.memref_slice %arg9[%add3A_49, %dma_wait3A_243] : memref<10240x128xf32, #tpu.memory_space<vmem_shared>> -> memref<64x128xf32, #tpu.memory_space<vmem_shared>>
      %dma_wait3A_245 = arith.constant 0 : i32
      %dma_wait3A_246 = arith.constant 0 : i32
      %dma_wait3A_247 = tpu.memref_slice %arg8[%run_scoped3A_50, %dma_wait3A_245, %dma_wait3A_246] : memref<4x64x128xf32, #tpu.memory_space<vmem>> -> memref<1x64x128xf32, #tpu.memory_space<vmem>>
      %dma_wait3A_248 = tpu.memref_squeeze %dma_wait3A_247 : memref<1x64x128xf32, #tpu.memory_space<vmem>> -> memref<64x128xf32, #tpu.memory_space<vmem>>
      tpu.wait_dma2 semaphore(%run_scoped3A_224 : memref<!tpu.dma_semaphore, #tpu.memory_space<semaphore_mem>>) src(%dma_wait3A_248 : memref<64x128xf32, #tpu.memory_space<vmem>>) dst(%dma_wait3A_244 : memref<64x128xf32, #tpu.memory_space<vmem_shared>>)
      tpu.yield
    }) : () -> ()
    %mul3A_51 = arith.constant 640 : i32
    %mul3A_52 = arith.muli %arg1, %mul3A_51 : i32
    %add3A_53 = arith.constant 576 : i32
    %add3A_54 = arith.addi %mul3A_52, %add3A_53 : i32
    %run_scoped3A_55 = arith.constant 0 : i32
    "tpu.region"() ({
      %run_scoped3A_224 = tpu.sem_alloc : memref<!tpu.dma_semaphore, #tpu.memory_space<semaphore_mem>>
      %dma_start3A_225 = arith.constant 0 : i32
      %dma_start3A_226 = arith.constant 0 : i32
      %dma_start3A_227 = tpu.memref_slice %arg8[%run_scoped3A_55, %dma_start3A_225, %dma_start3A_226] : memref<4x64x128xf32, #tpu.memory_space<vmem>> -> memref<1x64x128xf32, #tpu.memory_space<vmem>>
      %dma_start3A_228 = tpu.memref_squeeze %dma_start3A_227 : memref<1x64x128xf32, #tpu.memory_space<vmem>> -> memref<64x128xf32, #tpu.memory_space<vmem>>
      %dma_start3A_229 = arith.constant 0 : i32
      %dma_start3A_230 = tpu.memref_slice %arg9[%add3A_54, %dma_start3A_229] : memref<10240x128xf32, #tpu.memory_space<vmem_shared>> -> memref<64x128xf32, #tpu.memory_space<vmem_shared>>
      %dma_start3A_231 = arith.constant 0 : i32
      %dma_start3A_232 = tpu.memref_slice %arg9[%add3A_54, %dma_start3A_231] : memref<10240x128xf32, #tpu.memory_space<vmem_shared>> -> memref<64x128xf32, #tpu.memory_space<vmem_shared>>
      %dma_start3A_233 = arith.constant 0 : i32
      %dma_start3A_234 = arith.constant 0 : i32
      %dma_start3A_235 = tpu.memref_slice %arg8[%run_scoped3A_55, %dma_start3A_233, %dma_start3A_234] : memref<4x64x128xf32, #tpu.memory_space<vmem>> -> memref<1x64x128xf32, #tpu.memory_space<vmem>>
      %dma_start3A_236 = tpu.memref_squeeze %dma_start3A_235 : memref<1x64x128xf32, #tpu.memory_space<vmem>> -> memref<64x128xf32, #tpu.memory_space<vmem>>
      tpu.enqueue_dma source(%dma_start3A_236 : memref<64x128xf32, #tpu.memory_space<vmem>>) target(%dma_start3A_232 : memref<64x128xf32, #tpu.memory_space<vmem_shared>>) target_semaphore(%run_scoped3A_224 : memref<!tpu.dma_semaphore, #tpu.memory_space<semaphore_mem>>)
      %dma_wait3A_237 = arith.constant 0 : i32
      %dma_wait3A_238 = arith.constant 0 : i32
      %dma_wait3A_239 = tpu.memref_slice %arg8[%run_scoped3A_55, %dma_wait3A_237, %dma_wait3A_238] : memref<4x64x128xf32, #tpu.memory_space<vmem>> -> memref<1x64x128xf32, #tpu.memory_space<vmem>>
      %dma_wait3A_240 = tpu.memref_squeeze %dma_wait3A_239 : memref<1x64x128xf32, #tpu.memory_space<vmem>> -> memref<64x128xf32, #tpu.memory_space<vmem>>
      %dma_wait3A_241 = arith.constant 0 : i32
      %dma_wait3A_242 = tpu.memref_slice %arg9[%add3A_54, %dma_wait3A_241] : memref<10240x128xf32, #tpu.memory_space<vmem_shared>> -> memref<64x128xf32, #tpu.memory_space<vmem_shared>>
      %dma_wait3A_243 = arith.constant 0 : i32
      %dma_wait3A_244 = tpu.memref_slice %arg9[%add3A_54, %dma_wait3A_243] : memref<10240x128xf32, #tpu.memory_space<vmem_shared>> -> memref<64x128xf32, #tpu.memory_space<vmem_shared>>
      %dma_wait3A_245 = arith.constant 0 : i32
      %dma_wait3A_246 = arith.constant 0 : i32
      %dma_wait3A_247 = tpu.memref_slice %arg8[%run_scoped3A_55, %dma_wait3A_245, %dma_wait3A_246] : memref<4x64x128xf32, #tpu.memory_space<vmem>> -> memref<1x64x128xf32, #tpu.memory_space<vmem>>
      %dma_wait3A_248 = tpu.memref_squeeze %dma_wait3A_247 : memref<1x64x128xf32, #tpu.memory_space<vmem>> -> memref<64x128xf32, #tpu.memory_space<vmem>>
      tpu.wait_dma2 semaphore(%run_scoped3A_224 : memref<!tpu.dma_semaphore, #tpu.memory_space<semaphore_mem>>) src(%dma_wait3A_248 : memref<64x128xf32, #tpu.memory_space<vmem>>) dst(%dma_wait3A_244 : memref<64x128xf32, #tpu.memory_space<vmem_shared>>)
      tpu.yield
    }) : () -> ()
    "tpu.region"() ({
      %run_scoped3A_224 = tpu.sem_alloc : memref<!tpu.dma_semaphore, #tpu.memory_space<semaphore_mem>>
      %dma_start3A_225 = arith.constant 0 : i32
      %dma_start3A_226 = arith.constant 0 : i32
      %dma_start3A_227 = tpu.memref_slice %arg3[%add3A, %dma_start3A_225, %dma_start3A_226] : memref<32x80x128xi32, #tpu.memory_space<hbm>> -> memref<1x80x128xi32, #tpu.memory_space<hbm>>
      %dma_start3A_228 = tpu.memref_squeeze %dma_start3A_227 : memref<1x80x128xi32, #tpu.memory_space<hbm>> -> memref<80x128xi32, #tpu.memory_space<hbm>>
      %dma_start3A_229 = arith.constant 0 : i32
      %dma_start3A_230 = arith.constant 0 : i32
      %dma_start3A_231 = tpu.memref_slice %arg3[%add3A, %dma_start3A_229, %dma_start3A_230] : memref<32x80x128xi32, #tpu.memory_space<hbm>> -> memref<1x80x128xi32, #tpu.memory_space<hbm>>
      %dma_start3A_232 = tpu.memref_squeeze %dma_start3A_231 : memref<1x80x128xi32, #tpu.memory_space<hbm>> -> memref<80x128xi32, #tpu.memory_space<hbm>>
      tpu.enqueue_dma source(%dma_start3A_232 : memref<80x128xi32, #tpu.memory_space<hbm>>) target(%arg6 : memref<80x128xi32, #tpu.memory_space<vmem>>) target_semaphore(%run_scoped3A_224 : memref<!tpu.dma_semaphore, #tpu.memory_space<semaphore_mem>>)
      %dma_wait3A_233 = arith.constant 0 : i32
      %dma_wait3A_234 = arith.constant 0 : i32
      %dma_wait3A_235 = tpu.memref_slice %arg3[%add3A, %dma_wait3A_233, %dma_wait3A_234] : memref<32x80x128xi32, #tpu.memory_space<hbm>> -> memref<1x80x128xi32, #tpu.memory_space<hbm>>
      %dma_wait3A_236 = tpu.memref_squeeze %dma_wait3A_235 : memref<1x80x128xi32, #tpu.memory_space<hbm>> -> memref<80x128xi32, #tpu.memory_space<hbm>>
      %dma_wait3A_237 = arith.constant 0 : i32
      %dma_wait3A_238 = arith.constant 0 : i32
      %dma_wait3A_239 = tpu.memref_slice %arg3[%add3A, %dma_wait3A_237, %dma_wait3A_238] : memref<32x80x128xi32, #tpu.memory_space<hbm>> -> memref<1x80x128xi32, #tpu.memory_space<hbm>>
      %dma_wait3A_240 = tpu.memref_squeeze %dma_wait3A_239 : memref<1x80x128xi32, #tpu.memory_space<hbm>> -> memref<80x128xi32, #tpu.memory_space<hbm>>
      tpu.wait_dma2 semaphore(%run_scoped3A_224 : memref<!tpu.dma_semaphore, #tpu.memory_space<semaphore_mem>>) src(%dma_wait3A_240 : memref<80x128xi32, #tpu.memory_space<hbm>>) dst(%arg6 : memref<80x128xi32, #tpu.memory_space<vmem>>)
      tpu.yield
    }) : () -> ()
    %barrier3A = arith.constant 0 : index
    tpu.barrier barrier_id(%barrier3A)
    %mul3A_56 = arith.constant 160 : i32
    %mul3A_57 = arith.muli %add3A, %mul3A_56 : i32
    %dma_start3A = arith.constant 0 : i32
    %dma_start3A_58 = arith.constant 0 : i32
    %dma_start3A_59 = arith.constant 0 : i32
    %dma_start3A_60 = arith.constant 0 : i32
    %dma_start3A_61 = tpu.memref_slice %arg8[%dma_start3A_58, %dma_start3A_59, %dma_start3A_60] : memref<4x64x128xf32, #tpu.memory_space<vmem>> -> memref<1x64x128xf32, #tpu.memory_space<vmem>>
    %dma_start3A_62 = tpu.memref_squeeze %dma_start3A_61 : memref<1x64x128xf32, #tpu.memory_space<vmem>> -> memref<64x128xf32, #tpu.memory_space<vmem>>
    %dma_start3A_63 = arith.constant 0 : i32
    %dma_start3A_64 = tpu.memref_slice %arg6[%dma_start3A, %dma_start3A_63] : memref<80x128xi32, #tpu.memory_space<vmem>> -> memref<1x64xi32, #tpu.memory_space<vmem>>
    %dma_start3A_65 = tpu.memref_squeeze %dma_start3A_64 : memref<1x64xi32, #tpu.memory_space<vmem>> -> memref<64xi32, #tpu.memory_space<vmem>>
    %dma_start3A_66 = arith.constant 0 : i32
    %dma_start3A_67 = arith.constant 0 : i32
    %dma_start3A_68 = tpu.memref_slice %arg2[%dma_start3A_66, %dma_start3A_67] : memref<10240x128xf32, #tpu.memory_space<hbm>> -> memref<10240x128xf32, #tpu.memory_space<hbm>>
    tpu.enqueue_indirect_dma source(%dma_start3A_68 : memref<10240x128xf32, #tpu.memory_space<hbm>>) target(%dma_start3A_62 : memref<64x128xf32, #tpu.memory_space<vmem>>) offsets(%dma_start3A_65 : memref<64xi32, #tpu.memory_space<vmem>>) semaphore(%arg10 : memref<!tpu.dma_semaphore, #tpu.memory_space<semaphore_mem>>)
    %add3A_69 = arith.constant 0 : i32
    %add3A_70 = arith.addi %mul3A_57, %add3A_69 : i32
    %dma_start3A_71 = arith.constant 0 : i32
    %dma_start3A_72 = arith.constant 0 : i32
    %dma_start3A_73 = tpu.memref_slice %arg7[%dma_start3A_71, %dma_start3A_72] : memref<4x64xi32, #tpu.memory_space<vmem>> -> memref<1x64xi32, #tpu.memory_space<vmem>>
    %dma_start3A_74 = tpu.memref_squeeze %dma_start3A_73 : memref<1x64xi32, #tpu.memory_space<vmem>> -> memref<64xi32, #tpu.memory_space<vmem>>
    %dma_start3A_75 = arith.constant 0 : i32
    %dma_start3A_76 = tpu.memref_slice %arg4[%add3A_70, %dma_start3A_75] : memref<5120x64xi32, #tpu.memory_space<hbm>> -> memref<1x64xi32, #tpu.memory_space<hbm>>
    %dma_start3A_77 = tpu.memref_squeeze %dma_start3A_76 : memref<1x64xi32, #tpu.memory_space<hbm>> -> memref<64xi32, #tpu.memory_space<hbm>>
    %dma_start3A_78 = arith.constant 0 : i32
    %dma_start3A_79 = tpu.memref_slice %arg7[%dma_start3A_71, %dma_start3A_78] : memref<4x64xi32, #tpu.memory_space<vmem>> -> memref<1x64xi32, #tpu.memory_space<vmem>>
    %dma_start3A_80 = tpu.memref_squeeze %dma_start3A_79 : memref<1x64xi32, #tpu.memory_space<vmem>> -> memref<64xi32, #tpu.memory_space<vmem>>
    %dma_start3A_81 = arith.constant 0 : i32
    %dma_start3A_82 = tpu.memref_slice %arg4[%add3A_70, %dma_start3A_81] : memref<5120x64xi32, #tpu.memory_space<hbm>> -> memref<1x64xi32, #tpu.memory_space<hbm>>
    %dma_start3A_83 = tpu.memref_squeeze %dma_start3A_82 : memref<1x64xi32, #tpu.memory_space<hbm>> -> memref<64xi32, #tpu.memory_space<hbm>>
    tpu.enqueue_dma source(%dma_start3A_83 : memref<64xi32, #tpu.memory_space<hbm>>) target(%dma_start3A_80 : memref<64xi32, #tpu.memory_space<vmem>>) target_semaphore(%arg14 : memref<!tpu.dma_semaphore, #tpu.memory_space<semaphore_mem>>)
    %dma_start3A_84 = arith.constant 0 : i32
    %dma_start3A_85 = arith.constant 1 : i32
    %dma_start3A_86 = arith.constant 0 : i32
    %dma_start3A_87 = arith.constant 0 : i32
    %dma_start3A_88 = tpu.memref_slice %arg8[%dma_start3A_85, %dma_start3A_86, %dma_start3A_87] : memref<4x64x128xf32, #tpu.memory_space<vmem>> -> memref<1x64x128xf32, #tpu.memory_space<vmem>>
    %dma_start3A_89 = tpu.memref_squeeze %dma_start3A_88 : memref<1x64x128xf32, #tpu.memory_space<vmem>> -> memref<64x128xf32, #tpu.memory_space<vmem>>
    %dma_start3A_90 = arith.constant 64 : i32
    %dma_start3A_91 = tpu.memref_slice %arg6[%dma_start3A_84, %dma_start3A_90] : memref<80x128xi32, #tpu.memory_space<vmem>> -> memref<1x64xi32, #tpu.memory_space<vmem>>
    %dma_start3A_92 = tpu.memref_squeeze %dma_start3A_91 : memref<1x64xi32, #tpu.memory_space<vmem>> -> memref<64xi32, #tpu.memory_space<vmem>>
    %dma_start3A_93 = arith.constant 0 : i32
    %dma_start3A_94 = arith.constant 0 : i32
    %dma_start3A_95 = tpu.memref_slice %arg2[%dma_start3A_93, %dma_start3A_94] : memref<10240x128xf32, #tpu.memory_space<hbm>> -> memref<10240x128xf32, #tpu.memory_space<hbm>>
    tpu.enqueue_indirect_dma source(%dma_start3A_95 : memref<10240x128xf32, #tpu.memory_space<hbm>>) target(%dma_start3A_89 : memref<64x128xf32, #tpu.memory_space<vmem>>) offsets(%dma_start3A_92 : memref<64xi32, #tpu.memory_space<vmem>>) semaphore(%arg11 : memref<!tpu.dma_semaphore, #tpu.memory_space<semaphore_mem>>)
    %add3A_96 = arith.constant 1 : i32
    %add3A_97 = arith.addi %mul3A_57, %add3A_96 : i32
    %dma_start3A_98 = arith.constant 1 : i32
    %dma_start3A_99 = arith.constant 0 : i32
    %dma_start3A_100 = tpu.memref_slice %arg7[%dma_start3A_98, %dma_start3A_99] : memref<4x64xi32, #tpu.memory_space<vmem>> -> memref<1x64xi32, #tpu.memory_space<vmem>>
    %dma_start3A_101 = tpu.memref_squeeze %dma_start3A_100 : memref<1x64xi32, #tpu.memory_space<vmem>> -> memref<64xi32, #tpu.memory_space<vmem>>
    %dma_start3A_102 = arith.constant 0 : i32
    %dma_start3A_103 = tpu.memref_slice %arg4[%add3A_97, %dma_start3A_102] : memref<5120x64xi32, #tpu.memory_space<hbm>> -> memref<1x64xi32, #tpu.memory_space<hbm>>
    %dma_start3A_104 = tpu.memref_squeeze %dma_start3A_103 : memref<1x64xi32, #tpu.memory_space<hbm>> -> memref<64xi32, #tpu.memory_space<hbm>>
    %dma_start3A_105 = arith.constant 0 : i32
    %dma_start3A_106 = tpu.memref_slice %arg7[%dma_start3A_98, %dma_start3A_105] : memref<4x64xi32, #tpu.memory_space<vmem>> -> memref<1x64xi32, #tpu.memory_space<vmem>>
    %dma_start3A_107 = tpu.memref_squeeze %dma_start3A_106 : memref<1x64xi32, #tpu.memory_space<vmem>> -> memref<64xi32, #tpu.memory_space<vmem>>
    %dma_start3A_108 = arith.constant 0 : i32
    %dma_start3A_109 = tpu.memref_slice %arg4[%add3A_97, %dma_start3A_108] : memref<5120x64xi32, #tpu.memory_space<hbm>> -> memref<1x64xi32, #tpu.memory_space<hbm>>
    %dma_start3A_110 = tpu.memref_squeeze %dma_start3A_109 : memref<1x64xi32, #tpu.memory_space<hbm>> -> memref<64xi32, #tpu.memory_space<hbm>>
    tpu.enqueue_dma source(%dma_start3A_110 : memref<64xi32, #tpu.memory_space<hbm>>) target(%dma_start3A_107 : memref<64xi32, #tpu.memory_space<vmem>>) target_semaphore(%arg15 : memref<!tpu.dma_semaphore, #tpu.memory_space<semaphore_mem>>)
    %dma_start3A_111 = arith.constant 1 : i32
    %dma_start3A_112 = arith.constant 2 : i32
    %dma_start3A_113 = arith.constant 0 : i32
    %dma_start3A_114 = arith.constant 0 : i32
    %dma_start3A_115 = tpu.memref_slice %arg8[%dma_start3A_112, %dma_start3A_113, %dma_start3A_114] : memref<4x64x128xf32, #tpu.memory_space<vmem>> -> memref<1x64x128xf32, #tpu.memory_space<vmem>>
    %dma_start3A_116 = tpu.memref_squeeze %dma_start3A_115 : memref<1x64x128xf32, #tpu.memory_space<vmem>> -> memref<64x128xf32, #tpu.memory_space<vmem>>
    %dma_start3A_117 = arith.constant 0 : i32
    %dma_start3A_118 = tpu.memref_slice %arg6[%dma_start3A_111, %dma_start3A_117] : memref<80x128xi32, #tpu.memory_space<vmem>> -> memref<1x64xi32, #tpu.memory_space<vmem>>
    %dma_start3A_119 = tpu.memref_squeeze %dma_start3A_118 : memref<1x64xi32, #tpu.memory_space<vmem>> -> memref<64xi32, #tpu.memory_space<vmem>>
    %dma_start3A_120 = arith.constant 0 : i32
    %dma_start3A_121 = arith.constant 0 : i32
    %dma_start3A_122 = tpu.memref_slice %arg2[%dma_start3A_120, %dma_start3A_121] : memref<10240x128xf32, #tpu.memory_space<hbm>> -> memref<10240x128xf32, #tpu.memory_space<hbm>>
    tpu.enqueue_indirect_dma source(%dma_start3A_122 : memref<10240x128xf32, #tpu.memory_space<hbm>>) target(%dma_start3A_116 : memref<64x128xf32, #tpu.memory_space<vmem>>) offsets(%dma_start3A_119 : memref<64xi32, #tpu.memory_space<vmem>>) semaphore(%arg12 : memref<!tpu.dma_semaphore, #tpu.memory_space<semaphore_mem>>)
    %add3A_123 = arith.constant 2 : i32
    %add3A_124 = arith.addi %mul3A_57, %add3A_123 : i32
    %dma_start3A_125 = arith.constant 2 : i32
    %dma_start3A_126 = arith.constant 0 : i32
    %dma_start3A_127 = tpu.memref_slice %arg7[%dma_start3A_125, %dma_start3A_126] : memref<4x64xi32, #tpu.memory_space<vmem>> -> memref<1x64xi32, #tpu.memory_space<vmem>>
    %dma_start3A_128 = tpu.memref_squeeze %dma_start3A_127 : memref<1x64xi32, #tpu.memory_space<vmem>> -> memref<64xi32, #tpu.memory_space<vmem>>
    %dma_start3A_129 = arith.constant 0 : i32
    %dma_start3A_130 = tpu.memref_slice %arg4[%add3A_124, %dma_start3A_129] : memref<5120x64xi32, #tpu.memory_space<hbm>> -> memref<1x64xi32, #tpu.memory_space<hbm>>
    %dma_start3A_131 = tpu.memref_squeeze %dma_start3A_130 : memref<1x64xi32, #tpu.memory_space<hbm>> -> memref<64xi32, #tpu.memory_space<hbm>>
    %dma_start3A_132 = arith.constant 0 : i32
    %dma_start3A_133 = tpu.memref_slice %arg7[%dma_start3A_125, %dma_start3A_132] : memref<4x64xi32, #tpu.memory_space<vmem>> -> memref<1x64xi32, #tpu.memory_space<vmem>>
    %dma_start3A_134 = tpu.memref_squeeze %dma_start3A_133 : memref<1x64xi32, #tpu.memory_space<vmem>> -> memref<64xi32, #tpu.memory_space<vmem>>
    %dma_start3A_135 = arith.constant 0 : i32
    %dma_start3A_136 = tpu.memref_slice %arg4[%add3A_124, %dma_start3A_135] : memref<5120x64xi32, #tpu.memory_space<hbm>> -> memref<1x64xi32, #tpu.memory_space<hbm>>
    %dma_start3A_137 = tpu.memref_squeeze %dma_start3A_136 : memref<1x64xi32, #tpu.memory_space<hbm>> -> memref<64xi32, #tpu.memory_space<hbm>>
    tpu.enqueue_dma source(%dma_start3A_137 : memref<64xi32, #tpu.memory_space<hbm>>) target(%dma_start3A_134 : memref<64xi32, #tpu.memory_space<vmem>>) target_semaphore(%arg16 : memref<!tpu.dma_semaphore, #tpu.memory_space<semaphore_mem>>)
    %dma_start3A_138 = arith.constant 1 : i32
    %dma_start3A_139 = arith.constant 3 : i32
    %dma_start3A_140 = arith.constant 0 : i32
    %dma_start3A_141 = arith.constant 0 : i32
    %dma_start3A_142 = tpu.memref_slice %arg8[%dma_start3A_139, %dma_start3A_140, %dma_start3A_141] : memref<4x64x128xf32, #tpu.memory_space<vmem>> -> memref<1x64x128xf32, #tpu.memory_space<vmem>>
    %dma_start3A_143 = tpu.memref_squeeze %dma_start3A_142 : memref<1x64x128xf32, #tpu.memory_space<vmem>> -> memref<64x128xf32, #tpu.memory_space<vmem>>
    %dma_start3A_144 = arith.constant 64 : i32
    %dma_start3A_145 = tpu.memref_slice %arg6[%dma_start3A_138, %dma_start3A_144] : memref<80x128xi32, #tpu.memory_space<vmem>> -> memref<1x64xi32, #tpu.memory_space<vmem>>
    %dma_start3A_146 = tpu.memref_squeeze %dma_start3A_145 : memref<1x64xi32, #tpu.memory_space<vmem>> -> memref<64xi32, #tpu.memory_space<vmem>>
    %dma_start3A_147 = arith.constant 0 : i32
    %dma_start3A_148 = arith.constant 0 : i32
    %dma_start3A_149 = tpu.memref_slice %arg2[%dma_start3A_147, %dma_start3A_148] : memref<10240x128xf32, #tpu.memory_space<hbm>> -> memref<10240x128xf32, #tpu.memory_space<hbm>>
    tpu.enqueue_indirect_dma source(%dma_start3A_149 : memref<10240x128xf32, #tpu.memory_space<hbm>>) target(%dma_start3A_143 : memref<64x128xf32, #tpu.memory_space<vmem>>) offsets(%dma_start3A_146 : memref<64xi32, #tpu.memory_space<vmem>>) semaphore(%arg13 : memref<!tpu.dma_semaphore, #tpu.memory_space<semaphore_mem>>)
    %add3A_150 = arith.constant 3 : i32
    %add3A_151 = arith.addi %mul3A_57, %add3A_150 : i32
    %dma_start3A_152 = arith.constant 3 : i32
    %dma_start3A_153 = arith.constant 0 : i32
    %dma_start3A_154 = tpu.memref_slice %arg7[%dma_start3A_152, %dma_start3A_153] : memref<4x64xi32, #tpu.memory_space<vmem>> -> memref<1x64xi32, #tpu.memory_space<vmem>>
    %dma_start3A_155 = tpu.memref_squeeze %dma_start3A_154 : memref<1x64xi32, #tpu.memory_space<vmem>> -> memref<64xi32, #tpu.memory_space<vmem>>
    %dma_start3A_156 = arith.constant 0 : i32
    %dma_start3A_157 = tpu.memref_slice %arg4[%add3A_151, %dma_start3A_156] : memref<5120x64xi32, #tpu.memory_space<hbm>> -> memref<1x64xi32, #tpu.memory_space<hbm>>
    %dma_start3A_158 = tpu.memref_squeeze %dma_start3A_157 : memref<1x64xi32, #tpu.memory_space<hbm>> -> memref<64xi32, #tpu.memory_space<hbm>>
    %dma_start3A_159 = arith.constant 0 : i32
    %dma_start3A_160 = tpu.memref_slice %arg7[%dma_start3A_152, %dma_start3A_159] : memref<4x64xi32, #tpu.memory_space<vmem>> -> memref<1x64xi32, #tpu.memory_space<vmem>>
    %dma_start3A_161 = tpu.memref_squeeze %dma_start3A_160 : memref<1x64xi32, #tpu.memory_space<vmem>> -> memref<64xi32, #tpu.memory_space<vmem>>
    %dma_start3A_162 = arith.constant 0 : i32
    %dma_start3A_163 = tpu.memref_slice %arg4[%add3A_151, %dma_start3A_162] : memref<5120x64xi32, #tpu.memory_space<hbm>> -> memref<1x64xi32, #tpu.memory_space<hbm>>
    %dma_start3A_164 = tpu.memref_squeeze %dma_start3A_163 : memref<1x64xi32, #tpu.memory_space<hbm>> -> memref<64xi32, #tpu.memory_space<hbm>>
    tpu.enqueue_dma source(%dma_start3A_164 : memref<64xi32, #tpu.memory_space<hbm>>) target(%dma_start3A_161 : memref<64xi32, #tpu.memory_space<vmem>>) target_semaphore(%arg17 : memref<!tpu.dma_semaphore, #tpu.memory_space<semaphore_mem>>)
    %scan3A_165 = arith.constant 0 : i32
    %scan3A_166 = arith.constant 0 : i32
    %scan3A_167 = arith.constant 40 : i32
    %scan3A_168 = arith.addi %scan3A_166, %scan3A_167 : i32
    %scan3A_169 = arith.constant 1 : i32
    %scan3A_170 = scf.for %scan3A_224 = %scan3A_166 to %scan3A_168 step %scan3A_169 iter_args(%scan3A_225 = %scan3A_165) -> (i32)  : i32 {
      %mul3A_226 = arith.constant 4 : i32
      %mul3A_227 = arith.muli %mul3A_226, %scan3A_224 : i32
      %add3A_228 = arith.constant 0 : i32
      %add3A_229 = arith.addi %mul3A_227, %add3A_228 : i32
      %jit3A = arith.constant 2 : i32
      %div3A = arith.divsi %add3A_229, %jit3A : i32
      %sign3A = arith.constant 0 : i32
      %sign3A_230 = arith.cmpi sgt, %add3A_229, %sign3A : i32
      %sign3A_231 = arith.extui %sign3A_230 : i1 to i32
      %sign3A_232 = arith.constant 0 : i32
      %sign3A_233 = arith.cmpi slt, %add3A_229, %sign3A_232 : i32
      %sign3A_234 = arith.extui %sign3A_233 : i1 to i32
      %sign3A_235 = arith.subi %sign3A_231, %sign3A_234 : i32
      %sign3A_236 = arith.constant 0 : i32
      %sign3A_237 = arith.cmpi sgt, %jit3A, %sign3A_236 : i32
      %sign3A_238 = arith.extui %sign3A_237 : i1 to i32
      %sign3A_239 = arith.constant 0 : i32
      %sign3A_240 = arith.cmpi slt, %jit3A, %sign3A_239 : i32
      %sign3A_241 = arith.extui %sign3A_240 : i1 to i32
      %sign3A_242 = arith.subi %sign3A_238, %sign3A_241 : i32
      %ne3A = arith.cmpi ne, %sign3A_235, %sign3A_242 : i32
      %rem3A = arith.remsi %add3A_229, %jit3A : i32
      %ne3A_243 = arith.constant 0 : i32
      %ne3A_244 = arith.cmpi ne, %rem3A, %ne3A_243 : i32
      %and3A = arith.andi %ne3A, %ne3A_244 : i1
      %sub3A = arith.constant 1 : i32
      %sub3A_245 = arith.subi %div3A, %sub3A : i32
      %select_n3A = arith.select %and3A, %sub3A_245, %div3A : i32
      %jit3A_246 = arith.constant 2 : i32
      %eq3A = arith.constant 0 : i32
      %eq3A_247 = arith.cmpi eq, %jit3A_246, %eq3A : i32
      %jit3A_248 = arith.constant 1 : i32
      %select_n3A_249 = arith.select %eq3A_247, %jit3A_248, %jit3A_246 : i32
      %rem3A_250 = arith.remsi %add3A_229, %select_n3A_249 : i32
      %ne3A_251 = arith.constant 0 : i32
      %ne3A_252 = arith.cmpi ne, %rem3A_250, %ne3A_251 : i32
      %lt3A = arith.constant 0 : i32
      %lt3A_253 = arith.cmpi slt, %rem3A_250, %lt3A : i32
      %lt3A_254 = arith.constant 0 : i32
      %lt3A_255 = arith.cmpi slt, %select_n3A_249, %lt3A_254 : i32
      %ne3A_256 = arith.xori %lt3A_253, %lt3A_255 : i1
      %and3A_257 = arith.andi %ne3A_256, %ne3A_252 : i1
      %add3A_258 = arith.addi %rem3A_250, %select_n3A_249 : i32
      %select_n3A_259 = arith.select %and3A_257, %add3A_258, %rem3A_250 : i32
      %mul3A_260 = arith.constant 64 : i32
      %mul3A_261 = arith.muli %select_n3A_259, %mul3A_260 : i32
      %dma_wait3A_262 = arith.constant 0 : i32
      %dma_wait3A_263 = arith.constant 0 : i32
      %dma_wait3A_264 = arith.constant 0 : i32
      %dma_wait3A_265 = tpu.memref_slice %arg8[%dma_wait3A_262, %dma_wait3A_263, %dma_wait3A_264] : memref<4x64x128xf32, #tpu.memory_space<vmem>> -> memref<1x64x128xf32, #tpu.memory_space<vmem>>
      %dma_wait3A_266 = tpu.memref_squeeze %dma_wait3A_265 : memref<1x64x128xf32, #tpu.memory_space<vmem>> -> memref<64x128xf32, #tpu.memory_space<vmem>>
      %dma_wait3A_267 = tpu.memref_slice %arg6[%select_n3A, %mul3A_261] : memref<80x128xi32, #tpu.memory_space<vmem>> -> memref<1x64xi32, #tpu.memory_space<vmem>>
      %dma_wait3A_268 = tpu.memref_squeeze %dma_wait3A_267 : memref<1x64xi32, #tpu.memory_space<vmem>> -> memref<64xi32, #tpu.memory_space<vmem>>
      %dma_wait3A_269 = arith.constant 0 : i32
      %dma_wait3A_270 = arith.constant 0 : i32
      %dma_wait3A_271 = tpu.memref_slice %arg2[%dma_wait3A_269, %dma_wait3A_270] : memref<10240x128xf32, #tpu.memory_space<hbm>> -> memref<10240x128xf32, #tpu.memory_space<hbm>>
      tpu.wait_indirect_dma semaphore(%arg10 : memref<!tpu.dma_semaphore, #tpu.memory_space<semaphore_mem>>) src(%dma_wait3A_271 : memref<10240x128xf32, #tpu.memory_space<hbm>>) dst(%dma_wait3A_266 : memref<64x128xf32, #tpu.memory_space<vmem>>)
      %add3A_272 = arith.addi %mul3A_57, %add3A_229 : i32
      %dma_wait3A_273 = arith.constant 0 : i32
      %dma_wait3A_274 = arith.constant 0 : i32
      %dma_wait3A_275 = tpu.memref_slice %arg7[%dma_wait3A_273, %dma_wait3A_274] : memref<4x64xi32, #tpu.memory_space<vmem>> -> memref<1x64xi32, #tpu.memory_space<vmem>>
      %dma_wait3A_276 = tpu.memref_squeeze %dma_wait3A_275 : memref<1x64xi32, #tpu.memory_space<vmem>> -> memref<64xi32, #tpu.memory_space<vmem>>
      %dma_wait3A_277 = arith.constant 0 : i32
      %dma_wait3A_278 = tpu.memref_slice %arg4[%add3A_272, %dma_wait3A_277] : memref<5120x64xi32, #tpu.memory_space<hbm>> -> memref<1x64xi32, #tpu.memory_space<hbm>>
      %dma_wait3A_279 = tpu.memref_squeeze %dma_wait3A_278 : memref<1x64xi32, #tpu.memory_space<hbm>> -> memref<64xi32, #tpu.memory_space<hbm>>
      %dma_wait3A_280 = arith.constant 0 : i32
      %dma_wait3A_281 = tpu.memref_slice %arg7[%dma_wait3A_273, %dma_wait3A_280] : memref<4x64xi32, #tpu.memory_space<vmem>> -> memref<1x64xi32, #tpu.memory_space<vmem>>
      %dma_wait3A_282 = tpu.memref_squeeze %dma_wait3A_281 : memref<1x64xi32, #tpu.memory_space<vmem>> -> memref<64xi32, #tpu.memory_space<vmem>>
      %dma_wait3A_283 = arith.constant 0 : i32
      %dma_wait3A_284 = tpu.memref_slice %arg4[%add3A_272, %dma_wait3A_283] : memref<5120x64xi32, #tpu.memory_space<hbm>> -> memref<1x64xi32, #tpu.memory_space<hbm>>
      %dma_wait3A_285 = tpu.memref_squeeze %dma_wait3A_284 : memref<1x64xi32, #tpu.memory_space<hbm>> -> memref<64xi32, #tpu.memory_space<hbm>>
      tpu.wait_dma2 semaphore(%arg14 : memref<!tpu.dma_semaphore, #tpu.memory_space<semaphore_mem>>) src(%dma_wait3A_285 : memref<64xi32, #tpu.memory_space<hbm>>) dst(%dma_wait3A_282 : memref<64xi32, #tpu.memory_space<vmem>>)
      %dma_start3A_286 = arith.constant 0 : i32
      %dma_start3A_287 = arith.constant 0 : i32
      %dma_start3A_288 = arith.constant 0 : i32
      %dma_start3A_289 = arith.constant 0 : i32
      %dma_start3A_290 = tpu.memref_slice %arg8[%dma_start3A_286, %dma_start3A_288, %dma_start3A_289] : memref<4x64x128xf32, #tpu.memory_space<vmem>> -> memref<1x64x128xf32, #tpu.memory_space<vmem>>
      %dma_start3A_291 = tpu.memref_squeeze %dma_start3A_290 : memref<1x64x128xf32, #tpu.memory_space<vmem>> -> memref<64x128xf32, #tpu.memory_space<vmem>>
      %dma_start3A_292 = arith.constant 0 : i32
      %dma_start3A_293 = tpu.memref_slice %arg7[%dma_start3A_287, %dma_start3A_292] : memref<4x64xi32, #tpu.memory_space<vmem>> -> memref<1x64xi32, #tpu.memory_space<vmem>>
      %dma_start3A_294 = tpu.memref_squeeze %dma_start3A_293 : memref<1x64xi32, #tpu.memory_space<vmem>> -> memref<64xi32, #tpu.memory_space<vmem>>
      %dma_start3A_295 = arith.constant 0 : i32
      %dma_start3A_296 = arith.constant 0 : i32
      %dma_start3A_297 = tpu.memref_slice %arg9[%dma_start3A_295, %dma_start3A_296] : memref<10240x128xf32, #tpu.memory_space<vmem_shared>> -> memref<10240x128xf32, #tpu.memory_space<vmem_shared>>
      tpu.enqueue_indirect_dma source(%dma_start3A_291 : memref<64x128xf32, #tpu.memory_space<vmem>>) target(%dma_start3A_297 : memref<10240x128xf32, #tpu.memory_space<vmem_shared>>) offsets(%dma_start3A_294 : memref<64xi32, #tpu.memory_space<vmem>>) semaphore(%arg18 : memref<!tpu.dma_semaphore, #tpu.memory_space<semaphore_mem>>) {add = true}
      %add3A_298 = arith.constant 4 : i32
      %add3A_299 = arith.addi %add3A_229, %add3A_298 : i32
      %lt3A_300 = arith.constant 160 : i32
      %lt3A_301 = arith.cmpi slt, %add3A_299, %lt3A_300 : i32
      %convert_element_type3A = arith.extui %lt3A_301 : i1 to i32
      %cond3A = arith.constant 0 : i32
      %cond3A_302 = arith.cmpi ne, %convert_element_type3A, %cond3A : i32
      scf.if %cond3A_302 {
        %dma_wait3A_571 = arith.constant 0 : i32
        %dma_wait3A_572 = arith.constant 0 : i32
        %dma_wait3A_573 = arith.constant 0 : i32
        %dma_wait3A_574 = arith.constant 0 : i32
        %dma_wait3A_575 = tpu.memref_slice %arg8[%dma_wait3A_571, %dma_wait3A_573, %dma_wait3A_574] : memref<4x64x128xf32, #tpu.memory_space<vmem>> -> memref<1x64x128xf32, #tpu.memory_space<vmem>>
        %dma_wait3A_576 = tpu.memref_squeeze %dma_wait3A_575 : memref<1x64x128xf32, #tpu.memory_space<vmem>> -> memref<64x128xf32, #tpu.memory_space<vmem>>
        %dma_wait3A_577 = arith.constant 0 : i32
        %dma_wait3A_578 = tpu.memref_slice %arg7[%dma_wait3A_572, %dma_wait3A_577] : memref<4x64xi32, #tpu.memory_space<vmem>> -> memref<1x64xi32, #tpu.memory_space<vmem>>
        %dma_wait3A_579 = tpu.memref_squeeze %dma_wait3A_578 : memref<1x64xi32, #tpu.memory_space<vmem>> -> memref<64xi32, #tpu.memory_space<vmem>>
        %dma_wait3A_580 = arith.constant 0 : i32
        %dma_wait3A_581 = arith.constant 0 : i32
        %dma_wait3A_582 = tpu.memref_slice %arg9[%dma_wait3A_580, %dma_wait3A_581] : memref<10240x128xf32, #tpu.memory_space<vmem_shared>> -> memref<10240x128xf32, #tpu.memory_space<vmem_shared>>
        tpu.wait_indirect_dma semaphore(%arg18 : memref<!tpu.dma_semaphore, #tpu.memory_space<semaphore_mem>>) src(%dma_wait3A_576 : memref<64x128xf32, #tpu.memory_space<vmem>>) dst(%dma_wait3A_582 : memref<10240x128xf32, #tpu.memory_space<vmem_shared>>)
        %add3A_583 = arith.constant 4 : i32
        %add3A_584 = arith.addi %add3A_229, %add3A_583 : i32
        %jit3A_585 = arith.constant 2 : i32
        %div3A_586 = arith.divsi %add3A_584, %jit3A_585 : i32
        %sign3A_587 = arith.constant 0 : i32
        %sign3A_588 = arith.cmpi sgt, %add3A_584, %sign3A_587 : i32
        %sign3A_589 = arith.extui %sign3A_588 : i1 to i32
        %sign3A_590 = arith.constant 0 : i32
        %sign3A_591 = arith.cmpi slt, %add3A_584, %sign3A_590 : i32
        %sign3A_592 = arith.extui %sign3A_591 : i1 to i32
        %sign3A_593 = arith.subi %sign3A_589, %sign3A_592 : i32
        %sign3A_594 = arith.constant 0 : i32
        %sign3A_595 = arith.cmpi sgt, %jit3A_585, %sign3A_594 : i32
        %sign3A_596 = arith.extui %sign3A_595 : i1 to i32
        %sign3A_597 = arith.constant 0 : i32
        %sign3A_598 = arith.cmpi slt, %jit3A_585, %sign3A_597 : i32
        %sign3A_599 = arith.extui %sign3A_598 : i1 to i32
        %sign3A_600 = arith.subi %sign3A_596, %sign3A_599 : i32
        %ne3A_601 = arith.cmpi ne, %sign3A_593, %sign3A_600 : i32
        %rem3A_602 = arith.remsi %add3A_584, %jit3A_585 : i32
        %ne3A_603 = arith.constant 0 : i32
        %ne3A_604 = arith.cmpi ne, %rem3A_602, %ne3A_603 : i32
        %and3A_605 = arith.andi %ne3A_601, %ne3A_604 : i1
        %sub3A_606 = arith.constant 1 : i32
        %sub3A_607 = arith.subi %div3A_586, %sub3A_606 : i32
        %select_n3A_608 = arith.select %and3A_605, %sub3A_607, %div3A_586 : i32
        %jit3A_609 = arith.constant 2 : i32
        %eq3A_610 = arith.constant 0 : i32
        %eq3A_611 = arith.cmpi eq, %jit3A_609, %eq3A_610 : i32
        %jit3A_612 = arith.constant 1 : i32
        %select_n3A_613 = arith.select %eq3A_611, %jit3A_612, %jit3A_609 : i32
        %rem3A_614 = arith.remsi %add3A_584, %select_n3A_613 : i32
        %ne3A_615 = arith.constant 0 : i32
        %ne3A_616 = arith.cmpi ne, %rem3A_614, %ne3A_615 : i32
        %lt3A_617 = arith.constant 0 : i32
        %lt3A_618 = arith.cmpi slt, %rem3A_614, %lt3A_617 : i32
        %lt3A_619 = arith.constant 0 : i32
        %lt3A_620 = arith.cmpi slt, %select_n3A_613, %lt3A_619 : i32
        %ne3A_621 = arith.xori %lt3A_618, %lt3A_620 : i1
        %and3A_622 = arith.andi %ne3A_621, %ne3A_616 : i1
        %add3A_623 = arith.addi %rem3A_614, %select_n3A_613 : i32
        %select_n3A_624 = arith.select %and3A_622, %add3A_623, %rem3A_614 : i32
        %mul3A_625 = arith.constant 64 : i32
        %mul3A_626 = arith.muli %select_n3A_624, %mul3A_625 : i32
        %dma_start3A_627 = arith.constant 0 : i32
        %dma_start3A_628 = arith.constant 0 : i32
        %dma_start3A_629 = arith.constant 0 : i32
        %dma_start3A_630 = tpu.memref_slice %arg8[%dma_start3A_627, %dma_start3A_628, %dma_start3A_629] : memref<4x64x128xf32, #tpu.memory_space<vmem>> -> memref<1x64x128xf32, #tpu.memory_space<vmem>>
        %dma_start3A_631 = tpu.memref_squeeze %dma_start3A_630 : memref<1x64x128xf32, #tpu.memory_space<vmem>> -> memref<64x128xf32, #tpu.memory_space<vmem>>
        %dma_start3A_632 = tpu.memref_slice %arg6[%select_n3A_608, %mul3A_626] : memref<80x128xi32, #tpu.memory_space<vmem>> -> memref<1x64xi32, #tpu.memory_space<vmem>>
        %dma_start3A_633 = tpu.memref_squeeze %dma_start3A_632 : memref<1x64xi32, #tpu.memory_space<vmem>> -> memref<64xi32, #tpu.memory_space<vmem>>
        %dma_start3A_634 = arith.constant 0 : i32
        %dma_start3A_635 = arith.constant 0 : i32
        %dma_start3A_636 = tpu.memref_slice %arg2[%dma_start3A_634, %dma_start3A_635] : memref<10240x128xf32, #tpu.memory_space<hbm>> -> memref<10240x128xf32, #tpu.memory_space<hbm>>
        tpu.enqueue_indirect_dma source(%dma_start3A_636 : memref<10240x128xf32, #tpu.memory_space<hbm>>) target(%dma_start3A_631 : memref<64x128xf32, #tpu.memory_space<vmem>>) offsets(%dma_start3A_633 : memref<64xi32, #tpu.memory_space<vmem>>) semaphore(%arg10 : memref<!tpu.dma_semaphore, #tpu.memory_space<semaphore_mem>>)
        %add3A_637 = arith.addi %mul3A_57, %add3A_229 : i32
        %add3A_638 = arith.constant 4 : i32
        %add3A_639 = arith.addi %add3A_637, %add3A_638 : i32
        %dma_start3A_640 = arith.constant 0 : i32
        %dma_start3A_641 = arith.constant 0 : i32
        %dma_start3A_642 = tpu.memref_slice %arg7[%dma_start3A_640, %dma_start3A_641] : memref<4x64xi32, #tpu.memory_space<vmem>> -> memref<1x64xi32, #tpu.memory_space<vmem>>
        %dma_start3A_643 = tpu.memref_squeeze %dma_start3A_642 : memref<1x64xi32, #tpu.memory_space<vmem>> -> memref<64xi32, #tpu.memory_space<vmem>>
        %dma_start3A_644 = arith.constant 0 : i32
        %dma_start3A_645 = tpu.memref_slice %arg4[%add3A_639, %dma_start3A_644] : memref<5120x64xi32, #tpu.memory_space<hbm>> -> memref<1x64xi32, #tpu.memory_space<hbm>>
        %dma_start3A_646 = tpu.memref_squeeze %dma_start3A_645 : memref<1x64xi32, #tpu.memory_space<hbm>> -> memref<64xi32, #tpu.memory_space<hbm>>
        %dma_start3A_647 = arith.constant 0 : i32
        %dma_start3A_648 = tpu.memref_slice %arg7[%dma_start3A_640, %dma_start3A_647] : memref<4x64xi32, #tpu.memory_space<vmem>> -> memref<1x64xi32, #tpu.memory_space<vmem>>
        %dma_start3A_649 = tpu.memref_squeeze %dma_start3A_648 : memref<1x64xi32, #tpu.memory_space<vmem>> -> memref<64xi32, #tpu.memory_space<vmem>>
        %dma_start3A_650 = arith.constant 0 : i32
        %dma_start3A_651 = tpu.memref_slice %arg4[%add3A_639, %dma_start3A_650] : memref<5120x64xi32, #tpu.memory_space<hbm>> -> memref<1x64xi32, #tpu.memory_space<hbm>>
        %dma_start3A_652 = tpu.memref_squeeze %dma_start3A_651 : memref<1x64xi32, #tpu.memory_space<hbm>> -> memref<64xi32, #tpu.memory_space<hbm>>
        tpu.enqueue_dma source(%dma_start3A_652 : memref<64xi32, #tpu.memory_space<hbm>>) target(%dma_start3A_649 : memref<64xi32, #tpu.memory_space<vmem>>) target_semaphore(%arg14 : memref<!tpu.dma_semaphore, #tpu.memory_space<semaphore_mem>>)
      } else {
      }
      %mul3A_303 = arith.constant 4 : i32
      %mul3A_304 = arith.muli %mul3A_303, %scan3A_224 : i32
      %add3A_305 = arith.constant 1 : i32
      %add3A_306 = arith.addi %mul3A_304, %add3A_305 : i32
      %jit3A_307 = arith.constant 2 : i32
      %div3A_308 = arith.divsi %add3A_306, %jit3A_307 : i32
      %sign3A_309 = arith.constant 0 : i32
      %sign3A_310 = arith.cmpi sgt, %add3A_306, %sign3A_309 : i32
      %sign3A_311 = arith.extui %sign3A_310 : i1 to i32
      %sign3A_312 = arith.constant 0 : i32
      %sign3A_313 = arith.cmpi slt, %add3A_306, %sign3A_312 : i32
      %sign3A_314 = arith.extui %sign3A_313 : i1 to i32
      %sign3A_315 = arith.subi %sign3A_311, %sign3A_314 : i32
      %sign3A_316 = arith.constant 0 : i32
      %sign3A_317 = arith.cmpi sgt, %jit3A_307, %sign3A_316 : i32
      %sign3A_318 = arith.extui %sign3A_317 : i1 to i32
      %sign3A_319 = arith.constant 0 : i32
      %sign3A_320 = arith.cmpi slt, %jit3A_307, %sign3A_319 : i32
      %sign3A_321 = arith.extui %sign3A_320 : i1 to i32
      %sign3A_322 = arith.subi %sign3A_318, %sign3A_321 : i32
      %ne3A_323 = arith.cmpi ne, %sign3A_315, %sign3A_322 : i32
      %rem3A_324 = arith.remsi %add3A_306, %jit3A_307 : i32
      %ne3A_325 = arith.constant 0 : i32
      %ne3A_326 = arith.cmpi ne, %rem3A_324, %ne3A_325 : i32
      %and3A_327 = arith.andi %ne3A_323, %ne3A_326 : i1
      %sub3A_328 = arith.constant 1 : i32
      %sub3A_329 = arith.subi %div3A_308, %sub3A_328 : i32
      %select_n3A_330 = arith.select %and3A_327, %sub3A_329, %div3A_308 : i32
      %jit3A_331 = arith.constant 2 : i32
      %eq3A_332 = arith.constant 0 : i32
      %eq3A_333 = arith.cmpi eq, %jit3A_331, %eq3A_332 : i32
      %jit3A_334 = arith.constant 1 : i32
      %select_n3A_335 = arith.select %eq3A_333, %jit3A_334, %jit3A_331 : i32
      %rem3A_336 = arith.remsi %add3A_306, %select_n3A_335 : i32
      %ne3A_337 = arith.constant 0 : i32
      %ne3A_338 = arith.cmpi ne, %rem3A_336, %ne3A_337 : i32
      %lt3A_339 = arith.constant 0 : i32
      %lt3A_340 = arith.cmpi slt, %rem3A_336, %lt3A_339 : i32
      %lt3A_341 = arith.constant 0 : i32
      %lt3A_342 = arith.cmpi slt, %select_n3A_335, %lt3A_341 : i32
      %ne3A_343 = arith.xori %lt3A_340, %lt3A_342 : i1
      %and3A_344 = arith.andi %ne3A_343, %ne3A_338 : i1
      %add3A_345 = arith.addi %rem3A_336, %select_n3A_335 : i32
      %select_n3A_346 = arith.select %and3A_344, %add3A_345, %rem3A_336 : i32
      %mul3A_347 = arith.constant 64 : i32
      %mul3A_348 = arith.muli %select_n3A_346, %mul3A_347 : i32
      %dma_wait3A_349 = arith.constant 1 : i32
      %dma_wait3A_350 = arith.constant 0 : i32
      %dma_wait3A_351 = arith.constant 0 : i32
      %dma_wait3A_352 = tpu.memref_slice %arg8[%dma_wait3A_349, %dma_wait3A_350, %dma_wait3A_351] : memref<4x64x128xf32, #tpu.memory_space<vmem>> -> memref<1x64x128xf32, #tpu.memory_space<vmem>>
      %dma_wait3A_353 = tpu.memref_squeeze %dma_wait3A_352 : memref<1x64x128xf32, #tpu.memory_space<vmem>> -> memref<64x128xf32, #tpu.memory_space<vmem>>
      %dma_wait3A_354 = tpu.memref_slice %arg6[%select_n3A_330, %mul3A_348] : memref<80x128xi32, #tpu.memory_space<vmem>> -> memref<1x64xi32, #tpu.memory_space<vmem>>
      %dma_wait3A_355 = tpu.memref_squeeze %dma_wait3A_354 : memref<1x64xi32, #tpu.memory_space<vmem>> -> memref<64xi32, #tpu.memory_space<vmem>>
      %dma_wait3A_356 = arith.constant 0 : i32
      %dma_wait3A_357 = arith.constant 0 : i32
      %dma_wait3A_358 = tpu.memref_slice %arg2[%dma_wait3A_356, %dma_wait3A_357] : memref<10240x128xf32, #tpu.memory_space<hbm>> -> memref<10240x128xf32, #tpu.memory_space<hbm>>
      tpu.wait_indirect_dma semaphore(%arg11 : memref<!tpu.dma_semaphore, #tpu.memory_space<semaphore_mem>>) src(%dma_wait3A_358 : memref<10240x128xf32, #tpu.memory_space<hbm>>) dst(%dma_wait3A_353 : memref<64x128xf32, #tpu.memory_space<vmem>>)
      %add3A_359 = arith.addi %mul3A_57, %add3A_306 : i32
      %dma_wait3A_360 = arith.constant 1 : i32
      %dma_wait3A_361 = arith.constant 0 : i32
      %dma_wait3A_362 = tpu.memref_slice %arg7[%dma_wait3A_360, %dma_wait3A_361] : memref<4x64xi32, #tpu.memory_space<vmem>> -> memref<1x64xi32, #tpu.memory_space<vmem>>
      %dma_wait3A_363 = tpu.memref_squeeze %dma_wait3A_362 : memref<1x64xi32, #tpu.memory_space<vmem>> -> memref<64xi32, #tpu.memory_space<vmem>>
      %dma_wait3A_364 = arith.constant 0 : i32
      %dma_wait3A_365 = tpu.memref_slice %arg4[%add3A_359, %dma_wait3A_364] : memref<5120x64xi32, #tpu.memory_space<hbm>> -> memref<1x64xi32, #tpu.memory_space<hbm>>
      %dma_wait3A_366 = tpu.memref_squeeze %dma_wait3A_365 : memref<1x64xi32, #tpu.memory_space<hbm>> -> memref<64xi32, #tpu.memory_space<hbm>>
      %dma_wait3A_367 = arith.constant 0 : i32
      %dma_wait3A_368 = tpu.memref_slice %arg7[%dma_wait3A_360, %dma_wait3A_367] : memref<4x64xi32, #tpu.memory_space<vmem>> -> memref<1x64xi32, #tpu.memory_space<vmem>>
      %dma_wait3A_369 = tpu.memref_squeeze %dma_wait3A_368 : memref<1x64xi32, #tpu.memory_space<vmem>> -> memref<64xi32, #tpu.memory_space<vmem>>
      %dma_wait3A_370 = arith.constant 0 : i32
      %dma_wait3A_371 = tpu.memref_slice %arg4[%add3A_359, %dma_wait3A_370] : memref<5120x64xi32, #tpu.memory_space<hbm>> -> memref<1x64xi32, #tpu.memory_space<hbm>>
      %dma_wait3A_372 = tpu.memref_squeeze %dma_wait3A_371 : memref<1x64xi32, #tpu.memory_space<hbm>> -> memref<64xi32, #tpu.memory_space<hbm>>
      tpu.wait_dma2 semaphore(%arg15 : memref<!tpu.dma_semaphore, #tpu.memory_space<semaphore_mem>>) src(%dma_wait3A_372 : memref<64xi32, #tpu.memory_space<hbm>>) dst(%dma_wait3A_369 : memref<64xi32, #tpu.memory_space<vmem>>)
      %dma_start3A_373 = arith.constant 1 : i32
      %dma_start3A_374 = arith.constant 1 : i32
      %dma_start3A_375 = arith.constant 0 : i32
      %dma_start3A_376 = arith.constant 0 : i32
      %dma_start3A_377 = tpu.memref_slice %arg8[%dma_start3A_373, %dma_start3A_375, %dma_start3A_376] : memref<4x64x128xf32, #tpu.memory_space<vmem>> -> memref<1x64x128xf32, #tpu.memory_space<vmem>>
      %dma_start3A_378 = tpu.memref_squeeze %dma_start3A_377 : memref<1x64x128xf32, #tpu.memory_space<vmem>> -> memref<64x128xf32, #tpu.memory_space<vmem>>
      %dma_start3A_379 = arith.constant 0 : i32
      %dma_start3A_380 = tpu.memref_slice %arg7[%dma_start3A_374, %dma_start3A_379] : memref<4x64xi32, #tpu.memory_space<vmem>> -> memref<1x64xi32, #tpu.memory_space<vmem>>
      %dma_start3A_381 = tpu.memref_squeeze %dma_start3A_380 : memref<1x64xi32, #tpu.memory_space<vmem>> -> memref<64xi32, #tpu.memory_space<vmem>>
      %dma_start3A_382 = arith.constant 0 : i32
      %dma_start3A_383 = arith.constant 0 : i32
      %dma_start3A_384 = tpu.memref_slice %arg9[%dma_start3A_382, %dma_start3A_383] : memref<10240x128xf32, #tpu.memory_space<vmem_shared>> -> memref<10240x128xf32, #tpu.memory_space<vmem_shared>>
      tpu.enqueue_indirect_dma source(%dma_start3A_378 : memref<64x128xf32, #tpu.memory_space<vmem>>) target(%dma_start3A_384 : memref<10240x128xf32, #tpu.memory_space<vmem_shared>>) offsets(%dma_start3A_381 : memref<64xi32, #tpu.memory_space<vmem>>) semaphore(%arg19 : memref<!tpu.dma_semaphore, #tpu.memory_space<semaphore_mem>>) {add = true}
      %add3A_385 = arith.constant 4 : i32
      %add3A_386 = arith.addi %add3A_306, %add3A_385 : i32
      %lt3A_387 = arith.constant 160 : i32
      %lt3A_388 = arith.cmpi slt, %add3A_386, %lt3A_387 : i32
      %convert_element_type3A_389 = arith.extui %lt3A_388 : i1 to i32
      %cond3A_390 = arith.constant 0 : i32
      %cond3A_391 = arith.cmpi ne, %convert_element_type3A_389, %cond3A_390 : i32
      scf.if %cond3A_391 {
        %dma_wait3A_571 = arith.constant 1 : i32
        %dma_wait3A_572 = arith.constant 1 : i32
        %dma_wait3A_573 = arith.constant 0 : i32
        %dma_wait3A_574 = arith.constant 0 : i32
        %dma_wait3A_575 = tpu.memref_slice %arg8[%dma_wait3A_571, %dma_wait3A_573, %dma_wait3A_574] : memref<4x64x128xf32, #tpu.memory_space<vmem>> -> memref<1x64x128xf32, #tpu.memory_space<vmem>>
        %dma_wait3A_576 = tpu.memref_squeeze %dma_wait3A_575 : memref<1x64x128xf32, #tpu.memory_space<vmem>> -> memref<64x128xf32, #tpu.memory_space<vmem>>
        %dma_wait3A_577 = arith.constant 0 : i32
        %dma_wait3A_578 = tpu.memref_slice %arg7[%dma_wait3A_572, %dma_wait3A_577] : memref<4x64xi32, #tpu.memory_space<vmem>> -> memref<1x64xi32, #tpu.memory_space<vmem>>
        %dma_wait3A_579 = tpu.memref_squeeze %dma_wait3A_578 : memref<1x64xi32, #tpu.memory_space<vmem>> -> memref<64xi32, #tpu.memory_space<vmem>>
        %dma_wait3A_580 = arith.constant 0 : i32
        %dma_wait3A_581 = arith.constant 0 : i32
        %dma_wait3A_582 = tpu.memref_slice %arg9[%dma_wait3A_580, %dma_wait3A_581] : memref<10240x128xf32, #tpu.memory_space<vmem_shared>> -> memref<10240x128xf32, #tpu.memory_space<vmem_shared>>
        tpu.wait_indirect_dma semaphore(%arg19 : memref<!tpu.dma_semaphore, #tpu.memory_space<semaphore_mem>>) src(%dma_wait3A_576 : memref<64x128xf32, #tpu.memory_space<vmem>>) dst(%dma_wait3A_582 : memref<10240x128xf32, #tpu.memory_space<vmem_shared>>)
        %add3A_583 = arith.constant 4 : i32
        %add3A_584 = arith.addi %add3A_306, %add3A_583 : i32
        %jit3A_585 = arith.constant 2 : i32
        %div3A_586 = arith.divsi %add3A_584, %jit3A_585 : i32
        %sign3A_587 = arith.constant 0 : i32
        %sign3A_588 = arith.cmpi sgt, %add3A_584, %sign3A_587 : i32
        %sign3A_589 = arith.extui %sign3A_588 : i1 to i32
        %sign3A_590 = arith.constant 0 : i32
        %sign3A_591 = arith.cmpi slt, %add3A_584, %sign3A_590 : i32
        %sign3A_592 = arith.extui %sign3A_591 : i1 to i32
        %sign3A_593 = arith.subi %sign3A_589, %sign3A_592 : i32
        %sign3A_594 = arith.constant 0 : i32
        %sign3A_595 = arith.cmpi sgt, %jit3A_585, %sign3A_594 : i32
        %sign3A_596 = arith.extui %sign3A_595 : i1 to i32
        %sign3A_597 = arith.constant 0 : i32
        %sign3A_598 = arith.cmpi slt, %jit3A_585, %sign3A_597 : i32
        %sign3A_599 = arith.extui %sign3A_598 : i1 to i32
        %sign3A_600 = arith.subi %sign3A_596, %sign3A_599 : i32
        %ne3A_601 = arith.cmpi ne, %sign3A_593, %sign3A_600 : i32
        %rem3A_602 = arith.remsi %add3A_584, %jit3A_585 : i32
        %ne3A_603 = arith.constant 0 : i32
        %ne3A_604 = arith.cmpi ne, %rem3A_602, %ne3A_603 : i32
        %and3A_605 = arith.andi %ne3A_601, %ne3A_604 : i1
        %sub3A_606 = arith.constant 1 : i32
        %sub3A_607 = arith.subi %div3A_586, %sub3A_606 : i32
        %select_n3A_608 = arith.select %and3A_605, %sub3A_607, %div3A_586 : i32
        %jit3A_609 = arith.constant 2 : i32
        %eq3A_610 = arith.constant 0 : i32
        %eq3A_611 = arith.cmpi eq, %jit3A_609, %eq3A_610 : i32
        %jit3A_612 = arith.constant 1 : i32
        %select_n3A_613 = arith.select %eq3A_611, %jit3A_612, %jit3A_609 : i32
        %rem3A_614 = arith.remsi %add3A_584, %select_n3A_613 : i32
        %ne3A_615 = arith.constant 0 : i32
        %ne3A_616 = arith.cmpi ne, %rem3A_614, %ne3A_615 : i32
        %lt3A_617 = arith.constant 0 : i32
        %lt3A_618 = arith.cmpi slt, %rem3A_614, %lt3A_617 : i32
        %lt3A_619 = arith.constant 0 : i32
        %lt3A_620 = arith.cmpi slt, %select_n3A_613, %lt3A_619 : i32
        %ne3A_621 = arith.xori %lt3A_618, %lt3A_620 : i1
        %and3A_622 = arith.andi %ne3A_621, %ne3A_616 : i1
        %add3A_623 = arith.addi %rem3A_614, %select_n3A_613 : i32
        %select_n3A_624 = arith.select %and3A_622, %add3A_623, %rem3A_614 : i32
        %mul3A_625 = arith.constant 64 : i32
        %mul3A_626 = arith.muli %select_n3A_624, %mul3A_625 : i32
        %dma_start3A_627 = arith.constant 1 : i32
        %dma_start3A_628 = arith.constant 0 : i32
        %dma_start3A_629 = arith.constant 0 : i32
        %dma_start3A_630 = tpu.memref_slice %arg8[%dma_start3A_627, %dma_start3A_628, %dma_start3A_629] : memref<4x64x128xf32, #tpu.memory_space<vmem>> -> memref<1x64x128xf32, #tpu.memory_space<vmem>>
        %dma_start3A_631 = tpu.memref_squeeze %dma_start3A_630 : memref<1x64x128xf32, #tpu.memory_space<vmem>> -> memref<64x128xf32, #tpu.memory_space<vmem>>
        %dma_start3A_632 = tpu.memref_slice %arg6[%select_n3A_608, %mul3A_626] : memref<80x128xi32, #tpu.memory_space<vmem>> -> memref<1x64xi32, #tpu.memory_space<vmem>>
        %dma_start3A_633 = tpu.memref_squeeze %dma_start3A_632 : memref<1x64xi32, #tpu.memory_space<vmem>> -> memref<64xi32, #tpu.memory_space<vmem>>
        %dma_start3A_634 = arith.constant 0 : i32
        %dma_start3A_635 = arith.constant 0 : i32
        %dma_start3A_636 = tpu.memref_slice %arg2[%dma_start3A_634, %dma_start3A_635] : memref<10240x128xf32, #tpu.memory_space<hbm>> -> memref<10240x128xf32, #tpu.memory_space<hbm>>
        tpu.enqueue_indirect_dma source(%dma_start3A_636 : memref<10240x128xf32, #tpu.memory_space<hbm>>) target(%dma_start3A_631 : memref<64x128xf32, #tpu.memory_space<vmem>>) offsets(%dma_start3A_633 : memref<64xi32, #tpu.memory_space<vmem>>) semaphore(%arg11 : memref<!tpu.dma_semaphore, #tpu.memory_space<semaphore_mem>>)
        %add3A_637 = arith.addi %mul3A_57, %add3A_306 : i32
        %add3A_638 = arith.constant 4 : i32
        %add3A_639 = arith.addi %add3A_637, %add3A_638 : i32
        %dma_start3A_640 = arith.constant 1 : i32
        %dma_start3A_641 = arith.constant 0 : i32
        %dma_start3A_642 = tpu.memref_slice %arg7[%dma_start3A_640, %dma_start3A_641] : memref<4x64xi32, #tpu.memory_space<vmem>> -> memref<1x64xi32, #tpu.memory_space<vmem>>
        %dma_start3A_643 = tpu.memref_squeeze %dma_start3A_642 : memref<1x64xi32, #tpu.memory_space<vmem>> -> memref<64xi32, #tpu.memory_space<vmem>>
        %dma_start3A_644 = arith.constant 0 : i32
        %dma_start3A_645 = tpu.memref_slice %arg4[%add3A_639, %dma_start3A_644] : memref<5120x64xi32, #tpu.memory_space<hbm>> -> memref<1x64xi32, #tpu.memory_space<hbm>>
        %dma_start3A_646 = tpu.memref_squeeze %dma_start3A_645 : memref<1x64xi32, #tpu.memory_space<hbm>> -> memref<64xi32, #tpu.memory_space<hbm>>
        %dma_start3A_647 = arith.constant 0 : i32
        %dma_start3A_648 = tpu.memref_slice %arg7[%dma_start3A_640, %dma_start3A_647] : memref<4x64xi32, #tpu.memory_space<vmem>> -> memref<1x64xi32, #tpu.memory_space<vmem>>
        %dma_start3A_649 = tpu.memref_squeeze %dma_start3A_648 : memref<1x64xi32, #tpu.memory_space<vmem>> -> memref<64xi32, #tpu.memory_space<vmem>>
        %dma_start3A_650 = arith.constant 0 : i32
        %dma_start3A_651 = tpu.memref_slice %arg4[%add3A_639, %dma_start3A_650] : memref<5120x64xi32, #tpu.memory_space<hbm>> -> memref<1x64xi32, #tpu.memory_space<hbm>>
        %dma_start3A_652 = tpu.memref_squeeze %dma_start3A_651 : memref<1x64xi32, #tpu.memory_space<hbm>> -> memref<64xi32, #tpu.memory_space<hbm>>
        tpu.enqueue_dma source(%dma_start3A_652 : memref<64xi32, #tpu.memory_space<hbm>>) target(%dma_start3A_649 : memref<64xi32, #tpu.memory_space<vmem>>) target_semaphore(%arg15 : memref<!tpu.dma_semaphore, #tpu.memory_space<semaphore_mem>>)
      } else {
      }
      %mul3A_392 = arith.constant 4 : i32
      %mul3A_393 = arith.muli %mul3A_392, %scan3A_224 : i32
      %add3A_394 = arith.constant 2 : i32
      %add3A_395 = arith.addi %mul3A_393, %add3A_394 : i32
      %jit3A_396 = arith.constant 2 : i32
      %div3A_397 = arith.divsi %add3A_395, %jit3A_396 : i32
      %sign3A_398 = arith.constant 0 : i32
      %sign3A_399 = arith.cmpi sgt, %add3A_395, %sign3A_398 : i32
      %sign3A_400 = arith.extui %sign3A_399 : i1 to i32
      %sign3A_401 = arith.constant 0 : i32
      %sign3A_402 = arith.cmpi slt, %add3A_395, %sign3A_401 : i32
      %sign3A_403 = arith.extui %sign3A_402 : i1 to i32
      %sign3A_404 = arith.subi %sign3A_400, %sign3A_403 : i32
      %sign3A_405 = arith.constant 0 : i32
      %sign3A_406 = arith.cmpi sgt, %jit3A_396, %sign3A_405 : i32
      %sign3A_407 = arith.extui %sign3A_406 : i1 to i32
      %sign3A_408 = arith.constant 0 : i32
      %sign3A_409 = arith.cmpi slt, %jit3A_396, %sign3A_408 : i32
      %sign3A_410 = arith.extui %sign3A_409 : i1 to i32
      %sign3A_411 = arith.subi %sign3A_407, %sign3A_410 : i32
      %ne3A_412 = arith.cmpi ne, %sign3A_404, %sign3A_411 : i32
      %rem3A_413 = arith.remsi %add3A_395, %jit3A_396 : i32
      %ne3A_414 = arith.constant 0 : i32
      %ne3A_415 = arith.cmpi ne, %rem3A_413, %ne3A_414 : i32
      %and3A_416 = arith.andi %ne3A_412, %ne3A_415 : i1
      %sub3A_417 = arith.constant 1 : i32
      %sub3A_418 = arith.subi %div3A_397, %sub3A_417 : i32
      %select_n3A_419 = arith.select %and3A_416, %sub3A_418, %div3A_397 : i32
      %jit3A_420 = arith.constant 2 : i32
      %eq3A_421 = arith.constant 0 : i32
      %eq3A_422 = arith.cmpi eq, %jit3A_420, %eq3A_421 : i32
      %jit3A_423 = arith.constant 1 : i32
      %select_n3A_424 = arith.select %eq3A_422, %jit3A_423, %jit3A_420 : i32
      %rem3A_425 = arith.remsi %add3A_395, %select_n3A_424 : i32
      %ne3A_426 = arith.constant 0 : i32
      %ne3A_427 = arith.cmpi ne, %rem3A_425, %ne3A_426 : i32
      %lt3A_428 = arith.constant 0 : i32
      %lt3A_429 = arith.cmpi slt, %rem3A_425, %lt3A_428 : i32
      %lt3A_430 = arith.constant 0 : i32
      %lt3A_431 = arith.cmpi slt, %select_n3A_424, %lt3A_430 : i32
      %ne3A_432 = arith.xori %lt3A_429, %lt3A_431 : i1
      %and3A_433 = arith.andi %ne3A_432, %ne3A_427 : i1
      %add3A_434 = arith.addi %rem3A_425, %select_n3A_424 : i32
      %select_n3A_435 = arith.select %and3A_433, %add3A_434, %rem3A_425 : i32
      %mul3A_436 = arith.constant 64 : i32
      %mul3A_437 = arith.muli %select_n3A_435, %mul3A_436 : i32
      %dma_wait3A_438 = arith.constant 2 : i32
      %dma_wait3A_439 = arith.constant 0 : i32
      %dma_wait3A_440 = arith.constant 0 : i32
      %dma_wait3A_441 = tpu.memref_slice %arg8[%dma_wait3A_438, %dma_wait3A_439, %dma_wait3A_440] : memref<4x64x128xf32, #tpu.memory_space<vmem>> -> memref<1x64x128xf32, #tpu.memory_space<vmem>>
      %dma_wait3A_442 = tpu.memref_squeeze %dma_wait3A_441 : memref<1x64x128xf32, #tpu.memory_space<vmem>> -> memref<64x128xf32, #tpu.memory_space<vmem>>
      %dma_wait3A_443 = tpu.memref_slice %arg6[%select_n3A_419, %mul3A_437] : memref<80x128xi32, #tpu.memory_space<vmem>> -> memref<1x64xi32, #tpu.memory_space<vmem>>
      %dma_wait3A_444 = tpu.memref_squeeze %dma_wait3A_443 : memref<1x64xi32, #tpu.memory_space<vmem>> -> memref<64xi32, #tpu.memory_space<vmem>>
      %dma_wait3A_445 = arith.constant 0 : i32
      %dma_wait3A_446 = arith.constant 0 : i32
      %dma_wait3A_447 = tpu.memref_slice %arg2[%dma_wait3A_445, %dma_wait3A_446] : memref<10240x128xf32, #tpu.memory_space<hbm>> -> memref<10240x128xf32, #tpu.memory_space<hbm>>
      tpu.wait_indirect_dma semaphore(%arg12 : memref<!tpu.dma_semaphore, #tpu.memory_space<semaphore_mem>>) src(%dma_wait3A_447 : memref<10240x128xf32, #tpu.memory_space<hbm>>) dst(%dma_wait3A_442 : memref<64x128xf32, #tpu.memory_space<vmem>>)
      %add3A_448 = arith.addi %mul3A_57, %add3A_395 : i32
      %dma_wait3A_449 = arith.constant 2 : i32
      %dma_wait3A_450 = arith.constant 0 : i32
      %dma_wait3A_451 = tpu.memref_slice %arg7[%dma_wait3A_449, %dma_wait3A_450] : memref<4x64xi32, #tpu.memory_space<vmem>> -> memref<1x64xi32, #tpu.memory_space<vmem>>
      %dma_wait3A_452 = tpu.memref_squeeze %dma_wait3A_451 : memref<1x64xi32, #tpu.memory_space<vmem>> -> memref<64xi32, #tpu.memory_space<vmem>>
      %dma_wait3A_453 = arith.constant 0 : i32
      %dma_wait3A_454 = tpu.memref_slice %arg4[%add3A_448, %dma_wait3A_453] : memref<5120x64xi32, #tpu.memory_space<hbm>> -> memref<1x64xi32, #tpu.memory_space<hbm>>
      %dma_wait3A_455 = tpu.memref_squeeze %dma_wait3A_454 : memref<1x64xi32, #tpu.memory_space<hbm>> -> memref<64xi32, #tpu.memory_space<hbm>>
      %dma_wait3A_456 = arith.constant 0 : i32
      %dma_wait3A_457 = tpu.memref_slice %arg7[%dma_wait3A_449, %dma_wait3A_456] : memref<4x64xi32, #tpu.memory_space<vmem>> -> memref<1x64xi32, #tpu.memory_space<vmem>>
      %dma_wait3A_458 = tpu.memref_squeeze %dma_wait3A_457 : memref<1x64xi32, #tpu.memory_space<vmem>> -> memref<64xi32, #tpu.memory_space<vmem>>
      %dma_wait3A_459 = arith.constant 0 : i32
      %dma_wait3A_460 = tpu.memref_slice %arg4[%add3A_448, %dma_wait3A_459] : memref<5120x64xi32, #tpu.memory_space<hbm>> -> memref<1x64xi32, #tpu.memory_space<hbm>>
      %dma_wait3A_461 = tpu.memref_squeeze %dma_wait3A_460 : memref<1x64xi32, #tpu.memory_space<hbm>> -> memref<64xi32, #tpu.memory_space<hbm>>
      tpu.wait_dma2 semaphore(%arg16 : memref<!tpu.dma_semaphore, #tpu.memory_space<semaphore_mem>>) src(%dma_wait3A_461 : memref<64xi32, #tpu.memory_space<hbm>>) dst(%dma_wait3A_458 : memref<64xi32, #tpu.memory_space<vmem>>)
      %dma_start3A_462 = arith.constant 2 : i32
      %dma_start3A_463 = arith.constant 2 : i32
      %dma_start3A_464 = arith.constant 0 : i32
      %dma_start3A_465 = arith.constant 0 : i32
      %dma_start3A_466 = tpu.memref_slice %arg8[%dma_start3A_462, %dma_start3A_464, %dma_start3A_465] : memref<4x64x128xf32, #tpu.memory_space<vmem>> -> memref<1x64x128xf32, #tpu.memory_space<vmem>>
      %dma_start3A_467 = tpu.memref_squeeze %dma_start3A_466 : memref<1x64x128xf32, #tpu.memory_space<vmem>> -> memref<64x128xf32, #tpu.memory_space<vmem>>
      %dma_start3A_468 = arith.constant 0 : i32
      %dma_start3A_469 = tpu.memref_slice %arg7[%dma_start3A_463, %dma_start3A_468] : memref<4x64xi32, #tpu.memory_space<vmem>> -> memref<1x64xi32, #tpu.memory_space<vmem>>
      %dma_start3A_470 = tpu.memref_squeeze %dma_start3A_469 : memref<1x64xi32, #tpu.memory_space<vmem>> -> memref<64xi32, #tpu.memory_space<vmem>>
      %dma_start3A_471 = arith.constant 0 : i32
      %dma_start3A_472 = arith.constant 0 : i32
      %dma_start3A_473 = tpu.memref_slice %arg9[%dma_start3A_471, %dma_start3A_472] : memref<10240x128xf32, #tpu.memory_space<vmem_shared>> -> memref<10240x128xf32, #tpu.memory_space<vmem_shared>>
      tpu.enqueue_indirect_dma source(%dma_start3A_467 : memref<64x128xf32, #tpu.memory_space<vmem>>) target(%dma_start3A_473 : memref<10240x128xf32, #tpu.memory_space<vmem_shared>>) offsets(%dma_start3A_470 : memref<64xi32, #tpu.memory_space<vmem>>) semaphore(%arg20 : memref<!tpu.dma_semaphore, #tpu.memory_space<semaphore_mem>>) {add = true}
      %add3A_474 = arith.constant 4 : i32
      %add3A_475 = arith.addi %add3A_395, %add3A_474 : i32
      %lt3A_476 = arith.constant 160 : i32
      %lt3A_477 = arith.cmpi slt, %add3A_475, %lt3A_476 : i32
      %convert_element_type3A_478 = arith.extui %lt3A_477 : i1 to i32
      %cond3A_479 = arith.constant 0 : i32
      %cond3A_480 = arith.cmpi ne, %convert_element_type3A_478, %cond3A_479 : i32
      scf.if %cond3A_480 {
        %dma_wait3A_571 = arith.constant 2 : i32
        %dma_wait3A_572 = arith.constant 2 : i32
        %dma_wait3A_573 = arith.constant 0 : i32
        %dma_wait3A_574 = arith.constant 0 : i32
        %dma_wait3A_575 = tpu.memref_slice %arg8[%dma_wait3A_571, %dma_wait3A_573, %dma_wait3A_574] : memref<4x64x128xf32, #tpu.memory_space<vmem>> -> memref<1x64x128xf32, #tpu.memory_space<vmem>>
        %dma_wait3A_576 = tpu.memref_squeeze %dma_wait3A_575 : memref<1x64x128xf32, #tpu.memory_space<vmem>> -> memref<64x128xf32, #tpu.memory_space<vmem>>
        %dma_wait3A_577 = arith.constant 0 : i32
        %dma_wait3A_578 = tpu.memref_slice %arg7[%dma_wait3A_572, %dma_wait3A_577] : memref<4x64xi32, #tpu.memory_space<vmem>> -> memref<1x64xi32, #tpu.memory_space<vmem>>
        %dma_wait3A_579 = tpu.memref_squeeze %dma_wait3A_578 : memref<1x64xi32, #tpu.memory_space<vmem>> -> memref<64xi32, #tpu.memory_space<vmem>>
        %dma_wait3A_580 = arith.constant 0 : i32
        %dma_wait3A_581 = arith.constant 0 : i32
        %dma_wait3A_582 = tpu.memref_slice %arg9[%dma_wait3A_580, %dma_wait3A_581] : memref<10240x128xf32, #tpu.memory_space<vmem_shared>> -> memref<10240x128xf32, #tpu.memory_space<vmem_shared>>
        tpu.wait_indirect_dma semaphore(%arg20 : memref<!tpu.dma_semaphore, #tpu.memory_space<semaphore_mem>>) src(%dma_wait3A_576 : memref<64x128xf32, #tpu.memory_space<vmem>>) dst(%dma_wait3A_582 : memref<10240x128xf32, #tpu.memory_space<vmem_shared>>)
        %add3A_583 = arith.constant 4 : i32
        %add3A_584 = arith.addi %add3A_395, %add3A_583 : i32
        %jit3A_585 = arith.constant 2 : i32
        %div3A_586 = arith.divsi %add3A_584, %jit3A_585 : i32
        %sign3A_587 = arith.constant 0 : i32
        %sign3A_588 = arith.cmpi sgt, %add3A_584, %sign3A_587 : i32
        %sign3A_589 = arith.extui %sign3A_588 : i1 to i32
        %sign3A_590 = arith.constant 0 : i32
        %sign3A_591 = arith.cmpi slt, %add3A_584, %sign3A_590 : i32
        %sign3A_592 = arith.extui %sign3A_591 : i1 to i32
        %sign3A_593 = arith.subi %sign3A_589, %sign3A_592 : i32
        %sign3A_594 = arith.constant 0 : i32
        %sign3A_595 = arith.cmpi sgt, %jit3A_585, %sign3A_594 : i32
        %sign3A_596 = arith.extui %sign3A_595 : i1 to i32
        %sign3A_597 = arith.constant 0 : i32
        %sign3A_598 = arith.cmpi slt, %jit3A_585, %sign3A_597 : i32
        %sign3A_599 = arith.extui %sign3A_598 : i1 to i32
        %sign3A_600 = arith.subi %sign3A_596, %sign3A_599 : i32
        %ne3A_601 = arith.cmpi ne, %sign3A_593, %sign3A_600 : i32
        %rem3A_602 = arith.remsi %add3A_584, %jit3A_585 : i32
        %ne3A_603 = arith.constant 0 : i32
        %ne3A_604 = arith.cmpi ne, %rem3A_602, %ne3A_603 : i32
        %and3A_605 = arith.andi %ne3A_601, %ne3A_604 : i1
        %sub3A_606 = arith.constant 1 : i32
        %sub3A_607 = arith.subi %div3A_586, %sub3A_606 : i32
        %select_n3A_608 = arith.select %and3A_605, %sub3A_607, %div3A_586 : i32
        %jit3A_609 = arith.constant 2 : i32
        %eq3A_610 = arith.constant 0 : i32
        %eq3A_611 = arith.cmpi eq, %jit3A_609, %eq3A_610 : i32
        %jit3A_612 = arith.constant 1 : i32
        %select_n3A_613 = arith.select %eq3A_611, %jit3A_612, %jit3A_609 : i32
        %rem3A_614 = arith.remsi %add3A_584, %select_n3A_613 : i32
        %ne3A_615 = arith.constant 0 : i32
        %ne3A_616 = arith.cmpi ne, %rem3A_614, %ne3A_615 : i32
        %lt3A_617 = arith.constant 0 : i32
        %lt3A_618 = arith.cmpi slt, %rem3A_614, %lt3A_617 : i32
        %lt3A_619 = arith.constant 0 : i32
        %lt3A_620 = arith.cmpi slt, %select_n3A_613, %lt3A_619 : i32
        %ne3A_621 = arith.xori %lt3A_618, %lt3A_620 : i1
        %and3A_622 = arith.andi %ne3A_621, %ne3A_616 : i1
        %add3A_623 = arith.addi %rem3A_614, %select_n3A_613 : i32
        %select_n3A_624 = arith.select %and3A_622, %add3A_623, %rem3A_614 : i32
        %mul3A_625 = arith.constant 64 : i32
        %mul3A_626 = arith.muli %select_n3A_624, %mul3A_625 : i32
        %dma_start3A_627 = arith.constant 2 : i32
        %dma_start3A_628 = arith.constant 0 : i32
        %dma_start3A_629 = arith.constant 0 : i32
        %dma_start3A_630 = tpu.memref_slice %arg8[%dma_start3A_627, %dma_start3A_628, %dma_start3A_629] : memref<4x64x128xf32, #tpu.memory_space<vmem>> -> memref<1x64x128xf32, #tpu.memory_space<vmem>>
        %dma_start3A_631 = tpu.memref_squeeze %dma_start3A_630 : memref<1x64x128xf32, #tpu.memory_space<vmem>> -> memref<64x128xf32, #tpu.memory_space<vmem>>
        %dma_start3A_632 = tpu.memref_slice %arg6[%select_n3A_608, %mul3A_626] : memref<80x128xi32, #tpu.memory_space<vmem>> -> memref<1x64xi32, #tpu.memory_space<vmem>>
        %dma_start3A_633 = tpu.memref_squeeze %dma_start3A_632 : memref<1x64xi32, #tpu.memory_space<vmem>> -> memref<64xi32, #tpu.memory_space<vmem>>
        %dma_start3A_634 = arith.constant 0 : i32
        %dma_start3A_635 = arith.constant 0 : i32
        %dma_start3A_636 = tpu.memref_slice %arg2[%dma_start3A_634, %dma_start3A_635] : memref<10240x128xf32, #tpu.memory_space<hbm>> -> memref<10240x128xf32, #tpu.memory_space<hbm>>
        tpu.enqueue_indirect_dma source(%dma_start3A_636 : memref<10240x128xf32, #tpu.memory_space<hbm>>) target(%dma_start3A_631 : memref<64x128xf32, #tpu.memory_space<vmem>>) offsets(%dma_start3A_633 : memref<64xi32, #tpu.memory_space<vmem>>) semaphore(%arg12 : memref<!tpu.dma_semaphore, #tpu.memory_space<semaphore_mem>>)
        %add3A_637 = arith.addi %mul3A_57, %add3A_395 : i32
        %add3A_638 = arith.constant 4 : i32
        %add3A_639 = arith.addi %add3A_637, %add3A_638 : i32
        %dma_start3A_640 = arith.constant 2 : i32
        %dma_start3A_641 = arith.constant 0 : i32
        %dma_start3A_642 = tpu.memref_slice %arg7[%dma_start3A_640, %dma_start3A_641] : memref<4x64xi32, #tpu.memory_space<vmem>> -> memref<1x64xi32, #tpu.memory_space<vmem>>
        %dma_start3A_643 = tpu.memref_squeeze %dma_start3A_642 : memref<1x64xi32, #tpu.memory_space<vmem>> -> memref<64xi32, #tpu.memory_space<vmem>>
        %dma_start3A_644 = arith.constant 0 : i32
        %dma_start3A_645 = tpu.memref_slice %arg4[%add3A_639, %dma_start3A_644] : memref<5120x64xi32, #tpu.memory_space<hbm>> -> memref<1x64xi32, #tpu.memory_space<hbm>>
        %dma_start3A_646 = tpu.memref_squeeze %dma_start3A_645 : memref<1x64xi32, #tpu.memory_space<hbm>> -> memref<64xi32, #tpu.memory_space<hbm>>
        %dma_start3A_647 = arith.constant 0 : i32
        %dma_start3A_648 = tpu.memref_slice %arg7[%dma_start3A_640, %dma_start3A_647] : memref<4x64xi32, #tpu.memory_space<vmem>> -> memref<1x64xi32, #tpu.memory_space<vmem>>
        %dma_start3A_649 = tpu.memref_squeeze %dma_start3A_648 : memref<1x64xi32, #tpu.memory_space<vmem>> -> memref<64xi32, #tpu.memory_space<vmem>>
        %dma_start3A_650 = arith.constant 0 : i32
        %dma_start3A_651 = tpu.memref_slice %arg4[%add3A_639, %dma_start3A_650] : memref<5120x64xi32, #tpu.memory_space<hbm>> -> memref<1x64xi32, #tpu.memory_space<hbm>>
        %dma_start3A_652 = tpu.memref_squeeze %dma_start3A_651 : memref<1x64xi32, #tpu.memory_space<hbm>> -> memref<64xi32, #tpu.memory_space<hbm>>
        tpu.enqueue_dma source(%dma_start3A_652 : memref<64xi32, #tpu.memory_space<hbm>>) target(%dma_start3A_649 : memref<64xi32, #tpu.memory_space<vmem>>) target_semaphore(%arg16 : memref<!tpu.dma_semaphore, #tpu.memory_space<semaphore_mem>>)
      } else {
      }
      %mul3A_481 = arith.constant 4 : i32
      %mul3A_482 = arith.muli %mul3A_481, %scan3A_224 : i32
      %add3A_483 = arith.constant 3 : i32
      %add3A_484 = arith.addi %mul3A_482, %add3A_483 : i32
      %jit3A_485 = arith.constant 2 : i32
      %div3A_486 = arith.divsi %add3A_484, %jit3A_485 : i32
      %sign3A_487 = arith.constant 0 : i32
      %sign3A_488 = arith.cmpi sgt, %add3A_484, %sign3A_487 : i32
      %sign3A_489 = arith.extui %sign3A_488 : i1 to i32
      %sign3A_490 = arith.constant 0 : i32
      %sign3A_491 = arith.cmpi slt, %add3A_484, %sign3A_490 : i32
      %sign3A_492 = arith.extui %sign3A_491 : i1 to i32
      %sign3A_493 = arith.subi %sign3A_489, %sign3A_492 : i32
      %sign3A_494 = arith.constant 0 : i32
      %sign3A_495 = arith.cmpi sgt, %jit3A_485, %sign3A_494 : i32
      %sign3A_496 = arith.extui %sign3A_495 : i1 to i32
      %sign3A_497 = arith.constant 0 : i32
      %sign3A_498 = arith.cmpi slt, %jit3A_485, %sign3A_497 : i32
      %sign3A_499 = arith.extui %sign3A_498 : i1 to i32
      %sign3A_500 = arith.subi %sign3A_496, %sign3A_499 : i32
      %ne3A_501 = arith.cmpi ne, %sign3A_493, %sign3A_500 : i32
      %rem3A_502 = arith.remsi %add3A_484, %jit3A_485 : i32
      %ne3A_503 = arith.constant 0 : i32
      %ne3A_504 = arith.cmpi ne, %rem3A_502, %ne3A_503 : i32
      %and3A_505 = arith.andi %ne3A_501, %ne3A_504 : i1
      %sub3A_506 = arith.constant 1 : i32
      %sub3A_507 = arith.subi %div3A_486, %sub3A_506 : i32
      %select_n3A_508 = arith.select %and3A_505, %sub3A_507, %div3A_486 : i32
      %jit3A_509 = arith.constant 2 : i32
      %eq3A_510 = arith.constant 0 : i32
      %eq3A_511 = arith.cmpi eq, %jit3A_509, %eq3A_510 : i32
      %jit3A_512 = arith.constant 1 : i32
      %select_n3A_513 = arith.select %eq3A_511, %jit3A_512, %jit3A_509 : i32
      %rem3A_514 = arith.remsi %add3A_484, %select_n3A_513 : i32
      %ne3A_515 = arith.constant 0 : i32
      %ne3A_516 = arith.cmpi ne, %rem3A_514, %ne3A_515 : i32
      %lt3A_517 = arith.constant 0 : i32
      %lt3A_518 = arith.cmpi slt, %rem3A_514, %lt3A_517 : i32
      %lt3A_519 = arith.constant 0 : i32
      %lt3A_520 = arith.cmpi slt, %select_n3A_513, %lt3A_519 : i32
      %ne3A_521 = arith.xori %lt3A_518, %lt3A_520 : i1
      %and3A_522 = arith.andi %ne3A_521, %ne3A_516 : i1
      %add3A_523 = arith.addi %rem3A_514, %select_n3A_513 : i32
      %select_n3A_524 = arith.select %and3A_522, %add3A_523, %rem3A_514 : i32
      %mul3A_525 = arith.constant 64 : i32
      %mul3A_526 = arith.muli %select_n3A_524, %mul3A_525 : i32
      %dma_wait3A_527 = arith.constant 3 : i32
      %dma_wait3A_528 = arith.constant 0 : i32
      %dma_wait3A_529 = arith.constant 0 : i32
      %dma_wait3A_530 = tpu.memref_slice %arg8[%dma_wait3A_527, %dma_wait3A_528, %dma_wait3A_529] : memref<4x64x128xf32, #tpu.memory_space<vmem>> -> memref<1x64x128xf32, #tpu.memory_space<vmem>>
      %dma_wait3A_531 = tpu.memref_squeeze %dma_wait3A_530 : memref<1x64x128xf32, #tpu.memory_space<vmem>> -> memref<64x128xf32, #tpu.memory_space<vmem>>
      %dma_wait3A_532 = tpu.memref_slice %arg6[%select_n3A_508, %mul3A_526] : memref<80x128xi32, #tpu.memory_space<vmem>> -> memref<1x64xi32, #tpu.memory_space<vmem>>
      %dma_wait3A_533 = tpu.memref_squeeze %dma_wait3A_532 : memref<1x64xi32, #tpu.memory_space<vmem>> -> memref<64xi32, #tpu.memory_space<vmem>>
      %dma_wait3A_534 = arith.constant 0 : i32
      %dma_wait3A_535 = arith.constant 0 : i32
      %dma_wait3A_536 = tpu.memref_slice %arg2[%dma_wait3A_534, %dma_wait3A_535] : memref<10240x128xf32, #tpu.memory_space<hbm>> -> memref<10240x128xf32, #tpu.memory_space<hbm>>
      tpu.wait_indirect_dma semaphore(%arg13 : memref<!tpu.dma_semaphore, #tpu.memory_space<semaphore_mem>>) src(%dma_wait3A_536 : memref<10240x128xf32, #tpu.memory_space<hbm>>) dst(%dma_wait3A_531 : memref<64x128xf32, #tpu.memory_space<vmem>>)
      %add3A_537 = arith.addi %mul3A_57, %add3A_484 : i32
      %dma_wait3A_538 = arith.constant 3 : i32
      %dma_wait3A_539 = arith.constant 0 : i32
      %dma_wait3A_540 = tpu.memref_slice %arg7[%dma_wait3A_538, %dma_wait3A_539] : memref<4x64xi32, #tpu.memory_space<vmem>> -> memref<1x64xi32, #tpu.memory_space<vmem>>
      %dma_wait3A_541 = tpu.memref_squeeze %dma_wait3A_540 : memref<1x64xi32, #tpu.memory_space<vmem>> -> memref<64xi32, #tpu.memory_space<vmem>>
      %dma_wait3A_542 = arith.constant 0 : i32
      %dma_wait3A_543 = tpu.memref_slice %arg4[%add3A_537, %dma_wait3A_542] : memref<5120x64xi32, #tpu.memory_space<hbm>> -> memref<1x64xi32, #tpu.memory_space<hbm>>
      %dma_wait3A_544 = tpu.memref_squeeze %dma_wait3A_543 : memref<1x64xi32, #tpu.memory_space<hbm>> -> memref<64xi32, #tpu.memory_space<hbm>>
      %dma_wait3A_545 = arith.constant 0 : i32
      %dma_wait3A_546 = tpu.memref_slice %arg7[%dma_wait3A_538, %dma_wait3A_545] : memref<4x64xi32, #tpu.memory_space<vmem>> -> memref<1x64xi32, #tpu.memory_space<vmem>>
      %dma_wait3A_547 = tpu.memref_squeeze %dma_wait3A_546 : memref<1x64xi32, #tpu.memory_space<vmem>> -> memref<64xi32, #tpu.memory_space<vmem>>
      %dma_wait3A_548 = arith.constant 0 : i32
      %dma_wait3A_549 = tpu.memref_slice %arg4[%add3A_537, %dma_wait3A_548] : memref<5120x64xi32, #tpu.memory_space<hbm>> -> memref<1x64xi32, #tpu.memory_space<hbm>>
      %dma_wait3A_550 = tpu.memref_squeeze %dma_wait3A_549 : memref<1x64xi32, #tpu.memory_space<hbm>> -> memref<64xi32, #tpu.memory_space<hbm>>
      tpu.wait_dma2 semaphore(%arg17 : memref<!tpu.dma_semaphore, #tpu.memory_space<semaphore_mem>>) src(%dma_wait3A_550 : memref<64xi32, #tpu.memory_space<hbm>>) dst(%dma_wait3A_547 : memref<64xi32, #tpu.memory_space<vmem>>)
      %dma_start3A_551 = arith.constant 3 : i32
      %dma_start3A_552 = arith.constant 3 : i32
      %dma_start3A_553 = arith.constant 0 : i32
      %dma_start3A_554 = arith.constant 0 : i32
      %dma_start3A_555 = tpu.memref_slice %arg8[%dma_start3A_551, %dma_start3A_553, %dma_start3A_554] : memref<4x64x128xf32, #tpu.memory_space<vmem>> -> memref<1x64x128xf32, #tpu.memory_space<vmem>>
      %dma_start3A_556 = tpu.memref_squeeze %dma_start3A_555 : memref<1x64x128xf32, #tpu.memory_space<vmem>> -> memref<64x128xf32, #tpu.memory_space<vmem>>
      %dma_start3A_557 = arith.constant 0 : i32
      %dma_start3A_558 = tpu.memref_slice %arg7[%dma_start3A_552, %dma_start3A_557] : memref<4x64xi32, #tpu.memory_space<vmem>> -> memref<1x64xi32, #tpu.memory_space<vmem>>
      %dma_start3A_559 = tpu.memref_squeeze %dma_start3A_558 : memref<1x64xi32, #tpu.memory_space<vmem>> -> memref<64xi32, #tpu.memory_space<vmem>>
      %dma_start3A_560 = arith.constant 0 : i32
      %dma_start3A_561 = arith.constant 0 : i32
      %dma_start3A_562 = tpu.memref_slice %arg9[%dma_start3A_560, %dma_start3A_561] : memref<10240x128xf32, #tpu.memory_space<vmem_shared>> -> memref<10240x128xf32, #tpu.memory_space<vmem_shared>>
      tpu.enqueue_indirect_dma source(%dma_start3A_556 : memref<64x128xf32, #tpu.memory_space<vmem>>) target(%dma_start3A_562 : memref<10240x128xf32, #tpu.memory_space<vmem_shared>>) offsets(%dma_start3A_559 : memref<64xi32, #tpu.memory_space<vmem>>) semaphore(%arg21 : memref<!tpu.dma_semaphore, #tpu.memory_space<semaphore_mem>>) {add = true}
      %add3A_563 = arith.constant 4 : i32
      %add3A_564 = arith.addi %add3A_484, %add3A_563 : i32
      %lt3A_565 = arith.constant 160 : i32
      %lt3A_566 = arith.cmpi slt, %add3A_564, %lt3A_565 : i32
      %convert_element_type3A_567 = arith.extui %lt3A_566 : i1 to i32
      %cond3A_568 = arith.constant 0 : i32
      %cond3A_569 = arith.cmpi ne, %convert_element_type3A_567, %cond3A_568 : i32
      scf.if %cond3A_569 {
        %dma_wait3A_571 = arith.constant 3 : i32
        %dma_wait3A_572 = arith.constant 3 : i32
        %dma_wait3A_573 = arith.constant 0 : i32
        %dma_wait3A_574 = arith.constant 0 : i32
        %dma_wait3A_575 = tpu.memref_slice %arg8[%dma_wait3A_571, %dma_wait3A_573, %dma_wait3A_574] : memref<4x64x128xf32, #tpu.memory_space<vmem>> -> memref<1x64x128xf32, #tpu.memory_space<vmem>>
        %dma_wait3A_576 = tpu.memref_squeeze %dma_wait3A_575 : memref<1x64x128xf32, #tpu.memory_space<vmem>> -> memref<64x128xf32, #tpu.memory_space<vmem>>
        %dma_wait3A_577 = arith.constant 0 : i32
        %dma_wait3A_578 = tpu.memref_slice %arg7[%dma_wait3A_572, %dma_wait3A_577] : memref<4x64xi32, #tpu.memory_space<vmem>> -> memref<1x64xi32, #tpu.memory_space<vmem>>
        %dma_wait3A_579 = tpu.memref_squeeze %dma_wait3A_578 : memref<1x64xi32, #tpu.memory_space<vmem>> -> memref<64xi32, #tpu.memory_space<vmem>>
        %dma_wait3A_580 = arith.constant 0 : i32
        %dma_wait3A_581 = arith.constant 0 : i32
        %dma_wait3A_582 = tpu.memref_slice %arg9[%dma_wait3A_580, %dma_wait3A_581] : memref<10240x128xf32, #tpu.memory_space<vmem_shared>> -> memref<10240x128xf32, #tpu.memory_space<vmem_shared>>
        tpu.wait_indirect_dma semaphore(%arg21 : memref<!tpu.dma_semaphore, #tpu.memory_space<semaphore_mem>>) src(%dma_wait3A_576 : memref<64x128xf32, #tpu.memory_space<vmem>>) dst(%dma_wait3A_582 : memref<10240x128xf32, #tpu.memory_space<vmem_shared>>)
        %add3A_583 = arith.constant 4 : i32
        %add3A_584 = arith.addi %add3A_484, %add3A_583 : i32
        %jit3A_585 = arith.constant 2 : i32
        %div3A_586 = arith.divsi %add3A_584, %jit3A_585 : i32
        %sign3A_587 = arith.constant 0 : i32
        %sign3A_588 = arith.cmpi sgt, %add3A_584, %sign3A_587 : i32
        %sign3A_589 = arith.extui %sign3A_588 : i1 to i32
        %sign3A_590 = arith.constant 0 : i32
        %sign3A_591 = arith.cmpi slt, %add3A_584, %sign3A_590 : i32
        %sign3A_592 = arith.extui %sign3A_591 : i1 to i32
        %sign3A_593 = arith.subi %sign3A_589, %sign3A_592 : i32
        %sign3A_594 = arith.constant 0 : i32
        %sign3A_595 = arith.cmpi sgt, %jit3A_585, %sign3A_594 : i32
        %sign3A_596 = arith.extui %sign3A_595 : i1 to i32
        %sign3A_597 = arith.constant 0 : i32
        %sign3A_598 = arith.cmpi slt, %jit3A_585, %sign3A_597 : i32
        %sign3A_599 = arith.extui %sign3A_598 : i1 to i32
        %sign3A_600 = arith.subi %sign3A_596, %sign3A_599 : i32
        %ne3A_601 = arith.cmpi ne, %sign3A_593, %sign3A_600 : i32
        %rem3A_602 = arith.remsi %add3A_584, %jit3A_585 : i32
        %ne3A_603 = arith.constant 0 : i32
        %ne3A_604 = arith.cmpi ne, %rem3A_602, %ne3A_603 : i32
        %and3A_605 = arith.andi %ne3A_601, %ne3A_604 : i1
        %sub3A_606 = arith.constant 1 : i32
        %sub3A_607 = arith.subi %div3A_586, %sub3A_606 : i32
        %select_n3A_608 = arith.select %and3A_605, %sub3A_607, %div3A_586 : i32
        %jit3A_609 = arith.constant 2 : i32
        %eq3A_610 = arith.constant 0 : i32
        %eq3A_611 = arith.cmpi eq, %jit3A_609, %eq3A_610 : i32
        %jit3A_612 = arith.constant 1 : i32
        %select_n3A_613 = arith.select %eq3A_611, %jit3A_612, %jit3A_609 : i32
        %rem3A_614 = arith.remsi %add3A_584, %select_n3A_613 : i32
        %ne3A_615 = arith.constant 0 : i32
        %ne3A_616 = arith.cmpi ne, %rem3A_614, %ne3A_615 : i32
        %lt3A_617 = arith.constant 0 : i32
        %lt3A_618 = arith.cmpi slt, %rem3A_614, %lt3A_617 : i32
        %lt3A_619 = arith.constant 0 : i32
        %lt3A_620 = arith.cmpi slt, %select_n3A_613, %lt3A_619 : i32
        %ne3A_621 = arith.xori %lt3A_618, %lt3A_620 : i1
        %and3A_622 = arith.andi %ne3A_621, %ne3A_616 : i1
        %add3A_623 = arith.addi %rem3A_614, %select_n3A_613 : i32
        %select_n3A_624 = arith.select %and3A_622, %add3A_623, %rem3A_614 : i32
        %mul3A_625 = arith.constant 64 : i32
        %mul3A_626 = arith.muli %select_n3A_624, %mul3A_625 : i32
        %dma_start3A_627 = arith.constant 3 : i32
        %dma_start3A_628 = arith.constant 0 : i32
        %dma_start3A_629 = arith.constant 0 : i32
        %dma_start3A_630 = tpu.memref_slice %arg8[%dma_start3A_627, %dma_start3A_628, %dma_start3A_629] : memref<4x64x128xf32, #tpu.memory_space<vmem>> -> memref<1x64x128xf32, #tpu.memory_space<vmem>>
        %dma_start3A_631 = tpu.memref_squeeze %dma_start3A_630 : memref<1x64x128xf32, #tpu.memory_space<vmem>> -> memref<64x128xf32, #tpu.memory_space<vmem>>
        %dma_start3A_632 = tpu.memref_slice %arg6[%select_n3A_608, %mul3A_626] : memref<80x128xi32, #tpu.memory_space<vmem>> -> memref<1x64xi32, #tpu.memory_space<vmem>>
        %dma_start3A_633 = tpu.memref_squeeze %dma_start3A_632 : memref<1x64xi32, #tpu.memory_space<vmem>> -> memref<64xi32, #tpu.memory_space<vmem>>
        %dma_start3A_634 = arith.constant 0 : i32
        %dma_start3A_635 = arith.constant 0 : i32
        %dma_start3A_636 = tpu.memref_slice %arg2[%dma_start3A_634, %dma_start3A_635] : memref<10240x128xf32, #tpu.memory_space<hbm>> -> memref<10240x128xf32, #tpu.memory_space<hbm>>
        tpu.enqueue_indirect_dma source(%dma_start3A_636 : memref<10240x128xf32, #tpu.memory_space<hbm>>) target(%dma_start3A_631 : memref<64x128xf32, #tpu.memory_space<vmem>>) offsets(%dma_start3A_633 : memref<64xi32, #tpu.memory_space<vmem>>) semaphore(%arg13 : memref<!tpu.dma_semaphore, #tpu.memory_space<semaphore_mem>>)
        %add3A_637 = arith.addi %mul3A_57, %add3A_484 : i32
        %add3A_638 = arith.constant 4 : i32
        %add3A_639 = arith.addi %add3A_637, %add3A_638 : i32
        %dma_start3A_640 = arith.constant 3 : i32
        %dma_start3A_641 = arith.constant 0 : i32
        %dma_start3A_642 = tpu.memref_slice %arg7[%dma_start3A_640, %dma_start3A_641] : memref<4x64xi32, #tpu.memory_space<vmem>> -> memref<1x64xi32, #tpu.memory_space<vmem>>
        %dma_start3A_643 = tpu.memref_squeeze %dma_start3A_642 : memref<1x64xi32, #tpu.memory_space<vmem>> -> memref<64xi32, #tpu.memory_space<vmem>>
        %dma_start3A_644 = arith.constant 0 : i32
        %dma_start3A_645 = tpu.memref_slice %arg4[%add3A_639, %dma_start3A_644] : memref<5120x64xi32, #tpu.memory_space<hbm>> -> memref<1x64xi32, #tpu.memory_space<hbm>>
        %dma_start3A_646 = tpu.memref_squeeze %dma_start3A_645 : memref<1x64xi32, #tpu.memory_space<hbm>> -> memref<64xi32, #tpu.memory_space<hbm>>
        %dma_start3A_647 = arith.constant 0 : i32
        %dma_start3A_648 = tpu.memref_slice %arg7[%dma_start3A_640, %dma_start3A_647] : memref<4x64xi32, #tpu.memory_space<vmem>> -> memref<1x64xi32, #tpu.memory_space<vmem>>
        %dma_start3A_649 = tpu.memref_squeeze %dma_start3A_648 : memref<1x64xi32, #tpu.memory_space<vmem>> -> memref<64xi32, #tpu.memory_space<vmem>>
        %dma_start3A_650 = arith.constant 0 : i32
        %dma_start3A_651 = tpu.memref_slice %arg4[%add3A_639, %dma_start3A_650] : memref<5120x64xi32, #tpu.memory_space<hbm>> -> memref<1x64xi32, #tpu.memory_space<hbm>>
        %dma_start3A_652 = tpu.memref_squeeze %dma_start3A_651 : memref<1x64xi32, #tpu.memory_space<hbm>> -> memref<64xi32, #tpu.memory_space<hbm>>
        tpu.enqueue_dma source(%dma_start3A_652 : memref<64xi32, #tpu.memory_space<hbm>>) target(%dma_start3A_649 : memref<64xi32, #tpu.memory_space<vmem>>) target_semaphore(%arg17 : memref<!tpu.dma_semaphore, #tpu.memory_space<semaphore_mem>>)
      } else {
      }
      %scan3A_570 = arith.constant 0 : i32
      scf.yield %scan3A_570 : i32
    }
    %scan3A_171 = arith.constant 40 : i32
    %dma_wait3A = arith.constant 0 : i32
    %dma_wait3A_172 = arith.constant 0 : i32
    %dma_wait3A_173 = arith.constant 0 : i32
    %dma_wait3A_174 = arith.constant 0 : i32
    %dma_wait3A_175 = tpu.memref_slice %arg8[%dma_wait3A, %dma_wait3A_173, %dma_wait3A_174] : memref<4x64x128xf32, #tpu.memory_space<vmem>> -> memref<1x64x128xf32, #tpu.memory_space<vmem>>
    %dma_wait3A_176 = tpu.memref_squeeze %dma_wait3A_175 : memref<1x64x128xf32, #tpu.memory_space<vmem>> -> memref<64x128xf32, #tpu.memory_space<vmem>>
    %dma_wait3A_177 = arith.constant 0 : i32
    %dma_wait3A_178 = tpu.memref_slice %arg7[%dma_wait3A_172, %dma_wait3A_177] : memref<4x64xi32, #tpu.memory_space<vmem>> -> memref<1x64xi32, #tpu.memory_space<vmem>>
    %dma_wait3A_179 = tpu.memref_squeeze %dma_wait3A_178 : memref<1x64xi32, #tpu.memory_space<vmem>> -> memref<64xi32, #tpu.memory_space<vmem>>
    %dma_wait3A_180 = arith.constant 0 : i32
    %dma_wait3A_181 = arith.constant 0 : i32
    %dma_wait3A_182 = tpu.memref_slice %arg9[%dma_wait3A_180, %dma_wait3A_181] : memref<10240x128xf32, #tpu.memory_space<vmem_shared>> -> memref<10240x128xf32, #tpu.memory_space<vmem_shared>>
    tpu.wait_indirect_dma semaphore(%arg18 : memref<!tpu.dma_semaphore, #tpu.memory_space<semaphore_mem>>) src(%dma_wait3A_176 : memref<64x128xf32, #tpu.memory_space<vmem>>) dst(%dma_wait3A_182 : memref<10240x128xf32, #tpu.memory_space<vmem_shared>>)
    %dma_wait3A_183 = arith.constant 1 : i32
    %dma_wait3A_184 = arith.constant 1 : i32
    %dma_wait3A_185 = arith.constant 0 : i32
    %dma_wait3A_186 = arith.constant 0 : i32
    %dma_wait3A_187 = tpu.memref_slice %arg8[%dma_wait3A_183, %dma_wait3A_185, %dma_wait3A_186] : memref<4x64x128xf32, #tpu.memory_space<vmem>> -> memref<1x64x128xf32, #tpu.memory_space<vmem>>
    %dma_wait3A_188 = tpu.memref_squeeze %dma_wait3A_187 : memref<1x64x128xf32, #tpu.memory_space<vmem>> -> memref<64x128xf32, #tpu.memory_space<vmem>>
    %dma_wait3A_189 = arith.constant 0 : i32
    %dma_wait3A_190 = tpu.memref_slice %arg7[%dma_wait3A_184, %dma_wait3A_189] : memref<4x64xi32, #tpu.memory_space<vmem>> -> memref<1x64xi32, #tpu.memory_space<vmem>>
    %dma_wait3A_191 = tpu.memref_squeeze %dma_wait3A_190 : memref<1x64xi32, #tpu.memory_space<vmem>> -> memref<64xi32, #tpu.memory_space<vmem>>
    %dma_wait3A_192 = arith.constant 0 : i32
    %dma_wait3A_193 = arith.constant 0 : i32
    %dma_wait3A_194 = tpu.memref_slice %arg9[%dma_wait3A_192, %dma_wait3A_193] : memref<10240x128xf32, #tpu.memory_space<vmem_shared>> -> memref<10240x128xf32, #tpu.memory_space<vmem_shared>>
    tpu.wait_indirect_dma semaphore(%arg19 : memref<!tpu.dma_semaphore, #tpu.memory_space<semaphore_mem>>) src(%dma_wait3A_188 : memref<64x128xf32, #tpu.memory_space<vmem>>) dst(%dma_wait3A_194 : memref<10240x128xf32, #tpu.memory_space<vmem_shared>>)
    %dma_wait3A_195 = arith.constant 2 : i32
    %dma_wait3A_196 = arith.constant 2 : i32
    %dma_wait3A_197 = arith.constant 0 : i32
    %dma_wait3A_198 = arith.constant 0 : i32
    %dma_wait3A_199 = tpu.memref_slice %arg8[%dma_wait3A_195, %dma_wait3A_197, %dma_wait3A_198] : memref<4x64x128xf32, #tpu.memory_space<vmem>> -> memref<1x64x128xf32, #tpu.memory_space<vmem>>
    %dma_wait3A_200 = tpu.memref_squeeze %dma_wait3A_199 : memref<1x64x128xf32, #tpu.memory_space<vmem>> -> memref<64x128xf32, #tpu.memory_space<vmem>>
    %dma_wait3A_201 = arith.constant 0 : i32
    %dma_wait3A_202 = tpu.memref_slice %arg7[%dma_wait3A_196, %dma_wait3A_201] : memref<4x64xi32, #tpu.memory_space<vmem>> -> memref<1x64xi32, #tpu.memory_space<vmem>>
    %dma_wait3A_203 = tpu.memref_squeeze %dma_wait3A_202 : memref<1x64xi32, #tpu.memory_space<vmem>> -> memref<64xi32, #tpu.memory_space<vmem>>
    %dma_wait3A_204 = arith.constant 0 : i32
    %dma_wait3A_205 = arith.constant 0 : i32
    %dma_wait3A_206 = tpu.memref_slice %arg9[%dma_wait3A_204, %dma_wait3A_205] : memref<10240x128xf32, #tpu.memory_space<vmem_shared>> -> memref<10240x128xf32, #tpu.memory_space<vmem_shared>>
    tpu.wait_indirect_dma semaphore(%arg20 : memref<!tpu.dma_semaphore, #tpu.memory_space<semaphore_mem>>) src(%dma_wait3A_200 : memref<64x128xf32, #tpu.memory_space<vmem>>) dst(%dma_wait3A_206 : memref<10240x128xf32, #tpu.memory_space<vmem_shared>>)
    %dma_wait3A_207 = arith.constant 3 : i32
    %dma_wait3A_208 = arith.constant 3 : i32
    %dma_wait3A_209 = arith.constant 0 : i32
    %dma_wait3A_210 = arith.constant 0 : i32
    %dma_wait3A_211 = tpu.memref_slice %arg8[%dma_wait3A_207, %dma_wait3A_209, %dma_wait3A_210] : memref<4x64x128xf32, #tpu.memory_space<vmem>> -> memref<1x64x128xf32, #tpu.memory_space<vmem>>
    %dma_wait3A_212 = tpu.memref_squeeze %dma_wait3A_211 : memref<1x64x128xf32, #tpu.memory_space<vmem>> -> memref<64x128xf32, #tpu.memory_space<vmem>>
    %dma_wait3A_213 = arith.constant 0 : i32
    %dma_wait3A_214 = tpu.memref_slice %arg7[%dma_wait3A_208, %dma_wait3A_213] : memref<4x64xi32, #tpu.memory_space<vmem>> -> memref<1x64xi32, #tpu.memory_space<vmem>>
    %dma_wait3A_215 = tpu.memref_squeeze %dma_wait3A_214 : memref<1x64xi32, #tpu.memory_space<vmem>> -> memref<64xi32, #tpu.memory_space<vmem>>
    %dma_wait3A_216 = arith.constant 0 : i32
    %dma_wait3A_217 = arith.constant 0 : i32
    %dma_wait3A_218 = tpu.memref_slice %arg9[%dma_wait3A_216, %dma_wait3A_217] : memref<10240x128xf32, #tpu.memory_space<vmem_shared>> -> memref<10240x128xf32, #tpu.memory_space<vmem_shared>>
    tpu.wait_indirect_dma semaphore(%arg21 : memref<!tpu.dma_semaphore, #tpu.memory_space<semaphore_mem>>) src(%dma_wait3A_212 : memref<64x128xf32, #tpu.memory_space<vmem>>) dst(%dma_wait3A_218 : memref<10240x128xf32, #tpu.memory_space<vmem_shared>>)
    %barrier3A_219 = arith.constant 0 : index
    tpu.barrier barrier_id(%barrier3A_219)
    %mul3A_220 = arith.constant 640 : i32
    %mul3A_221 = arith.muli %arg1, %mul3A_220 : i32
    %mul3A_222 = arith.constant 640 : i32
    %mul3A_223 = arith.muli %arg1, %mul3A_222 : i32
    "tpu.region"() ({
      %run_scoped3A_224 = tpu.sem_alloc : memref<!tpu.dma_semaphore, #tpu.memory_space<semaphore_mem>>
      %dma_start3A_225 = arith.constant 0 : i32
      %dma_start3A_226 = arith.constant 0 : i32
      %dma_start3A_227 = tpu.memref_slice %arg5[%arg0, %dma_start3A_225, %dma_start3A_226] : memref<2x10240x128xf32, #tpu.memory_space<hbm>> -> memref<1x10240x128xf32, #tpu.memory_space<hbm>>
      %dma_start3A_228 = tpu.memref_squeeze %dma_start3A_227 : memref<1x10240x128xf32, #tpu.memory_space<hbm>> -> memref<10240x128xf32, #tpu.memory_space<hbm>>
      %dma_start3A_229 = arith.constant 0 : i32
      %dma_start3A_230 = tpu.memref_slice %dma_start3A_228[%mul3A_223, %dma_start3A_229] : memref<10240x128xf32, #tpu.memory_space<hbm>> -> memref<640x128xf32, #tpu.memory_space<hbm>>
      %dma_start3A_231 = arith.constant 0 : i32
      %dma_start3A_232 = tpu.memref_slice %arg9[%mul3A_221, %dma_start3A_231] : memref<10240x128xf32, #tpu.memory_space<vmem_shared>> -> memref<640x128xf32, #tpu.memory_space<vmem_shared>>
      tpu.enqueue_dma source(%dma_start3A_232 : memref<640x128xf32, #tpu.memory_space<vmem_shared>>) target(%dma_start3A_230 : memref<640x128xf32, #tpu.memory_space<hbm>>) target_semaphore(%run_scoped3A_224 : memref<!tpu.dma_semaphore, #tpu.memory_space<semaphore_mem>>)
      %dma_wait3A_233 = arith.constant 0 : i32
      %dma_wait3A_234 = arith.constant 0 : i32
      %dma_wait3A_235 = tpu.memref_slice %arg5[%arg0, %dma_wait3A_233, %dma_wait3A_234] : memref<2x10240x128xf32, #tpu.memory_space<hbm>> -> memref<1x10240x128xf32, #tpu.memory_space<hbm>>
      %dma_wait3A_236 = tpu.memref_squeeze %dma_wait3A_235 : memref<1x10240x128xf32, #tpu.memory_space<hbm>> -> memref<10240x128xf32, #tpu.memory_space<hbm>>
      %dma_wait3A_237 = arith.constant 0 : i32
      %dma_wait3A_238 = tpu.memref_slice %dma_wait3A_236[%mul3A_223, %dma_wait3A_237] : memref<10240x128xf32, #tpu.memory_space<hbm>> -> memref<640x128xf32, #tpu.memory_space<hbm>>
      %dma_wait3A_239 = arith.constant 0 : i32
      %dma_wait3A_240 = tpu.memref_slice %arg9[%mul3A_221, %dma_wait3A_239] : memref<10240x128xf32, #tpu.memory_space<vmem_shared>> -> memref<640x128xf32, #tpu.memory_space<vmem_shared>>
      tpu.wait_dma2 semaphore(%run_scoped3A_224 : memref<!tpu.dma_semaphore, #tpu.memory_space<semaphore_mem>>) src(%dma_wait3A_240 : memref<640x128xf32, #tpu.memory_space<vmem_shared>>) dst(%dma_wait3A_238 : memref<640x128xf32, #tpu.memory_space<hbm>>)
      tpu.yield
    }) : () -> ()
    return
  }
}

module attributes {stable_mosaic.version = 14 : i64} {
  func.func @body(%arg0: i32, %arg1: memref<1024x128xf32, #tpu.memory_space<vmem>>, %arg2: memref<128x128xf32, #tpu.memory_space<vmem>>, %arg3: memref<1024x2xf32, #tpu.memory_space<vmem>>, %arg4: memref<1024x128xf32, #tpu.memory_space<vmem>>, %arg5: memref<1024x128xf32, #tpu.memory_space<vmem>>) attributes {dimension_semantics = [#tpu.dimension_semantics<arbitrary>], iteration_bounds = array<i64: 10>, scalar_prefetch = 0 : i64, scratch_operands = 0 : i64, tpu.core_type = #tpu.core_type<tc>, window_params = [{transform_indices = @transform_0, window_bounds = array<i64: 1024, 128>}, {pipeline_mode = #tpu.pipeline_mode<synchronous>, transform_indices = @transform_1, window_bounds = array<i64: 128, 128>}, {transform_indices = @transform_2, window_bounds = array<i64: 1024, 2>}, {transform_indices = @transform_3, window_bounds = array<i64: 1024, 128>}, {transform_indices = @transform_4, window_bounds = array<i64: 1024, 128>}]} {
    %get3A = arith.constant 0 : index
    %get3A_0 = arith.constant 0 : index
    %get3A_1 = vector.load %arg1[%get3A, %get3A_0] : memref<1024x128xf32, #tpu.memory_space<vmem>>, vector<1024x128xf32>
    %get3A_2 = arith.constant 0 : index
    %get3A_3 = arith.constant 0 : index
    %get3A_4 = vector.load %arg2[%get3A_2, %get3A_3] : memref<128x128xf32, #tpu.memory_space<vmem>>, vector<128x128xf32>
    %dot_general3A = arith.constant dense<0.000000e+00> : vector<1024x128xf32>
    %dot_general3A_5 = tpu.matmul %get3A_1, %get3A_4, %dot_general3A {dimension_numbers = #tpu.dot_dimension_numbers<[1], [0], [0], [1], [0, 0, 1, 1], [], []>, transpose_lhs_hint = false} : vector<1024x128xf32>, vector<128x128xf32>, vector<1024x128xf32> -> vector<1024x128xf32>
    %get3A_6 = arith.constant 0 : index
    %get3A_7 = arith.constant 0 : index
    %get3A_8 = vector.load %arg3[%get3A_6, %get3A_7] : memref<1024x2xf32, #tpu.memory_space<vmem>>, vector<1024x1xf32>
    %get3A_9 = arith.constant 0 : index
    %get3A_10 = arith.constant 1 : index
    %get3A_11 = vector.load %arg3[%get3A_9, %get3A_10] : memref<1024x2xf32, #tpu.memory_space<vmem>>, vector<1024x1xf32>
    %add3A = arith.addf %get3A_8, %get3A_11 : vector<1024x1xf32>
    %add3A_12 = arith.constant 1.000000e+00 : f32
    %add3A_13 = vector.broadcast %add3A_12 : f32 to vector<1024x1xf32>
    %add3A_14 = arith.addf %add3A, %add3A_13 : vector<1024x1xf32>
    %rsqrt3A = math.rsqrt %add3A_14 : vector<1024x1xf32>
    %broadcast_in_dim3A = vector.shape_cast %rsqrt3A : vector<1024x1xf32> to vector<1024x1xf32>
    %broadcast_in_dim3A_15 = vector.broadcast %broadcast_in_dim3A : vector<1024x1xf32> to vector<1024x128xf32>
    %swap3A = arith.constant 0 : index
    %swap3A_16 = arith.constant 0 : index
    %swap3A_17 = vector.load %arg5[%swap3A, %swap3A_16] : memref<1024x128xf32, #tpu.memory_space<vmem>>, vector<1024x128xf32>
    tpu.vector_store %arg5[%swap3A, %swap3A_16], %broadcast_in_dim3A_15 {strides = array<i32>} : memref<1024x128xf32, #tpu.memory_space<vmem>>, vector<1024x128xf32>,
    %mul3A = arith.mulf %dot_general3A_5, %broadcast_in_dim3A_15 : vector<1024x128xf32>
    %swap3A_18 = arith.constant 0 : index
    %swap3A_19 = arith.constant 0 : index
    %swap3A_20 = vector.load %arg4[%swap3A_18, %swap3A_19] : memref<1024x128xf32, #tpu.memory_space<vmem>>, vector<1024x128xf32>
    tpu.vector_store %arg4[%swap3A_18, %swap3A_19], %mul3A {strides = array<i32>} : memref<1024x128xf32, #tpu.memory_space<vmem>>, vector<1024x128xf32>,
    return
  }
  func.func @transform_0(%arg0: i32) -> (i32, i32) {
    %c0_i32 = arith.constant 0 : i32
    %c0_i32_0 = arith.constant 0 : i32
    return %arg0, %c0_i32 : i32, i32
  }
  func.func @transform_1(%arg0: i32) -> (i32, i32) {
    %c0_i32 = arith.constant 0 : i32
    %c0_i32_0 = arith.constant 0 : i32
    %c0_i32_1 = arith.constant 0 : i32
    return %c0_i32, %c0_i32_0 : i32, i32
  }
  func.func @transform_2(%arg0: i32) -> (i32, i32) {
    %c0_i32 = arith.constant 0 : i32
    %c0_i32_0 = arith.constant 0 : i32
    return %arg0, %c0_i32 : i32, i32
  }
  func.func @transform_3(%arg0: i32) -> (i32, i32) {
    %c0_i32 = arith.constant 0 : i32
    %c0_i32_0 = arith.constant 0 : i32
    return %arg0, %c0_i32 : i32, i32
  }
  func.func @transform_4(%arg0: i32) -> (i32, i32) {
    %c0_i32 = arith.constant 0 : i32
    %c0_i32_0 = arith.constant 0 : i32
    return %arg0, %c0_i32 : i32, i32
  }
}

module attributes {stable_mosaic.version = 14 : i64} {
  func.func @body(%arg0: i32, %arg1: memref<1x1024x128xf32, #tpu.memory_space<vmem>>, %arg2: memref<1x1024x128xf32, #tpu.memory_space<vmem>>, %arg3: memref<1024x128xf32, #tpu.memory_space<vmem>>, %arg4: memref<1024x128xf32, #tpu.memory_space<vmem>>, %arg5: memref<1x128xf32, #tpu.memory_space<vmem>>, %arg6: memref<128x128xf32, #tpu.memory_space<vmem>>, %arg7: memref<1024x128xf32, #tpu.memory_space<vmem>>) attributes {dimension_semantics = [#tpu.dimension_semantics<arbitrary>], iteration_bounds = array<i64: 10>, scalar_prefetch = 0 : i64, scratch_operands = 0 : i64, tpu.core_type = #tpu.core_type<tc>, window_params = [{transform_indices = @transform_0, window_bounds = array<i64: 1, 1024, 128>}, {transform_indices = @transform_1, window_bounds = array<i64: 1, 1024, 128>}, {transform_indices = @transform_2, window_bounds = array<i64: 1024, 128>}, {transform_indices = @transform_3, window_bounds = array<i64: 1024, 128>}, {pipeline_mode = #tpu.pipeline_mode<synchronous>, transform_indices = @transform_4, window_bounds = array<i64: 1, 128>}, {pipeline_mode = #tpu.pipeline_mode<synchronous>, transform_indices = @transform_5, window_bounds = array<i64: 128, 128>}, {transform_indices = @transform_6, window_bounds = array<i64: 1024, 128>}]} {
    %get3A = arith.constant 0 : index
    %get3A_0 = arith.constant 0 : index
    %get3A_1 = vector.load %arg4[%get3A, %get3A_0] : memref<1024x128xf32, #tpu.memory_space<vmem>>, vector<1024x128xf32>
    %get3A_2 = arith.constant 0 : index
    %get3A_3 = arith.constant 0 : index
    %get3A_4 = arith.constant 0 : index
    %get3A_5 = vector.load %arg1[%get3A_2, %get3A_3, %get3A_4] : memref<1x1024x128xf32, #tpu.memory_space<vmem>>, vector<1x1024x128xf32>
    %get3A_6 = vector.shape_cast %get3A_5 : vector<1x1024x128xf32> to vector<1024x128xf32>
    %get3A_7 = arith.constant 0 : index
    %get3A_8 = arith.constant 0 : index
    %get3A_9 = arith.constant 0 : index
    %get3A_10 = vector.load %arg2[%get3A_7, %get3A_8, %get3A_9] : memref<1x1024x128xf32, #tpu.memory_space<vmem>>, vector<1x1024x128xf32>
    %get3A_11 = vector.shape_cast %get3A_10 : vector<1x1024x128xf32> to vector<1024x128xf32>
    %add3A = arith.addf %get3A_6, %get3A_11 : vector<1024x128xf32>
    %get3A_12 = arith.constant 0 : index
    %get3A_13 = arith.constant 0 : index
    %get3A_14 = vector.load %arg3[%get3A_12, %get3A_13] : memref<1024x128xf32, #tpu.memory_space<vmem>>, vector<1024x128xf32>
    %add3A_15 = arith.addf %add3A, %get3A_14 : vector<1024x128xf32>
    %mul3A = arith.mulf %get3A_1, %add3A_15 : vector<1024x128xf32>
    %get3A_16 = arith.constant 0 : index
    %get3A_17 = arith.constant 0 : index
    %get3A_18 = vector.load %arg5[%get3A_16, %get3A_17] : memref<1x128xf32, #tpu.memory_space<vmem>>, vector<1x128xf32>
    %add3A_19 = vector.broadcast %get3A_18 : vector<1x128xf32> to vector<1024x128xf32>
    %add3A_20 = arith.addf %mul3A, %add3A_19 : vector<1024x128xf32>
    %max3A = arith.constant 0.000000e+00 : f32
    %max3A_21 = vector.broadcast %max3A : f32 to vector<1024x128xf32>
    %max3A_22 = arith.maximumf %add3A_20, %max3A_21 : vector<1024x128xf32>
    %get3A_23 = arith.constant 0 : index
    %get3A_24 = arith.constant 0 : index
    %get3A_25 = vector.load %arg6[%get3A_23, %get3A_24] : memref<128x128xf32, #tpu.memory_space<vmem>>, vector<128x128xf32>
    %dot_general3A = arith.constant dense<0.000000e+00> : vector<1024x128xf32>
    %dot_general3A_26 = tpu.matmul %max3A_22, %get3A_25, %dot_general3A {dimension_numbers = #tpu.dot_dimension_numbers<[1], [0], [0], [1], [0, 0, 1, 1], [], []>, transpose_lhs_hint = false} : vector<1024x128xf32>, vector<128x128xf32>, vector<1024x128xf32> -> vector<1024x128xf32>
    %get3A_27 = arith.constant 0 : index
    %get3A_28 = arith.constant 0 : index
    %get3A_29 = vector.load %arg4[%get3A_27, %get3A_28] : memref<1024x128xf32, #tpu.memory_space<vmem>>, vector<1024x128xf32>
    %mul3A_30 = arith.mulf %dot_general3A_26, %get3A_29 : vector<1024x128xf32>
    %swap3A = arith.constant 0 : index
    %swap3A_31 = arith.constant 0 : index
    %swap3A_32 = vector.load %arg7[%swap3A, %swap3A_31] : memref<1024x128xf32, #tpu.memory_space<vmem>>, vector<1024x128xf32>
    tpu.vector_store %arg7[%swap3A, %swap3A_31], %mul3A_30 {strides = array<i32>} : memref<1024x128xf32, #tpu.memory_space<vmem>>, vector<1024x128xf32>,
    return
  }
  func.func @transform_0(%arg0: i32) -> (i32, i32, i32) {
    %c0_i32 = arith.constant 0 : i32
    %c0_i32_0 = arith.constant 0 : i32
    %c0_i32_1 = arith.constant 0 : i32
    return %c0_i32, %arg0, %c0_i32_0 : i32, i32, i32
  }
  func.func @transform_1(%arg0: i32) -> (i32, i32, i32) {
    %c1_i32 = arith.constant 1 : i32
    %c0_i32 = arith.constant 0 : i32
    %c0_i32_0 = arith.constant 0 : i32
    return %c1_i32, %arg0, %c0_i32 : i32, i32, i32
  }
  func.func @transform_2(%arg0: i32) -> (i32, i32) {
    %c0_i32 = arith.constant 0 : i32
    %c0_i32_0 = arith.constant 0 : i32
    return %arg0, %c0_i32 : i32, i32
  }
  func.func @transform_3(%arg0: i32) -> (i32, i32) {
    %c0_i32 = arith.constant 0 : i32
    %c0_i32_0 = arith.constant 0 : i32
    return %arg0, %c0_i32 : i32, i32
  }
  func.func @transform_4(%arg0: i32) -> (i32, i32) {
    %c0_i32 = arith.constant 0 : i32
    %c0_i32_0 = arith.constant 0 : i32
    %c0_i32_1 = arith.constant 0 : i32
    return %c0_i32, %c0_i32_0 : i32, i32
  }
  func.func @transform_5(%arg0: i32) -> (i32, i32) {
    %c0_i32 = arith.constant 0 : i32
    %c0_i32_0 = arith.constant 0 : i32
    %c0_i32_1 = arith.constant 0 : i32
    return %c0_i32, %c0_i32_0 : i32, i32
  }
  func.func @transform_6(%arg0: i32) -> (i32, i32) {
    %c0_i32 = arith.constant 0 : i32
    %c0_i32_0 = arith.constant 0 : i32
    return %arg0, %c0_i32 : i32, i32
  }
}

module attributes {stable_mosaic.version = 14 : i64} {
  func.func @body(%arg0: i32, %arg1: memref<1x1024x128xf32, #tpu.memory_space<vmem>>, %arg2: memref<1x1024x128xf32, #tpu.memory_space<vmem>>, %arg3: memref<1024x128xf32, #tpu.memory_space<vmem>>, %arg4: memref<1024x128xf32, #tpu.memory_space<vmem>>, %arg5: memref<1x128xf32, #tpu.memory_space<vmem>>, %arg6: memref<1024x128xf32, #tpu.memory_space<vmem>>) attributes {dimension_semantics = [#tpu.dimension_semantics<arbitrary>], iteration_bounds = array<i64: 10>, scalar_prefetch = 0 : i64, scratch_operands = 0 : i64, tpu.core_type = #tpu.core_type<tc>, window_params = [{transform_indices = @transform_0, window_bounds = array<i64: 1, 1024, 128>}, {transform_indices = @transform_1, window_bounds = array<i64: 1, 1024, 128>}, {transform_indices = @transform_2, window_bounds = array<i64: 1024, 128>}, {transform_indices = @transform_3, window_bounds = array<i64: 1024, 128>}, {pipeline_mode = #tpu.pipeline_mode<synchronous>, transform_indices = @transform_4, window_bounds = array<i64: 1, 128>}, {transform_indices = @transform_5, window_bounds = array<i64: 1024, 128>}]} {
    %get3A = arith.constant 0 : index
    %get3A_0 = arith.constant 0 : index
    %get3A_1 = vector.load %arg4[%get3A, %get3A_0] : memref<1024x128xf32, #tpu.memory_space<vmem>>, vector<1024x128xf32>
    %get3A_2 = arith.constant 0 : index
    %get3A_3 = arith.constant 0 : index
    %get3A_4 = arith.constant 0 : index
    %get3A_5 = vector.load %arg1[%get3A_2, %get3A_3, %get3A_4] : memref<1x1024x128xf32, #tpu.memory_space<vmem>>, vector<1x1024x128xf32>
    %get3A_6 = vector.shape_cast %get3A_5 : vector<1x1024x128xf32> to vector<1024x128xf32>
    %get3A_7 = arith.constant 0 : index
    %get3A_8 = arith.constant 0 : index
    %get3A_9 = arith.constant 0 : index
    %get3A_10 = vector.load %arg2[%get3A_7, %get3A_8, %get3A_9] : memref<1x1024x128xf32, #tpu.memory_space<vmem>>, vector<1x1024x128xf32>
    %get3A_11 = vector.shape_cast %get3A_10 : vector<1x1024x128xf32> to vector<1024x128xf32>
    %add3A = arith.addf %get3A_6, %get3A_11 : vector<1024x128xf32>
    %get3A_12 = arith.constant 0 : index
    %get3A_13 = arith.constant 0 : index
    %get3A_14 = vector.load %arg3[%get3A_12, %get3A_13] : memref<1024x128xf32, #tpu.memory_space<vmem>>, vector<1024x128xf32>
    %add3A_15 = arith.addf %add3A, %get3A_14 : vector<1024x128xf32>
    %mul3A = arith.mulf %get3A_1, %add3A_15 : vector<1024x128xf32>
    %get3A_16 = arith.constant 0 : index
    %get3A_17 = arith.constant 0 : index
    %get3A_18 = vector.load %arg5[%get3A_16, %get3A_17] : memref<1x128xf32, #tpu.memory_space<vmem>>, vector<1x128xf32>
    %add3A_19 = vector.broadcast %get3A_18 : vector<1x128xf32> to vector<1024x128xf32>
    %add3A_20 = arith.addf %mul3A, %add3A_19 : vector<1024x128xf32>
    %swap3A = arith.constant 0 : index
    %swap3A_21 = arith.constant 0 : index
    %swap3A_22 = vector.load %arg6[%swap3A, %swap3A_21] : memref<1024x128xf32, #tpu.memory_space<vmem>>, vector<1024x128xf32>
    tpu.vector_store %arg6[%swap3A, %swap3A_21], %add3A_20 {strides = array<i32>} : memref<1024x128xf32, #tpu.memory_space<vmem>>, vector<1024x128xf32>,
    return
  }
  func.func @transform_0(%arg0: i32) -> (i32, i32, i32) {
    %c0_i32 = arith.constant 0 : i32
    %c0_i32_0 = arith.constant 0 : i32
    %c0_i32_1 = arith.constant 0 : i32
    return %c0_i32, %arg0, %c0_i32_0 : i32, i32, i32
  }
  func.func @transform_1(%arg0: i32) -> (i32, i32, i32) {
    %c1_i32 = arith.constant 1 : i32
    %c0_i32 = arith.constant 0 : i32
    %c0_i32_0 = arith.constant 0 : i32
    return %c1_i32, %arg0, %c0_i32 : i32, i32, i32
  }
  func.func @transform_2(%arg0: i32) -> (i32, i32) {
    %c0_i32 = arith.constant 0 : i32
    %c0_i32_0 = arith.constant 0 : i32
    return %arg0, %c0_i32 : i32, i32
  }
  func.func @transform_3(%arg0: i32) -> (i32, i32) {
    %c0_i32 = arith.constant 0 : i32
    %c0_i32_0 = arith.constant 0 : i32
    return %arg0, %c0_i32 : i32, i32
  }
  func.func @transform_4(%arg0: i32) -> (i32, i32) {
    %c0_i32 = arith.constant 0 : i32
    %c0_i32_0 = arith.constant 0 : i32
    %c0_i32_1 = arith.constant 0 : i32
    return %c0_i32, %c0_i32_0 : i32, i32
  }
  func.func @transform_5(%arg0: i32) -> (i32, i32) {
    %c0_i32 = arith.constant 0 : i32
    %c0_i32_0 = arith.constant 0 : i32
    return %arg0, %c0_i32 : i32, i32
  }
}

</mosaic_0001>

<sc_bundles>
// kernel: kernel.11.cloned.1.call-start
scs
__scs_entry_jumppad:
0x0: {  	(pc) =	sbr.rel $0x88, $3  }
0x1: {  	(tag) =	ssettag $0x0;
	lr =	simm.s32 $0x1  }
0x2: {  	[smem:$0x3F9B] =	sst lr;
	_ =	strace $0xD0000000  }
0x3: {  	_ = 	snop  }
0x4: {  	_ = 	snop  }
0x5: {  	_ = 	snop  }
0x6: {  	_ = 	snop  }
0x7: {  	_ = 	snop  }
__scs_overlays_trampoline_lowered:
0x8: {  	[smem:$0x3FAA] =	sst s0  }
0x9: {  	[smem:$0x3FAB] =	sst s1  }
0xa: {  	[smem:$0x3FAC] =	sst s2  }
0xb: {  	[smem:$0x3FAD] =	sst s3  }
0xc: {  	[smem:$0x3FAE] =	sst s4  }
0xd: {  	[smem:$0x3FAF] =	sst s5  }
0xe: {  	[smem:$0x3FB0] =	sst s6  }
0xf: {  	[smem:$0x3FB1] =	sst s7  }
0x10: {  	[smem:$0x3FB2] =	sst s8  }
0x11: {  	[smem:$0x3FB3] =	sst s9;
	s0 =	simm.s32 @!p0 $0x0  }
0x12: {  	s1 =	sld [smem:$0x3F99];
	s0 =	simm.s32 @p0 $0x1  }
0x13: {  	[smem:$0x3FB4] =	sst s0;
	s0 =	simm.s32 @!p1 $0x0  }
0x14: {  	s2 =	sld [smem:$0x3F98];
	s0 =	simm.s32 @p1 $0x1  }
0x15: {  	[smem:$0x3FB5] =	sst s0;
	s0 =	simm.s32 @!p2 $0x0  }
0x16: {  	s3 =	sld [smem:$0x3FDB];
	s0 =	simm.s32 @p2 $0x1  }
0x17: {  	s4 =	simm.s32 $0x1BF5;
	[smem:$0x3FB7] =	sst s0  }
0x18: {  	s0 =	sld [smem:$0x3F9A];
	_ =	swait.ge [sflag:s4], $0x0  }
0x19: {  	s7 =	sld [smem:$0x3F9B]  }
0x1a: {  	s8 =	sadd.s32 $0xFFFFE003, lr  }
0x1b: {  	s9 =	sadd.s32 $0xFFFFFEF7, lr;
	s5 =	simm.s32 $0xFFFFFFFF;
	p2 =	slt.u32 s8, $0xFFFFF086  }
0x1c: {  	p1 =	slt.u32 s9, $0xF7A;
	s5 =	simm.s32 @!p2 $0x0  }
0x1d: {  	s5 =	simm.s32 @p1 $0x1;
	p0 =	seq.s32 s7, s2  }
0x1e: {  	s7 =	smul.u32 @!p0 $0xF7A, s2;
	p2 =	seq.s32 @!p0 s5, $0x0  }
0x1f: {  	s9 =	smul.u32 $0xF7A, s1;
	s8 =	simm.s32 @!p0 $0x1BF5;
	p2 =	por !p2, p0  }
0x20: {  	[sflag:s8] =	ssyncset.s32 @!p0 $0xFFFFF086;
	s6 =	sadd.s32 @!p0 s3, s7;
	s7 =	simm.s32 @!p0 $0x108  }
0x21: {  	s3 =	sadd.s32 s3, s9;
	s6 =	sadd.s32 @!p0 $0x88, s6;
	s7 =	simm.s32 @p2 $0x1082  }
0x22: {  	[simem:s7], [sflag:s8] =	dma.local @!p0 [hbm:s6], $0xF7A  }
0x23: {  	s9 =	sor.u32 $0xD0000000, s2;
	s6 =	simm.s32 $0x108;
	_ =	swait.ge @!p0 [sflag:s8], $0x0  }
0x24: {  	s3 =	sadd.s32 $0x88, s3;
	s6 =	simm.s32 @!p1 $0x1082;
	[sflag:s4] =	ssyncset.s32 $0xFFFFF086  }
0x25: {  	[simem:s6], [sflag:s4] =	dma.local [hbm:s3], $0xF7A  }
0x26: {  	[smem:$0x3F9B] =	sst s1;
	(tag) =	ssettag s2;
	_ =	strace s9  }
0x27: {  	s1 =	sld [smem:$0x3FAB]  }
0x28: {  	s2 =	sld [smem:$0x3FAC]  }
0x29: {  	s4 =	sld [smem:$0x3FAE]  }
0x2a: {  	p0 =	seq.s32 s5, $0x0;
	s5 =	sld [smem:$0x3FAF]  }
0x2b: {  	s6 =	sld [smem:$0x3FB0]  }
0x2c: {  	s7 =	sld [smem:$0x3FB1]  }
0x2d: {  	s3 =	simm.s32 $0x108;
	s8 =	sld [smem:$0x3FB2]  }
0x2e: {  	s3 =	simm.s32 @!p0 $0x1082;
	s9 =	sld [smem:$0x3FB3]  }
0x2f: {  	lr =	sadd.s32 s0, s3;
	s0 =	sld [smem:$0x3FAA]  }
0x30: {  	s3 =	sld [smem:$0x3FAD]  }
0x31: {  	[smem:$0x3FB6] =	sst s10  }
0x32: {  	s10 =	sld [smem:$0x3FB4];
	_ =	sdelay $0x3  }
0x33: {  	p0 =	seq.s32 s10, $0x1;
	s10 =	sld [smem:$0x3FB6];
	_ =	sdelay $0x3  }
0x34: {  	[smem:$0x3FB6] =	sst s10  }
0x35: {  	s10 =	sld [smem:$0x3FB5];
	_ =	sdelay $0x3  }
0x36: {  	p1 =	seq.s32 s10, $0x1;
	s10 =	sld [smem:$0x3FB6];
	_ =	sdelay $0x3  }
0x37: {  	[smem:$0x3FB6] =	sst s10  }
0x38: {  	s10 =	sld [smem:$0x3FB7]  }
0x39: {  	_ = 	snop;
	(pc) =	sbr.ind lr, $3  }
0x3a: {  	_ = 	snop  }
0x3b: {  	_ = 	snop  }
0x3c: {  	p2 =	seq.s32 s10, $0x1;
	s10 =	sld [smem:$0x3FB6]  }
0x3d: {  	_ =	shalt  }
0x3e: {  	_ =	shalt  }
0x3f: {  	_ =	shalt  }
0x40: {  	_ =	shalt  }
0x41: {  	_ =	shalt  }
0x42: {  	_ =	shalt  }
0x43: {  	_ =	shalt  }
0x44: {  	_ =	shalt  }
0x45: {  	_ =	shalt  }
0x46: {  	_ =	shalt  }
0x47: {  	_ =	shalt  }
0x48: {  	_ =	shalt  }
0x49: {  	_ =	shalt  }
0x4a: {  	_ =	shalt  }
0x4b: {  	_ =	shalt  }
0x4c: {  	_ =	shalt  }
0x4d: {  	_ =	shalt  }
0x4e: {  	_ =	shalt  }
0x4f: {  	_ =	shalt  }
0x50: {  	_ =	shalt  }
0x51: {  	_ =	shalt  }
0x52: {  	_ =	shalt  }
0x53: {  	_ =	shalt  }
0x54: {  	_ =	shalt  }
0x55: {  	_ =	shalt  }
0x56: {  	_ =	shalt  }
0x57: {  	_ =	shalt  }
0x58: {  	_ =	shalt  }
0x59: {  	_ =	shalt  }
0x5a: {  	_ =	shalt  }
0x5b: {  	_ =	shalt  }
0x5c: {  	_ =	shalt  }
0x5d: {  	_ =	shalt  }
0x5e: {  	_ =	shalt  }
0x5f: {  	_ =	shalt  }
0x60: {  	_ =	shalt  }
0x61: {  	_ =	shalt  }
0x62: {  	_ =	shalt  }
0x63: {  	_ =	shalt  }
0x64: {  	_ =	shalt  }
0x65: {  	_ =	shalt  }
0x66: {  	_ =	shalt  }
0x67: {  	_ =	shalt  }
0x68: {  	_ =	shalt  }
0x69: {  	_ =	shalt  }
0x6a: {  	_ =	shalt  }
0x6b: {  	_ =	shalt  }
0x6c: {  	_ =	shalt  }
0x6d: {  	_ =	shalt  }
0x6e: {  	_ =	shalt  }
0x6f: {  	_ =	shalt  }
0x70: {  	_ =	shalt  }
0x71: {  	_ =	shalt  }
0x72: {  	_ =	shalt  }
0x73: {  	_ =	shalt  }
0x74: {  	_ =	shalt  }
0x75: {  	_ =	shalt  }
0x76: {  	_ =	shalt  }
0x77: {  	_ =	shalt  }
0x78: {  	_ =	shalt  }
0x79: {  	_ =	shalt  }
0x7a: {  	_ =	shalt  }
0x7b: {  	_ =	shalt  }
0x7c: {  	_ =	shalt  }
0x7d: {  	_ =	shalt  }
0x7e: {  	_ =	shalt  }
0x7f: {  	_ =	shalt  }
0x80: {  	_ =	shalt  }
0x81: {  	_ =	shalt  }
0x82: {  	_ =	shalt  }
0x83: {  	_ =	shalt  }
0x84: {  	_ =	shalt  }
0x85: {  	_ =	shalt  }
0x86: {  	_ =	shalt  }
0x87: {  	_ =	shalt  }
.Lfunc_end0:
.L_simem_size_0:
called_computation.1_lowered:
.L_overlay_start_0:
0x88: {  	s2 =	sld [smem:$0x3FD9]  }
0x89: {  	s3 =	sld [smem:$0x3FFE];
	_ =	sdelay $0x1  }
0x8a: {  	s1 =	srdreg.scid  }
0x8b: {  	s0 =	sand.u32 $0x1, s1  }
0x8c: {  	s17 =	sshll.u32 s0, $0xA;
	s2 =	sadd.s32 s3, s2  }
0x8d: {  	s2 =	sadd.s32 s2, s17  }
0x8e: {  	[smem:$0x3FC2] =	sst s2  }
0x8f: {  	_ = 	snop  }
0x90: {  	s2 =	sld [smem:$0x3FD0];
	(tm) =	ssettm $0x1  }
0x91: {  	s18 =	sld [smem:$0x3FFB];
	_ =	sdelay $0x3  }
0x92: {  	_ =	strace s18  }
0x93: {  	s3 =	sld [smem:$0x3FFC];
	_ =	sdelay $0x3  }
0x94: {  	_ =	strace s3  }
0x95: {  	s3 =	sld [smem:$0x3FFD];
	_ =	sdelay $0x3  }
0x96: {  	_ =	strace s3  }
0x97: {  	_ =	strace $0x8FFFFFFF  }
0x98: {  	s19 =	sld [smem:$0x3FDB];
	_ =	sdelay $0x1  }
0x99: {  	s4 =	simm.s32 $_scs_section_size  }
0x9a: {  	s5 =	simm.s32 $_size__tile_overlayer_lowered;
	s6 =	simm.s32 $_tile_overlayer_lowered  }
0x9b: {  	s22 =	simm.s32 $0x1BFF;
	s21 =	sshll.u32 s6, $0x1;
	s3 =	sadd.s32 s4, s19  }
0x9c: {  	s7 =	simm.s32 $0x0;
	s20 =	sshll.u32 s5, $0x1;
	s5 =	sadd.s32 s21, s3  }
0x9d: {  	[timem:s7], [sflag:s22] =	dma.local [hbm:s5], s20  }
0x9e: {  	_ =	swait.ge [sflag:s22], s20  }
0x9f: {  	s4 =	ssub.s32 $0x0, s20;
	[sflag:s22] =	ssyncset.done $0x0  }
0xa0: {  	[sflag:s22] =	ssyncadd.s32 s4;
	_ =	sdelay $0x1  }
0xa1: {  	s23 =	simm.s32 $0x1B8B  }
0xa2: {  	_ =	swait.ge [sflag:s23], $0x1  }
0xa3: {  	[sflag:s23] =	ssyncset.done $0x0  }
0xa4: {  	s25 =	simm.s32 $0x1B8E;
	s24 =	sld [smem:$0x3FFE];
	[sflag:s23] =	ssyncadd.s32 $0xFFFFFFFF  }
0xa5: {  	s26 =	simm.s32 $execute0_lowered;
	[smem:$0x3FD2] =	sst s25  }
0xa6: {  	s5 =	sshll.u32 s26, $0x1;
	_ =	strace $0x80000049;
	[dreg:$0x1] =	wrdreg $0xFFFFFFFF  }
0xa7: {  	s28 =	simm.s32 $_size_execute0_lowered;
	s3 =	sadd.s32 s3, s5;
	[dreg:$0x0] =	wrdreg $0x0  }
0xa8: {  	s5 =	sshll.u32 s28, $0x1;
	[dreg:$0x2] =	wrdreg s3  }
0xa9: {  	[dreg:$0x3] =	wrdreg s5  }
0xaa: {  	[dreg:$0x4] =	wrdreg $0xC0  }
0xab: {  	_ =	task [dreg:s7], $0x5FFFF  }
0xac: {  	[dreg:$0x1] =	wrdreg $0xFFFFFFFF  }
0xad: {  	[dreg:$0x0] =	wrdreg $0x60  }
0xae: {  	[dreg:$0x2] =	wrdreg s24  }
0xaf: {  	[dreg:$0x3] =	wrdreg s2  }
0xb0: {  	[dreg:$0x4] =	wrdreg $0xAA000  }
0xb1: {  	[dreg:$0x5] =	wrdreg $0x9  }
0xb2: {  	_ =	task.clear_ibuf [dreg:s7], $0x6FFFF;
	_ =	strace $0x90000049  }
0xb3: {  	s29 =	simm.s32 $0x9;
	_ =	strace $0x8000004B  }
0xb4: {  	_ =	swait.ge [sflag:s29], $0x1  }
0xb5: {  	[sflag:s29] =	ssyncadd.s32 $0xFFFFFFFF  }
0xb6: {  	_ =	strace $0x9000004B  }
0xb7: {  	_ =	sfence  }
0xb8: {  	s30 =	sld [smem:$0x0];
	_ =	sdelay $0x2  }
0xb9: {  	s31 =	sshll.u32 s1, $0xD;
	s1 =	sshrl.u32 s1, $0x2  }
0xba: {  	s3 =	sand.u32 $0x4000, s31;
	s1 =	sadd.s32 s1, s30  }
0xbb: {  	s0 =	sor.u32 s3, s0;
	s1 =	sshll.u32 s1, $0x11  }
0xbc: {  	s0 =	sor.u32 s1, s0  }
0xbd: {  	s0 =	sadd.s32 $0x8F2B, s0  }
0xbe: {  	[sflag:s0] =	ssyncadd.remote.s32 $0x1  }
0xbf: {  	_ =	sfence.sel $0xFFFF  }
0xc0: {  	[dreg:$0x0] =	wrdreg $0xFFFFFFFF;
	(pc) =	sbr.abs _section_cstart, $3  }
0xc1: {  	[dreg:$0x1] =	wrdreg $0xFFFFFFFF  }
0xc2: {  	_ =	task.clear_ibuf [dreg:s7], $0x2FFFF;
	_ =	strace $0x9FFFFFFF  }
0xc3: {  	(tm) =	ssettm $0x7FFFFFFF  }
tec
execute0_lowered:
.L_overlay_start_1:
0x0: {  	(tag) =	ssettag $0x1  }
0x1: {  	s12 =	stileid.u32  }
0x2: {  	s0 =	srdreg.scid;
	s8 =	smul.u32 $0x50000, s12  }
0x3: {  	s1 =	rddreg [dreg:$0x0];
	s0 =	sand.u32 $0x1, s0;
	s20 =	smul.u32 $0xA00, s12  }
0x4: {  	s6 =	rddreg [dreg:$0x1];
	s3 =	sshll.u32 s0, $0x4;
	s9 =	smul.u32 $0x28000, s0  }
0x5: {  	s11 =	ssub.s32 $0x2, s0;
	s0 =	smul.u32 $0xA000, s0;
	s7 =	sor.u32 s12, s3  }
0x6: {  	s2 =	rddreg [dreg:$0x2];
	s3 =	simm.s32 $0x0;
	s5 =	smul.u32 $0x500, s7  }
0x7: {  	[smem:$0x7FF] =	sst s3;
	s7 =	smul.u32 $0xA00, s7  }
0x8: {  	s22 =	sshrl.u32 s8, $0x2;
	s0 =	sadd.s32 s0, s6;
	_ =	strace $0x8000004A  }
0x9: {  	s0 =	sadd.s32 s20, s0;
	s10 =	sadd.s32 s5, s1;
	s19 =	sadd.s32 s6, s7  }
0xa: {  	s5 =	sadd.s32 s22, s2;
	s0 =	sadd.s32 $0x70, s0;
	[dreg:$0xe] =	wrdreg s19  }
0xb: {  	s31 =	simm.s32 $0x6A00;
	s24 =	sadd.s32 $0x2000, s5;
	[dreg:$0x13] =	wrdreg s0  }
0xc: {  	s28 =	simm.s32 $0x8A00;
	s25 =	sadd.s32 $0x4000, s5;
	[dreg:$0x4] =	wrdreg s24  }
0xd: {  	s23 =	sshrl.u32 s11, $0x1;
	s26 =	sadd.s32 $0x6000, s5;
	[dreg:$0x5] =	wrdreg s25  }
0xe: {  	s8 =	ssub.s32 s11, s23;
	s11 =	sadd.s32 $0x8000, s5;
	[dreg:$0x6] =	wrdreg s26  }
0xf: {  	s29 =	simm.s32 $0x2980;
	s13 =	sadd.s32 $0xA000, s5;
	[dreg:$0x7] =	wrdreg s11  }
0x10: {  	s30 =	simm.s32 $0x1;
	s14 =	sadd.s32 $0xC000, s5;
	[dreg:$0x8] =	wrdreg s13  }
0x11: {  	s4 =	sadd.s32 $0x17000, s1;
	s15 =	sadd.s32 $0xE000, s5;
	[dreg:$0x9] =	wrdreg s14  }
0x12: {  	s1 =	sadd.s32 s9, s1;
	s16 =	sadd.s32 $0x10000, s5;
	[dreg:$0xa] =	wrdreg s15  }
0x13: {  	s6 =	simm.s32 $0x3;
	s17 =	sadd.s32 $0x12000, s5;
	[dreg:$0xb] =	wrdreg s16  }
0x14: {  	s7 =	simm.s32 $0x7;
	s18 =	sadd.s32 $0xD000, s10;
	[dreg:$0xc] =	wrdreg s17  }
0x15: {  	s9 =	simm.s32 $0x8;
	s21 =	sadd.s32 $0x10, s19;
	[dreg:$0xd] =	wrdreg s18  }
0x16: {  	s22 =	sadd.s32 $0x20, s19;
	s23 =	sadd.s32 $0x30, s19;
	[dreg:$0xf] =	wrdreg s21  }
0x17: {  	s1 =	sadd.s32 $0x3F000, s1;
	s0 =	simm.s32 $0x5;
	[dreg:$0x10] =	wrdreg s22  }
0x18: {  	s10 =	simm.s32 $0x9;
	[dreg:$0x11] =	wrdreg s23;
	s24 =	smul.u32 $0x2800, s12  }
.Ltmp0:
0x19: {  	s25 =	smax.u32 s8, $0x1;
	s22 =	simm.s32 $0x2A00;
	(pc) =	sbr.rel .LBB2_1-.Ltmp0, $4  }
0x1a: {  	s23 =	simm.s32 $0xD;
	s8 =	simm.s32 $0x4;
	s11 =	simm.s32 $0xA  }
0x1b: {  	s12 =	simm.s32 $0xB;
	s13 =	simm.s32 $0xC;
	s14 =	simm.s32 $0x0  }
0x1c: {  	[dreg:$0x12] =	wrdreg s25;
	s25 =	simm.s32 $0x40;
	s26 =	sadd.s32 s24, s1  }
0x1d: {  	v0 =	vimm.f32 $0.0e+00;
	s1 =	simm.s32 $0x2900;
	[dreg:$0x14] =	wrdreg s26;
	s26 =	simm.s32 $0x2800  }
.LBB2_6:
0x1e: {  	_ =	swait.ge [sflag:s8], $0x2000  }
0x1f: {  	[sflag:s8] =	ssyncset.done $0x0  }
0x20: {  	[sflag:s8] =	ssyncadd.s32 $0xFFFFE000  }
0x21: {  	_ =	swait.ge [sflag:s9], $0x80  }
0x22: {  	[sflag:s9] =	ssyncset.done $0x0  }
0x23: {  	[sflag:s9] =	ssyncadd.s32 $0xFFFFFF80  }
0x24: {  	[spmem:s2] =	stream.indirect.scatter.add.f32 [tilespmem:s28], [sflag:$0xC], $0x80, s29, s25, $0xb8;
	[tilespmem:$0x1EA00] =	vst v63  }
0x25: {  	_ =	swait.ge [sflag:s10], $0x2000  }
0x26: {  	[sflag:s10] =	ssyncset.done $0x0  }
0x27: {  	[sflag:s10] =	ssyncadd.s32 $0xFFFFE000  }
0x28: {  	_ =	swait.ge [sflag:s11], $0x2000  }
0x29: {  	[sflag:s11] =	ssyncset.done $0x0  }
0x2a: {  	[sflag:s11] =	ssyncadd.s32 $0xFFFFE000  }
0x2b: {  	_ =	swait.ge [sflag:s12], $0x2000  }
0x2c: {  	[sflag:s12] =	ssyncset.done $0x0  }
0x2d: {  	[sflag:s12] =	ssyncadd.s32 $0xFFFFE000  }
0x2e: {  	_ =	swait.ge [sflag:s13], $0x2000  }
0x2f: {  	[sflag:s13] =	ssyncset.done $0x0  }
0x30: {  	s15 =	stileid.u32;
	[sflag:s13] =	ssyncadd.s32 $0xFFFFE000  }
0x31: {  	s15 =	sshll.u32 s15, $0x6;
	[bflag:$0x0] =	sbarrier.arrive $0xFFFF  }
0x32: {  	s16 =	sshrl.u32 s5, $0x3;
	s15 =	sor.u32 $0x1C0D, s15;
	s17 =	rddreg [dreg:$0x14]  }
0x33: {  	[hbm:s17], [sflag:s15] =	dma.local [spmem:s16], $0x2800  }
0x34: {  	_ =	swait.ge [sflag:s23], $0x2800  }
0x35: {  	s14 =	sadd.s32 $0x1, s14;
	s24 =	rddreg [dreg:$0x12]  }
0x36: {  	p0 =	sne.s32 s14, s24  }
.Ltmp1:
0x37: {  	_ = 	snop;
	(pc) =	sbr.rel @!p0 .LBB2_7-.Ltmp1, $3  }
0x38: {  	_ =	sdelay $0x1  }
0x39: {  	[sflag:s23] =	ssyncset.done $0x0  }
0x3a: {  	[sflag:s23] =	ssyncadd.s32 $0xFFFFD800  }
.LBB2_1:
0x3b: {  	s15 =	simm.s32 $0x0;
	s21 =	simm.s32 $0x200  }
.LBB2_2:
0x3c: {  	p0 =	sne.s32 s21, $0x7E00;
	[tilespmem:s15+$0x2A70] =	vst v0  }
0x3d: {  	[tilespmem:s15+$0x2A00] =	vst v0  }
0x3e: {  	[tilespmem:s15+$0x2A10] =	vst v0  }
.Ltmp2:
0x3f: {  	[tilespmem:s15+$0x2A20] =	vst v0;
	(pc) =	sbr.rel @p0 .LBB2_2-.Ltmp2, $4  }
0x40: {  	[tilespmem:s15+$0x2A30] =	vst v0  }
0x41: {  	[tilespmem:s15+$0x2A40] =	vst v0  }
0x42: {  	[tilespmem:s15+$0x2A50] =	vst v0  }
0x43: {  	[tilespmem:s15+$0x2A60] =	vst v0;
	s15 =	sshra.s32 s21, $0x2;
	s21 =	sadd.s32 $0x200, s21  }
0x44: {  	[tilespmem:s15+$0x2A70] =	vst v0  }
0x45: {  	[tilespmem:s15+$0x2A00] =	vst v0  }
0x46: {  	[tilespmem:s15+$0x2A10] =	vst v0  }
0x47: {  	[tilespmem:s15+$0x2A20] =	vst v0  }
0x48: {  	[tilespmem:s15+$0x2A30] =	vst v0  }
0x49: {  	[tilespmem:s15+$0x2A40] =	vst v0  }
0x4a: {  	[tilespmem:s15+$0x2A50] =	vst v0  }
0x4b: {  	[tilespmem:s15+$0x2A60] =	vst v0  }
0x4c: {  	[spmem:s5] =	stream.linear.scatter [tilespmem:s22], [sflag:$0xD], $0x2000, $0x38;
	[tilespmem:$0x1EA00] =	vst v63  }
0x4d: {  	_ =	swait.ge [sflag:s23], $0x2000  }
0x4e: {  	[sflag:s23] =	ssyncset.done $0x0  }
0x4f: {  	s20 =	rddreg [dreg:$0x4];
	[sflag:s23] =	ssyncadd.s32 $0xFFFFE000  }
0x50: {  	[spmem:s20] =	stream.linear.scatter [tilespmem:s22], [sflag:$0xD], $0x2000, $0x38;
	[tilespmem:$0x1EA00] =	vst v63  }
0x51: {  	_ =	swait.ge [sflag:s23], $0x2000  }
0x52: {  	[sflag:s23] =	ssyncset.done $0x0  }
0x53: {  	s21 =	rddreg [dreg:$0x5];
	[sflag:s23] =	ssyncadd.s32 $0xFFFFE000  }
0x54: {  	[spmem:s21] =	stream.linear.scatter [tilespmem:s22], [sflag:$0xD], $0x2000, $0x38;
	[tilespmem:$0x1EA00] =	vst v63  }
0x55: {  	_ =	swait.ge [sflag:s23], $0x2000  }
0x56: {  	[sflag:s23] =	ssyncset.done $0x0  }
0x57: {  	s24 =	rddreg [dreg:$0x6];
	[sflag:s23] =	ssyncadd.s32 $0xFFFFE000  }
0x58: {  	[spmem:s24] =	stream.linear.scatter [tilespmem:s22], [sflag:$0xD], $0x2000, $0x38;
	[tilespmem:$0x1EA00] =	vst v63  }
0x59: {  	_ =	swait.ge [sflag:s23], $0x2000  }
0x5a: {  	[sflag:s23] =	ssyncset.done $0x0  }
0x5b: {  	s16 =	rddreg [dreg:$0x7];
	[sflag:s23] =	ssyncadd.s32 $0xFFFFE000  }
0x5c: {  	[spmem:s16] =	stream.linear.scatter [tilespmem:s22], [sflag:$0xD], $0x2000, $0x38;
	[tilespmem:$0x1EA00] =	vst v63  }
0x5d: {  	_ =	swait.ge [sflag:s23], $0x2000  }
0x5e: {  	[sflag:s23] =	ssyncset.done $0x0  }
0x5f: {  	s17 =	rddreg [dreg:$0x8];
	[sflag:s23] =	ssyncadd.s32 $0xFFFFE000  }
0x60: {  	[spmem:s17] =	stream.linear.scatter [tilespmem:s22], [sflag:$0xD], $0x2000, $0x38;
	[tilespmem:$0x1EA00] =	vst v63  }
0x61: {  	_ =	swait.ge [sflag:s23], $0x2000  }
0x62: {  	[sflag:s23] =	ssyncset.done $0x0  }
0x63: {  	s18 =	rddreg [dreg:$0x9];
	[sflag:s23] =	ssyncadd.s32 $0xFFFFE000  }
0x64: {  	[spmem:s18] =	stream.linear.scatter [tilespmem:s22], [sflag:$0xD], $0x2000, $0x38;
	[tilespmem:$0x1EA00] =	vst v63  }
0x65: {  	_ =	swait.ge [sflag:s23], $0x2000  }
0x66: {  	[sflag:s23] =	ssyncset.done $0x0  }
0x67: {  	s19 =	rddreg [dreg:$0xa];
	[sflag:s23] =	ssyncadd.s32 $0xFFFFE000  }
0x68: {  	[spmem:s19] =	stream.linear.scatter [tilespmem:s22], [sflag:$0xD], $0x2000, $0x38;
	[tilespmem:$0x1EA00] =	vst v63  }
0x69: {  	_ =	swait.ge [sflag:s23], $0x2000  }
0x6a: {  	[sflag:s23] =	ssyncset.done $0x0  }
0x6b: {  	s20 =	rddreg [dreg:$0xb];
	[sflag:s23] =	ssyncadd.s32 $0xFFFFE000  }
0x6c: {  	[spmem:s20] =	stream.linear.scatter [tilespmem:s22], [sflag:$0xD], $0x2000, $0x38;
	[tilespmem:$0x1EA00] =	vst v63  }
0x6d: {  	_ =	swait.ge [sflag:s23], $0x2000  }
0x6e: {  	[sflag:s23] =	ssyncset.done $0x0  }
0x6f: {  	s21 =	rddreg [dreg:$0xc];
	[sflag:s23] =	ssyncadd.s32 $0xFFFFE000  }
0x70: {  	[spmem:s21] =	stream.linear.scatter [tilespmem:s22], [sflag:$0xD], $0x2000, $0x38;
	[tilespmem:$0x1EA00] =	vst v63  }
0x71: {  	_ =	swait.ge [sflag:s23], $0x2000  }
0x72: {  	[sflag:s23] =	ssyncset.done $0x0  }
0x73: {  	s15 =	simm.s32 $0x0;
	s16 =	rddreg [dreg:$0xd];
	[sflag:s23] =	ssyncadd.s32 $0xFFFFE000  }
0x74: {  	[tilespmem:s15], [sflag:$0xD] =	stream.linear.gather [hbm4b:s16+s15], $0x2800, $0x38;
	[tilespmem:$0x1EA00] =	vst v63  }
0x75: {  	_ =	swait.ge [sflag:s23], $0x2800  }
0x76: {  	[sflag:s23] =	ssyncset.done $0x0  }
0x77: {  	[sflag:s23] =	ssyncadd.s32 $0xFFFFD800  }
0x78: {  	[bflag:$0x0] =	sbarrier.arrive $0xFFFF  }
0x79: {  	[tilespmem:s22], [sflag:$0x1] =	stream.indirect.gather [hbm4b:s4+s25], $0x80, s15, s25, $0xb8;
	[tilespmem:$0x1EA00] =	vst v63  }
0x7a: {  	s24 =	rddreg [dreg:$0xe]  }
0x7b: {  	[tilespmem:s26], [sflag:$0x5] =	stream.linear.gather [hbm4b:s24+s15], $0x80, $0x38;
	[tilespmem:$0x1EA00] =	vst v63  }
0x7c: {  	s17 =	simm.s32 $0x4A00  }
0x7d: {  	[tilespmem:s17], [sflag:$0x2] =	stream.indirect.gather [hbm4b:s4+s25], $0x80, s25, s25, $0xb8;
	[tilespmem:$0x1EA00] =	vst v63  }
0x7e: {  	s18 =	rddreg [dreg:$0xf];
	s17 =	simm.s32 $0x2880  }
0x7f: {  	[tilespmem:s17], [sflag:$0x6] =	stream.linear.gather [hbm4b:s18+s15], $0x80, $0x38;
	[tilespmem:$0x1EA00] =	vst v63  }
0x80: {  	s19 =	simm.s32 $0x80  }
0x81: {  	[tilespmem:s31], [sflag:$0x3] =	stream.indirect.gather [hbm4b:s4+s25], $0x80, s19, s25, $0xb8;
	[tilespmem:$0x1EA00] =	vst v63  }
0x82: {  	s20 =	rddreg [dreg:$0x10]  }
0x83: {  	[tilespmem:s1], [sflag:$0x7] =	stream.linear.gather [hbm4b:s20+s15], $0x80, $0x38;
	[tilespmem:$0x1EA00] =	vst v63  }
0x84: {  	s21 =	simm.s32 $0xC0;
	s24 =	rddreg [dreg:$0x11]  }
0x85: {  	[tilespmem:s28], [sflag:$0x4] =	stream.indirect.gather [hbm4b:s4+s25], $0x80, s21, s25, $0xb8;
	[tilespmem:$0x1EA00] =	vst v63  }
0x86: {  	s21 =	rddreg [dreg:$0x13]  }
0x87: {  	[tilespmem:s29], [sflag:$0x8] =	stream.linear.gather [hbm4b:s24+s15], $0x80, $0x38;
	[tilespmem:$0x1EA00] =	vst v63  }
.LBB2_4:
0x88: {  	_ =	swait.ge [sflag:s30], $0x2000  }
0x89: {  	[sflag:s30] =	ssyncset.done $0x0  }
0x8a: {  	[sflag:s30] =	ssyncadd.s32 $0xFFFFE000  }
0x8b: {  	_ =	swait.ge [sflag:s0], $0x80  }
0x8c: {  	p0 =	seq.s32 s15, $0x9C00;
	[sflag:s0] =	ssyncset.done $0x0  }
0x8d: {  	s18 =	simm.s32 @p0 $0x2;
	[sflag:s0] =	ssyncadd.s32 $0xFFFFFF80  }
0x8e: {  	[spmem:s2] =	stream.indirect.scatter.add.f32 [tilespmem:s22], [sflag:$0x9], $0x80, s26, s25, $0xb8;
	[tilespmem:$0x1EA00] =	vst v63  }
0x8f: {  	_ =	swait.ge @p0 [sflag:s18], $0x2000  }
0x90: {  	[sflag:s18] =	ssyncset.done @p0 $0x0  }
0x91: {  	[sflag:s18] =	ssyncadd.s32 @p0 $0xFFFFE000;
	s18 =	simm.s32 @p0 $0x6  }
0x92: {  	_ =	swait.ge @p0 [sflag:s18], $0x80  }
0x93: {  	s19 =	simm.s32 @p0 $0x2880;
	[sflag:s18] =	ssyncset.done @p0 $0x0  }
0x94: {  	s20 =	simm.s32 @p0 $0x4A00;
	[sflag:s18] =	ssyncadd.s32 @p0 $0xFFFFFF80;
	s18 =	simm.s32 @p0 $0x40  }
0x95: {  	[spmem:s2] =	stream.indirect.scatter.add.f32 @p0 [tilespmem:s20], [sflag:$0xA], $0x80, s19, s18, $0xb8;
	[tilespmem:$0x1EA00] =	vst v63  }
0x96: {  	s18 =	simm.s32 @!p0 $0x9  }
0x97: {  	_ =	swait.ge @!p0 [sflag:s18], $0x2000  }
0x98: {  	[sflag:s18] =	ssyncset.done @!p0 $0x0  }
0x99: {  	[sflag:s18] =	ssyncadd.s32 @!p0 $0xFFFFE000;
	s18 =	sshra.s32 @!p0 s15, $0x2  }
0x9a: {  	s17 =	simm.s32 @!p0 $0x2A00;
	s20 =	simm.s32 @!p0 $0x40;
	s19 =	sadd.s32 @!p0 $0x100, s18  }
0x9b: {  	[tilespmem:s17], [sflag:$0x1] =	stream.indirect.gather @!p0 [hbm4b:s4+s20], $0x80, s19, s20, $0xb8;
	[tilespmem:$0x1EA00] =	vst v63  }
0x9c: {  	s24 =	simm.s32 @!p0 $0x2800;
	s17 =	sadd.s32 @!p0 $0xFFFFFFD0, s21;
	s19 =	simm.s32 @!p0 $0x0  }
0x9d: {  	[tilespmem:s24], [sflag:$0x5] =	stream.linear.gather @!p0 [hbm4b:s17+s19], $0x80, $0x38;
	[tilespmem:$0x1EA00] =	vst v63  }
0x9e: {  	s17 =	simm.s32 @!p0 $0x2  }
0x9f: {  	_ =	swait.ge @!p0 [sflag:s17], $0x2000  }
0xa0: {  	[sflag:s17] =	ssyncset.done @!p0 $0x0  }
0xa1: {  	[sflag:s17] =	ssyncadd.s32 @!p0 $0xFFFFE000;
	s17 =	simm.s32 @!p0 $0x6  }
0xa2: {  	_ =	swait.ge @!p0 [sflag:s17], $0x80  }
0xa3: {  	s16 =	simm.s32 @!p0 $0xA;
	[sflag:s17] =	ssyncset.done @!p0 $0x0  }
0xa4: {  	s24 =	simm.s32 @!p0 $0x4A00;
	[sflag:s17] =	ssyncadd.s32 @!p0 $0xFFFFFF80;
	s17 =	simm.s32 @!p0 $0x2880  }
0xa5: {  	[spmem:s2] =	stream.indirect.scatter.add.f32 @!p0 [tilespmem:s24], [sflag:$0xA], $0x80, s17, s20, $0xb8;
	[tilespmem:$0x1EA00] =	vst v63  }
0xa6: {  	_ =	swait.ge @!p0 [sflag:s16], $0x2000  }
0xa7: {  	[sflag:s16] =	ssyncset.done @!p0 $0x0  }
0xa8: {  	[sflag:s16] =	ssyncadd.s32 @!p0 $0xFFFFE000;
	s16 =	sadd.s32 @!p0 $0x140, s18  }
0xa9: {  	[tilespmem:s24], [sflag:$0x2] =	stream.indirect.gather @!p0 [hbm4b:s4+s20], $0x80, s16, s20, $0xb8;
	[tilespmem:$0x1EA00] =	vst v63  }
0xaa: {  	s16 =	sadd.s32 @!p0 $0xFFFFFFE0, s21  }
0xab: {  	[tilespmem:s17], [sflag:$0x6] =	stream.linear.gather @!p0 [hbm4b:s16+s19], $0x80, $0x38;
	[tilespmem:$0x1EA00] =	vst v63  }
0xac: {  	_ =	swait.ge [sflag:s6], $0x2000  }
0xad: {  	[sflag:s6] =	ssyncset.done $0x0  }
.Ltmp3:
0xae: {  	[sflag:s6] =	ssyncadd.s32 $0xFFFFE000;
	(pc) =	sbr.rel @p0 .LBB2_6-.Ltmp3, $4  }
0xaf: {  	_ =	swait.ge [sflag:s7], $0x80  }
0xb0: {  	[sflag:s7] =	ssyncset.done $0x0  }
0xb1: {  	[sflag:s7] =	ssyncadd.s32 $0xFFFFFF80  }
0xb2: {  	[spmem:s2] =	stream.indirect.scatter.add.f32 [tilespmem:s31], [sflag:$0xB], $0x80, s1, s25, $0xb8;
	[tilespmem:$0x1EA00] =	vst v63  }
0xb3: {  	_ =	swait.ge [sflag:s12], $0x2000  }
0xb4: {  	s16 =	sshra.s32 s15, $0x2;
	[sflag:s12] =	ssyncset.done $0x0  }
0xb5: {  	s17 =	sadd.s32 $0x180, s16;
	[sflag:s12] =	ssyncadd.s32 $0xFFFFE000  }
0xb6: {  	[tilespmem:s31], [sflag:$0x3] =	stream.indirect.gather [hbm4b:s4+s25], $0x80, s17, s25, $0xb8;
	[tilespmem:$0x1EA00] =	vst v63  }
0xb7: {  	s24 =	sadd.s32 $0xFFFFFFF0, s21  }
0xb8: {  	[tilespmem:s1], [sflag:$0x7] =	stream.linear.gather [hbm4b:s24+s3], $0x80, $0x38;
	[tilespmem:$0x1EA00] =	vst v63  }
0xb9: {  	_ =	swait.ge [sflag:s8], $0x2000  }
0xba: {  	[sflag:s8] =	ssyncset.done $0x0  }
0xbb: {  	[sflag:s8] =	ssyncadd.s32 $0xFFFFE000  }
0xbc: {  	_ =	swait.ge [sflag:s9], $0x80  }
0xbd: {  	[sflag:s9] =	ssyncset.done $0x0  }
0xbe: {  	[sflag:s9] =	ssyncadd.s32 $0xFFFFFF80  }
0xbf: {  	[spmem:s2] =	stream.indirect.scatter.add.f32 [tilespmem:s28], [sflag:$0xC], $0x80, s29, s25, $0xb8;
	[tilespmem:$0x1EA00] =	vst v63  }
0xc0: {  	_ =	swait.ge [sflag:s13], $0x2000  }
0xc1: {  	[sflag:s13] =	ssyncset.done $0x0  }
.Ltmp4:
0xc2: {  	s16 =	sadd.s32 $0x1C0, s16;
	[sflag:s13] =	ssyncadd.s32 $0xFFFFE000;
	(pc) =	sbr.rel .LBB2_4-.Ltmp4, $4  }
0xc3: {  	[tilespmem:s28], [sflag:$0x4] =	stream.indirect.gather [hbm4b:s4+s25], $0x80, s16, s25, $0xb8;
	[tilespmem:$0x1EA00] =	vst v63  }
0xc4: {  	_ = 	snop  }
0xc5: {  	[tilespmem:s29], [sflag:$0x8] =	stream.linear.gather [hbm4b:s21+s3], $0x80, $0x38;
	[tilespmem:$0x1EA00] =	vst v63  }
0xc6: {  	s15 =	sadd.s32 $0x400, s15;
	s21 =	sadd.s32 $0x40, s21  }
.LBB2_7:
0xc7: {  	_ =	sfence.sel $0x180000  }
0xc8: {  	[bflag:$0x0] =	sbarrier.arrive $0xFFFF  }
0xc9: {  	_ =	strace $0x9000004A  }
0xca: {  	s0 =	stileid.u32;
	[bflag:$0x2] =	sbarrier.arrive $0xFFFF  }
0xcb: {  	p0 =	sne.s32 s0, $0x0;
	s0 =	rddreg [dreg:$0x3]  }
0xcc: {  	s0 =	sadd.s32 @!p0 $0x100000, s0  }
0xcd: {  	[sflag:s0] =	ssyncadd.tile.s32 @!p0 $0x1;
	_ =	shalt  }
.Lfunc_end2:
_tile_overlayer_lowered:
.L_overlay_start_2:
0xce: {  	(tag) =	ssettag $0x2  }
0xcf: {  	s0 =	rddreg [dreg:$0x0];
	s2 =	stileid.u32  }
0xd0: {  	s1 =	rddreg [dreg:$0x1];
	p0 =	sne.s32 s2, $0x0  }
0xd1: {  	s3 =	rddreg [dreg:$0x2];
	[bflag:$0x3] =	sbarrier.arrive $0xFFFF;
	s2 =	simm.s32 @!p0 $0x1C0D  }
0xd2: {  	[timem:s3], [sflag:s2] =	dma.local @!p0 [hbm:s0], s1  }
0xd3: {  	s0 =	simm.s32 @!p0 $0xD  }
0xd4: {  	_ =	swait.ge @!p0 [sflag:s0], s1  }
0xd5: {  	s1 =	ssub.s32 @!p0 $0x0, s1;
	[sflag:s0] =	ssyncset.done @!p0 $0x0  }
0xd6: {  	[sflag:s0] =	ssyncadd.s32 @!p0 s1  }
0xd7: {  	[bflag:$0x3] =	sbarrier.arrive $0xFFFF  }
0xd8: {  	_ =	shalt  }

// kernel: kernel.14.cloned.1.call-start
scs
__scs_entry_jumppad:
0x0: {  	(pc) =	sbr.rel $0x88, $3  }
0x1: {  	(tag) =	ssettag $0x0;
	lr =	simm.s32 $0x1  }
0x2: {  	[smem:$0x3F9B] =	sst lr;
	_ =	strace $0xD0000000  }
0x3: {  	_ = 	snop  }
0x4: {  	_ = 	snop  }
0x5: {  	_ = 	snop  }
0x6: {  	_ = 	snop  }
0x7: {  	_ = 	snop  }
__scs_overlays_trampoline_lowered:
0x8: {  	[smem:$0x3FAA] =	sst s0  }
0x9: {  	[smem:$0x3FAB] =	sst s1  }
0xa: {  	[smem:$0x3FAC] =	sst s2  }
0xb: {  	[smem:$0x3FAD] =	sst s3  }
0xc: {  	[smem:$0x3FAE] =	sst s4  }
0xd: {  	[smem:$0x3FAF] =	sst s5  }
0xe: {  	[smem:$0x3FB0] =	sst s6  }
0xf: {  	[smem:$0x3FB1] =	sst s7  }
0x10: {  	[smem:$0x3FB2] =	sst s8  }
0x11: {  	[smem:$0x3FB3] =	sst s9;
	s0 =	simm.s32 @!p0 $0x0  }
0x12: {  	s1 =	sld [smem:$0x3F99];
	s0 =	simm.s32 @p0 $0x1  }
0x13: {  	[smem:$0x3FB4] =	sst s0;
	s0 =	simm.s32 @!p1 $0x0  }
0x14: {  	s2 =	sld [smem:$0x3F98];
	s0 =	simm.s32 @p1 $0x1  }
0x15: {  	[smem:$0x3FB5] =	sst s0;
	s0 =	simm.s32 @!p2 $0x0  }
0x16: {  	s3 =	sld [smem:$0x3FDB];
	s0 =	simm.s32 @p2 $0x1  }
0x17: {  	s4 =	simm.s32 $0x1BF5;
	[smem:$0x3FB7] =	sst s0  }
0x18: {  	s0 =	sld [smem:$0x3F9A];
	_ =	swait.ge [sflag:s4], $0x0  }
0x19: {  	s7 =	sld [smem:$0x3F9B]  }
0x1a: {  	s8 =	sadd.s32 $0xFFFFE003, lr  }
0x1b: {  	s9 =	sadd.s32 $0xFFFFFEF7, lr;
	s5 =	simm.s32 $0xFFFFFFFF;
	p2 =	slt.u32 s8, $0xFFFFF086  }
0x1c: {  	p1 =	slt.u32 s9, $0xF7A;
	s5 =	simm.s32 @!p2 $0x0  }
0x1d: {  	s5 =	simm.s32 @p1 $0x1;
	p0 =	seq.s32 s7, s2  }
0x1e: {  	s7 =	smul.u32 @!p0 $0xF7A, s2;
	p2 =	seq.s32 @!p0 s5, $0x0  }
0x1f: {  	s9 =	smul.u32 $0xF7A, s1;
	s8 =	simm.s32 @!p0 $0x1BF5;
	p2 =	por !p2, p0  }
0x20: {  	[sflag:s8] =	ssyncset.s32 @!p0 $0xFFFFF086;
	s6 =	sadd.s32 @!p0 s3, s7;
	s7 =	simm.s32 @!p0 $0x108  }
0x21: {  	s3 =	sadd.s32 s3, s9;
	s6 =	sadd.s32 @!p0 $0x88, s6;
	s7 =	simm.s32 @p2 $0x1082  }
0x22: {  	[simem:s7], [sflag:s8] =	dma.local @!p0 [hbm:s6], $0xF7A  }
0x23: {  	s9 =	sor.u32 $0xD0000000, s2;
	s6 =	simm.s32 $0x108;
	_ =	swait.ge @!p0 [sflag:s8], $0x0  }
0x24: {  	s3 =	sadd.s32 $0x88, s3;
	s6 =	simm.s32 @!p1 $0x1082;
	[sflag:s4] =	ssyncset.s32 $0xFFFFF086  }
0x25: {  	[simem:s6], [sflag:s4] =	dma.local [hbm:s3], $0xF7A  }
0x26: {  	[smem:$0x3F9B] =	sst s1;
	(tag) =	ssettag s2;
	_ =	strace s9  }
0x27: {  	s1 =	sld [smem:$0x3FAB]  }
0x28: {  	s2 =	sld [smem:$0x3FAC]  }
0x29: {  	s4 =	sld [smem:$0x3FAE]  }
0x2a: {  	p0 =	seq.s32 s5, $0x0;
	s5 =	sld [smem:$0x3FAF]  }
0x2b: {  	s6 =	sld [smem:$0x3FB0]  }
0x2c: {  	s7 =	sld [smem:$0x3FB1]  }
0x2d: {  	s3 =	simm.s32 $0x108;
	s8 =	sld [smem:$0x3FB2]  }
0x2e: {  	s3 =	simm.s32 @!p0 $0x1082;
	s9 =	sld [smem:$0x3FB3]  }
0x2f: {  	lr =	sadd.s32 s0, s3;
	s0 =	sld [smem:$0x3FAA]  }
0x30: {  	s3 =	sld [smem:$0x3FAD]  }
0x31: {  	[smem:$0x3FB6] =	sst s10  }
0x32: {  	s10 =	sld [smem:$0x3FB4];
	_ =	sdelay $0x3  }
0x33: {  	p0 =	seq.s32 s10, $0x1;
	s10 =	sld [smem:$0x3FB6];
	_ =	sdelay $0x3  }
0x34: {  	[smem:$0x3FB6] =	sst s10  }
0x35: {  	s10 =	sld [smem:$0x3FB5];
	_ =	sdelay $0x3  }
0x36: {  	p1 =	seq.s32 s10, $0x1;
	s10 =	sld [smem:$0x3FB6];
	_ =	sdelay $0x3  }
0x37: {  	[smem:$0x3FB6] =	sst s10  }
0x38: {  	s10 =	sld [smem:$0x3FB7]  }
0x39: {  	_ = 	snop;
	(pc) =	sbr.ind lr, $3  }
0x3a: {  	_ = 	snop  }
0x3b: {  	_ = 	snop  }
0x3c: {  	p2 =	seq.s32 s10, $0x1;
	s10 =	sld [smem:$0x3FB6]  }
0x3d: {  	_ =	shalt  }
0x3e: {  	_ =	shalt  }
0x3f: {  	_ =	shalt  }
0x40: {  	_ =	shalt  }
0x41: {  	_ =	shalt  }
0x42: {  	_ =	shalt  }
0x43: {  	_ =	shalt  }
0x44: {  	_ =	shalt  }
0x45: {  	_ =	shalt  }
0x46: {  	_ =	shalt  }
0x47: {  	_ =	shalt  }
0x48: {  	_ =	shalt  }
0x49: {  	_ =	shalt  }
0x4a: {  	_ =	shalt  }
0x4b: {  	_ =	shalt  }
0x4c: {  	_ =	shalt  }
0x4d: {  	_ =	shalt  }
0x4e: {  	_ =	shalt  }
0x4f: {  	_ =	shalt  }
0x50: {  	_ =	shalt  }
0x51: {  	_ =	shalt  }
0x52: {  	_ =	shalt  }
0x53: {  	_ =	shalt  }
0x54: {  	_ =	shalt  }
0x55: {  	_ =	shalt  }
0x56: {  	_ =	shalt  }
0x57: {  	_ =	shalt  }
0x58: {  	_ =	shalt  }
0x59: {  	_ =	shalt  }
0x5a: {  	_ =	shalt  }
0x5b: {  	_ =	shalt  }
0x5c: {  	_ =	shalt  }
0x5d: {  	_ =	shalt  }
0x5e: {  	_ =	shalt  }
0x5f: {  	_ =	shalt  }
0x60: {  	_ =	shalt  }
0x61: {  	_ =	shalt  }
0x62: {  	_ =	shalt  }
0x63: {  	_ =	shalt  }
0x64: {  	_ =	shalt  }
0x65: {  	_ =	shalt  }
0x66: {  	_ =	shalt  }
0x67: {  	_ =	shalt  }
0x68: {  	_ =	shalt  }
0x69: {  	_ =	shalt  }
0x6a: {  	_ =	shalt  }
0x6b: {  	_ =	shalt  }
0x6c: {  	_ =	shalt  }
0x6d: {  	_ =	shalt  }
0x6e: {  	_ =	shalt  }
0x6f: {  	_ =	shalt  }
0x70: {  	_ =	shalt  }
0x71: {  	_ =	shalt  }
0x72: {  	_ =	shalt  }
0x73: {  	_ =	shalt  }
0x74: {  	_ =	shalt  }
0x75: {  	_ =	shalt  }
0x76: {  	_ =	shalt  }
0x77: {  	_ =	shalt  }
0x78: {  	_ =	shalt  }
0x79: {  	_ =	shalt  }
0x7a: {  	_ =	shalt  }
0x7b: {  	_ =	shalt  }
0x7c: {  	_ =	shalt  }
0x7d: {  	_ =	shalt  }
0x7e: {  	_ =	shalt  }
0x7f: {  	_ =	shalt  }
0x80: {  	_ =	shalt  }
0x81: {  	_ =	shalt  }
0x82: {  	_ =	shalt  }
0x83: {  	_ =	shalt  }
0x84: {  	_ =	shalt  }
0x85: {  	_ =	shalt  }
0x86: {  	_ =	shalt  }
0x87: {  	_ =	shalt  }
.Lfunc_end0:
.L_simem_size_0:
called_computation.2_lowered:
.L_overlay_start_0:
0x88: {  	s2 =	sld [smem:$0x3FD9]  }
0x89: {  	s3 =	sld [smem:$0x3FFE];
	_ =	sdelay $0x1  }
0x8a: {  	s1 =	srdreg.scid  }
0x8b: {  	s0 =	sand.u32 $0x1, s1  }
0x8c: {  	s17 =	sshll.u32 s0, $0xA;
	s2 =	sadd.s32 s3, s2  }
0x8d: {  	s2 =	sadd.s32 s2, s17  }
0x8e: {  	[smem:$0x3FC2] =	sst s2  }
0x8f: {  	_ = 	snop  }
0x90: {  	s2 =	sld [smem:$0x3FD0];
	(tm) =	ssettm $0x1  }
0x91: {  	s18 =	sld [smem:$0x3FFB];
	_ =	sdelay $0x3  }
0x92: {  	_ =	strace s18  }
0x93: {  	s3 =	sld [smem:$0x3FFC];
	_ =	sdelay $0x3  }
0x94: {  	_ =	strace s3  }
0x95: {  	s3 =	sld [smem:$0x3FFD];
	_ =	sdelay $0x3  }
0x96: {  	_ =	strace s3  }
0x97: {  	_ =	strace $0x8FFFFFFF  }
0x98: {  	s19 =	sld [smem:$0x3FDB];
	_ =	sdelay $0x1  }
0x99: {  	s4 =	simm.s32 $_scs_section_size  }
0x9a: {  	s5 =	simm.s32 $_size__tile_overlayer_lowered;
	s6 =	simm.s32 $_tile_overlayer_lowered  }
0x9b: {  	s22 =	simm.s32 $0x1BFF;
	s21 =	sshll.u32 s6, $0x1;
	s3 =	sadd.s32 s4, s19  }
0x9c: {  	s7 =	simm.s32 $0x0;
	s20 =	sshll.u32 s5, $0x1;
	s5 =	sadd.s32 s21, s3  }
0x9d: {  	[timem:s7], [sflag:s22] =	dma.local [hbm:s5], s20  }
0x9e: {  	_ =	swait.ge [sflag:s22], s20  }
0x9f: {  	s4 =	ssub.s32 $0x0, s20;
	[sflag:s22] =	ssyncset.done $0x0  }
0xa0: {  	[sflag:s22] =	ssyncadd.s32 s4;
	_ =	sdelay $0x1  }
0xa1: {  	s23 =	simm.s32 $0x1B8B  }
0xa2: {  	_ =	swait.ge [sflag:s23], $0x1  }
0xa3: {  	[sflag:s23] =	ssyncset.done $0x0  }
0xa4: {  	s25 =	simm.s32 $0x1B8E;
	s24 =	sld [smem:$0x3FFE];
	[sflag:s23] =	ssyncadd.s32 $0xFFFFFFFF  }
0xa5: {  	s26 =	simm.s32 $execute0_lowered;
	[smem:$0x3FD2] =	sst s25  }
0xa6: {  	s5 =	sshll.u32 s26, $0x1;
	_ =	strace $0x8000004C;
	[dreg:$0x1] =	wrdreg $0xFFFFFFFF  }
0xa7: {  	s28 =	simm.s32 $_size_execute0_lowered;
	s3 =	sadd.s32 s3, s5;
	[dreg:$0x0] =	wrdreg $0x0  }
0xa8: {  	s5 =	sshll.u32 s28, $0x1;
	[dreg:$0x2] =	wrdreg s3  }
0xa9: {  	[dreg:$0x3] =	wrdreg s5  }
0xaa: {  	[dreg:$0x4] =	wrdreg $0xC0  }
0xab: {  	_ =	task [dreg:s7], $0x5FFFF  }
0xac: {  	[dreg:$0x1] =	wrdreg $0xFFFFFFFF  }
0xad: {  	[dreg:$0x0] =	wrdreg $0x60  }
0xae: {  	[dreg:$0x2] =	wrdreg s24  }
0xaf: {  	[dreg:$0x3] =	wrdreg s2  }
0xb0: {  	[dreg:$0x4] =	wrdreg $0xAA000  }
0xb1: {  	[dreg:$0x5] =	wrdreg $0x9  }
0xb2: {  	_ =	task.clear_ibuf [dreg:s7], $0x6FFFF;
	_ =	strace $0x9000004C  }
0xb3: {  	s29 =	simm.s32 $0x9;
	_ =	strace $0x8000004E  }
0xb4: {  	_ =	swait.ge [sflag:s29], $0x1  }
0xb5: {  	[sflag:s29] =	ssyncadd.s32 $0xFFFFFFFF  }
0xb6: {  	_ =	strace $0x9000004E  }
0xb7: {  	_ =	sfence  }
0xb8: {  	s30 =	sld [smem:$0x0];
	_ =	sdelay $0x2  }
0xb9: {  	s31 =	sshll.u32 s1, $0xD;
	s1 =	sshrl.u32 s1, $0x2  }
0xba: {  	s3 =	sand.u32 $0x4000, s31;
	s1 =	sadd.s32 s1, s30  }
0xbb: {  	s0 =	sor.u32 s3, s0;
	s1 =	sshll.u32 s1, $0x11  }
0xbc: {  	s0 =	sor.u32 s1, s0  }
0xbd: {  	s0 =	sadd.s32 $0x8F2B, s0  }
0xbe: {  	[sflag:s0] =	ssyncadd.remote.s32 $0x1  }
0xbf: {  	_ =	sfence.sel $0xFFFF  }
0xc0: {  	[dreg:$0x0] =	wrdreg $0xFFFFFFFF;
	(pc) =	sbr.abs _section_cstart, $3  }
0xc1: {  	[dreg:$0x1] =	wrdreg $0xFFFFFFFF  }
0xc2: {  	_ =	task.clear_ibuf [dreg:s7], $0x2FFFF;
	_ =	strace $0x9FFFFFFF  }
0xc3: {  	(tm) =	ssettm $0x7FFFFFFF  }
tec
execute0_lowered:
.L_overlay_start_1:
0x0: {  	(tag) =	ssettag $0x1  }
0x1: {  	s12 =	stileid.u32  }
0x2: {  	s0 =	srdreg.scid;
	s8 =	smul.u32 $0x50000, s12  }
0x3: {  	s1 =	rddreg [dreg:$0x0];
	s0 =	sand.u32 $0x1, s0;
	s20 =	smul.u32 $0xA00, s12  }
0x4: {  	s6 =	rddreg [dreg:$0x1];
	s3 =	sshll.u32 s0, $0x4;
	s9 =	smul.u32 $0x28000, s0  }
0x5: {  	s11 =	ssub.s32 $0x2, s0;
	s0 =	smul.u32 $0xA000, s0;
	s7 =	sor.u32 s12, s3  }
0x6: {  	s2 =	rddreg [dreg:$0x2];
	s3 =	simm.s32 $0x0;
	s5 =	smul.u32 $0x500, s7  }
0x7: {  	[smem:$0x7FF] =	sst s3;
	s7 =	smul.u32 $0xA00, s7  }
0x8: {  	s22 =	sshrl.u32 s8, $0x2;
	s0 =	sadd.s32 s0, s6;
	_ =	strace $0x8000004D  }
0x9: {  	s0 =	sadd.s32 s20, s0;
	s10 =	sadd.s32 s5, s1;
	s19 =	sadd.s32 s6, s7  }
0xa: {  	s5 =	sadd.s32 s22, s2;
	s0 =	sadd.s32 $0x70, s0;
	[dreg:$0xe] =	wrdreg s19  }
0xb: {  	s31 =	simm.s32 $0x6A00;
	s24 =	sadd.s32 $0x2000, s5;
	[dreg:$0x13] =	wrdreg s0  }
0xc: {  	s28 =	simm.s32 $0x8A00;
	s25 =	sadd.s32 $0x4000, s5;
	[dreg:$0x4] =	wrdreg s24  }
0xd: {  	s23 =	sshrl.u32 s11, $0x1;
	s26 =	sadd.s32 $0x6000, s5;
	[dreg:$0x5] =	wrdreg s25  }
0xe: {  	s8 =	ssub.s32 s11, s23;
	s11 =	sadd.s32 $0x8000, s5;
	[dreg:$0x6] =	wrdreg s26  }
0xf: {  	s29 =	simm.s32 $0x2980;
	s13 =	sadd.s32 $0xA000, s5;
	[dreg:$0x7] =	wrdreg s11  }
0x10: {  	s30 =	simm.s32 $0x1;
	s14 =	sadd.s32 $0xC000, s5;
	[dreg:$0x8] =	wrdreg s13  }
0x11: {  	s4 =	sadd.s32 $0x17000, s1;
	s15 =	sadd.s32 $0xE000, s5;
	[dreg:$0x9] =	wrdreg s14  }
0x12: {  	s1 =	sadd.s32 s9, s1;
	s16 =	sadd.s32 $0x10000, s5;
	[dreg:$0xa] =	wrdreg s15  }
0x13: {  	s6 =	simm.s32 $0x3;
	s17 =	sadd.s32 $0x12000, s5;
	[dreg:$0xb] =	wrdreg s16  }
0x14: {  	s7 =	simm.s32 $0x7;
	s18 =	sadd.s32 $0xD000, s10;
	[dreg:$0xc] =	wrdreg s17  }
0x15: {  	s9 =	simm.s32 $0x8;
	s21 =	sadd.s32 $0x10, s19;
	[dreg:$0xd] =	wrdreg s18  }
0x16: {  	s22 =	sadd.s32 $0x20, s19;
	s23 =	sadd.s32 $0x30, s19;
	[dreg:$0xf] =	wrdreg s21  }
0x17: {  	s1 =	sadd.s32 $0x3F000, s1;
	s0 =	simm.s32 $0x5;
	[dreg:$0x10] =	wrdreg s22  }
0x18: {  	s10 =	simm.s32 $0x9;
	[dreg:$0x11] =	wrdreg s23;
	s24 =	smul.u32 $0x2800, s12  }
.Ltmp0:
0x19: {  	s25 =	smax.u32 s8, $0x1;
	s22 =	simm.s32 $0x2A00;
	(pc) =	sbr.rel .LBB2_1-.Ltmp0, $4  }
0x1a: {  	s23 =	simm.s32 $0xD;
	s8 =	simm.s32 $0x4;
	s11 =	simm.s32 $0xA  }
0x1b: {  	s12 =	simm.s32 $0xB;
	s13 =	simm.s32 $0xC;
	s14 =	simm.s32 $0x0  }
0x1c: {  	[dreg:$0x12] =	wrdreg s25;
	s25 =	simm.s32 $0x40;
	s26 =	sadd.s32 s24, s1  }
0x1d: {  	v0 =	vimm.f32 $0.0e+00;
	s1 =	simm.s32 $0x2900;
	[dreg:$0x14] =	wrdreg s26;
	s26 =	simm.s32 $0x2800  }
.LBB2_6:
0x1e: {  	_ =	swait.ge [sflag:s8], $0x2000  }
0x1f: {  	[sflag:s8] =	ssyncset.done $0x0  }
0x20: {  	[sflag:s8] =	ssyncadd.s32 $0xFFFFE000  }
0x21: {  	_ =	swait.ge [sflag:s9], $0x80  }
0x22: {  	[sflag:s9] =	ssyncset.done $0x0  }
0x23: {  	[sflag:s9] =	ssyncadd.s32 $0xFFFFFF80  }
0x24: {  	[spmem:s2] =	stream.indirect.scatter.add.f32 [tilespmem:s28], [sflag:$0xC], $0x80, s29, s25, $0xb8;
	[tilespmem:$0x1EA00] =	vst v63  }
0x25: {  	_ =	swait.ge [sflag:s10], $0x2000  }
0x26: {  	[sflag:s10] =	ssyncset.done $0x0  }
0x27: {  	[sflag:s10] =	ssyncadd.s32 $0xFFFFE000  }
0x28: {  	_ =	swait.ge [sflag:s11], $0x2000  }
0x29: {  	[sflag:s11] =	ssyncset.done $0x0  }
0x2a: {  	[sflag:s11] =	ssyncadd.s32 $0xFFFFE000  }
0x2b: {  	_ =	swait.ge [sflag:s12], $0x2000  }
0x2c: {  	[sflag:s12] =	ssyncset.done $0x0  }
0x2d: {  	[sflag:s12] =	ssyncadd.s32 $0xFFFFE000  }
0x2e: {  	_ =	swait.ge [sflag:s13], $0x2000  }
0x2f: {  	[sflag:s13] =	ssyncset.done $0x0  }
0x30: {  	s15 =	stileid.u32;
	[sflag:s13] =	ssyncadd.s32 $0xFFFFE000  }
0x31: {  	s15 =	sshll.u32 s15, $0x6;
	[bflag:$0x0] =	sbarrier.arrive $0xFFFF  }
0x32: {  	s16 =	sshrl.u32 s5, $0x3;
	s15 =	sor.u32 $0x1C0D, s15;
	s17 =	rddreg [dreg:$0x14]  }
0x33: {  	[hbm:s17], [sflag:s15] =	dma.local [spmem:s16], $0x2800  }
0x34: {  	_ =	swait.ge [sflag:s23], $0x2800  }
0x35: {  	s14 =	sadd.s32 $0x1, s14;
	s24 =	rddreg [dreg:$0x12]  }
0x36: {  	p0 =	sne.s32 s14, s24  }
.Ltmp1:
0x37: {  	_ = 	snop;
	(pc) =	sbr.rel @!p0 .LBB2_7-.Ltmp1, $3  }
0x38: {  	_ =	sdelay $0x1  }
0x39: {  	[sflag:s23] =	ssyncset.done $0x0  }
0x3a: {  	[sflag:s23] =	ssyncadd.s32 $0xFFFFD800  }
.LBB2_1:
0x3b: {  	s15 =	simm.s32 $0x0;
	s21 =	simm.s32 $0x200  }
.LBB2_2:
0x3c: {  	p0 =	sne.s32 s21, $0x7E00;
	[tilespmem:s15+$0x2A70] =	vst v0  }
0x3d: {  	[tilespmem:s15+$0x2A00] =	vst v0  }
0x3e: {  	[tilespmem:s15+$0x2A10] =	vst v0  }
.Ltmp2:
0x3f: {  	[tilespmem:s15+$0x2A20] =	vst v0;
	(pc) =	sbr.rel @p0 .LBB2_2-.Ltmp2, $4  }
0x40: {  	[tilespmem:s15+$0x2A30] =	vst v0  }
0x41: {  	[tilespmem:s15+$0x2A40] =	vst v0  }
0x42: {  	[tilespmem:s15+$0x2A50] =	vst v0  }
0x43: {  	[tilespmem:s15+$0x2A60] =	vst v0;
	s15 =	sshra.s32 s21, $0x2;
	s21 =	sadd.s32 $0x200, s21  }
0x44: {  	[tilespmem:s15+$0x2A70] =	vst v0  }
0x45: {  	[tilespmem:s15+$0x2A00] =	vst v0  }
0x46: {  	[tilespmem:s15+$0x2A10] =	vst v0  }
0x47: {  	[tilespmem:s15+$0x2A20] =	vst v0  }
0x48: {  	[tilespmem:s15+$0x2A30] =	vst v0  }
0x49: {  	[tilespmem:s15+$0x2A40] =	vst v0  }
0x4a: {  	[tilespmem:s15+$0x2A50] =	vst v0  }
0x4b: {  	[tilespmem:s15+$0x2A60] =	vst v0  }
0x4c: {  	[spmem:s5] =	stream.linear.scatter [tilespmem:s22], [sflag:$0xD], $0x2000, $0x38;
	[tilespmem:$0x1EA00] =	vst v63  }
0x4d: {  	_ =	swait.ge [sflag:s23], $0x2000  }
0x4e: {  	[sflag:s23] =	ssyncset.done $0x0  }
0x4f: {  	s20 =	rddreg [dreg:$0x4];
	[sflag:s23] =	ssyncadd.s32 $0xFFFFE000  }
0x50: {  	[spmem:s20] =	stream.linear.scatter [tilespmem:s22], [sflag:$0xD], $0x2000, $0x38;
	[tilespmem:$0x1EA00] =	vst v63  }
0x51: {  	_ =	swait.ge [sflag:s23], $0x2000  }
0x52: {  	[sflag:s23] =	ssyncset.done $0x0  }
0x53: {  	s21 =	rddreg [dreg:$0x5];
	[sflag:s23] =	ssyncadd.s32 $0xFFFFE000  }
0x54: {  	[spmem:s21] =	stream.linear.scatter [tilespmem:s22], [sflag:$0xD], $0x2000, $0x38;
	[tilespmem:$0x1EA00] =	vst v63  }
0x55: {  	_ =	swait.ge [sflag:s23], $0x2000  }
0x56: {  	[sflag:s23] =	ssyncset.done $0x0  }
0x57: {  	s24 =	rddreg [dreg:$0x6];
	[sflag:s23] =	ssyncadd.s32 $0xFFFFE000  }
0x58: {  	[spmem:s24] =	stream.linear.scatter [tilespmem:s22], [sflag:$0xD], $0x2000, $0x38;
	[tilespmem:$0x1EA00] =	vst v63  }
0x59: {  	_ =	swait.ge [sflag:s23], $0x2000  }
0x5a: {  	[sflag:s23] =	ssyncset.done $0x0  }
0x5b: {  	s16 =	rddreg [dreg:$0x7];
	[sflag:s23] =	ssyncadd.s32 $0xFFFFE000  }
0x5c: {  	[spmem:s16] =	stream.linear.scatter [tilespmem:s22], [sflag:$0xD], $0x2000, $0x38;
	[tilespmem:$0x1EA00] =	vst v63  }
0x5d: {  	_ =	swait.ge [sflag:s23], $0x2000  }
0x5e: {  	[sflag:s23] =	ssyncset.done $0x0  }
0x5f: {  	s17 =	rddreg [dreg:$0x8];
	[sflag:s23] =	ssyncadd.s32 $0xFFFFE000  }
0x60: {  	[spmem:s17] =	stream.linear.scatter [tilespmem:s22], [sflag:$0xD], $0x2000, $0x38;
	[tilespmem:$0x1EA00] =	vst v63  }
0x61: {  	_ =	swait.ge [sflag:s23], $0x2000  }
0x62: {  	[sflag:s23] =	ssyncset.done $0x0  }
0x63: {  	s18 =	rddreg [dreg:$0x9];
	[sflag:s23] =	ssyncadd.s32 $0xFFFFE000  }
0x64: {  	[spmem:s18] =	stream.linear.scatter [tilespmem:s22], [sflag:$0xD], $0x2000, $0x38;
	[tilespmem:$0x1EA00] =	vst v63  }
0x65: {  	_ =	swait.ge [sflag:s23], $0x2000  }
0x66: {  	[sflag:s23] =	ssyncset.done $0x0  }
0x67: {  	s19 =	rddreg [dreg:$0xa];
	[sflag:s23] =	ssyncadd.s32 $0xFFFFE000  }
0x68: {  	[spmem:s19] =	stream.linear.scatter [tilespmem:s22], [sflag:$0xD], $0x2000, $0x38;
	[tilespmem:$0x1EA00] =	vst v63  }
0x69: {  	_ =	swait.ge [sflag:s23], $0x2000  }
0x6a: {  	[sflag:s23] =	ssyncset.done $0x0  }
0x6b: {  	s20 =	rddreg [dreg:$0xb];
	[sflag:s23] =	ssyncadd.s32 $0xFFFFE000  }
0x6c: {  	[spmem:s20] =	stream.linear.scatter [tilespmem:s22], [sflag:$0xD], $0x2000, $0x38;
	[tilespmem:$0x1EA00] =	vst v63  }
0x6d: {  	_ =	swait.ge [sflag:s23], $0x2000  }
0x6e: {  	[sflag:s23] =	ssyncset.done $0x0  }
0x6f: {  	s21 =	rddreg [dreg:$0xc];
	[sflag:s23] =	ssyncadd.s32 $0xFFFFE000  }
0x70: {  	[spmem:s21] =	stream.linear.scatter [tilespmem:s22], [sflag:$0xD], $0x2000, $0x38;
	[tilespmem:$0x1EA00] =	vst v63  }
0x71: {  	_ =	swait.ge [sflag:s23], $0x2000  }
0x72: {  	[sflag:s23] =	ssyncset.done $0x0  }
0x73: {  	s15 =	simm.s32 $0x0;
	s16 =	rddreg [dreg:$0xd];
	[sflag:s23] =	ssyncadd.s32 $0xFFFFE000  }
0x74: {  	[tilespmem:s15], [sflag:$0xD] =	stream.linear.gather [hbm4b:s16+s15], $0x2800, $0x38;
	[tilespmem:$0x1EA00] =	vst v63  }
0x75: {  	_ =	swait.ge [sflag:s23], $0x2800  }
0x76: {  	[sflag:s23] =	ssyncset.done $0x0  }
0x77: {  	[sflag:s23] =	ssyncadd.s32 $0xFFFFD800  }
0x78: {  	[bflag:$0x0] =	sbarrier.arrive $0xFFFF  }
0x79: {  	[tilespmem:s22], [sflag:$0x1] =	stream.indirect.gather [hbm4b:s4+s25], $0x80, s15, s25, $0xb8;
	[tilespmem:$0x1EA00] =	vst v63  }
0x7a: {  	s24 =	rddreg [dreg:$0xe]  }
0x7b: {  	[tilespmem:s26], [sflag:$0x5] =	stream.linear.gather [hbm4b:s24+s15], $0x80, $0x38;
	[tilespmem:$0x1EA00] =	vst v63  }
0x7c: {  	s17 =	simm.s32 $0x4A00  }
0x7d: {  	[tilespmem:s17], [sflag:$0x2] =	stream.indirect.gather [hbm4b:s4+s25], $0x80, s25, s25, $0xb8;
	[tilespmem:$0x1EA00] =	vst v63  }
0x7e: {  	s18 =	rddreg [dreg:$0xf];
	s17 =	simm.s32 $0x2880  }
0x7f: {  	[tilespmem:s17], [sflag:$0x6] =	stream.linear.gather [hbm4b:s18+s15], $0x80, $0x38;
	[tilespmem:$0x1EA00] =	vst v63  }
0x80: {  	s19 =	simm.s32 $0x80  }
0x81: {  	[tilespmem:s31], [sflag:$0x3] =	stream.indirect.gather [hbm4b:s4+s25], $0x80, s19, s25, $0xb8;
	[tilespmem:$0x1EA00] =	vst v63  }
0x82: {  	s20 =	rddreg [dreg:$0x10]  }
0x83: {  	[tilespmem:s1], [sflag:$0x7] =	stream.linear.gather [hbm4b:s20+s15], $0x80, $0x38;
	[tilespmem:$0x1EA00] =	vst v63  }
0x84: {  	s21 =	simm.s32 $0xC0;
	s24 =	rddreg [dreg:$0x11]  }
0x85: {  	[tilespmem:s28], [sflag:$0x4] =	stream.indirect.gather [hbm4b:s4+s25], $0x80, s21, s25, $0xb8;
	[tilespmem:$0x1EA00] =	vst v63  }
0x86: {  	s21 =	rddreg [dreg:$0x13]  }
0x87: {  	[tilespmem:s29], [sflag:$0x8] =	stream.linear.gather [hbm4b:s24+s15], $0x80, $0x38;
	[tilespmem:$0x1EA00] =	vst v63  }
.LBB2_4:
0x88: {  	_ =	swait.ge [sflag:s30], $0x2000  }
0x89: {  	[sflag:s30] =	ssyncset.done $0x0  }
0x8a: {  	[sflag:s30] =	ssyncadd.s32 $0xFFFFE000  }
0x8b: {  	_ =	swait.ge [sflag:s0], $0x80  }
0x8c: {  	p0 =	seq.s32 s15, $0x9C00;
	[sflag:s0] =	ssyncset.done $0x0  }
0x8d: {  	s18 =	simm.s32 @p0 $0x2;
	[sflag:s0] =	ssyncadd.s32 $0xFFFFFF80  }
0x8e: {  	[spmem:s2] =	stream.indirect.scatter.add.f32 [tilespmem:s22], [sflag:$0x9], $0x80, s26, s25, $0xb8;
	[tilespmem:$0x1EA00] =	vst v63  }
0x8f: {  	_ =	swait.ge @p0 [sflag:s18], $0x2000  }
0x90: {  	[sflag:s18] =	ssyncset.done @p0 $0x0  }
0x91: {  	[sflag:s18] =	ssyncadd.s32 @p0 $0xFFFFE000;
	s18 =	simm.s32 @p0 $0x6  }
0x92: {  	_ =	swait.ge @p0 [sflag:s18], $0x80  }
0x93: {  	s19 =	simm.s32 @p0 $0x2880;
	[sflag:s18] =	ssyncset.done @p0 $0x0  }
0x94: {  	s20 =	simm.s32 @p0 $0x4A00;
	[sflag:s18] =	ssyncadd.s32 @p0 $0xFFFFFF80;
	s18 =	simm.s32 @p0 $0x40  }
0x95: {  	[spmem:s2] =	stream.indirect.scatter.add.f32 @p0 [tilespmem:s20], [sflag:$0xA], $0x80, s19, s18, $0xb8;
	[tilespmem:$0x1EA00] =	vst v63  }
0x96: {  	s18 =	simm.s32 @!p0 $0x9  }
0x97: {  	_ =	swait.ge @!p0 [sflag:s18], $0x2000  }
0x98: {  	[sflag:s18] =	ssyncset.done @!p0 $0x0  }
0x99: {  	[sflag:s18] =	ssyncadd.s32 @!p0 $0xFFFFE000;
	s18 =	sshra.s32 @!p0 s15, $0x2  }
0x9a: {  	s17 =	simm.s32 @!p0 $0x2A00;
	s20 =	simm.s32 @!p0 $0x40;
	s19 =	sadd.s32 @!p0 $0x100, s18  }
0x9b: {  	[tilespmem:s17], [sflag:$0x1] =	stream.indirect.gather @!p0 [hbm4b:s4+s20], $0x80, s19, s20, $0xb8;
	[tilespmem:$0x1EA00] =	vst v63  }
0x9c: {  	s24 =	simm.s32 @!p0 $0x2800;
	s17 =	sadd.s32 @!p0 $0xFFFFFFD0, s21;
	s19 =	simm.s32 @!p0 $0x0  }
0x9d: {  	[tilespmem:s24], [sflag:$0x5] =	stream.linear.gather @!p0 [hbm4b:s17+s19], $0x80, $0x38;
	[tilespmem:$0x1EA00] =	vst v63  }
0x9e: {  	s17 =	simm.s32 @!p0 $0x2  }
0x9f: {  	_ =	swait.ge @!p0 [sflag:s17], $0x2000  }
0xa0: {  	[sflag:s17] =	ssyncset.done @!p0 $0x0  }
0xa1: {  	[sflag:s17] =	ssyncadd.s32 @!p0 $0xFFFFE000;
	s17 =	simm.s32 @!p0 $0x6  }
0xa2: {  	_ =	swait.ge @!p0 [sflag:s17], $0x80  }
0xa3: {  	s16 =	simm.s32 @!p0 $0xA;
	[sflag:s17] =	ssyncset.done @!p0 $0x0  }
0xa4: {  	s24 =	simm.s32 @!p0 $0x4A00;
	[sflag:s17] =	ssyncadd.s32 @!p0 $0xFFFFFF80;
	s17 =	simm.s32 @!p0 $0x2880  }
0xa5: {  	[spmem:s2] =	stream.indirect.scatter.add.f32 @!p0 [tilespmem:s24], [sflag:$0xA], $0x80, s17, s20, $0xb8;
	[tilespmem:$0x1EA00] =	vst v63  }
0xa6: {  	_ =	swait.ge @!p0 [sflag:s16], $0x2000  }
0xa7: {  	[sflag:s16] =	ssyncset.done @!p0 $0x0  }
0xa8: {  	[sflag:s16] =	ssyncadd.s32 @!p0 $0xFFFFE000;
	s16 =	sadd.s32 @!p0 $0x140, s18  }
0xa9: {  	[tilespmem:s24], [sflag:$0x2] =	stream.indirect.gather @!p0 [hbm4b:s4+s20], $0x80, s16, s20, $0xb8;
	[tilespmem:$0x1EA00] =	vst v63  }
0xaa: {  	s16 =	sadd.s32 @!p0 $0xFFFFFFE0, s21  }
0xab: {  	[tilespmem:s17], [sflag:$0x6] =	stream.linear.gather @!p0 [hbm4b:s16+s19], $0x80, $0x38;
	[tilespmem:$0x1EA00] =	vst v63  }
0xac: {  	_ =	swait.ge [sflag:s6], $0x2000  }
0xad: {  	[sflag:s6] =	ssyncset.done $0x0  }
.Ltmp3:
0xae: {  	[sflag:s6] =	ssyncadd.s32 $0xFFFFE000;
	(pc) =	sbr.rel @p0 .LBB2_6-.Ltmp3, $4  }
0xaf: {  	_ =	swait.ge [sflag:s7], $0x80  }
0xb0: {  	[sflag:s7] =	ssyncset.done $0x0  }
0xb1: {  	[sflag:s7] =	ssyncadd.s32 $0xFFFFFF80  }
0xb2: {  	[spmem:s2] =	stream.indirect.scatter.add.f32 [tilespmem:s31], [sflag:$0xB], $0x80, s1, s25, $0xb8;
	[tilespmem:$0x1EA00] =	vst v63  }
0xb3: {  	_ =	swait.ge [sflag:s12], $0x2000  }
0xb4: {  	s16 =	sshra.s32 s15, $0x2;
	[sflag:s12] =	ssyncset.done $0x0  }
0xb5: {  	s17 =	sadd.s32 $0x180, s16;
	[sflag:s12] =	ssyncadd.s32 $0xFFFFE000  }
0xb6: {  	[tilespmem:s31], [sflag:$0x3] =	stream.indirect.gather [hbm4b:s4+s25], $0x80, s17, s25, $0xb8;
	[tilespmem:$0x1EA00] =	vst v63  }
0xb7: {  	s24 =	sadd.s32 $0xFFFFFFF0, s21  }
0xb8: {  	[tilespmem:s1], [sflag:$0x7] =	stream.linear.gather [hbm4b:s24+s3], $0x80, $0x38;
	[tilespmem:$0x1EA00] =	vst v63  }
0xb9: {  	_ =	swait.ge [sflag:s8], $0x2000  }
0xba: {  	[sflag:s8] =	ssyncset.done $0x0  }
0xbb: {  	[sflag:s8] =	ssyncadd.s32 $0xFFFFE000  }
0xbc: {  	_ =	swait.ge [sflag:s9], $0x80  }
0xbd: {  	[sflag:s9] =	ssyncset.done $0x0  }
0xbe: {  	[sflag:s9] =	ssyncadd.s32 $0xFFFFFF80  }
0xbf: {  	[spmem:s2] =	stream.indirect.scatter.add.f32 [tilespmem:s28], [sflag:$0xC], $0x80, s29, s25, $0xb8;
	[tilespmem:$0x1EA00] =	vst v63  }
0xc0: {  	_ =	swait.ge [sflag:s13], $0x2000  }
0xc1: {  	[sflag:s13] =	ssyncset.done $0x0  }
.Ltmp4:
0xc2: {  	s16 =	sadd.s32 $0x1C0, s16;
	[sflag:s13] =	ssyncadd.s32 $0xFFFFE000;
	(pc) =	sbr.rel .LBB2_4-.Ltmp4, $4  }
0xc3: {  	[tilespmem:s28], [sflag:$0x4] =	stream.indirect.gather [hbm4b:s4+s25], $0x80, s16, s25, $0xb8;
	[tilespmem:$0x1EA00] =	vst v63  }
0xc4: {  	_ = 	snop  }
0xc5: {  	[tilespmem:s29], [sflag:$0x8] =	stream.linear.gather [hbm4b:s21+s3], $0x80, $0x38;
	[tilespmem:$0x1EA00] =	vst v63  }
0xc6: {  	s15 =	sadd.s32 $0x400, s15;
	s21 =	sadd.s32 $0x40, s21  }
.LBB2_7:
0xc7: {  	_ =	sfence.sel $0x180000  }
0xc8: {  	[bflag:$0x0] =	sbarrier.arrive $0xFFFF  }
0xc9: {  	_ =	strace $0x9000004D  }
0xca: {  	s0 =	stileid.u32;
	[bflag:$0x2] =	sbarrier.arrive $0xFFFF  }
0xcb: {  	p0 =	sne.s32 s0, $0x0;
	s0 =	rddreg [dreg:$0x3]  }
0xcc: {  	s0 =	sadd.s32 @!p0 $0x100000, s0  }
0xcd: {  	[sflag:s0] =	ssyncadd.tile.s32 @!p0 $0x1;
	_ =	shalt  }
.Lfunc_end2:
_tile_overlayer_lowered:
.L_overlay_start_2:
0xce: {  	(tag) =	ssettag $0x2  }
0xcf: {  	s0 =	rddreg [dreg:$0x0];
	s2 =	stileid.u32  }
0xd0: {  	s1 =	rddreg [dreg:$0x1];
	p0 =	sne.s32 s2, $0x0  }
0xd1: {  	s3 =	rddreg [dreg:$0x2];
	[bflag:$0x3] =	sbarrier.arrive $0xFFFF;
	s2 =	simm.s32 @!p0 $0x1C0D  }
0xd2: {  	[timem:s3], [sflag:s2] =	dma.local @!p0 [hbm:s0], s1  }
0xd3: {  	s0 =	simm.s32 @!p0 $0xD  }
0xd4: {  	_ =	swait.ge @!p0 [sflag:s0], s1  }
0xd5: {  	s1 =	ssub.s32 @!p0 $0x0, s1;
	[sflag:s0] =	ssyncset.done @!p0 $0x0  }
0xd6: {  	[sflag:s0] =	ssyncadd.s32 @!p0 s1  }
0xd7: {  	[bflag:$0x3] =	sbarrier.arrive $0xFFFF  }
0xd8: {  	_ =	shalt  }

// kernel: kernel.8.cloned.1.call-start
scs
__scs_entry_jumppad:
0x0: {  	(pc) =	sbr.rel $0x88, $3  }
0x1: {  	(tag) =	ssettag $0x0;
	lr =	simm.s32 $0x1  }
0x2: {  	[smem:$0x3F9B] =	sst lr;
	_ =	strace $0xD0000000  }
0x3: {  	_ = 	snop  }
0x4: {  	_ = 	snop  }
0x5: {  	_ = 	snop  }
0x6: {  	_ = 	snop  }
0x7: {  	_ = 	snop  }
__scs_overlays_trampoline_lowered:
0x8: {  	[smem:$0x3FAA] =	sst s0  }
0x9: {  	[smem:$0x3FAB] =	sst s1  }
0xa: {  	[smem:$0x3FAC] =	sst s2  }
0xb: {  	[smem:$0x3FAD] =	sst s3  }
0xc: {  	[smem:$0x3FAE] =	sst s4  }
0xd: {  	[smem:$0x3FAF] =	sst s5  }
0xe: {  	[smem:$0x3FB0] =	sst s6  }
0xf: {  	[smem:$0x3FB1] =	sst s7  }
0x10: {  	[smem:$0x3FB2] =	sst s8  }
0x11: {  	[smem:$0x3FB3] =	sst s9;
	s0 =	simm.s32 @!p0 $0x0  }
0x12: {  	s1 =	sld [smem:$0x3F99];
	s0 =	simm.s32 @p0 $0x1  }
0x13: {  	[smem:$0x3FB4] =	sst s0;
	s0 =	simm.s32 @!p1 $0x0  }
0x14: {  	s2 =	sld [smem:$0x3F98];
	s0 =	simm.s32 @p1 $0x1  }
0x15: {  	[smem:$0x3FB5] =	sst s0;
	s0 =	simm.s32 @!p2 $0x0  }
0x16: {  	s3 =	sld [smem:$0x3FDB];
	s0 =	simm.s32 @p2 $0x1  }
0x17: {  	s4 =	simm.s32 $0x1BF5;
	[smem:$0x3FB7] =	sst s0  }
0x18: {  	s0 =	sld [smem:$0x3F9A];
	_ =	swait.ge [sflag:s4], $0x0  }
0x19: {  	s7 =	sld [smem:$0x3F9B]  }
0x1a: {  	s8 =	sadd.s32 $0xFFFFE003, lr  }
0x1b: {  	s9 =	sadd.s32 $0xFFFFFEF7, lr;
	s5 =	simm.s32 $0xFFFFFFFF;
	p2 =	slt.u32 s8, $0xFFFFF086  }
0x1c: {  	p1 =	slt.u32 s9, $0xF7A;
	s5 =	simm.s32 @!p2 $0x0  }
0x1d: {  	s5 =	simm.s32 @p1 $0x1;
	p0 =	seq.s32 s7, s2  }
0x1e: {  	s7 =	smul.u32 @!p0 $0xF7A, s2;
	p2 =	seq.s32 @!p0 s5, $0x0  }
0x1f: {  	s9 =	smul.u32 $0xF7A, s1;
	s8 =	simm.s32 @!p0 $0x1BF5;
	p2 =	por !p2, p0  }
0x20: {  	[sflag:s8] =	ssyncset.s32 @!p0 $0xFFFFF086;
	s6 =	sadd.s32 @!p0 s3, s7;
	s7 =	simm.s32 @!p0 $0x108  }
0x21: {  	s3 =	sadd.s32 s3, s9;
	s6 =	sadd.s32 @!p0 $0x88, s6;
	s7 =	simm.s32 @p2 $0x1082  }
0x22: {  	[simem:s7], [sflag:s8] =	dma.local @!p0 [hbm:s6], $0xF7A  }
0x23: {  	s9 =	sor.u32 $0xD0000000, s2;
	s6 =	simm.s32 $0x108;
	_ =	swait.ge @!p0 [sflag:s8], $0x0  }
0x24: {  	s3 =	sadd.s32 $0x88, s3;
	s6 =	simm.s32 @!p1 $0x1082;
	[sflag:s4] =	ssyncset.s32 $0xFFFFF086  }
0x25: {  	[simem:s6], [sflag:s4] =	dma.local [hbm:s3], $0xF7A  }
0x26: {  	[smem:$0x3F9B] =	sst s1;
	(tag) =	ssettag s2;
	_ =	strace s9  }
0x27: {  	s1 =	sld [smem:$0x3FAB]  }
0x28: {  	s2 =	sld [smem:$0x3FAC]  }
0x29: {  	s4 =	sld [smem:$0x3FAE]  }
0x2a: {  	p0 =	seq.s32 s5, $0x0;
	s5 =	sld [smem:$0x3FAF]  }
0x2b: {  	s6 =	sld [smem:$0x3FB0]  }
0x2c: {  	s7 =	sld [smem:$0x3FB1]  }
0x2d: {  	s3 =	simm.s32 $0x108;
	s8 =	sld [smem:$0x3FB2]  }
0x2e: {  	s3 =	simm.s32 @!p0 $0x1082;
	s9 =	sld [smem:$0x3FB3]  }
0x2f: {  	lr =	sadd.s32 s0, s3;
	s0 =	sld [smem:$0x3FAA]  }
0x30: {  	s3 =	sld [smem:$0x3FAD]  }
0x31: {  	[smem:$0x3FB6] =	sst s10  }
0x32: {  	s10 =	sld [smem:$0x3FB4];
	_ =	sdelay $0x3  }
0x33: {  	p0 =	seq.s32 s10, $0x1;
	s10 =	sld [smem:$0x3FB6];
	_ =	sdelay $0x3  }
0x34: {  	[smem:$0x3FB6] =	sst s10  }
0x35: {  	s10 =	sld [smem:$0x3FB5];
	_ =	sdelay $0x3  }
0x36: {  	p1 =	seq.s32 s10, $0x1;
	s10 =	sld [smem:$0x3FB6];
	_ =	sdelay $0x3  }
0x37: {  	[smem:$0x3FB6] =	sst s10  }
0x38: {  	s10 =	sld [smem:$0x3FB7]  }
0x39: {  	_ = 	snop;
	(pc) =	sbr.ind lr, $3  }
0x3a: {  	_ = 	snop  }
0x3b: {  	_ = 	snop  }
0x3c: {  	p2 =	seq.s32 s10, $0x1;
	s10 =	sld [smem:$0x3FB6]  }
0x3d: {  	_ =	shalt  }
0x3e: {  	_ =	shalt  }
0x3f: {  	_ =	shalt  }
0x40: {  	_ =	shalt  }
0x41: {  	_ =	shalt  }
0x42: {  	_ =	shalt  }
0x43: {  	_ =	shalt  }
0x44: {  	_ =	shalt  }
0x45: {  	_ =	shalt  }
0x46: {  	_ =	shalt  }
0x47: {  	_ =	shalt  }
0x48: {  	_ =	shalt  }
0x49: {  	_ =	shalt  }
0x4a: {  	_ =	shalt  }
0x4b: {  	_ =	shalt  }
0x4c: {  	_ =	shalt  }
0x4d: {  	_ =	shalt  }
0x4e: {  	_ =	shalt  }
0x4f: {  	_ =	shalt  }
0x50: {  	_ =	shalt  }
0x51: {  	_ =	shalt  }
0x52: {  	_ =	shalt  }
0x53: {  	_ =	shalt  }
0x54: {  	_ =	shalt  }
0x55: {  	_ =	shalt  }
0x56: {  	_ =	shalt  }
0x57: {  	_ =	shalt  }
0x58: {  	_ =	shalt  }
0x59: {  	_ =	shalt  }
0x5a: {  	_ =	shalt  }
0x5b: {  	_ =	shalt  }
0x5c: {  	_ =	shalt  }
0x5d: {  	_ =	shalt  }
0x5e: {  	_ =	shalt  }
0x5f: {  	_ =	shalt  }
0x60: {  	_ =	shalt  }
0x61: {  	_ =	shalt  }
0x62: {  	_ =	shalt  }
0x63: {  	_ =	shalt  }
0x64: {  	_ =	shalt  }
0x65: {  	_ =	shalt  }
0x66: {  	_ =	shalt  }
0x67: {  	_ =	shalt  }
0x68: {  	_ =	shalt  }
0x69: {  	_ =	shalt  }
0x6a: {  	_ =	shalt  }
0x6b: {  	_ =	shalt  }
0x6c: {  	_ =	shalt  }
0x6d: {  	_ =	shalt  }
0x6e: {  	_ =	shalt  }
0x6f: {  	_ =	shalt  }
0x70: {  	_ =	shalt  }
0x71: {  	_ =	shalt  }
0x72: {  	_ =	shalt  }
0x73: {  	_ =	shalt  }
0x74: {  	_ =	shalt  }
0x75: {  	_ =	shalt  }
0x76: {  	_ =	shalt  }
0x77: {  	_ =	shalt  }
0x78: {  	_ =	shalt  }
0x79: {  	_ =	shalt  }
0x7a: {  	_ =	shalt  }
0x7b: {  	_ =	shalt  }
0x7c: {  	_ =	shalt  }
0x7d: {  	_ =	shalt  }
0x7e: {  	_ =	shalt  }
0x7f: {  	_ =	shalt  }
0x80: {  	_ =	shalt  }
0x81: {  	_ =	shalt  }
0x82: {  	_ =	shalt  }
0x83: {  	_ =	shalt  }
0x84: {  	_ =	shalt  }
0x85: {  	_ =	shalt  }
0x86: {  	_ =	shalt  }
0x87: {  	_ =	shalt  }
.Lfunc_end0:
.L_simem_size_0:
called_computation_lowered:
.L_overlay_start_0:
0x88: {  	s2 =	sld [smem:$0x3FD9]  }
0x89: {  	s3 =	sld [smem:$0x3FFE];
	_ =	sdelay $0x1  }
0x8a: {  	s1 =	srdreg.scid  }
0x8b: {  	s0 =	sand.u32 $0x1, s1  }
0x8c: {  	s16 =	sshll.u32 s0, $0xA;
	s2 =	sadd.s32 s3, s2  }
0x8d: {  	s2 =	sadd.s32 s2, s16  }
0x8e: {  	[smem:$0x3FC2] =	sst s2  }
0x8f: {  	_ = 	snop  }
0x90: {  	(tm) =	ssettm $0x1  }
0x91: {  	s17 =	sld [smem:$0x3FFB];
	_ =	sdelay $0x3  }
0x92: {  	_ =	strace s17  }
0x93: {  	s2 =	sld [smem:$0x3FFC];
	_ =	sdelay $0x3  }
0x94: {  	_ =	strace s2  }
0x95: {  	s2 =	sld [smem:$0x3FFD];
	_ =	sdelay $0x3  }
0x96: {  	_ =	strace s2  }
0x97: {  	_ =	strace $0x8FFFFFFF  }
0x98: {  	s18 =	sld [smem:$0x3FDB];
	_ =	sdelay $0x1  }
0x99: {  	s19 =	simm.s32 $_scs_section_size  }
0x9a: {  	s4 =	simm.s32 $_size__tile_overlayer_lowered;
	s5 =	simm.s32 $_tile_overlayer_lowered  }
0x9b: {  	s22 =	simm.s32 $0x1BFF;
	s21 =	sshll.u32 s5, $0x1;
	s2 =	sadd.s32 s19, s18  }
0x9c: {  	s6 =	simm.s32 $0x0;
	s20 =	sshll.u32 s4, $0x1;
	s4 =	sadd.s32 s21, s2  }
0x9d: {  	[timem:s6], [sflag:s22] =	dma.local [hbm:s4], s20  }
0x9e: {  	_ =	swait.ge [sflag:s22], s20  }
0x9f: {  	s3 =	ssub.s32 $0x0, s20;
	[sflag:s22] =	ssyncset.done $0x0  }
0xa0: {  	[sflag:s22] =	ssyncadd.s32 s3;
	_ =	sdelay $0x1  }
0xa1: {  	s23 =	simm.s32 $0x1B8B  }
0xa2: {  	_ =	swait.ge [sflag:s23], $0x1  }
0xa3: {  	[sflag:s23] =	ssyncset.done $0x0  }
0xa4: {  	s25 =	simm.s32 $0x1B8E;
	s24 =	sld [smem:$0x3FFE];
	[sflag:s23] =	ssyncadd.s32 $0xFFFFFFFF  }
0xa5: {  	s26 =	simm.s32 $execute0_lowered;
	[smem:$0x3FD2] =	sst s25  }
0xa6: {  	s4 =	sshll.u32 s26, $0x1;
	_ =	strace $0x80000046;
	[dreg:$0x1] =	wrdreg $0xFFFFFFFF  }
0xa7: {  	s28 =	simm.s32 $_size_execute0_lowered;
	s2 =	sadd.s32 s2, s4;
	[dreg:$0x0] =	wrdreg $0x0  }
0xa8: {  	s4 =	sshll.u32 s28, $0x1;
	[dreg:$0x2] =	wrdreg s2  }
0xa9: {  	[dreg:$0x3] =	wrdreg s4  }
0xaa: {  	[dreg:$0x4] =	wrdreg $0xC0  }
0xab: {  	_ =	task [dreg:s6], $0x5FFFF  }
0xac: {  	[dreg:$0x1] =	wrdreg $0xFFFFFFFF  }
0xad: {  	[dreg:$0x0] =	wrdreg $0x60  }
0xae: {  	[dreg:$0x2] =	wrdreg s24  }
0xaf: {  	[dreg:$0x3] =	wrdreg $0x2B000  }
0xb0: {  	[dreg:$0x4] =	wrdreg $0x9  }
0xb1: {  	_ =	task.clear_ibuf [dreg:s6], $0x5FFFF;
	_ =	strace $0x90000046  }
0xb2: {  	s29 =	simm.s32 $0x9;
	_ =	strace $0x80000048  }
0xb3: {  	_ =	swait.ge [sflag:s29], $0x1  }
0xb4: {  	[sflag:s29] =	ssyncadd.s32 $0xFFFFFFFF  }
0xb5: {  	_ =	strace $0x90000048  }
0xb6: {  	_ =	sfence  }
0xb7: {  	s30 =	sld [smem:$0x0];
	_ =	sdelay $0x2  }
0xb8: {  	s31 =	sshll.u32 s1, $0xD;
	s1 =	sshrl.u32 s1, $0x2  }
0xb9: {  	s3 =	sand.u32 $0x4000, s31;
	s1 =	sadd.s32 s1, s30  }
0xba: {  	s0 =	sor.u32 s3, s0;
	s1 =	sshll.u32 s1, $0x11  }
0xbb: {  	s0 =	sor.u32 s1, s0  }
0xbc: {  	s0 =	sadd.s32 $0x8F2B, s0  }
0xbd: {  	[sflag:s0] =	ssyncadd.remote.s32 $0x1  }
0xbe: {  	_ =	sfence.sel $0xFFFF  }
0xbf: {  	[dreg:$0x0] =	wrdreg $0xFFFFFFFF;
	(pc) =	sbr.abs _section_cstart, $3  }
0xc0: {  	[dreg:$0x1] =	wrdreg $0xFFFFFFFF  }
0xc1: {  	_ =	task.clear_ibuf [dreg:s6], $0x2FFFF;
	_ =	strace $0x9FFFFFFF  }
0xc2: {  	(tm) =	ssettm $0x7FFFFFFF  }
0xc3: {  	_ =	shalt  }
tec
execute0_lowered:
.L_overlay_start_1:
0x0: {  	(tag) =	ssettag $0x1  }
0x1: {  	s4 =	rddreg [dreg:$0x0];
	s0 =	srdreg.scid  }
0x2: {  	s2 =	rddreg [dreg:$0x1];
	s1 =	stileid.u32  }
0x3: {  	s3 =	simm.s32 $0x0;
	s10 =	simm.s32 $0x80;
	s11 =	simm.s32 $0x2800  }
0x4: {  	s14 =	simm.s32 $0x20;
	s15 =	simm.s32 $0x10;
	s16 =	simm.s32 $0x0  }
0x5: {  	s5 =	sand.u32 $0x1, s0;
	s0 =	rddreg [dreg:$0x2];
	s7 =	smul.u32 $0x500, s1  }
0x6: {  	[smem:$0x7FF] =	sst s3;
	s30 =	smul.u32 $0xA00, s1;
	s12 =	sshll.u32 s1, $0x6  }
0x7: {  	s6 =	sshll.u32 s5, $0x4;
	s8 =	sshll.u32 s5, $0x7;
	_ =	strace $0x80000047  }
0x8: {  	s5 =	ssub.s32 $0x2, s5;
	s12 =	sor.u32 $0x1C01, s12;
	s6 =	sor.u32 s1, s6  }
0x9: {  	s7 =	sor.u32 s8, s7;
	s31 =	sshrl.u32 s5, $0x1;
	s6 =	smul.u32 $0x500, s6  }
0xa: {  	s8 =	sshrl.u32 s30, $0x2;
	s7 =	sshrl.u32 s7, $0x3;
	s9 =	ssub.s32 s5, s31  }
0xb: {  	s7 =	sadd.s32 s7, s4;
	s6 =	sadd.s32 s6, s4;
	s4 =	sadd.s32 s8, s2  }
0xc: {  	s8 =	simm.s32 $0x2880;
	s5 =	sadd.s32 $0x2600, s6;
	s6 =	sadd.s32 $0xC600, s7  }
0xd: {  	v0 =	vimm.f32 $1.000000000e+00;
	v1 =	vimm.f32 $0.0e+00;
	s7 =	smax.u32 s9, $0x1;
	s9 =	simm.s32 $0x1;
	s13 =	sshrl.u32 s4, $0x3  }
.LBB2_1:
0xe: {  	[tilespmem:$0x2800] =	vst v0  }
0xf: {  	[tilespmem:$0x2810] =	vst v0  }
0x10: {  	[tilespmem:$0x2820] =	vst v0  }
0x11: {  	[tilespmem:$0x2830] =	vst v0  }
0x12: {  	[tilespmem:$0x2840] =	vst v0  }
0x13: {  	[tilespmem:$0x2850] =	vst v0  }
0x14: {  	[tilespmem:$0x2860] =	vst v0  }
0x15: {  	[tilespmem:$0x2870] =	vst v0  }
0x16: {  	[tilespmem:$0x2880] =	vst v1  }
0x17: {  	[tilespmem:$0x2890] =	vst v1  }
0x18: {  	[tilespmem:$0x28A0] =	vst v1  }
0x19: {  	[tilespmem:$0x28B0] =	vst v1  }
0x1a: {  	[tilespmem:$0x28C0] =	vst v1  }
0x1b: {  	[tilespmem:$0x28D0] =	vst v1  }
0x1c: {  	[tilespmem:$0x28E0] =	vst v1  }
0x1d: {  	[tilespmem:$0x28F0] =	vst v1  }
0x1e: {  	[tilespmem:$0x2900] =	vst v1  }
0x1f: {  	[tilespmem:$0x2910] =	vst v1  }
0x20: {  	[tilespmem:$0x2920] =	vst v1  }
0x21: {  	[tilespmem:$0x2930] =	vst v1  }
0x22: {  	[tilespmem:$0x2940] =	vst v1  }
0x23: {  	[tilespmem:$0x2950] =	vst v1  }
0x24: {  	[tilespmem:$0x2960] =	vst v1  }
0x25: {  	[tilespmem:$0x2970] =	vst v1  }
0x26: {  	[tilespmem:$0x2980] =	vst v1  }
0x27: {  	[tilespmem:$0x2990] =	vst v1  }
0x28: {  	[tilespmem:$0x29A0] =	vst v1  }
0x29: {  	[tilespmem:$0x29B0] =	vst v1  }
0x2a: {  	[tilespmem:$0x29C0] =	vst v1  }
0x2b: {  	[tilespmem:$0x29D0] =	vst v1  }
0x2c: {  	[tilespmem:$0x29E0] =	vst v1  }
0x2d: {  	[tilespmem:$0x29F0] =	vst v1  }
0x2e: {  	[tilespmem:$0x2A00] =	vst v1  }
0x2f: {  	[tilespmem:$0x2A10] =	vst v1  }
0x30: {  	[tilespmem:$0x2A20] =	vst v1  }
0x31: {  	[tilespmem:$0x2A30] =	vst v1  }
0x32: {  	[tilespmem:$0x2A40] =	vst v1  }
0x33: {  	[tilespmem:$0x2A50] =	vst v1  }
0x34: {  	[tilespmem:$0x2A60] =	vst v1  }
0x35: {  	[tilespmem:$0x2A70] =	vst v1  }
0x36: {  	[tilespmem:$0x2A80] =	vst v1  }
0x37: {  	[tilespmem:$0x2A90] =	vst v1  }
0x38: {  	[tilespmem:$0x2AA0] =	vst v1  }
0x39: {  	[tilespmem:$0x2AB0] =	vst v1  }
0x3a: {  	[tilespmem:$0x2AC0] =	vst v1  }
0x3b: {  	[tilespmem:$0x2AD0] =	vst v1  }
0x3c: {  	[tilespmem:$0x2AE0] =	vst v1  }
0x3d: {  	[tilespmem:$0x2AF0] =	vst v1  }
0x3e: {  	[spmem:s4] =	stream.linear.scatter [tilespmem:s8], [sflag:$0x1], $0x280, $0x38;
	[tilespmem:$0x2D80] =	vst v63  }
0x3f: {  	_ =	swait.ge [sflag:s9], $0x280  }
0x40: {  	[sflag:s9] =	ssyncset.done $0x0  }
0x41: {  	[sflag:s9] =	ssyncadd.s32 $0xFFFFFD80  }
0x42: {  	[tilespmem:s3], [sflag:$0x1] =	stream.linear.gather [hbm4b:s5+s3], $0x2800, $0x38;
	[tilespmem:$0x2D80] =	vst v63  }
0x43: {  	_ =	swait.ge [sflag:s9], $0x2800  }
0x44: {  	[sflag:s9] =	ssyncset.done $0x0  }
0x45: {  	[sflag:s9] =	ssyncadd.s32 $0xFFFFD800  }
0x46: {  	s17 =	simm.s32 $0x0;
	[bflag:$0x0] =	sbarrier.arrive $0xFFFF  }
0x47: {  	[spmem:s2] =	stream.indirect.scatter.add.f32 [tilespmem:s11], [sflag:$0x1], $0x1, s17, s10, $0xb8;
	[tilespmem:$0x2D80] =	vst v63  }
0x48: {  	_ =	swait.ge [sflag:s9], $0x80  }
0x49: {  	s17 =	simm.s32 $0x200;
	[sflag:s9] =	ssyncset.done $0x0  }
.LBB2_2:
0x4a: {  	s18 =	sshra.s32 s17, $0x2;
	[sflag:s9] =	ssyncadd.s32 $0xFFFFFF80;
	p0 =	sne.s32 s17, $0x9E00  }
0x4b: {  	[spmem:s2] =	stream.indirect.scatter.add.f32 [tilespmem:s11], [sflag:$0x1], $0x1, s18, s10, $0xb8;
	[tilespmem:$0x2D80] =	vst v63  }
.Ltmp0:
0x4c: {  	_ = 	snop;
	(pc) =	sbr.rel @p0 .LBB2_2-.Ltmp0, $4  }
0x4d: {  	_ = 	snop  }
0x4e: {  	s17 =	sadd.s32 $0x200, s17  }
0x4f: {  	_ =	swait.ge [sflag:s9], $0x80  }
0x50: {  	[sflag:s9] =	ssyncset.done $0x0  }
0x51: {  	s16 =	sadd.s32 $0x1, s16  }
0x52: {  	[sflag:s9] =	ssyncadd.s32 $0xFFFFFF80;
	p0 =	sne.s32 s16, s7  }
.Ltmp1:
0x53: {  	[bflag:$0x0] =	sbarrier.arrive $0xFFFF;
	(pc) =	sbr.rel @p0 .LBB2_1-.Ltmp1, $4  }
0x54: {  	[hbm:s6@s14], [sflag:s12] =	dma.strided [spmem:s13@s15], $0x50, s9, $0x10   }
0x55: {  	_ =	swait.ge [sflag:s9], $0x50  }
0x56: {  	[sflag:s9] =	ssyncset.done $0x0  }
0x57: {  	[sflag:s9] =	ssyncadd.s32 $0xFFFFFFB0  }
0x58: {  	_ =	sfence.sel $0x180000  }
0x59: {  	[bflag:$0x0] =	sbarrier.arrive $0xFFFF  }
0x5a: {  	p0 =	sne.s32 s1, $0x0;
	_ =	strace $0x90000047  }
0x5b: {  	s0 =	sadd.s32 @!p0 $0x100000, s0;
	[bflag:$0x2] =	sbarrier.arrive $0xFFFF  }
0x5c: {  	[sflag:s0] =	ssyncadd.tile.s32 @!p0 $0x1;
	_ =	shalt  }
.Lfunc_end2:
_tile_overlayer_lowered:
.L_overlay_start_2:
0x5d: {  	(tag) =	ssettag $0x2  }
0x5e: {  	s0 =	rddreg [dreg:$0x0];
	s2 =	stileid.u32  }
0x5f: {  	s1 =	rddreg [dreg:$0x1];
	p0 =	sne.s32 s2, $0x0  }
0x60: {  	s3 =	rddreg [dreg:$0x2];
	[bflag:$0x3] =	sbarrier.arrive $0xFFFF;
	s2 =	simm.s32 @!p0 $0x1C01  }
0x61: {  	[timem:s3], [sflag:s2] =	dma.local @!p0 [hbm:s0], s1  }
0x62: {  	s0 =	simm.s32 @!p0 $0x1  }
0x63: {  	_ =	swait.ge @!p0 [sflag:s0], s1  }
0x64: {  	s1 =	ssub.s32 @!p0 $0x0, s1;
	[sflag:s0] =	ssyncset.done @!p0 $0x0  }
0x65: {  	[sflag:s0] =	ssyncadd.s32 @!p0 s1  }
0x66: {  	[bflag:$0x3] =	sbarrier.arrive $0xFFFF  }
0x67: {  	_ =	shalt  }

</sc_bundles>
